<compile_context>
chip_gen: v7x
topology: tpu7x:2x2x1
jax: 0.10.2.dev20260603
libtpu: 0.0.44.dev20260713+nightly
codegen_flags: <defaults>
</compile_context>

<pallas_src>
import functools

import jax
import jax.numpy as jnp
from jax import lax
from jax.experimental import pallas as pl
from jax.experimental.pallas import tpu as pltpu
from jax.experimental.pallas import tpu_sc as plsc

N = 10000
E = 320000
CLIN = 64
MEL = 128
HID = 128
NC = 4
D1 = 128
D2 = 16
BN = 2000
GRID = N // BN

_PREC = lax.Precision.DEFAULT



def _tc1_body(clin_ref, mel_ref, wm_ref, bm_ref, wc1_ref, wc2_ref, bc_ref,
              out_ref):
    mel_h = jnp.maximum(
        jnp.dot(mel_ref[...], wm_ref[...], precision=_PREC,
                preferred_element_type=jnp.float32) + bm_ref[...][None, :],
        0.0)
    xb = jnp.maximum(
        jnp.dot(clin_ref[...], wc1_ref[...], precision=_PREC,
                preferred_element_type=jnp.float32)
        + jnp.dot(mel_h, wc2_ref[...], precision=_PREC,
                  preferred_element_type=jnp.float32)
        + bc_ref[...][None, :],
        0.0)
    out_ref[...] = xb


def _tc2_body(agg_ref, cnt_ref, xaug_ref, w1l_ref, b1_ref, w1r_ref,
              w2lp_ref, w2r_ref, b2_ref, p2_ref, r2_ref):
    aggs = agg_ref[0] + agg_ref[1]
    cnt = jnp.maximum(cnt_ref[0][:, :1] + cnt_ref[1][:, :1], 1.0)
    cinv = 1.0 / cnt
    mean1 = aggs * cinv
    h1 = jnp.maximum(
        jnp.dot(mean1, w1l_ref[...], precision=_PREC,
                preferred_element_type=jnp.float32)
        + jnp.dot(xaug_ref[...], w1r_ref[...], precision=_PREC,
                  preferred_element_type=jnp.float32)
        + b1_ref[...][None, :],
        0.0)
    p2_ref[:, :NC] = jnp.dot(h1, w2lp_ref[...], precision=_PREC,
                             preferred_element_type=jnp.float32)
    p2_ref[:, NC:] = jnp.zeros((BN, D2 - NC), jnp.float32)
    r2 = jnp.dot(h1, w2r_ref[...], precision=_PREC,
                 preferred_element_type=jnp.float32) + b2_ref[...][None, :]
    r2_ref[...] = jnp.concatenate(
        [r2, cinv, jnp.zeros((BN, D2 - NC - 1), jnp.float32)], axis=1)


def _tc3_body(agg2_ref, r2_ref, out_ref):
    a = agg2_ref[0] + agg2_ref[1]
    out_ref[...] = a[:, :NC] * r2_ref[:, NC:NC + 1] + r2_ref[:, :NC]


def _tc2_zero(shape):
    return jnp.zeros(shape, jnp.float32)


def _full(shape):
    nd = len(shape)
    return pl.BlockSpec(shape, lambda i: (0,) * nd)


_tc1 = pl.pallas_call(
    _tc1_body,
    grid=(GRID,),
    in_specs=[
        pl.BlockSpec((BN, CLIN), lambda i: (i, 0)),
        pl.BlockSpec((BN, MEL), lambda i: (i, 0)),
        _full((MEL, HID)),
        _full((HID,)),
        _full((CLIN, HID)),
        _full((HID, HID)),
        _full((HID,)),
    ],
    out_specs=pl.BlockSpec((BN, D1), lambda i: (i, 0)),
    out_shape=jax.ShapeDtypeStruct((N, D1), jnp.float32),
)

_tc2 = pl.pallas_call(
    _tc2_body,
    grid=(GRID,),
    in_specs=[
        pl.BlockSpec((2, BN, D1), lambda i: (0, i, 0)),
        pl.BlockSpec((2, BN, D2), lambda i: (0, i, 0)),
        pl.BlockSpec((BN, D1), lambda i: (i, 0)),
        _full((HID, HID)),
        _full((HID,)),
        _full((HID, HID)),
        _full((HID, NC)),
        _full((HID, NC)),
        _full((NC,)),
    ],
    out_specs=[
        pl.BlockSpec((BN, D2), lambda i: (i, 0)),
        pl.BlockSpec((BN, D2), lambda i: (i, 0)),
    ],
    out_shape=[
        jax.ShapeDtypeStruct((N, D2), jnp.float32),
        jax.ShapeDtypeStruct((N, D2), jnp.float32),
    ],
)

_tc3 = pl.pallas_call(
    _tc3_body,
    grid=(1,),
    in_specs=[
        pl.BlockSpec((2, N, D2), lambda i: (0, 0, 0)),
        pl.BlockSpec((N, D2), lambda i: (0, 0)),
    ],
    out_specs=pl.BlockSpec((N, NC), lambda i: (0, 0)),
    out_shape=jax.ShapeDtypeStruct((N, NC), jnp.float32),
)



@functools.lru_cache(maxsize=None)
def _make_sc_agg(d, cr, depth, prefetch_all, with_cnt, name):
    info = plsc.get_sparse_core_info()
    ncores, nsub = info.num_cores, info.num_subcores
    nw = ncores * nsub
    ept = E // nw
    nchunk = ept // cr
    nround = nchunk // depth
    assert nchunk % depth == 0 and ept % cr == 0
    assert prefetch_all or nround % 2 == 0
    nisets = nchunk if prefetch_all else 2 * depth
    rows_per_tile = N // nsub
    mesh = plsc.VectorSubcoreMesh(core_axis_name="c", subcore_axis_name="s")

    out_type = jax.ShapeDtypeStruct((ncores, N, d), jnp.float32)
    if with_cnt:
        out_type = [out_type,
                    jax.ShapeDtypeStruct((ncores, N, 16), jnp.float32)]
    scratch = [
        pltpu.VMEM((nisets, cr), jnp.int32),
        pltpu.VMEM((nisets, cr), jnp.int32),
        [pltpu.VMEM((cr, d), jnp.float32)] * depth,
        pltpu.VMEM_SHARED((N, d), jnp.float32),
        pltpu.SemaphoreType.DMA,
        [pltpu.SemaphoreType.DMA] * depth,
        [pltpu.SemaphoreType.DMA] * depth,
    ]
    if with_cnt:
        scratch += [pltpu.VMEM_SHARED((N, 16), jnp.float32),
                    pltpu.VMEM((cr, 16), jnp.float32)]

    @functools.partial(
        pl.kernel,
        out_type=out_type,
        mesh=mesh,
        scratch_types=scratch,
        compiler_params=pltpu.CompilerParams(use_tc_tiling_on_sc=False),
        name=name,
    )
    def agg_kernel(x_hbm, edges_hbm, *out_and_scratch):
        if with_cnt:
            (out_hbm, cnt_hbm, srcb, dstb, rows, agg_sh, isem, gsem, ssem,
             cnt_sh, onesb) = out_and_scratch
        else:
            (out_hbm, srcb, dstb, rows, agg_sh, isem, gsem,
             ssem) = out_and_scratch
        c = lax.axis_index("c")
        s = lax.axis_index("s")
        wid = s * ncores + c
        cbase = wid * nchunk

        def ifetch(slot, chunk):
            pltpu.async_copy(edges_hbm.at[0, cbase + chunk], srcb.at[slot],
                             isem)
            pltpu.async_copy(edges_hbm.at[1, cbase + chunk], dstb.at[slot],
                             isem)

        def idrain_one():
            pltpu.make_async_copy(edges_hbm.at[0, 0], srcb.at[0], isem).wait()
            pltpu.make_async_copy(edges_hbm.at[0, 0], dstb.at[0], isem).wait()

        if prefetch_all:
            def ifetch_loop(j, _):
                ifetch(j, j)
                return ()
            lax.fori_loop(0, nchunk, ifetch_loop, ())
        else:
            for b in range(depth):
                ifetch(b, b)

        def zfill_row(i, _):
            def zfill_col(j, _):
                rows[0][i, pl.ds(j * 16, 16)] = jnp.zeros((16,), jnp.float32)
                return ()
            return lax.fori_loop(0, d // 16, zfill_col, ())
        lax.fori_loop(0, min(cr, rows_per_tile), zfill_row, ())

        r0 = s * rows_per_tile
        left = rows_per_tile
        while left > 0:
            z = min(cr, left)
            pltpu.sync_copy(rows[0].at[pl.ds(0, z)],
                            agg_sh.at[pl.ds(r0 + rows_per_tile - left, z)])
            left -= z
        if with_cnt:
            def onesfill(i, _):
                onesb[i, pl.ds(0, 16)] = jnp.ones((16,), jnp.float32)
                rows[1][i, pl.ds(0, 16)] = jnp.zeros((16,), jnp.float32)
                return ()
            lax.fori_loop(0, cr, onesfill, ())
            left = rows_per_tile
            while left > 0:
                z = min(cr, left)
                pltpu.sync_copy(
                    rows[1].at[pl.ds(0, z), pl.ds(0, 16)],
                    cnt_sh.at[pl.ds(r0 + rows_per_tile - left, z)])
                left -= z

        if prefetch_all:
            def idrain_loop(j, _):
                idrain_one()
                return ()
            lax.fori_loop(0, nchunk, idrain_loop, ())
        else:
            for _ in range(depth):
                idrain_one()
        plsc.subcore_barrier()

        def round_ops(t, islot0):
            j0 = t * depth
            for b in range(depth):
                @pl.when(t > 0)
                def _(b=b):
                    pltpu.make_async_copy(
                        rows[b], agg_sh.at[dstb.at[0]], ssem[b]).wait()
                    if with_cnt:
                        pltpu.make_async_copy(
                            onesb, cnt_sh.at[dstb.at[0]], ssem[b]).wait()
                if prefetch_all:
                    gidx = srcb.at[j0 + b]
                else:
                    gidx = srcb.at[islot0 + b]
                pltpu.async_copy(x_hbm.at[gidx], rows[b], gsem[b])
            if not prefetch_all:
                nslot0 = depth - islot0

                @pl.when(t + 1 < nround)
                def _():
                    for b in range(depth):
                        ifetch(nslot0 + b, j0 + depth + b)
            for b in range(depth):
                pltpu.make_async_copy(
                    x_hbm.at[srcb.at[0]], rows[b], gsem[b]).wait()
                if prefetch_all:
                    sidx = dstb.at[j0 + b]
                else:
                    sidx = dstb.at[islot0 + b]
                pltpu.async_copy(rows[b], agg_sh.at[sidx], ssem[b], add=True)
                if with_cnt:
                    pltpu.async_copy(onesb, cnt_sh.at[sidx], ssem[b],
                                     add=True)
            if not prefetch_all:
                @pl.when(t + 1 < nround)
                def _():
                    for _ in range(depth):
                        idrain_one()

        if prefetch_all:
            def round_body(t, _):
                round_ops(t, 0)
                return ()
            lax.fori_loop(0, nround, round_body, ())
        else:
            def round_pair(u, _):
                round_ops(2 * u, 0)
                round_ops(2 * u + 1, depth)
                return ()
            lax.fori_loop(0, nround // 2, round_pair, ())
        for b in range(depth):
            pltpu.make_async_copy(rows[b], agg_sh.at[dstb.at[0]],
                                  ssem[b]).wait()
            if with_cnt:
                pltpu.make_async_copy(onesb, cnt_sh.at[dstb.at[0]],
                                      ssem[b]).wait()
        plsc.subcore_barrier()

        pltpu.sync_copy(agg_sh.at[pl.ds(r0, rows_per_tile)],
                        out_hbm.at[c].at[pl.ds(r0, rows_per_tile)])
        if with_cnt:
            pltpu.sync_copy(cnt_sh.at[pl.ds(r0, rows_per_tile)],
                            cnt_hbm.at[c].at[pl.ds(r0, rows_per_tile)])

    return agg_kernel



def kernel(clinical, mel, edge_index, W_mel, b_mel, W_cat, b_cat,
           W1l, b1, W1r, W2l, b2, W2r):
    edges = edge_index.reshape(2, -1, 50)

    x_aug = _tc1(clinical, mel, W_mel, b_mel, W_cat[:CLIN], W_cat[CLIN:],
                 b_cat)
    agg1, cnt1 = _make_sc_agg(D1, 50, 5, False, True,
                              "sc_agg_l1")(x_aug, edges)
    p2, r2 = _tc2(agg1, cnt1, x_aug, W1l, b1, W1r, W2l, W2r, b2)
    agg2 = _make_sc_agg(D2, 50, 10, True, False, "sc_agg_l2")(p2, edges)
    return _tc3(agg2, r2)

# --- scband reference (transcript-rebuilt; emitter-appended) ---
"""Pipeline reference for scband-multi-modal-clinical-graph-sage-67757404062358 (READ-ONLY COPY).

The authoritative reference and input builder live on the scoring server;
editing this copy changes nothing except your own understanding.
"""

import jax, jax.numpy as jnp
import numpy as np

N = 10000
E = 320000
CLIN = 64
MEL = 128
HID = 128
NC = 4


def _lin_init(key, fan_in, shape):
    s = 1.0 / np.sqrt(fan_in)
    return jax.random.uniform(key, shape, minval=-s, maxval=s, dtype=jnp.float32)


def setup_inputs(seed: int = 0):
    key = jax.random.key(seed)
    ks = jax.random.split(key, 16)
    inp = {}
    inp["clinical"] = jax.random.normal(ks[0], (N, CLIN), dtype=jnp.float32)
    inp["mel"] = jax.random.normal(ks[1], (N, MEL), dtype=jnp.float32)
    inp["edge_index"] = jax.random.randint(ks[2], (2, E), 0, N, dtype=jnp.int32)
    inp["W_mel"] = _lin_init(ks[3], MEL, (MEL, HID))
    inp["b_mel"] = _lin_init(ks[4], MEL, (HID,))
    inp["W_cat"] = _lin_init(ks[5], HID + CLIN, (HID + CLIN, HID))
    inp["b_cat"] = _lin_init(ks[6], HID + CLIN, (HID,))
    inp["W1l"] = _lin_init(ks[7], HID, (HID, HID))
    inp["b1"] = _lin_init(ks[8], HID, (HID,))
    inp["W1r"] = _lin_init(ks[9], HID, (HID, HID))
    inp["W2l"] = _lin_init(ks[10], HID, (HID, NC))
    inp["b2"] = _lin_init(ks[11], HID, (NC,))
    inp["W2r"] = _lin_init(ks[12], HID, (HID, NC))
    return inp


def _sage_conv(x, edge_index, Wl, bl, Wr):
    # PyG-style SAGEConv with mean aggregation and root weight:
    # out_i = Wl @ mean_{j in N(i)} x_j + bl + Wr @ x_i
    src = edge_index[0]
    dst = edge_index[1]
    n = x.shape[0]
    msgs = jnp.take(x, src, axis=0)
    agg = jax.ops.segment_sum(msgs, dst, num_segments=n)
    cnt = jax.ops.segment_sum(jnp.ones((src.shape[0], 1), dtype=x.dtype), dst, num_segments=n)
    mean = agg / jnp.maximum(cnt, 1.0)
    return mean @ Wl + bl + x @ Wr


def reference(clinical, mel, edge_index, W_mel, b_mel, W_cat, b_cat, W1l, b1, W1r, W2l, b2, W2r):
    mel_flat = mel.reshape(mel.shape[0], -1)
    mel_h = jax.nn.relu(mel_flat @ W_mel + b_mel)
    x = jnp.concatenate([clinical, mel_h], axis=1)
    x = jax.nn.relu(x @ W_cat + b_cat)
    x = jax.nn.relu(_sage_conv(x, edge_index, W1l, b1, W1r))
    x = _sage_conv(x, edge_index, W2l, b2, W2r)
    return x

if __name__ == "__main__":
    import jax
    _d = setup_inputs()
    print(jax.jit(kernel)(*tuple(_d.values())))

</pallas_src>

<mosaic_0001>
#map = affine_map<(d0, d1) -> (0, 0)>
#map1 = affine_map<(d0, d1) -> (0, 0, 0)>
module attributes {stable_mosaic.version = 14 : i64} {
  func.func @sc_agg_l1(%arg0: i32, %arg1: i32, %arg2: memref<10000x128xf32, #tpu.memory_space<hbm>>, %arg3: memref<2x6400x50xi32, #tpu.memory_space<hbm>>, %arg4: memref<2x10000x128xf32, #tpu.memory_space<hbm>>, %arg5: memref<2x10000x16xf32, #tpu.memory_space<hbm>>, %arg6: memref<10x50xi32, #tpu.memory_space<vmem>>, %arg7: memref<10x50xi32, #tpu.memory_space<vmem>>, %arg8: memref<50x128xf32, #tpu.memory_space<vmem>>, %arg9: memref<50x128xf32, #tpu.memory_space<vmem>>, %arg10: memref<50x128xf32, #tpu.memory_space<vmem>>, %arg11: memref<50x128xf32, #tpu.memory_space<vmem>>, %arg12: memref<50x128xf32, #tpu.memory_space<vmem>>, %arg13: memref<10000x128xf32, #tpu.memory_space<vmem_shared>>, %arg14: memref<!tpu.dma_semaphore, #tpu.memory_space<semaphore_mem>>, %arg15: memref<!tpu.dma_semaphore, #tpu.memory_space<semaphore_mem>>, %arg16: memref<!tpu.dma_semaphore, #tpu.memory_space<semaphore_mem>>, %arg17: memref<!tpu.dma_semaphore, #tpu.memory_space<semaphore_mem>>, %arg18: memref<!tpu.dma_semaphore, #tpu.memory_space<semaphore_mem>>, %arg19: memref<!tpu.dma_semaphore, #tpu.memory_space<semaphore_mem>>, %arg20: memref<!tpu.dma_semaphore, #tpu.memory_space<semaphore_mem>>, %arg21: memref<!tpu.dma_semaphore, #tpu.memory_space<semaphore_mem>>, %arg22: memref<!tpu.dma_semaphore, #tpu.memory_space<semaphore_mem>>, %arg23: memref<!tpu.dma_semaphore, #tpu.memory_space<semaphore_mem>>, %arg24: memref<!tpu.dma_semaphore, #tpu.memory_space<semaphore_mem>>, %arg25: memref<10000x16xf32, #tpu.memory_space<vmem_shared>>, %arg26: memref<50x16xf32, #tpu.memory_space<vmem>>) attributes {dimension_semantics = [#tpu.dimension_semantics<core_parallel>, #tpu.dimension_semantics<subcore_parallel>], iteration_bounds = array<i64: 2, 16>, scalar_prefetch = 0 : i64, scratch_operands = 21 : i64, tpu.core_type = #tpu.core_type<sc_vector_subcore>, window_params = [{transform_indices = #map}, {transform_indices = #map1}, {transform_indices = #map1}, {transform_indices = #map1}]} {
    %mul3A = arith.constant 2 : i32
    %mul3A_0 = arith.muli %arg1, %mul3A : i32
    %add3A = arith.addi %mul3A_0, %arg0 : i32
    %mul3A_1 = arith.constant 200 : i32
    %mul3A_2 = arith.muli %add3A, %mul3A_1 : i32
    %add3A_3 = arith.constant 0 : i32
    %add3A_4 = arith.addi %mul3A_2, %add3A_3 : i32
    %dma_start3A = arith.constant 0 : i32
    %dma_start3A_5 = arith.constant 0 : i32
    %dma_start3A_6 = arith.constant 0 : i32
    %dma_start3A_7 = tpu.memref_slice %arg6[%dma_start3A_5, %dma_start3A_6] : memref<10x50xi32, #tpu.memory_space<vmem>> -> memref<1x50xi32, #tpu.memory_space<vmem>>
    %dma_start3A_8 = tpu.memref_squeeze %dma_start3A_7 : memref<1x50xi32, #tpu.memory_space<vmem>> -> memref<50xi32, #tpu.memory_space<vmem>>
    %dma_start3A_9 = arith.constant 0 : i32
    %dma_start3A_10 = tpu.memref_slice %arg3[%dma_start3A, %add3A_4, %dma_start3A_9] : memref<2x6400x50xi32, #tpu.memory_space<hbm>> -> memref<1x1x50xi32, #tpu.memory_space<hbm>>
    %dma_start3A_11 = tpu.memref_squeeze %dma_start3A_10 : memref<1x1x50xi32, #tpu.memory_space<hbm>> -> memref<50xi32, #tpu.memory_space<hbm>>
    %dma_start3A_12 = arith.constant 0 : i32
    %dma_start3A_13 = tpu.memref_slice %arg6[%dma_start3A_5, %dma_start3A_12] : memref<10x50xi32, #tpu.memory_space<vmem>> -> memref<1x50xi32, #tpu.memory_space<vmem>>
    %dma_start3A_14 = tpu.memref_squeeze %dma_start3A_13 : memref<1x50xi32, #tpu.memory_space<vmem>> -> memref<50xi32, #tpu.memory_space<vmem>>
    %dma_start3A_15 = arith.constant 0 : i32
    %dma_start3A_16 = tpu.memref_slice %arg3[%dma_start3A, %add3A_4, %dma_start3A_15] : memref<2x6400x50xi32, #tpu.memory_space<hbm>> -> memref<1x1x50xi32, #tpu.memory_space<hbm>>
    %dma_start3A_17 = tpu.memref_squeeze %dma_start3A_16 : memref<1x1x50xi32, #tpu.memory_space<hbm>> -> memref<50xi32, #tpu.memory_space<hbm>>
    tpu.enqueue_dma source(%dma_start3A_17 : memref<50xi32, #tpu.memory_space<hbm>>) target(%dma_start3A_14 : memref<50xi32, #tpu.memory_space<vmem>>) target_semaphore(%arg14 : memref<!tpu.dma_semaphore, #tpu.memory_space<semaphore_mem>>)
    %add3A_18 = arith.constant 0 : i32
    %add3A_19 = arith.addi %mul3A_2, %add3A_18 : i32
    %dma_start3A_20 = arith.constant 1 : i32
    %dma_start3A_21 = arith.constant 0 : i32
    %dma_start3A_22 = arith.constant 0 : i32
    %dma_start3A_23 = tpu.memref_slice %arg7[%dma_start3A_21, %dma_start3A_22] : memref<10x50xi32, #tpu.memory_space<vmem>> -> memref<1x50xi32, #tpu.memory_space<vmem>>
    %dma_start3A_24 = tpu.memref_squeeze %dma_start3A_23 : memref<1x50xi32, #tpu.memory_space<vmem>> -> memref<50xi32, #tpu.memory_space<vmem>>
    %dma_start3A_25 = arith.constant 0 : i32
    %dma_start3A_26 = tpu.memref_slice %arg3[%dma_start3A_20, %add3A_19, %dma_start3A_25] : memref<2x6400x50xi32, #tpu.memory_space<hbm>> -> memref<1x1x50xi32, #tpu.memory_space<hbm>>
    %dma_start3A_27 = tpu.memref_squeeze %dma_start3A_26 : memref<1x1x50xi32, #tpu.memory_space<hbm>> -> memref<50xi32, #tpu.memory_space<hbm>>
    %dma_start3A_28 = arith.constant 0 : i32
    %dma_start3A_29 = tpu.memref_slice %arg7[%dma_start3A_21, %dma_start3A_28] : memref<10x50xi32, #tpu.memory_space<vmem>> -> memref<1x50xi32, #tpu.memory_space<vmem>>
    %dma_start3A_30 = tpu.memref_squeeze %dma_start3A_29 : memref<1x50xi32, #tpu.memory_space<vmem>> -> memref<50xi32, #tpu.memory_space<vmem>>
    %dma_start3A_31 = arith.constant 0 : i32
    %dma_start3A_32 = tpu.memref_slice %arg3[%dma_start3A_20, %add3A_19, %dma_start3A_31] : memref<2x6400x50xi32, #tpu.memory_space<hbm>> -> memref<1x1x50xi32, #tpu.memory_space<hbm>>
    %dma_start3A_33 = tpu.memref_squeeze %dma_start3A_32 : memref<1x1x50xi32, #tpu.memory_space<hbm>> -> memref<50xi32, #tpu.memory_space<hbm>>
    tpu.enqueue_dma source(%dma_start3A_33 : memref<50xi32, #tpu.memory_space<hbm>>) target(%dma_start3A_30 : memref<50xi32, #tpu.memory_space<vmem>>) target_semaphore(%arg14 : memref<!tpu.dma_semaphore, #tpu.memory_space<semaphore_mem>>)
    %add3A_34 = arith.constant 1 : i32
    %add3A_35 = arith.addi %mul3A_2, %add3A_34 : i32
    %dma_start3A_36 = arith.constant 0 : i32
    %dma_start3A_37 = arith.constant 1 : i32
    %dma_start3A_38 = arith.constant 0 : i32
    %dma_start3A_39 = tpu.memref_slice %arg6[%dma_start3A_37, %dma_start3A_38] : memref<10x50xi32, #tpu.memory_space<vmem>> -> memref<1x50xi32, #tpu.memory_space<vmem>>
    %dma_start3A_40 = tpu.memref_squeeze %dma_start3A_39 : memref<1x50xi32, #tpu.memory_space<vmem>> -> memref<50xi32, #tpu.memory_space<vmem>>
    %dma_start3A_41 = arith.constant 0 : i32
    %dma_start3A_42 = tpu.memref_slice %arg3[%dma_start3A_36, %add3A_35, %dma_start3A_41] : memref<2x6400x50xi32, #tpu.memory_space<hbm>> -> memref<1x1x50xi32, #tpu.memory_space<hbm>>
    %dma_start3A_43 = tpu.memref_squeeze %dma_start3A_42 : memref<1x1x50xi32, #tpu.memory_space<hbm>> -> memref<50xi32, #tpu.memory_space<hbm>>
    %dma_start3A_44 = arith.constant 0 : i32
    %dma_start3A_45 = tpu.memref_slice %arg6[%dma_start3A_37, %dma_start3A_44] : memref<10x50xi32, #tpu.memory_space<vmem>> -> memref<1x50xi32, #tpu.memory_space<vmem>>
    %dma_start3A_46 = tpu.memref_squeeze %dma_start3A_45 : memref<1x50xi32, #tpu.memory_space<vmem>> -> memref<50xi32, #tpu.memory_space<vmem>>
    %dma_start3A_47 = arith.constant 0 : i32
    %dma_start3A_48 = tpu.memref_slice %arg3[%dma_start3A_36, %add3A_35, %dma_start3A_47] : memref<2x6400x50xi32, #tpu.memory_space<hbm>> -> memref<1x1x50xi32, #tpu.memory_space<hbm>>
    %dma_start3A_49 = tpu.memref_squeeze %dma_start3A_48 : memref<1x1x50xi32, #tpu.memory_space<hbm>> -> memref<50xi32, #tpu.memory_space<hbm>>
    tpu.enqueue_dma source(%dma_start3A_49 : memref<50xi32, #tpu.memory_space<hbm>>) target(%dma_start3A_46 : memref<50xi32, #tpu.memory_space<vmem>>) target_semaphore(%arg14 : memref<!tpu.dma_semaphore, #tpu.memory_space<semaphore_mem>>)
    %add3A_50 = arith.constant 1 : i32
    %add3A_51 = arith.addi %mul3A_2, %add3A_50 : i32
    %dma_start3A_52 = arith.constant 1 : i32
    %dma_start3A_53 = arith.constant 1 : i32
    %dma_start3A_54 = arith.constant 0 : i32
    %dma_start3A_55 = tpu.memref_slice %arg7[%dma_start3A_53, %dma_start3A_54] : memref<10x50xi32, #tpu.memory_space<vmem>> -> memref<1x50xi32, #tpu.memory_space<vmem>>
    %dma_start3A_56 = tpu.memref_squeeze %dma_start3A_55 : memref<1x50xi32, #tpu.memory_space<vmem>> -> memref<50xi32, #tpu.memory_space<vmem>>
    %dma_start3A_57 = arith.constant 0 : i32
    %dma_start3A_58 = tpu.memref_slice %arg3[%dma_start3A_52, %add3A_51, %dma_start3A_57] : memref<2x6400x50xi32, #tpu.memory_space<hbm>> -> memref<1x1x50xi32, #tpu.memory_space<hbm>>
    %dma_start3A_59 = tpu.memref_squeeze %dma_start3A_58 : memref<1x1x50xi32, #tpu.memory_space<hbm>> -> memref<50xi32, #tpu.memory_space<hbm>>
    %dma_start3A_60 = arith.constant 0 : i32
    %dma_start3A_61 = tpu.memref_slice %arg7[%dma_start3A_53, %dma_start3A_60] : memref<10x50xi32, #tpu.memory_space<vmem>> -> memref<1x50xi32, #tpu.memory_space<vmem>>
    %dma_start3A_62 = tpu.memref_squeeze %dma_start3A_61 : memref<1x50xi32, #tpu.memory_space<vmem>> -> memref<50xi32, #tpu.memory_space<vmem>>
    %dma_start3A_63 = arith.constant 0 : i32
    %dma_start3A_64 = tpu.memref_slice %arg3[%dma_start3A_52, %add3A_51, %dma_start3A_63] : memref<2x6400x50xi32, #tpu.memory_space<hbm>> -> memref<1x1x50xi32, #tpu.memory_space<hbm>>
    %dma_start3A_65 = tpu.memref_squeeze %dma_start3A_64 : memref<1x1x50xi32, #tpu.memory_space<hbm>> -> memref<50xi32, #tpu.memory_space<hbm>>
    tpu.enqueue_dma source(%dma_start3A_65 : memref<50xi32, #tpu.memory_space<hbm>>) target(%dma_start3A_62 : memref<50xi32, #tpu.memory_space<vmem>>) target_semaphore(%arg14 : memref<!tpu.dma_semaphore, #tpu.memory_space<semaphore_mem>>)
    %add3A_66 = arith.constant 2 : i32
    %add3A_67 = arith.addi %mul3A_2, %add3A_66 : i32
    %dma_start3A_68 = arith.constant 0 : i32
    %dma_start3A_69 = arith.constant 2 : i32
    %dma_start3A_70 = arith.constant 0 : i32
    %dma_start3A_71 = tpu.memref_slice %arg6[%dma_start3A_69, %dma_start3A_70] : memref<10x50xi32, #tpu.memory_space<vmem>> -> memref<1x50xi32, #tpu.memory_space<vmem>>
    %dma_start3A_72 = tpu.memref_squeeze %dma_start3A_71 : memref<1x50xi32, #tpu.memory_space<vmem>> -> memref<50xi32, #tpu.memory_space<vmem>>
    %dma_start3A_73 = arith.constant 0 : i32
    %dma_start3A_74 = tpu.memref_slice %arg3[%dma_start3A_68, %add3A_67, %dma_start3A_73] : memref<2x6400x50xi32, #tpu.memory_space<hbm>> -> memref<1x1x50xi32, #tpu.memory_space<hbm>>
    %dma_start3A_75 = tpu.memref_squeeze %dma_start3A_74 : memref<1x1x50xi32, #tpu.memory_space<hbm>> -> memref<50xi32, #tpu.memory_space<hbm>>
    %dma_start3A_76 = arith.constant 0 : i32
    %dma_start3A_77 = tpu.memref_slice %arg6[%dma_start3A_69, %dma_start3A_76] : memref<10x50xi32, #tpu.memory_space<vmem>> -> memref<1x50xi32, #tpu.memory_space<vmem>>
    %dma_start3A_78 = tpu.memref_squeeze %dma_start3A_77 : memref<1x50xi32, #tpu.memory_space<vmem>> -> memref<50xi32, #tpu.memory_space<vmem>>
    %dma_start3A_79 = arith.constant 0 : i32
    %dma_start3A_80 = tpu.memref_slice %arg3[%dma_start3A_68, %add3A_67, %dma_start3A_79] : memref<2x6400x50xi32, #tpu.memory_space<hbm>> -> memref<1x1x50xi32, #tpu.memory_space<hbm>>
    %dma_start3A_81 = tpu.memref_squeeze %dma_start3A_80 : memref<1x1x50xi32, #tpu.memory_space<hbm>> -> memref<50xi32, #tpu.memory_space<hbm>>
    tpu.enqueue_dma source(%dma_start3A_81 : memref<50xi32, #tpu.memory_space<hbm>>) target(%dma_start3A_78 : memref<50xi32, #tpu.memory_space<vmem>>) target_semaphore(%arg14 : memref<!tpu.dma_semaphore, #tpu.memory_space<semaphore_mem>>)
    %add3A_82 = arith.constant 2 : i32
    %add3A_83 = arith.addi %mul3A_2, %add3A_82 : i32
    %dma_start3A_84 = arith.constant 1 : i32
    %dma_start3A_85 = arith.constant 2 : i32
    %dma_start3A_86 = arith.constant 0 : i32
    %dma_start3A_87 = tpu.memref_slice %arg7[%dma_start3A_85, %dma_start3A_86] : memref<10x50xi32, #tpu.memory_space<vmem>> -> memref<1x50xi32, #tpu.memory_space<vmem>>
    %dma_start3A_88 = tpu.memref_squeeze %dma_start3A_87 : memref<1x50xi32, #tpu.memory_space<vmem>> -> memref<50xi32, #tpu.memory_space<vmem>>
    %dma_start3A_89 = arith.constant 0 : i32
    %dma_start3A_90 = tpu.memref_slice %arg3[%dma_start3A_84, %add3A_83, %dma_start3A_89] : memref<2x6400x50xi32, #tpu.memory_space<hbm>> -> memref<1x1x50xi32, #tpu.memory_space<hbm>>
    %dma_start3A_91 = tpu.memref_squeeze %dma_start3A_90 : memref<1x1x50xi32, #tpu.memory_space<hbm>> -> memref<50xi32, #tpu.memory_space<hbm>>
    %dma_start3A_92 = arith.constant 0 : i32
    %dma_start3A_93 = tpu.memref_slice %arg7[%dma_start3A_85, %dma_start3A_92] : memref<10x50xi32, #tpu.memory_space<vmem>> -> memref<1x50xi32, #tpu.memory_space<vmem>>
    %dma_start3A_94 = tpu.memref_squeeze %dma_start3A_93 : memref<1x50xi32, #tpu.memory_space<vmem>> -> memref<50xi32, #tpu.memory_space<vmem>>
    %dma_start3A_95 = arith.constant 0 : i32
    %dma_start3A_96 = tpu.memref_slice %arg3[%dma_start3A_84, %add3A_83, %dma_start3A_95] : memref<2x6400x50xi32, #tpu.memory_space<hbm>> -> memref<1x1x50xi32, #tpu.memory_space<hbm>>
    %dma_start3A_97 = tpu.memref_squeeze %dma_start3A_96 : memref<1x1x50xi32, #tpu.memory_space<hbm>> -> memref<50xi32, #tpu.memory_space<hbm>>
    tpu.enqueue_dma source(%dma_start3A_97 : memref<50xi32, #tpu.memory_space<hbm>>) target(%dma_start3A_94 : memref<50xi32, #tpu.memory_space<vmem>>) target_semaphore(%arg14 : memref<!tpu.dma_semaphore, #tpu.memory_space<semaphore_mem>>)
    %add3A_98 = arith.constant 3 : i32
    %add3A_99 = arith.addi %mul3A_2, %add3A_98 : i32
    %dma_start3A_100 = arith.constant 0 : i32
    %dma_start3A_101 = arith.constant 3 : i32
    %dma_start3A_102 = arith.constant 0 : i32
    %dma_start3A_103 = tpu.memref_slice %arg6[%dma_start3A_101, %dma_start3A_102] : memref<10x50xi32, #tpu.memory_space<vmem>> -> memref<1x50xi32, #tpu.memory_space<vmem>>
    %dma_start3A_104 = tpu.memref_squeeze %dma_start3A_103 : memref<1x50xi32, #tpu.memory_space<vmem>> -> memref<50xi32, #tpu.memory_space<vmem>>
    %dma_start3A_105 = arith.constant 0 : i32
    %dma_start3A_106 = tpu.memref_slice %arg3[%dma_start3A_100, %add3A_99, %dma_start3A_105] : memref<2x6400x50xi32, #tpu.memory_space<hbm>> -> memref<1x1x50xi32, #tpu.memory_space<hbm>>
    %dma_start3A_107 = tpu.memref_squeeze %dma_start3A_106 : memref<1x1x50xi32, #tpu.memory_space<hbm>> -> memref<50xi32, #tpu.memory_space<hbm>>
    %dma_start3A_108 = arith.constant 0 : i32
    %dma_start3A_109 = tpu.memref_slice %arg6[%dma_start3A_101, %dma_start3A_108] : memref<10x50xi32, #tpu.memory_space<vmem>> -> memref<1x50xi32, #tpu.memory_space<vmem>>
    %dma_start3A_110 = tpu.memref_squeeze %dma_start3A_109 : memref<1x50xi32, #tpu.memory_space<vmem>> -> memref<50xi32, #tpu.memory_space<vmem>>
    %dma_start3A_111 = arith.constant 0 : i32
    %dma_start3A_112 = tpu.memref_slice %arg3[%dma_start3A_100, %add3A_99, %dma_start3A_111] : memref<2x6400x50xi32, #tpu.memory_space<hbm>> -> memref<1x1x50xi32, #tpu.memory_space<hbm>>
    %dma_start3A_113 = tpu.memref_squeeze %dma_start3A_112 : memref<1x1x50xi32, #tpu.memory_space<hbm>> -> memref<50xi32, #tpu.memory_space<hbm>>
    tpu.enqueue_dma source(%dma_start3A_113 : memref<50xi32, #tpu.memory_space<hbm>>) target(%dma_start3A_110 : memref<50xi32, #tpu.memory_space<vmem>>) target_semaphore(%arg14 : memref<!tpu.dma_semaphore, #tpu.memory_space<semaphore_mem>>)
    %add3A_114 = arith.constant 3 : i32
    %add3A_115 = arith.addi %mul3A_2, %add3A_114 : i32
    %dma_start3A_116 = arith.constant 1 : i32
    %dma_start3A_117 = arith.constant 3 : i32
    %dma_start3A_118 = arith.constant 0 : i32
    %dma_start3A_119 = tpu.memref_slice %arg7[%dma_start3A_117, %dma_start3A_118] : memref<10x50xi32, #tpu.memory_space<vmem>> -> memref<1x50xi32, #tpu.memory_space<vmem>>
    %dma_start3A_120 = tpu.memref_squeeze %dma_start3A_119 : memref<1x50xi32, #tpu.memory_space<vmem>> -> memref<50xi32, #tpu.memory_space<vmem>>
    %dma_start3A_121 = arith.constant 0 : i32
    %dma_start3A_122 = tpu.memref_slice %arg3[%dma_start3A_116, %add3A_115, %dma_start3A_121] : memref<2x6400x50xi32, #tpu.memory_space<hbm>> -> memref<1x1x50xi32, #tpu.memory_space<hbm>>
    %dma_start3A_123 = tpu.memref_squeeze %dma_start3A_122 : memref<1x1x50xi32, #tpu.memory_space<hbm>> -> memref<50xi32, #tpu.memory_space<hbm>>
    %dma_start3A_124 = arith.constant 0 : i32
    %dma_start3A_125 = tpu.memref_slice %arg7[%dma_start3A_117, %dma_start3A_124] : memref<10x50xi32, #tpu.memory_space<vmem>> -> memref<1x50xi32, #tpu.memory_space<vmem>>
    %dma_start3A_126 = tpu.memref_squeeze %dma_start3A_125 : memref<1x50xi32, #tpu.memory_space<vmem>> -> memref<50xi32, #tpu.memory_space<vmem>>
    %dma_start3A_127 = arith.constant 0 : i32
    %dma_start3A_128 = tpu.memref_slice %arg3[%dma_start3A_116, %add3A_115, %dma_start3A_127] : memref<2x6400x50xi32, #tpu.memory_space<hbm>> -> memref<1x1x50xi32, #tpu.memory_space<hbm>>
    %dma_start3A_129 = tpu.memref_squeeze %dma_start3A_128 : memref<1x1x50xi32, #tpu.memory_space<hbm>> -> memref<50xi32, #tpu.memory_space<hbm>>
    tpu.enqueue_dma source(%dma_start3A_129 : memref<50xi32, #tpu.memory_space<hbm>>) target(%dma_start3A_126 : memref<50xi32, #tpu.memory_space<vmem>>) target_semaphore(%arg14 : memref<!tpu.dma_semaphore, #tpu.memory_space<semaphore_mem>>)
    %add3A_130 = arith.constant 4 : i32
    %add3A_131 = arith.addi %mul3A_2, %add3A_130 : i32
    %dma_start3A_132 = arith.constant 0 : i32
    %dma_start3A_133 = arith.constant 4 : i32
    %dma_start3A_134 = arith.constant 0 : i32
    %dma_start3A_135 = tpu.memref_slice %arg6[%dma_start3A_133, %dma_start3A_134] : memref<10x50xi32, #tpu.memory_space<vmem>> -> memref<1x50xi32, #tpu.memory_space<vmem>>
    %dma_start3A_136 = tpu.memref_squeeze %dma_start3A_135 : memref<1x50xi32, #tpu.memory_space<vmem>> -> memref<50xi32, #tpu.memory_space<vmem>>
    %dma_start3A_137 = arith.constant 0 : i32
    %dma_start3A_138 = tpu.memref_slice %arg3[%dma_start3A_132, %add3A_131, %dma_start3A_137] : memref<2x6400x50xi32, #tpu.memory_space<hbm>> -> memref<1x1x50xi32, #tpu.memory_space<hbm>>
    %dma_start3A_139 = tpu.memref_squeeze %dma_start3A_138 : memref<1x1x50xi32, #tpu.memory_space<hbm>> -> memref<50xi32, #tpu.memory_space<hbm>>
    %dma_start3A_140 = arith.constant 0 : i32
    %dma_start3A_141 = tpu.memref_slice %arg6[%dma_start3A_133, %dma_start3A_140] : memref<10x50xi32, #tpu.memory_space<vmem>> -> memref<1x50xi32, #tpu.memory_space<vmem>>
    %dma_start3A_142 = tpu.memref_squeeze %dma_start3A_141 : memref<1x50xi32, #tpu.memory_space<vmem>> -> memref<50xi32, #tpu.memory_space<vmem>>
    %dma_start3A_143 = arith.constant 0 : i32
    %dma_start3A_144 = tpu.memref_slice %arg3[%dma_start3A_132, %add3A_131, %dma_start3A_143] : memref<2x6400x50xi32, #tpu.memory_space<hbm>> -> memref<1x1x50xi32, #tpu.memory_space<hbm>>
    %dma_start3A_145 = tpu.memref_squeeze %dma_start3A_144 : memref<1x1x50xi32, #tpu.memory_space<hbm>> -> memref<50xi32, #tpu.memory_space<hbm>>
    tpu.enqueue_dma source(%dma_start3A_145 : memref<50xi32, #tpu.memory_space<hbm>>) target(%dma_start3A_142 : memref<50xi32, #tpu.memory_space<vmem>>) target_semaphore(%arg14 : memref<!tpu.dma_semaphore, #tpu.memory_space<semaphore_mem>>)
    %add3A_146 = arith.constant 4 : i32
    %add3A_147 = arith.addi %mul3A_2, %add3A_146 : i32
    %dma_start3A_148 = arith.constant 1 : i32
    %dma_start3A_149 = arith.constant 4 : i32
    %dma_start3A_150 = arith.constant 0 : i32
    %dma_start3A_151 = tpu.memref_slice %arg7[%dma_start3A_149, %dma_start3A_150] : memref<10x50xi32, #tpu.memory_space<vmem>> -> memref<1x50xi32, #tpu.memory_space<vmem>>
    %dma_start3A_152 = tpu.memref_squeeze %dma_start3A_151 : memref<1x50xi32, #tpu.memory_space<vmem>> -> memref<50xi32, #tpu.memory_space<vmem>>
    %dma_start3A_153 = arith.constant 0 : i32
    %dma_start3A_154 = tpu.memref_slice %arg3[%dma_start3A_148, %add3A_147, %dma_start3A_153] : memref<2x6400x50xi32, #tpu.memory_space<hbm>> -> memref<1x1x50xi32, #tpu.memory_space<hbm>>
    %dma_start3A_155 = tpu.memref_squeeze %dma_start3A_154 : memref<1x1x50xi32, #tpu.memory_space<hbm>> -> memref<50xi32, #tpu.memory_space<hbm>>
    %dma_start3A_156 = arith.constant 0 : i32
    %dma_start3A_157 = tpu.memref_slice %arg7[%dma_start3A_149, %dma_start3A_156] : memref<10x50xi32, #tpu.memory_space<vmem>> -> memref<1x50xi32, #tpu.memory_space<vmem>>
    %dma_start3A_158 = tpu.memref_squeeze %dma_start3A_157 : memref<1x50xi32, #tpu.memory_space<vmem>> -> memref<50xi32, #tpu.memory_space<vmem>>
    %dma_start3A_159 = arith.constant 0 : i32
    %dma_start3A_160 = tpu.memref_slice %arg3[%dma_start3A_148, %add3A_147, %dma_start3A_159] : memref<2x6400x50xi32, #tpu.memory_space<hbm>> -> memref<1x1x50xi32, #tpu.memory_space<hbm>>
    %dma_start3A_161 = tpu.memref_squeeze %dma_start3A_160 : memref<1x1x50xi32, #tpu.memory_space<hbm>> -> memref<50xi32, #tpu.memory_space<hbm>>
    tpu.enqueue_dma source(%dma_start3A_161 : memref<50xi32, #tpu.memory_space<hbm>>) target(%dma_start3A_158 : memref<50xi32, #tpu.memory_space<vmem>>) target_semaphore(%arg14 : memref<!tpu.dma_semaphore, #tpu.memory_space<semaphore_mem>>)
    %scan3A = arith.constant 0 : i32
    %scan3A_162 = arith.constant 50 : i32
    %scan3A_163 = arith.addi %scan3A, %scan3A_162 : i32
    %scan3A_164 = arith.constant 1 : i32
    scf.for %scan3A_501 = %scan3A to %scan3A_163 step %scan3A_164  : i32 {
      %scan3A_502 = arith.constant 0 : i32
      %scan3A_503 = arith.constant 8 : i32
      %scan3A_504 = arith.addi %scan3A_502, %scan3A_503 : i32
      %scan3A_505 = arith.constant 1 : i32
      scf.for %scan3A_507 = %scan3A_502 to %scan3A_504 step %scan3A_505  : i32 {
        %broadcast_in_dim3A = arith.constant 0.000000e+00 : f32
        %broadcast_in_dim3A_508 = vector.broadcast %broadcast_in_dim3A : f32 to vector<16xf32>
        %mul3A_509 = arith.constant 16 : i32
        %mul3A_510 = arith.muli %scan3A_507, %mul3A_509 : i32
        %swap3A = arith.index_cast %scan3A_501 : i32 to index
        %swap3A_511 = arith.index_cast %mul3A_510 : i32 to index
        %swap3A_512 = tpu.vector_load %arg8[%swap3A, %swap3A_511] {strides = array<i32>} : memref<50x128xf32, #tpu.memory_space<vmem>>, vector<1x16xf32>,
        %swap3A_513 = vector.shape_cast %swap3A_512 : vector<1x16xf32> to vector<16xf32>
        %swap3A_514 = vector.shape_cast %broadcast_in_dim3A_508 : vector<16xf32> to vector<1x16xf32>
        tpu.vector_store %arg8[%swap3A, %swap3A_511], %swap3A_514 {strides = array<i32>} : memref<50x128xf32, #tpu.memory_space<vmem>>, vector<1x16xf32>,
      }
      %scan3A_506 = arith.constant 8 : i32
    }
    %scan3A_165 = arith.constant 50 : i32
    %mul3A_166 = arith.constant 625 : i32
    %mul3A_167 = arith.muli %arg1, %mul3A_166 : i32
    %add3A_168 = arith.constant 625 : i32
    %add3A_169 = arith.addi %mul3A_167, %add3A_168 : i32
    %sub3A = arith.constant 625 : i32
    %sub3A_170 = arith.subi %add3A_169, %sub3A : i32
    "tpu.region"() ({
      %run_scoped3A = tpu.sem_alloc : memref<!tpu.dma_semaphore, #tpu.memory_space<semaphore_mem>>
      %dma_start3A_501 = arith.constant 0 : i32
      %dma_start3A_502 = arith.constant 0 : i32
      %dma_start3A_503 = tpu.memref_slice %arg8[%dma_start3A_501, %dma_start3A_502] : memref<50x128xf32, #tpu.memory_space<vmem>> -> memref<50x128xf32, #tpu.memory_space<vmem>>
      %dma_start3A_504 = arith.constant 0 : i32
      %dma_start3A_505 = tpu.memref_slice %arg13[%sub3A_170, %dma_start3A_504] : memref<10000x128xf32, #tpu.memory_space<vmem_shared>> -> memref<50x128xf32, #tpu.memory_space<vmem_shared>>
      %dma_start3A_506 = arith.constant 0 : i32
      %dma_start3A_507 = tpu.memref_slice %arg13[%sub3A_170, %dma_start3A_506] : memref<10000x128xf32, #tpu.memory_space<vmem_shared>> -> memref<50x128xf32, #tpu.memory_space<vmem_shared>>
      %dma_start3A_508 = arith.constant 0 : i32
      %dma_start3A_509 = arith.constant 0 : i32
      %dma_start3A_510 = tpu.memref_slice %arg8[%dma_start3A_508, %dma_start3A_509] : memref<50x128xf32, #tpu.memory_space<vmem>> -> memref<50x128xf32, #tpu.memory_space<vmem>>
      tpu.enqueue_dma source(%dma_start3A_510 : memref<50x128xf32, #tpu.memory_space<vmem>>) target(%dma_start3A_507 : memref<50x128xf32, #tpu.memory_space<vmem_shared>>) target_semaphore(%run_scoped3A : memref<!tpu.dma_semaphore, #tpu.memory_space<semaphore_mem>>)
      %dma_wait3A_511 = arith.constant 0 : i32
      %dma_wait3A_512 = arith.constant 0 : i32
      %dma_wait3A_513 = tpu.memref_slice %arg8[%dma_wait3A_511, %dma_wait3A_512] : memref<50x128xf32, #tpu.memory_space<vmem>> -> memref<50x128xf32, #tpu.memory_space<vmem>>
      %dma_wait3A_514 = arith.constant 0 : i32
      %dma_wait3A_515 = tpu.memref_slice %arg13[%sub3A_170, %dma_wait3A_514] : memref<10000x128xf32, #tpu.memory_space<vmem_shared>> -> memref<50x128xf32, #tpu.memory_space<vmem_shared>>
      %dma_wait3A_516 = arith.constant 0 : i32
      %dma_wait3A_517 = tpu.memref_slice %arg13[%sub3A_170, %dma_wait3A_516] : memref<10000x128xf32, #tpu.memory_space<vmem_shared>> -> memref<50x128xf32, #tpu.memory_space<vmem_shared>>
      %dma_wait3A_518 = arith.constant 0 : i32
      %dma_wait3A_519 = arith.constant 0 : i32
      %dma_wait3A_520 = tpu.memref_slice %arg8[%dma_wait3A_518, %dma_wait3A_519] : memref<50x128xf32, #tpu.memory_space<vmem>> -> memref<50x128xf32, #tpu.memory_space<vmem>>
      tpu.wait_dma2 semaphore(%run_scoped3A : memref<!tpu.dma_semaphore, #tpu.memory_space<semaphore_mem>>) src(%dma_wait3A_520 : memref<50x128xf32, #tpu.memory_space<vmem>>) dst(%dma_wait3A_517 : memref<50x128xf32, #tpu.memory_space<vmem_shared>>)
      tpu.yield
    }) : () -> ()
    %add3A_171 = arith.constant 625 : i32
    %add3A_172 = arith.addi %mul3A_167, %add3A_171 : i32
    %sub3A_173 = arith.constant 575 : i32
    %sub3A_174 = arith.subi %add3A_172, %sub3A_173 : i32
    "tpu.region"() ({
      %run_scoped3A = tpu.sem_alloc : memref<!tpu.dma_semaphore, #tpu.memory_space<semaphore_mem>>
      %dma_start3A_501 = arith.constant 0 : i32
      %dma_start3A_502 = arith.constant 0 : i32
      %dma_start3A_503 = tpu.memref_slice %arg8[%dma_start3A_501, %dma_start3A_502] : memref<50x128xf32, #tpu.memory_space<vmem>> -> memref<50x128xf32, #tpu.memory_space<vmem>>
      %dma_start3A_504 = arith.constant 0 : i32
      %dma_start3A_505 = tpu.memref_slice %arg13[%sub3A_174, %dma_start3A_504] : memref<10000x128xf32, #tpu.memory_space<vmem_shared>> -> memref<50x128xf32, #tpu.memory_space<vmem_shared>>
      %dma_start3A_506 = arith.constant 0 : i32
      %dma_start3A_507 = tpu.memref_slice %arg13[%sub3A_174, %dma_start3A_506] : memref<10000x128xf32, #tpu.memory_space<vmem_shared>> -> memref<50x128xf32, #tpu.memory_space<vmem_shared>>
      %dma_start3A_508 = arith.constant 0 : i32
      %dma_start3A_509 = arith.constant 0 : i32
      %dma_start3A_510 = tpu.memref_slice %arg8[%dma_start3A_508, %dma_start3A_509] : memref<50x128xf32, #tpu.memory_space<vmem>> -> memref<50x128xf32, #tpu.memory_space<vmem>>
      tpu.enqueue_dma source(%dma_start3A_510 : memref<50x128xf32, #tpu.memory_space<vmem>>) target(%dma_start3A_507 : memref<50x128xf32, #tpu.memory_space<vmem_shared>>) target_semaphore(%run_scoped3A : memref<!tpu.dma_semaphore, #tpu.memory_space<semaphore_mem>>)
      %dma_wait3A_511 = arith.constant 0 : i32
      %dma_wait3A_512 = arith.constant 0 : i32
      %dma_wait3A_513 = tpu.memref_slice %arg8[%dma_wait3A_511, %dma_wait3A_512] : memref<50x128xf32, #tpu.memory_space<vmem>> -> memref<50x128xf32, #tpu.memory_space<vmem>>
      %dma_wait3A_514 = arith.constant 0 : i32
      %dma_wait3A_515 = tpu.memref_slice %arg13[%sub3A_174, %dma_wait3A_514] : memref<10000x128xf32, #tpu.memory_space<vmem_shared>> -> memref<50x128xf32, #tpu.memory_space<vmem_shared>>
      %dma_wait3A_516 = arith.constant 0 : i32
      %dma_wait3A_517 = tpu.memref_slice %arg13[%sub3A_174, %dma_wait3A_516] : memref<10000x128xf32, #tpu.memory_space<vmem_shared>> -> memref<50x128xf32, #tpu.memory_space<vmem_shared>>
      %dma_wait3A_518 = arith.constant 0 : i32
      %dma_wait3A_519 = arith.constant 0 : i32
      %dma_wait3A_520 = tpu.memref_slice %arg8[%dma_wait3A_518, %dma_wait3A_519] : memref<50x128xf32, #tpu.memory_space<vmem>> -> memref<50x128xf32, #tpu.memory_space<vmem>>
      tpu.wait_dma2 semaphore(%run_scoped3A : memref<!tpu.dma_semaphore, #tpu.memory_space<semaphore_mem>>) src(%dma_wait3A_520 : memref<50x128xf32, #tpu.memory_space<vmem>>) dst(%dma_wait3A_517 : memref<50x128xf32, #tpu.memory_space<vmem_shared>>)
      tpu.yield
    }) : () -> ()
    %add3A_175 = arith.constant 625 : i32
    %add3A_176 = arith.addi %mul3A_167, %add3A_175 : i32
    %sub3A_177 = arith.constant 525 : i32
    %sub3A_178 = arith.subi %add3A_176, %sub3A_177 : i32
    "tpu.region"() ({
      %run_scoped3A = tpu.sem_alloc : memref<!tpu.dma_semaphore, #tpu.memory_space<semaphore_mem>>
      %dma_start3A_501 = arith.constant 0 : i32
      %dma_start3A_502 = arith.constant 0 : i32
      %dma_start3A_503 = tpu.memref_slice %arg8[%dma_start3A_501, %dma_start3A_502] : memref<50x128xf32, #tpu.memory_space<vmem>> -> memref<50x128xf32, #tpu.memory_space<vmem>>
      %dma_start3A_504 = arith.constant 0 : i32
      %dma_start3A_505 = tpu.memref_slice %arg13[%sub3A_178, %dma_start3A_504] : memref<10000x128xf32, #tpu.memory_space<vmem_shared>> -> memref<50x128xf32, #tpu.memory_space<vmem_shared>>
      %dma_start3A_506 = arith.constant 0 : i32
      %dma_start3A_507 = tpu.memref_slice %arg13[%sub3A_178, %dma_start3A_506] : memref<10000x128xf32, #tpu.memory_space<vmem_shared>> -> memref<50x128xf32, #tpu.memory_space<vmem_shared>>
      %dma_start3A_508 = arith.constant 0 : i32
      %dma_start3A_509 = arith.constant 0 : i32
      %dma_start3A_510 = tpu.memref_slice %arg8[%dma_start3A_508, %dma_start3A_509] : memref<50x128xf32, #tpu.memory_space<vmem>> -> memref<50x128xf32, #tpu.memory_space<vmem>>
      tpu.enqueue_dma source(%dma_start3A_510 : memref<50x128xf32, #tpu.memory_space<vmem>>) target(%dma_start3A_507 : memref<50x128xf32, #tpu.memory_space<vmem_shared>>) target_semaphore(%run_scoped3A : memref<!tpu.dma_semaphore, #tpu.memory_space<semaphore_mem>>)
      %dma_wait3A_511 = arith.constant 0 : i32
      %dma_wait3A_512 = arith.constant 0 : i32
      %dma_wait3A_513 = tpu.memref_slice %arg8[%dma_wait3A_511, %dma_wait3A_512] : memref<50x128xf32, #tpu.memory_space<vmem>> -> memref<50x128xf32, #tpu.memory_space<vmem>>
      %dma_wait3A_514 = arith.constant 0 : i32
      %dma_wait3A_515 = tpu.memref_slice %arg13[%sub3A_178, %dma_wait3A_514] : memref<10000x128xf32, #tpu.memory_space<vmem_shared>> -> memref<50x128xf32, #tpu.memory_space<vmem_shared>>
      %dma_wait3A_516 = arith.constant 0 : i32
      %dma_wait3A_517 = tpu.memref_slice %arg13[%sub3A_178, %dma_wait3A_516] : memref<10000x128xf32, #tpu.memory_space<vmem_shared>> -> memref<50x128xf32, #tpu.memory_space<vmem_shared>>
      %dma_wait3A_518 = arith.constant 0 : i32
      %dma_wait3A_519 = arith.constant 0 : i32
      %dma_wait3A_520 = tpu.memref_slice %arg8[%dma_wait3A_518, %dma_wait3A_519] : memref<50x128xf32, #tpu.memory_space<vmem>> -> memref<50x128xf32, #tpu.memory_space<vmem>>
      tpu.wait_dma2 semaphore(%run_scoped3A : memref<!tpu.dma_semaphore, #tpu.memory_space<semaphore_mem>>) src(%dma_wait3A_520 : memref<50x128xf32, #tpu.memory_space<vmem>>) dst(%dma_wait3A_517 : memref<50x128xf32, #tpu.memory_space<vmem_shared>>)
      tpu.yield
    }) : () -> ()
    %add3A_179 = arith.constant 625 : i32
    %add3A_180 = arith.addi %mul3A_167, %add3A_179 : i32
    %sub3A_181 = arith.constant 475 : i32
    %sub3A_182 = arith.subi %add3A_180, %sub3A_181 : i32
    "tpu.region"() ({
      %run_scoped3A = tpu.sem_alloc : memref<!tpu.dma_semaphore, #tpu.memory_space<semaphore_mem>>
      %dma_start3A_501 = arith.constant 0 : i32
      %dma_start3A_502 = arith.constant 0 : i32
      %dma_start3A_503 = tpu.memref_slice %arg8[%dma_start3A_501, %dma_start3A_502] : memref<50x128xf32, #tpu.memory_space<vmem>> -> memref<50x128xf32, #tpu.memory_space<vmem>>
      %dma_start3A_504 = arith.constant 0 : i32
      %dma_start3A_505 = tpu.memref_slice %arg13[%sub3A_182, %dma_start3A_504] : memref<10000x128xf32, #tpu.memory_space<vmem_shared>> -> memref<50x128xf32, #tpu.memory_space<vmem_shared>>
      %dma_start3A_506 = arith.constant 0 : i32
      %dma_start3A_507 = tpu.memref_slice %arg13[%sub3A_182, %dma_start3A_506] : memref<10000x128xf32, #tpu.memory_space<vmem_shared>> -> memref<50x128xf32, #tpu.memory_space<vmem_shared>>
      %dma_start3A_508 = arith.constant 0 : i32
      %dma_start3A_509 = arith.constant 0 : i32
      %dma_start3A_510 = tpu.memref_slice %arg8[%dma_start3A_508, %dma_start3A_509] : memref<50x128xf32, #tpu.memory_space<vmem>> -> memref<50x128xf32, #tpu.memory_space<vmem>>
      tpu.enqueue_dma source(%dma_start3A_510 : memref<50x128xf32, #tpu.memory_space<vmem>>) target(%dma_start3A_507 : memref<50x128xf32, #tpu.memory_space<vmem_shared>>) target_semaphore(%run_scoped3A : memref<!tpu.dma_semaphore, #tpu.memory_space<semaphore_mem>>)
      %dma_wait3A_511 = arith.constant 0 : i32
      %dma_wait3A_512 = arith.constant 0 : i32
      %dma_wait3A_513 = tpu.memref_slice %arg8[%dma_wait3A_511, %dma_wait3A_512] : memref<50x128xf32, #tpu.memory_space<vmem>> -> memref<50x128xf32, #tpu.memory_space<vmem>>
      %dma_wait3A_514 = arith.constant 0 : i32
      %dma_wait3A_515 = tpu.memref_slice %arg13[%sub3A_182, %dma_wait3A_514] : memref<10000x128xf32, #tpu.memory_space<vmem_shared>> -> memref<50x128xf32, #tpu.memory_space<vmem_shared>>
      %dma_wait3A_516 = arith.constant 0 : i32
      %dma_wait3A_517 = tpu.memref_slice %arg13[%sub3A_182, %dma_wait3A_516] : memref<10000x128xf32, #tpu.memory_space<vmem_shared>> -> memref<50x128xf32, #tpu.memory_space<vmem_shared>>
      %dma_wait3A_518 = arith.constant 0 : i32
      %dma_wait3A_519 = arith.constant 0 : i32
      %dma_wait3A_520 = tpu.memref_slice %arg8[%dma_wait3A_518, %dma_wait3A_519] : memref<50x128xf32, #tpu.memory_space<vmem>> -> memref<50x128xf32, #tpu.memory_space<vmem>>
      tpu.wait_dma2 semaphore(%run_scoped3A : memref<!tpu.dma_semaphore, #tpu.memory_space<semaphore_mem>>) src(%dma_wait3A_520 : memref<50x128xf32, #tpu.memory_space<vmem>>) dst(%dma_wait3A_517 : memref<50x128xf32, #tpu.memory_space<vmem_shared>>)
      tpu.yield
    }) : () -> ()
    %add3A_183 = arith.constant 625 : i32
    %add3A_184 = arith.addi %mul3A_167, %add3A_183 : i32
    %sub3A_185 = arith.constant 425 : i32
    %sub3A_186 = arith.subi %add3A_184, %sub3A_185 : i32
    "tpu.region"() ({
      %run_scoped3A = tpu.sem_alloc : memref<!tpu.dma_semaphore, #tpu.memory_space<semaphore_mem>>
      %dma_start3A_501 = arith.constant 0 : i32
      %dma_start3A_502 = arith.constant 0 : i32
      %dma_start3A_503 = tpu.memref_slice %arg8[%dma_start3A_501, %dma_start3A_502] : memref<50x128xf32, #tpu.memory_space<vmem>> -> memref<50x128xf32, #tpu.memory_space<vmem>>
      %dma_start3A_504 = arith.constant 0 : i32
      %dma_start3A_505 = tpu.memref_slice %arg13[%sub3A_186, %dma_start3A_504] : memref<10000x128xf32, #tpu.memory_space<vmem_shared>> -> memref<50x128xf32, #tpu.memory_space<vmem_shared>>
      %dma_start3A_506 = arith.constant 0 : i32
      %dma_start3A_507 = tpu.memref_slice %arg13[%sub3A_186, %dma_start3A_506] : memref<10000x128xf32, #tpu.memory_space<vmem_shared>> -> memref<50x128xf32, #tpu.memory_space<vmem_shared>>
      %dma_start3A_508 = arith.constant 0 : i32
      %dma_start3A_509 = arith.constant 0 : i32
      %dma_start3A_510 = tpu.memref_slice %arg8[%dma_start3A_508, %dma_start3A_509] : memref<50x128xf32, #tpu.memory_space<vmem>> -> memref<50x128xf32, #tpu.memory_space<vmem>>
      tpu.enqueue_dma source(%dma_start3A_510 : memref<50x128xf32, #tpu.memory_space<vmem>>) target(%dma_start3A_507 : memref<50x128xf32, #tpu.memory_space<vmem_shared>>) target_semaphore(%run_scoped3A : memref<!tpu.dma_semaphore, #tpu.memory_space<semaphore_mem>>)
      %dma_wait3A_511 = arith.constant 0 : i32
      %dma_wait3A_512 = arith.constant 0 : i32
      %dma_wait3A_513 = tpu.memref_slice %arg8[%dma_wait3A_511, %dma_wait3A_512] : memref<50x128xf32, #tpu.memory_space<vmem>> -> memref<50x128xf32, #tpu.memory_space<vmem>>
      %dma_wait3A_514 = arith.constant 0 : i32
      %dma_wait3A_515 = tpu.memref_slice %arg13[%sub3A_186, %dma_wait3A_514] : memref<10000x128xf32, #tpu.memory_space<vmem_shared>> -> memref<50x128xf32, #tpu.memory_space<vmem_shared>>
      %dma_wait3A_516 = arith.constant 0 : i32
      %dma_wait3A_517 = tpu.memref_slice %arg13[%sub3A_186, %dma_wait3A_516] : memref<10000x128xf32, #tpu.memory_space<vmem_shared>> -> memref<50x128xf32, #tpu.memory_space<vmem_shared>>
      %dma_wait3A_518 = arith.constant 0 : i32
      %dma_wait3A_519 = arith.constant 0 : i32
      %dma_wait3A_520 = tpu.memref_slice %arg8[%dma_wait3A_518, %dma_wait3A_519] : memref<50x128xf32, #tpu.memory_space<vmem>> -> memref<50x128xf32, #tpu.memory_space<vmem>>
      tpu.wait_dma2 semaphore(%run_scoped3A : memref<!tpu.dma_semaphore, #tpu.memory_space<semaphore_mem>>) src(%dma_wait3A_520 : memref<50x128xf32, #tpu.memory_space<vmem>>) dst(%dma_wait3A_517 : memref<50x128xf32, #tpu.memory_space<vmem_shared>>)
      tpu.yield
    }) : () -> ()
    %add3A_187 = arith.constant 625 : i32
    %add3A_188 = arith.addi %mul3A_167, %add3A_187 : i32
    %sub3A_189 = arith.constant 375 : i32
    %sub3A_190 = arith.subi %add3A_188, %sub3A_189 : i32
    "tpu.region"() ({
      %run_scoped3A = tpu.sem_alloc : memref<!tpu.dma_semaphore, #tpu.memory_space<semaphore_mem>>
      %dma_start3A_501 = arith.constant 0 : i32
      %dma_start3A_502 = arith.constant 0 : i32
      %dma_start3A_503 = tpu.memref_slice %arg8[%dma_start3A_501, %dma_start3A_502] : memref<50x128xf32, #tpu.memory_space<vmem>> -> memref<50x128xf32, #tpu.memory_space<vmem>>
      %dma_start3A_504 = arith.constant 0 : i32
      %dma_start3A_505 = tpu.memref_slice %arg13[%sub3A_190, %dma_start3A_504] : memref<10000x128xf32, #tpu.memory_space<vmem_shared>> -> memref<50x128xf32, #tpu.memory_space<vmem_shared>>
      %dma_start3A_506 = arith.constant 0 : i32
      %dma_start3A_507 = tpu.memref_slice %arg13[%sub3A_190, %dma_start3A_506] : memref<10000x128xf32, #tpu.memory_space<vmem_shared>> -> memref<50x128xf32, #tpu.memory_space<vmem_shared>>
      %dma_start3A_508 = arith.constant 0 : i32
      %dma_start3A_509 = arith.constant 0 : i32
      %dma_start3A_510 = tpu.memref_slice %arg8[%dma_start3A_508, %dma_start3A_509] : memref<50x128xf32, #tpu.memory_space<vmem>> -> memref<50x128xf32, #tpu.memory_space<vmem>>
      tpu.enqueue_dma source(%dma_start3A_510 : memref<50x128xf32, #tpu.memory_space<vmem>>) target(%dma_start3A_507 : memref<50x128xf32, #tpu.memory_space<vmem_shared>>) target_semaphore(%run_scoped3A : memref<!tpu.dma_semaphore, #tpu.memory_space<semaphore_mem>>)
      %dma_wait3A_511 = arith.constant 0 : i32
      %dma_wait3A_512 = arith.constant 0 : i32
      %dma_wait3A_513 = tpu.memref_slice %arg8[%dma_wait3A_511, %dma_wait3A_512] : memref<50x128xf32, #tpu.memory_space<vmem>> -> memref<50x128xf32, #tpu.memory_space<vmem>>
      %dma_wait3A_514 = arith.constant 0 : i32
      %dma_wait3A_515 = tpu.memref_slice %arg13[%sub3A_190, %dma_wait3A_514] : memref<10000x128xf32, #tpu.memory_space<vmem_shared>> -> memref<50x128xf32, #tpu.memory_space<vmem_shared>>
      %dma_wait3A_516 = arith.constant 0 : i32
      %dma_wait3A_517 = tpu.memref_slice %arg13[%sub3A_190, %dma_wait3A_516] : memref<10000x128xf32, #tpu.memory_space<vmem_shared>> -> memref<50x128xf32, #tpu.memory_space<vmem_shared>>
      %dma_wait3A_518 = arith.constant 0 : i32
      %dma_wait3A_519 = arith.constant 0 : i32
      %dma_wait3A_520 = tpu.memref_slice %arg8[%dma_wait3A_518, %dma_wait3A_519] : memref<50x128xf32, #tpu.memory_space<vmem>> -> memref<50x128xf32, #tpu.memory_space<vmem>>
      tpu.wait_dma2 semaphore(%run_scoped3A : memref<!tpu.dma_semaphore, #tpu.memory_space<semaphore_mem>>) src(%dma_wait3A_520 : memref<50x128xf32, #tpu.memory_space<vmem>>) dst(%dma_wait3A_517 : memref<50x128xf32, #tpu.memory_space<vmem_shared>>)
      tpu.yield
    }) : () -> ()
    %add3A_191 = arith.constant 625 : i32
    %add3A_192 = arith.addi %mul3A_167, %add3A_191 : i32
    %sub3A_193 = arith.constant 325 : i32
    %sub3A_194 = arith.subi %add3A_192, %sub3A_193 : i32
    "tpu.region"() ({
      %run_scoped3A = tpu.sem_alloc : memref<!tpu.dma_semaphore, #tpu.memory_space<semaphore_mem>>
      %dma_start3A_501 = arith.constant 0 : i32
      %dma_start3A_502 = arith.constant 0 : i32
      %dma_start3A_503 = tpu.memref_slice %arg8[%dma_start3A_501, %dma_start3A_502] : memref<50x128xf32, #tpu.memory_space<vmem>> -> memref<50x128xf32, #tpu.memory_space<vmem>>
      %dma_start3A_504 = arith.constant 0 : i32
      %dma_start3A_505 = tpu.memref_slice %arg13[%sub3A_194, %dma_start3A_504] : memref<10000x128xf32, #tpu.memory_space<vmem_shared>> -> memref<50x128xf32, #tpu.memory_space<vmem_shared>>
      %dma_start3A_506 = arith.constant 0 : i32
      %dma_start3A_507 = tpu.memref_slice %arg13[%sub3A_194, %dma_start3A_506] : memref<10000x128xf32, #tpu.memory_space<vmem_shared>> -> memref<50x128xf32, #tpu.memory_space<vmem_shared>>
      %dma_start3A_508 = arith.constant 0 : i32
      %dma_start3A_509 = arith.constant 0 : i32
      %dma_start3A_510 = tpu.memref_slice %arg8[%dma_start3A_508, %dma_start3A_509] : memref<50x128xf32, #tpu.memory_space<vmem>> -> memref<50x128xf32, #tpu.memory_space<vmem>>
      tpu.enqueue_dma source(%dma_start3A_510 : memref<50x128xf32, #tpu.memory_space<vmem>>) target(%dma_start3A_507 : memref<50x128xf32, #tpu.memory_space<vmem_shared>>) target_semaphore(%run_scoped3A : memref<!tpu.dma_semaphore, #tpu.memory_space<semaphore_mem>>)
      %dma_wait3A_511 = arith.constant 0 : i32
      %dma_wait3A_512 = arith.constant 0 : i32
      %dma_wait3A_513 = tpu.memref_slice %arg8[%dma_wait3A_511, %dma_wait3A_512] : memref<50x128xf32, #tpu.memory_space<vmem>> -> memref<50x128xf32, #tpu.memory_space<vmem>>
      %dma_wait3A_514 = arith.constant 0 : i32
      %dma_wait3A_515 = tpu.memref_slice %arg13[%sub3A_194, %dma_wait3A_514] : memref<10000x128xf32, #tpu.memory_space<vmem_shared>> -> memref<50x128xf32, #tpu.memory_space<vmem_shared>>
      %dma_wait3A_516 = arith.constant 0 : i32
      %dma_wait3A_517 = tpu.memref_slice %arg13[%sub3A_194, %dma_wait3A_516] : memref<10000x128xf32, #tpu.memory_space<vmem_shared>> -> memref<50x128xf32, #tpu.memory_space<vmem_shared>>
      %dma_wait3A_518 = arith.constant 0 : i32
      %dma_wait3A_519 = arith.constant 0 : i32
      %dma_wait3A_520 = tpu.memref_slice %arg8[%dma_wait3A_518, %dma_wait3A_519] : memref<50x128xf32, #tpu.memory_space<vmem>> -> memref<50x128xf32, #tpu.memory_space<vmem>>
      tpu.wait_dma2 semaphore(%run_scoped3A : memref<!tpu.dma_semaphore, #tpu.memory_space<semaphore_mem>>) src(%dma_wait3A_520 : memref<50x128xf32, #tpu.memory_space<vmem>>) dst(%dma_wait3A_517 : memref<50x128xf32, #tpu.memory_space<vmem_shared>>)
      tpu.yield
    }) : () -> ()
    %add3A_195 = arith.constant 625 : i32
    %add3A_196 = arith.addi %mul3A_167, %add3A_195 : i32
    %sub3A_197 = arith.constant 275 : i32
    %sub3A_198 = arith.subi %add3A_196, %sub3A_197 : i32
    "tpu.region"() ({
      %run_scoped3A = tpu.sem_alloc : memref<!tpu.dma_semaphore, #tpu.memory_space<semaphore_mem>>
      %dma_start3A_501 = arith.constant 0 : i32
      %dma_start3A_502 = arith.constant 0 : i32
      %dma_start3A_503 = tpu.memref_slice %arg8[%dma_start3A_501, %dma_start3A_502] : memref<50x128xf32, #tpu.memory_space<vmem>> -> memref<50x128xf32, #tpu.memory_space<vmem>>
      %dma_start3A_504 = arith.constant 0 : i32
      %dma_start3A_505 = tpu.memref_slice %arg13[%sub3A_198, %dma_start3A_504] : memref<10000x128xf32, #tpu.memory_space<vmem_shared>> -> memref<50x128xf32, #tpu.memory_space<vmem_shared>>
      %dma_start3A_506 = arith.constant 0 : i32
      %dma_start3A_507 = tpu.memref_slice %arg13[%sub3A_198, %dma_start3A_506] : memref<10000x128xf32, #tpu.memory_space<vmem_shared>> -> memref<50x128xf32, #tpu.memory_space<vmem_shared>>
      %dma_start3A_508 = arith.constant 0 : i32
      %dma_start3A_509 = arith.constant 0 : i32
      %dma_start3A_510 = tpu.memref_slice %arg8[%dma_start3A_508, %dma_start3A_509] : memref<50x128xf32, #tpu.memory_space<vmem>> -> memref<50x128xf32, #tpu.memory_space<vmem>>
      tpu.enqueue_dma source(%dma_start3A_510 : memref<50x128xf32, #tpu.memory_space<vmem>>) target(%dma_start3A_507 : memref<50x128xf32, #tpu.memory_space<vmem_shared>>) target_semaphore(%run_scoped3A : memref<!tpu.dma_semaphore, #tpu.memory_space<semaphore_mem>>)
      %dma_wait3A_511 = arith.constant 0 : i32
      %dma_wait3A_512 = arith.constant 0 : i32
      %dma_wait3A_513 = tpu.memref_slice %arg8[%dma_wait3A_511, %dma_wait3A_512] : memref<50x128xf32, #tpu.memory_space<vmem>> -> memref<50x128xf32, #tpu.memory_space<vmem>>
      %dma_wait3A_514 = arith.constant 0 : i32
      %dma_wait3A_515 = tpu.memref_slice %arg13[%sub3A_198, %dma_wait3A_514] : memref<10000x128xf32, #tpu.memory_space<vmem_shared>> -> memref<50x128xf32, #tpu.memory_space<vmem_shared>>
      %dma_wait3A_516 = arith.constant 0 : i32
      %dma_wait3A_517 = tpu.memref_slice %arg13[%sub3A_198, %dma_wait3A_516] : memref<10000x128xf32, #tpu.memory_space<vmem_shared>> -> memref<50x128xf32, #tpu.memory_space<vmem_shared>>
      %dma_wait3A_518 = arith.constant 0 : i32
      %dma_wait3A_519 = arith.constant 0 : i32
      %dma_wait3A_520 = tpu.memref_slice %arg8[%dma_wait3A_518, %dma_wait3A_519] : memref<50x128xf32, #tpu.memory_space<vmem>> -> memref<50x128xf32, #tpu.memory_space<vmem>>
      tpu.wait_dma2 semaphore(%run_scoped3A : memref<!tpu.dma_semaphore, #tpu.memory_space<semaphore_mem>>) src(%dma_wait3A_520 : memref<50x128xf32, #tpu.memory_space<vmem>>) dst(%dma_wait3A_517 : memref<50x128xf32, #tpu.memory_space<vmem_shared>>)
      tpu.yield
    }) : () -> ()
    %add3A_199 = arith.constant 625 : i32
    %add3A_200 = arith.addi %mul3A_167, %add3A_199 : i32
    %sub3A_201 = arith.constant 225 : i32
    %sub3A_202 = arith.subi %add3A_200, %sub3A_201 : i32
    "tpu.region"() ({
      %run_scoped3A = tpu.sem_alloc : memref<!tpu.dma_semaphore, #tpu.memory_space<semaphore_mem>>
      %dma_start3A_501 = arith.constant 0 : i32
      %dma_start3A_502 = arith.constant 0 : i32
      %dma_start3A_503 = tpu.memref_slice %arg8[%dma_start3A_501, %dma_start3A_502] : memref<50x128xf32, #tpu.memory_space<vmem>> -> memref<50x128xf32, #tpu.memory_space<vmem>>
      %dma_start3A_504 = arith.constant 0 : i32
      %dma_start3A_505 = tpu.memref_slice %arg13[%sub3A_202, %dma_start3A_504] : memref<10000x128xf32, #tpu.memory_space<vmem_shared>> -> memref<50x128xf32, #tpu.memory_space<vmem_shared>>
      %dma_start3A_506 = arith.constant 0 : i32
      %dma_start3A_507 = tpu.memref_slice %arg13[%sub3A_202, %dma_start3A_506] : memref<10000x128xf32, #tpu.memory_space<vmem_shared>> -> memref<50x128xf32, #tpu.memory_space<vmem_shared>>
      %dma_start3A_508 = arith.constant 0 : i32
      %dma_start3A_509 = arith.constant 0 : i32
      %dma_start3A_510 = tpu.memref_slice %arg8[%dma_start3A_508, %dma_start3A_509] : memref<50x128xf32, #tpu.memory_space<vmem>> -> memref<50x128xf32, #tpu.memory_space<vmem>>
      tpu.enqueue_dma source(%dma_start3A_510 : memref<50x128xf32, #tpu.memory_space<vmem>>) target(%dma_start3A_507 : memref<50x128xf32, #tpu.memory_space<vmem_shared>>) target_semaphore(%run_scoped3A : memref<!tpu.dma_semaphore, #tpu.memory_space<semaphore_mem>>)
      %dma_wait3A_511 = arith.constant 0 : i32
      %dma_wait3A_512 = arith.constant 0 : i32
      %dma_wait3A_513 = tpu.memref_slice %arg8[%dma_wait3A_511, %dma_wait3A_512] : memref<50x128xf32, #tpu.memory_space<vmem>> -> memref<50x128xf32, #tpu.memory_space<vmem>>
      %dma_wait3A_514 = arith.constant 0 : i32
      %dma_wait3A_515 = tpu.memref_slice %arg13[%sub3A_202, %dma_wait3A_514] : memref<10000x128xf32, #tpu.memory_space<vmem_shared>> -> memref<50x128xf32, #tpu.memory_space<vmem_shared>>
      %dma_wait3A_516 = arith.constant 0 : i32
      %dma_wait3A_517 = tpu.memref_slice %arg13[%sub3A_202, %dma_wait3A_516] : memref<10000x128xf32, #tpu.memory_space<vmem_shared>> -> memref<50x128xf32, #tpu.memory_space<vmem_shared>>
      %dma_wait3A_518 = arith.constant 0 : i32
      %dma_wait3A_519 = arith.constant 0 : i32
      %dma_wait3A_520 = tpu.memref_slice %arg8[%dma_wait3A_518, %dma_wait3A_519] : memref<50x128xf32, #tpu.memory_space<vmem>> -> memref<50x128xf32, #tpu.memory_space<vmem>>
      tpu.wait_dma2 semaphore(%run_scoped3A : memref<!tpu.dma_semaphore, #tpu.memory_space<semaphore_mem>>) src(%dma_wait3A_520 : memref<50x128xf32, #tpu.memory_space<vmem>>) dst(%dma_wait3A_517 : memref<50x128xf32, #tpu.memory_space<vmem_shared>>)
      tpu.yield
    }) : () -> ()
    %add3A_203 = arith.constant 625 : i32
    %add3A_204 = arith.addi %mul3A_167, %add3A_203 : i32
    %sub3A_205 = arith.constant 175 : i32
    %sub3A_206 = arith.subi %add3A_204, %sub3A_205 : i32
    "tpu.region"() ({
      %run_scoped3A = tpu.sem_alloc : memref<!tpu.dma_semaphore, #tpu.memory_space<semaphore_mem>>
      %dma_start3A_501 = arith.constant 0 : i32
      %dma_start3A_502 = arith.constant 0 : i32
      %dma_start3A_503 = tpu.memref_slice %arg8[%dma_start3A_501, %dma_start3A_502] : memref<50x128xf32, #tpu.memory_space<vmem>> -> memref<50x128xf32, #tpu.memory_space<vmem>>
      %dma_start3A_504 = arith.constant 0 : i32
      %dma_start3A_505 = tpu.memref_slice %arg13[%sub3A_206, %dma_start3A_504] : memref<10000x128xf32, #tpu.memory_space<vmem_shared>> -> memref<50x128xf32, #tpu.memory_space<vmem_shared>>
      %dma_start3A_506 = arith.constant 0 : i32
      %dma_start3A_507 = tpu.memref_slice %arg13[%sub3A_206, %dma_start3A_506] : memref<10000x128xf32, #tpu.memory_space<vmem_shared>> -> memref<50x128xf32, #tpu.memory_space<vmem_shared>>
      %dma_start3A_508 = arith.constant 0 : i32
      %dma_start3A_509 = arith.constant 0 : i32
      %dma_start3A_510 = tpu.memref_slice %arg8[%dma_start3A_508, %dma_start3A_509] : memref<50x128xf32, #tpu.memory_space<vmem>> -> memref<50x128xf32, #tpu.memory_space<vmem>>
      tpu.enqueue_dma source(%dma_start3A_510 : memref<50x128xf32, #tpu.memory_space<vmem>>) target(%dma_start3A_507 : memref<50x128xf32, #tpu.memory_space<vmem_shared>>) target_semaphore(%run_scoped3A : memref<!tpu.dma_semaphore, #tpu.memory_space<semaphore_mem>>)
      %dma_wait3A_511 = arith.constant 0 : i32
      %dma_wait3A_512 = arith.constant 0 : i32
      %dma_wait3A_513 = tpu.memref_slice %arg8[%dma_wait3A_511, %dma_wait3A_512] : memref<50x128xf32, #tpu.memory_space<vmem>> -> memref<50x128xf32, #tpu.memory_space<vmem>>
      %dma_wait3A_514 = arith.constant 0 : i32
      %dma_wait3A_515 = tpu.memref_slice %arg13[%sub3A_206, %dma_wait3A_514] : memref<10000x128xf32, #tpu.memory_space<vmem_shared>> -> memref<50x128xf32, #tpu.memory_space<vmem_shared>>
      %dma_wait3A_516 = arith.constant 0 : i32
      %dma_wait3A_517 = tpu.memref_slice %arg13[%sub3A_206, %dma_wait3A_516] : memref<10000x128xf32, #tpu.memory_space<vmem_shared>> -> memref<50x128xf32, #tpu.memory_space<vmem_shared>>
      %dma_wait3A_518 = arith.constant 0 : i32
      %dma_wait3A_519 = arith.constant 0 : i32
      %dma_wait3A_520 = tpu.memref_slice %arg8[%dma_wait3A_518, %dma_wait3A_519] : memref<50x128xf32, #tpu.memory_space<vmem>> -> memref<50x128xf32, #tpu.memory_space<vmem>>
      tpu.wait_dma2 semaphore(%run_scoped3A : memref<!tpu.dma_semaphore, #tpu.memory_space<semaphore_mem>>) src(%dma_wait3A_520 : memref<50x128xf32, #tpu.memory_space<vmem>>) dst(%dma_wait3A_517 : memref<50x128xf32, #tpu.memory_space<vmem_shared>>)
      tpu.yield
    }) : () -> ()
    %add3A_207 = arith.constant 625 : i32
    %add3A_208 = arith.addi %mul3A_167, %add3A_207 : i32
    %sub3A_209 = arith.constant 125 : i32
    %sub3A_210 = arith.subi %add3A_208, %sub3A_209 : i32
    "tpu.region"() ({
      %run_scoped3A = tpu.sem_alloc : memref<!tpu.dma_semaphore, #tpu.memory_space<semaphore_mem>>
      %dma_start3A_501 = arith.constant 0 : i32
      %dma_start3A_502 = arith.constant 0 : i32
      %dma_start3A_503 = tpu.memref_slice %arg8[%dma_start3A_501, %dma_start3A_502] : memref<50x128xf32, #tpu.memory_space<vmem>> -> memref<50x128xf32, #tpu.memory_space<vmem>>
      %dma_start3A_504 = arith.constant 0 : i32
      %dma_start3A_505 = tpu.memref_slice %arg13[%sub3A_210, %dma_start3A_504] : memref<10000x128xf32, #tpu.memory_space<vmem_shared>> -> memref<50x128xf32, #tpu.memory_space<vmem_shared>>
      %dma_start3A_506 = arith.constant 0 : i32
      %dma_start3A_507 = tpu.memref_slice %arg13[%sub3A_210, %dma_start3A_506] : memref<10000x128xf32, #tpu.memory_space<vmem_shared>> -> memref<50x128xf32, #tpu.memory_space<vmem_shared>>
      %dma_start3A_508 = arith.constant 0 : i32
      %dma_start3A_509 = arith.constant 0 : i32
      %dma_start3A_510 = tpu.memref_slice %arg8[%dma_start3A_508, %dma_start3A_509] : memref<50x128xf32, #tpu.memory_space<vmem>> -> memref<50x128xf32, #tpu.memory_space<vmem>>
      tpu.enqueue_dma source(%dma_start3A_510 : memref<50x128xf32, #tpu.memory_space<vmem>>) target(%dma_start3A_507 : memref<50x128xf32, #tpu.memory_space<vmem_shared>>) target_semaphore(%run_scoped3A : memref<!tpu.dma_semaphore, #tpu.memory_space<semaphore_mem>>)
      %dma_wait3A_511 = arith.constant 0 : i32
      %dma_wait3A_512 = arith.constant 0 : i32
      %dma_wait3A_513 = tpu.memref_slice %arg8[%dma_wait3A_511, %dma_wait3A_512] : memref<50x128xf32, #tpu.memory_space<vmem>> -> memref<50x128xf32, #tpu.memory_space<vmem>>
      %dma_wait3A_514 = arith.constant 0 : i32
      %dma_wait3A_515 = tpu.memref_slice %arg13[%sub3A_210, %dma_wait3A_514] : memref<10000x128xf32, #tpu.memory_space<vmem_shared>> -> memref<50x128xf32, #tpu.memory_space<vmem_shared>>
      %dma_wait3A_516 = arith.constant 0 : i32
      %dma_wait3A_517 = tpu.memref_slice %arg13[%sub3A_210, %dma_wait3A_516] : memref<10000x128xf32, #tpu.memory_space<vmem_shared>> -> memref<50x128xf32, #tpu.memory_space<vmem_shared>>
      %dma_wait3A_518 = arith.constant 0 : i32
      %dma_wait3A_519 = arith.constant 0 : i32
      %dma_wait3A_520 = tpu.memref_slice %arg8[%dma_wait3A_518, %dma_wait3A_519] : memref<50x128xf32, #tpu.memory_space<vmem>> -> memref<50x128xf32, #tpu.memory_space<vmem>>
      tpu.wait_dma2 semaphore(%run_scoped3A : memref<!tpu.dma_semaphore, #tpu.memory_space<semaphore_mem>>) src(%dma_wait3A_520 : memref<50x128xf32, #tpu.memory_space<vmem>>) dst(%dma_wait3A_517 : memref<50x128xf32, #tpu.memory_space<vmem_shared>>)
      tpu.yield
    }) : () -> ()
    %add3A_211 = arith.constant 625 : i32
    %add3A_212 = arith.addi %mul3A_167, %add3A_211 : i32
    %sub3A_213 = arith.constant 75 : i32
    %sub3A_214 = arith.subi %add3A_212, %sub3A_213 : i32
    "tpu.region"() ({
      %run_scoped3A = tpu.sem_alloc : memref<!tpu.dma_semaphore, #tpu.memory_space<semaphore_mem>>
      %dma_start3A_501 = arith.constant 0 : i32
      %dma_start3A_502 = arith.constant 0 : i32
      %dma_start3A_503 = tpu.memref_slice %arg8[%dma_start3A_501, %dma_start3A_502] : memref<50x128xf32, #tpu.memory_space<vmem>> -> memref<50x128xf32, #tpu.memory_space<vmem>>
      %dma_start3A_504 = arith.constant 0 : i32
      %dma_start3A_505 = tpu.memref_slice %arg13[%sub3A_214, %dma_start3A_504] : memref<10000x128xf32, #tpu.memory_space<vmem_shared>> -> memref<50x128xf32, #tpu.memory_space<vmem_shared>>
      %dma_start3A_506 = arith.constant 0 : i32
      %dma_start3A_507 = tpu.memref_slice %arg13[%sub3A_214, %dma_start3A_506] : memref<10000x128xf32, #tpu.memory_space<vmem_shared>> -> memref<50x128xf32, #tpu.memory_space<vmem_shared>>
      %dma_start3A_508 = arith.constant 0 : i32
      %dma_start3A_509 = arith.constant 0 : i32
      %dma_start3A_510 = tpu.memref_slice %arg8[%dma_start3A_508, %dma_start3A_509] : memref<50x128xf32, #tpu.memory_space<vmem>> -> memref<50x128xf32, #tpu.memory_space<vmem>>
      tpu.enqueue_dma source(%dma_start3A_510 : memref<50x128xf32, #tpu.memory_space<vmem>>) target(%dma_start3A_507 : memref<50x128xf32, #tpu.memory_space<vmem_shared>>) target_semaphore(%run_scoped3A : memref<!tpu.dma_semaphore, #tpu.memory_space<semaphore_mem>>)
      %dma_wait3A_511 = arith.constant 0 : i32
      %dma_wait3A_512 = arith.constant 0 : i32
      %dma_wait3A_513 = tpu.memref_slice %arg8[%dma_wait3A_511, %dma_wait3A_512] : memref<50x128xf32, #tpu.memory_space<vmem>> -> memref<50x128xf32, #tpu.memory_space<vmem>>
      %dma_wait3A_514 = arith.constant 0 : i32
      %dma_wait3A_515 = tpu.memref_slice %arg13[%sub3A_214, %dma_wait3A_514] : memref<10000x128xf32, #tpu.memory_space<vmem_shared>> -> memref<50x128xf32, #tpu.memory_space<vmem_shared>>
      %dma_wait3A_516 = arith.constant 0 : i32
      %dma_wait3A_517 = tpu.memref_slice %arg13[%sub3A_214, %dma_wait3A_516] : memref<10000x128xf32, #tpu.memory_space<vmem_shared>> -> memref<50x128xf32, #tpu.memory_space<vmem_shared>>
      %dma_wait3A_518 = arith.constant 0 : i32
      %dma_wait3A_519 = arith.constant 0 : i32
      %dma_wait3A_520 = tpu.memref_slice %arg8[%dma_wait3A_518, %dma_wait3A_519] : memref<50x128xf32, #tpu.memory_space<vmem>> -> memref<50x128xf32, #tpu.memory_space<vmem>>
      tpu.wait_dma2 semaphore(%run_scoped3A : memref<!tpu.dma_semaphore, #tpu.memory_space<semaphore_mem>>) src(%dma_wait3A_520 : memref<50x128xf32, #tpu.memory_space<vmem>>) dst(%dma_wait3A_517 : memref<50x128xf32, #tpu.memory_space<vmem_shared>>)
      tpu.yield
    }) : () -> ()
    %add3A_215 = arith.constant 625 : i32
    %add3A_216 = arith.addi %mul3A_167, %add3A_215 : i32
    %sub3A_217 = arith.constant 25 : i32
    %sub3A_218 = arith.subi %add3A_216, %sub3A_217 : i32
    "tpu.region"() ({
      %run_scoped3A = tpu.sem_alloc : memref<!tpu.dma_semaphore, #tpu.memory_space<semaphore_mem>>
      %dma_start3A_501 = arith.constant 0 : i32
      %dma_start3A_502 = arith.constant 0 : i32
      %dma_start3A_503 = tpu.memref_slice %arg8[%dma_start3A_501, %dma_start3A_502] : memref<50x128xf32, #tpu.memory_space<vmem>> -> memref<25x128xf32, #tpu.memory_space<vmem>>
      %dma_start3A_504 = arith.constant 0 : i32
      %dma_start3A_505 = tpu.memref_slice %arg13[%sub3A_218, %dma_start3A_504] : memref<10000x128xf32, #tpu.memory_space<vmem_shared>> -> memref<25x128xf32, #tpu.memory_space<vmem_shared>>
      %dma_start3A_506 = arith.constant 0 : i32
      %dma_start3A_507 = tpu.memref_slice %arg13[%sub3A_218, %dma_start3A_506] : memref<10000x128xf32, #tpu.memory_space<vmem_shared>> -> memref<25x128xf32, #tpu.memory_space<vmem_shared>>
      %dma_start3A_508 = arith.constant 0 : i32
      %dma_start3A_509 = arith.constant 0 : i32
      %dma_start3A_510 = tpu.memref_slice %arg8[%dma_start3A_508, %dma_start3A_509] : memref<50x128xf32, #tpu.memory_space<vmem>> -> memref<25x128xf32, #tpu.memory_space<vmem>>
      tpu.enqueue_dma source(%dma_start3A_510 : memref<25x128xf32, #tpu.memory_space<vmem>>) target(%dma_start3A_507 : memref<25x128xf32, #tpu.memory_space<vmem_shared>>) target_semaphore(%run_scoped3A : memref<!tpu.dma_semaphore, #tpu.memory_space<semaphore_mem>>)
      %dma_wait3A_511 = arith.constant 0 : i32
      %dma_wait3A_512 = arith.constant 0 : i32
      %dma_wait3A_513 = tpu.memref_slice %arg8[%dma_wait3A_511, %dma_wait3A_512] : memref<50x128xf32, #tpu.memory_space<vmem>> -> memref<25x128xf32, #tpu.memory_space<vmem>>
      %dma_wait3A_514 = arith.constant 0 : i32
      %dma_wait3A_515 = tpu.memref_slice %arg13[%sub3A_218, %dma_wait3A_514] : memref<10000x128xf32, #tpu.memory_space<vmem_shared>> -> memref<25x128xf32, #tpu.memory_space<vmem_shared>>
      %dma_wait3A_516 = arith.constant 0 : i32
      %dma_wait3A_517 = tpu.memref_slice %arg13[%sub3A_218, %dma_wait3A_516] : memref<10000x128xf32, #tpu.memory_space<vmem_shared>> -> memref<25x128xf32, #tpu.memory_space<vmem_shared>>
      %dma_wait3A_518 = arith.constant 0 : i32
      %dma_wait3A_519 = arith.constant 0 : i32
      %dma_wait3A_520 = tpu.memref_slice %arg8[%dma_wait3A_518, %dma_wait3A_519] : memref<50x128xf32, #tpu.memory_space<vmem>> -> memref<25x128xf32, #tpu.memory_space<vmem>>
      tpu.wait_dma2 semaphore(%run_scoped3A : memref<!tpu.dma_semaphore, #tpu.memory_space<semaphore_mem>>) src(%dma_wait3A_520 : memref<25x128xf32, #tpu.memory_space<vmem>>) dst(%dma_wait3A_517 : memref<25x128xf32, #tpu.memory_space<vmem_shared>>)
      tpu.yield
    }) : () -> ()
    %scan3A_219 = arith.constant 0 : i32
    %scan3A_220 = arith.constant 50 : i32
    %scan3A_221 = arith.addi %scan3A_219, %scan3A_220 : i32
    %scan3A_222 = arith.constant 1 : i32
    scf.for %scan3A_501 = %scan3A_219 to %scan3A_221 step %scan3A_222  : i32 {
      %broadcast_in_dim3A = arith.constant 1.000000e+00 : f32
      %broadcast_in_dim3A_502 = vector.broadcast %broadcast_in_dim3A : f32 to vector<16xf32>
      %swap3A = arith.index_cast %scan3A_501 : i32 to index
      %swap3A_503 = arith.constant 0 : index
      %swap3A_504 = tpu.vector_load %arg26[%swap3A, %swap3A_503] {strides = array<i32>} : memref<50x16xf32, #tpu.memory_space<vmem>>, vector<1x16xf32>,
      %swap3A_505 = vector.shape_cast %swap3A_504 : vector<1x16xf32> to vector<16xf32>
      %swap3A_506 = vector.shape_cast %broadcast_in_dim3A_502 : vector<16xf32> to vector<1x16xf32>
      tpu.vector_store %arg26[%swap3A, %swap3A_503], %swap3A_506 {strides = array<i32>} : memref<50x16xf32, #tpu.memory_space<vmem>>, vector<1x16xf32>,
      %broadcast_in_dim3A_507 = arith.constant 0.000000e+00 : f32
      %broadcast_in_dim3A_508 = vector.broadcast %broadcast_in_dim3A_507 : f32 to vector<16xf32>
      %swap3A_509 = arith.index_cast %scan3A_501 : i32 to index
      %swap3A_510 = arith.constant 0 : index
      %swap3A_511 = tpu.vector_load %arg9[%swap3A_509, %swap3A_510] {strides = array<i32>} : memref<50x128xf32, #tpu.memory_space<vmem>>, vector<1x16xf32>,
      %swap3A_512 = vector.shape_cast %swap3A_511 : vector<1x16xf32> to vector<16xf32>
      %swap3A_513 = vector.shape_cast %broadcast_in_dim3A_508 : vector<16xf32> to vector<1x16xf32>
      tpu.vector_store %arg9[%swap3A_509, %swap3A_510], %swap3A_513 {strides = array<i32>} : memref<50x128xf32, #tpu.memory_space<vmem>>, vector<1x16xf32>,
    }
    %scan3A_223 = arith.constant 50 : i32
    %add3A_224 = arith.constant 625 : i32
    %add3A_225 = arith.addi %mul3A_167, %add3A_224 : i32
    %sub3A_226 = arith.constant 625 : i32
    %sub3A_227 = arith.subi %add3A_225, %sub3A_226 : i32
    "tpu.region"() ({
      %run_scoped3A = tpu.sem_alloc : memref<!tpu.dma_semaphore, #tpu.memory_space<semaphore_mem>>
      %dma_start3A_501 = arith.constant 0 : i32
      %dma_start3A_502 = arith.constant 0 : i32
      %dma_start3A_503 = tpu.memref_slice %arg9[%dma_start3A_501, %dma_start3A_502] : memref<50x128xf32, #tpu.memory_space<vmem>> -> memref<50x16xf32, #tpu.memory_space<vmem>>
      %dma_start3A_504 = arith.constant 0 : i32
      %dma_start3A_505 = tpu.memref_slice %arg25[%sub3A_227, %dma_start3A_504] : memref<10000x16xf32, #tpu.memory_space<vmem_shared>> -> memref<50x16xf32, #tpu.memory_space<vmem_shared>>
      %dma_start3A_506 = arith.constant 0 : i32
      %dma_start3A_507 = tpu.memref_slice %arg25[%sub3A_227, %dma_start3A_506] : memref<10000x16xf32, #tpu.memory_space<vmem_shared>> -> memref<50x16xf32, #tpu.memory_space<vmem_shared>>
      %dma_start3A_508 = arith.constant 0 : i32
      %dma_start3A_509 = arith.constant 0 : i32
      %dma_start3A_510 = tpu.memref_slice %arg9[%dma_start3A_508, %dma_start3A_509] : memref<50x128xf32, #tpu.memory_space<vmem>> -> memref<50x16xf32, #tpu.memory_space<vmem>>
      tpu.enqueue_dma source(%dma_start3A_510 : memref<50x16xf32, #tpu.memory_space<vmem>>) target(%dma_start3A_507 : memref<50x16xf32, #tpu.memory_space<vmem_shared>>) target_semaphore(%run_scoped3A : memref<!tpu.dma_semaphore, #tpu.memory_space<semaphore_mem>>)
      %dma_wait3A_511 = arith.constant 0 : i32
      %dma_wait3A_512 = arith.constant 0 : i32
      %dma_wait3A_513 = tpu.memref_slice %arg9[%dma_wait3A_511, %dma_wait3A_512] : memref<50x128xf32, #tpu.memory_space<vmem>> -> memref<50x16xf32, #tpu.memory_space<vmem>>
      %dma_wait3A_514 = arith.constant 0 : i32
      %dma_wait3A_515 = tpu.memref_slice %arg25[%sub3A_227, %dma_wait3A_514] : memref<10000x16xf32, #tpu.memory_space<vmem_shared>> -> memref<50x16xf32, #tpu.memory_space<vmem_shared>>
      %dma_wait3A_516 = arith.constant 0 : i32
      %dma_wait3A_517 = tpu.memref_slice %arg25[%sub3A_227, %dma_wait3A_516] : memref<10000x16xf32, #tpu.memory_space<vmem_shared>> -> memref<50x16xf32, #tpu.memory_space<vmem_shared>>
      %dma_wait3A_518 = arith.constant 0 : i32
      %dma_wait3A_519 = arith.constant 0 : i32
      %dma_wait3A_520 = tpu.memref_slice %arg9[%dma_wait3A_518, %dma_wait3A_519] : memref<50x128xf32, #tpu.memory_space<vmem>> -> memref<50x16xf32, #tpu.memory_space<vmem>>
      tpu.wait_dma2 semaphore(%run_scoped3A : memref<!tpu.dma_semaphore, #tpu.memory_space<semaphore_mem>>) src(%dma_wait3A_520 : memref<50x16xf32, #tpu.memory_space<vmem>>) dst(%dma_wait3A_517 : memref<50x16xf32, #tpu.memory_space<vmem_shared>>)
      tpu.yield
    }) : () -> ()
    %add3A_228 = arith.constant 625 : i32
    %add3A_229 = arith.addi %mul3A_167, %add3A_228 : i32
    %sub3A_230 = arith.constant 575 : i32
    %sub3A_231 = arith.subi %add3A_229, %sub3A_230 : i32
    "tpu.region"() ({
      %run_scoped3A = tpu.sem_alloc : memref<!tpu.dma_semaphore, #tpu.memory_space<semaphore_mem>>
      %dma_start3A_501 = arith.constant 0 : i32
      %dma_start3A_502 = arith.constant 0 : i32
      %dma_start3A_503 = tpu.memref_slice %arg9[%dma_start3A_501, %dma_start3A_502] : memref<50x128xf32, #tpu.memory_space<vmem>> -> memref<50x16xf32, #tpu.memory_space<vmem>>
      %dma_start3A_504 = arith.constant 0 : i32
      %dma_start3A_505 = tpu.memref_slice %arg25[%sub3A_231, %dma_start3A_504] : memref<10000x16xf32, #tpu.memory_space<vmem_shared>> -> memref<50x16xf32, #tpu.memory_space<vmem_shared>>
      %dma_start3A_506 = arith.constant 0 : i32
      %dma_start3A_507 = tpu.memref_slice %arg25[%sub3A_231, %dma_start3A_506] : memref<10000x16xf32, #tpu.memory_space<vmem_shared>> -> memref<50x16xf32, #tpu.memory_space<vmem_shared>>
      %dma_start3A_508 = arith.constant 0 : i32
      %dma_start3A_509 = arith.constant 0 : i32
      %dma_start3A_510 = tpu.memref_slice %arg9[%dma_start3A_508, %dma_start3A_509] : memref<50x128xf32, #tpu.memory_space<vmem>> -> memref<50x16xf32, #tpu.memory_space<vmem>>
      tpu.enqueue_dma source(%dma_start3A_510 : memref<50x16xf32, #tpu.memory_space<vmem>>) target(%dma_start3A_507 : memref<50x16xf32, #tpu.memory_space<vmem_shared>>) target_semaphore(%run_scoped3A : memref<!tpu.dma_semaphore, #tpu.memory_space<semaphore_mem>>)
      %dma_wait3A_511 = arith.constant 0 : i32
      %dma_wait3A_512 = arith.constant 0 : i32
      %dma_wait3A_513 = tpu.memref_slice %arg9[%dma_wait3A_511, %dma_wait3A_512] : memref<50x128xf32, #tpu.memory_space<vmem>> -> memref<50x16xf32, #tpu.memory_space<vmem>>
      %dma_wait3A_514 = arith.constant 0 : i32
      %dma_wait3A_515 = tpu.memref_slice %arg25[%sub3A_231, %dma_wait3A_514] : memref<10000x16xf32, #tpu.memory_space<vmem_shared>> -> memref<50x16xf32, #tpu.memory_space<vmem_shared>>
      %dma_wait3A_516 = arith.constant 0 : i32
      %dma_wait3A_517 = tpu.memref_slice %arg25[%sub3A_231, %dma_wait3A_516] : memref<10000x16xf32, #tpu.memory_space<vmem_shared>> -> memref<50x16xf32, #tpu.memory_space<vmem_shared>>
      %dma_wait3A_518 = arith.constant 0 : i32
      %dma_wait3A_519 = arith.constant 0 : i32
      %dma_wait3A_520 = tpu.memref_slice %arg9[%dma_wait3A_518, %dma_wait3A_519] : memref<50x128xf32, #tpu.memory_space<vmem>> -> memref<50x16xf32, #tpu.memory_space<vmem>>
      tpu.wait_dma2 semaphore(%run_scoped3A : memref<!tpu.dma_semaphore, #tpu.memory_space<semaphore_mem>>) src(%dma_wait3A_520 : memref<50x16xf32, #tpu.memory_space<vmem>>) dst(%dma_wait3A_517 : memref<50x16xf32, #tpu.memory_space<vmem_shared>>)
      tpu.yield
    }) : () -> ()
    %add3A_232 = arith.constant 625 : i32
    %add3A_233 = arith.addi %mul3A_167, %add3A_232 : i32
    %sub3A_234 = arith.constant 525 : i32
    %sub3A_235 = arith.subi %add3A_233, %sub3A_234 : i32
    "tpu.region"() ({
      %run_scoped3A = tpu.sem_alloc : memref<!tpu.dma_semaphore, #tpu.memory_space<semaphore_mem>>
      %dma_start3A_501 = arith.constant 0 : i32
      %dma_start3A_502 = arith.constant 0 : i32
      %dma_start3A_503 = tpu.memref_slice %arg9[%dma_start3A_501, %dma_start3A_502] : memref<50x128xf32, #tpu.memory_space<vmem>> -> memref<50x16xf32, #tpu.memory_space<vmem>>
      %dma_start3A_504 = arith.constant 0 : i32
      %dma_start3A_505 = tpu.memref_slice %arg25[%sub3A_235, %dma_start3A_504] : memref<10000x16xf32, #tpu.memory_space<vmem_shared>> -> memref<50x16xf32, #tpu.memory_space<vmem_shared>>
      %dma_start3A_506 = arith.constant 0 : i32
      %dma_start3A_507 = tpu.memref_slice %arg25[%sub3A_235, %dma_start3A_506] : memref<10000x16xf32, #tpu.memory_space<vmem_shared>> -> memref<50x16xf32, #tpu.memory_space<vmem_shared>>
      %dma_start3A_508 = arith.constant 0 : i32
      %dma_start3A_509 = arith.constant 0 : i32
      %dma_start3A_510 = tpu.memref_slice %arg9[%dma_start3A_508, %dma_start3A_509] : memref<50x128xf32, #tpu.memory_space<vmem>> -> memref<50x16xf32, #tpu.memory_space<vmem>>
      tpu.enqueue_dma source(%dma_start3A_510 : memref<50x16xf32, #tpu.memory_space<vmem>>) target(%dma_start3A_507 : memref<50x16xf32, #tpu.memory_space<vmem_shared>>) target_semaphore(%run_scoped3A : memref<!tpu.dma_semaphore, #tpu.memory_space<semaphore_mem>>)
      %dma_wait3A_511 = arith.constant 0 : i32
      %dma_wait3A_512 = arith.constant 0 : i32
      %dma_wait3A_513 = tpu.memref_slice %arg9[%dma_wait3A_511, %dma_wait3A_512] : memref<50x128xf32, #tpu.memory_space<vmem>> -> memref<50x16xf32, #tpu.memory_space<vmem>>
      %dma_wait3A_514 = arith.constant 0 : i32
      %dma_wait3A_515 = tpu.memref_slice %arg25[%sub3A_235, %dma_wait3A_514] : memref<10000x16xf32, #tpu.memory_space<vmem_shared>> -> memref<50x16xf32, #tpu.memory_space<vmem_shared>>
      %dma_wait3A_516 = arith.constant 0 : i32
      %dma_wait3A_517 = tpu.memref_slice %arg25[%sub3A_235, %dma_wait3A_516] : memref<10000x16xf32, #tpu.memory_space<vmem_shared>> -> memref<50x16xf32, #tpu.memory_space<vmem_shared>>
      %dma_wait3A_518 = arith.constant 0 : i32
      %dma_wait3A_519 = arith.constant 0 : i32
      %dma_wait3A_520 = tpu.memref_slice %arg9[%dma_wait3A_518, %dma_wait3A_519] : memref<50x128xf32, #tpu.memory_space<vmem>> -> memref<50x16xf32, #tpu.memory_space<vmem>>
      tpu.wait_dma2 semaphore(%run_scoped3A : memref<!tpu.dma_semaphore, #tpu.memory_space<semaphore_mem>>) src(%dma_wait3A_520 : memref<50x16xf32, #tpu.memory_space<vmem>>) dst(%dma_wait3A_517 : memref<50x16xf32, #tpu.memory_space<vmem_shared>>)
      tpu.yield
    }) : () -> ()
    %add3A_236 = arith.constant 625 : i32
    %add3A_237 = arith.addi %mul3A_167, %add3A_236 : i32
    %sub3A_238 = arith.constant 475 : i32
    %sub3A_239 = arith.subi %add3A_237, %sub3A_238 : i32
    "tpu.region"() ({
      %run_scoped3A = tpu.sem_alloc : memref<!tpu.dma_semaphore, #tpu.memory_space<semaphore_mem>>
      %dma_start3A_501 = arith.constant 0 : i32
      %dma_start3A_502 = arith.constant 0 : i32
      %dma_start3A_503 = tpu.memref_slice %arg9[%dma_start3A_501, %dma_start3A_502] : memref<50x128xf32, #tpu.memory_space<vmem>> -> memref<50x16xf32, #tpu.memory_space<vmem>>
      %dma_start3A_504 = arith.constant 0 : i32
      %dma_start3A_505 = tpu.memref_slice %arg25[%sub3A_239, %dma_start3A_504] : memref<10000x16xf32, #tpu.memory_space<vmem_shared>> -> memref<50x16xf32, #tpu.memory_space<vmem_shared>>
      %dma_start3A_506 = arith.constant 0 : i32
      %dma_start3A_507 = tpu.memref_slice %arg25[%sub3A_239, %dma_start3A_506] : memref<10000x16xf32, #tpu.memory_space<vmem_shared>> -> memref<50x16xf32, #tpu.memory_space<vmem_shared>>
      %dma_start3A_508 = arith.constant 0 : i32
      %dma_start3A_509 = arith.constant 0 : i32
      %dma_start3A_510 = tpu.memref_slice %arg9[%dma_start3A_508, %dma_start3A_509] : memref<50x128xf32, #tpu.memory_space<vmem>> -> memref<50x16xf32, #tpu.memory_space<vmem>>
      tpu.enqueue_dma source(%dma_start3A_510 : memref<50x16xf32, #tpu.memory_space<vmem>>) target(%dma_start3A_507 : memref<50x16xf32, #tpu.memory_space<vmem_shared>>) target_semaphore(%run_scoped3A : memref<!tpu.dma_semaphore, #tpu.memory_space<semaphore_mem>>)
      %dma_wait3A_511 = arith.constant 0 : i32
      %dma_wait3A_512 = arith.constant 0 : i32
      %dma_wait3A_513 = tpu.memref_slice %arg9[%dma_wait3A_511, %dma_wait3A_512] : memref<50x128xf32, #tpu.memory_space<vmem>> -> memref<50x16xf32, #tpu.memory_space<vmem>>
      %dma_wait3A_514 = arith.constant 0 : i32
      %dma_wait3A_515 = tpu.memref_slice %arg25[%sub3A_239, %dma_wait3A_514] : memref<10000x16xf32, #tpu.memory_space<vmem_shared>> -> memref<50x16xf32, #tpu.memory_space<vmem_shared>>
      %dma_wait3A_516 = arith.constant 0 : i32
      %dma_wait3A_517 = tpu.memref_slice %arg25[%sub3A_239, %dma_wait3A_516] : memref<10000x16xf32, #tpu.memory_space<vmem_shared>> -> memref<50x16xf32, #tpu.memory_space<vmem_shared>>
      %dma_wait3A_518 = arith.constant 0 : i32
      %dma_wait3A_519 = arith.constant 0 : i32
      %dma_wait3A_520 = tpu.memref_slice %arg9[%dma_wait3A_518, %dma_wait3A_519] : memref<50x128xf32, #tpu.memory_space<vmem>> -> memref<50x16xf32, #tpu.memory_space<vmem>>
      tpu.wait_dma2 semaphore(%run_scoped3A : memref<!tpu.dma_semaphore, #tpu.memory_space<semaphore_mem>>) src(%dma_wait3A_520 : memref<50x16xf32, #tpu.memory_space<vmem>>) dst(%dma_wait3A_517 : memref<50x16xf32, #tpu.memory_space<vmem_shared>>)
      tpu.yield
    }) : () -> ()
    %add3A_240 = arith.constant 625 : i32
    %add3A_241 = arith.addi %mul3A_167, %add3A_240 : i32
    %sub3A_242 = arith.constant 425 : i32
    %sub3A_243 = arith.subi %add3A_241, %sub3A_242 : i32
    "tpu.region"() ({
      %run_scoped3A = tpu.sem_alloc : memref<!tpu.dma_semaphore, #tpu.memory_space<semaphore_mem>>
      %dma_start3A_501 = arith.constant 0 : i32
      %dma_start3A_502 = arith.constant 0 : i32
      %dma_start3A_503 = tpu.memref_slice %arg9[%dma_start3A_501, %dma_start3A_502] : memref<50x128xf32, #tpu.memory_space<vmem>> -> memref<50x16xf32, #tpu.memory_space<vmem>>
      %dma_start3A_504 = arith.constant 0 : i32
      %dma_start3A_505 = tpu.memref_slice %arg25[%sub3A_243, %dma_start3A_504] : memref<10000x16xf32, #tpu.memory_space<vmem_shared>> -> memref<50x16xf32, #tpu.memory_space<vmem_shared>>
      %dma_start3A_506 = arith.constant 0 : i32
      %dma_start3A_507 = tpu.memref_slice %arg25[%sub3A_243, %dma_start3A_506] : memref<10000x16xf32, #tpu.memory_space<vmem_shared>> -> memref<50x16xf32, #tpu.memory_space<vmem_shared>>
      %dma_start3A_508 = arith.constant 0 : i32
      %dma_start3A_509 = arith.constant 0 : i32
      %dma_start3A_510 = tpu.memref_slice %arg9[%dma_start3A_508, %dma_start3A_509] : memref<50x128xf32, #tpu.memory_space<vmem>> -> memref<50x16xf32, #tpu.memory_space<vmem>>
      tpu.enqueue_dma source(%dma_start3A_510 : memref<50x16xf32, #tpu.memory_space<vmem>>) target(%dma_start3A_507 : memref<50x16xf32, #tpu.memory_space<vmem_shared>>) target_semaphore(%run_scoped3A : memref<!tpu.dma_semaphore, #tpu.memory_space<semaphore_mem>>)
      %dma_wait3A_511 = arith.constant 0 : i32
      %dma_wait3A_512 = arith.constant 0 : i32
      %dma_wait3A_513 = tpu.memref_slice %arg9[%dma_wait3A_511, %dma_wait3A_512] : memref<50x128xf32, #tpu.memory_space<vmem>> -> memref<50x16xf32, #tpu.memory_space<vmem>>
      %dma_wait3A_514 = arith.constant 0 : i32
      %dma_wait3A_515 = tpu.memref_slice %arg25[%sub3A_243, %dma_wait3A_514] : memref<10000x16xf32, #tpu.memory_space<vmem_shared>> -> memref<50x16xf32, #tpu.memory_space<vmem_shared>>
      %dma_wait3A_516 = arith.constant 0 : i32
      %dma_wait3A_517 = tpu.memref_slice %arg25[%sub3A_243, %dma_wait3A_516] : memref<10000x16xf32, #tpu.memory_space<vmem_shared>> -> memref<50x16xf32, #tpu.memory_space<vmem_shared>>
      %dma_wait3A_518 = arith.constant 0 : i32
      %dma_wait3A_519 = arith.constant 0 : i32
      %dma_wait3A_520 = tpu.memref_slice %arg9[%dma_wait3A_518, %dma_wait3A_519] : memref<50x128xf32, #tpu.memory_space<vmem>> -> memref<50x16xf32, #tpu.memory_space<vmem>>
      tpu.wait_dma2 semaphore(%run_scoped3A : memref<!tpu.dma_semaphore, #tpu.memory_space<semaphore_mem>>) src(%dma_wait3A_520 : memref<50x16xf32, #tpu.memory_space<vmem>>) dst(%dma_wait3A_517 : memref<50x16xf32, #tpu.memory_space<vmem_shared>>)
      tpu.yield
    }) : () -> ()
    %add3A_244 = arith.constant 625 : i32
    %add3A_245 = arith.addi %mul3A_167, %add3A_244 : i32
    %sub3A_246 = arith.constant 375 : i32
    %sub3A_247 = arith.subi %add3A_245, %sub3A_246 : i32
    "tpu.region"() ({
      %run_scoped3A = tpu.sem_alloc : memref<!tpu.dma_semaphore, #tpu.memory_space<semaphore_mem>>
      %dma_start3A_501 = arith.constant 0 : i32
      %dma_start3A_502 = arith.constant 0 : i32
      %dma_start3A_503 = tpu.memref_slice %arg9[%dma_start3A_501, %dma_start3A_502] : memref<50x128xf32, #tpu.memory_space<vmem>> -> memref<50x16xf32, #tpu.memory_space<vmem>>
      %dma_start3A_504 = arith.constant 0 : i32
      %dma_start3A_505 = tpu.memref_slice %arg25[%sub3A_247, %dma_start3A_504] : memref<10000x16xf32, #tpu.memory_space<vmem_shared>> -> memref<50x16xf32, #tpu.memory_space<vmem_shared>>
      %dma_start3A_506 = arith.constant 0 : i32
      %dma_start3A_507 = tpu.memref_slice %arg25[%sub3A_247, %dma_start3A_506] : memref<10000x16xf32, #tpu.memory_space<vmem_shared>> -> memref<50x16xf32, #tpu.memory_space<vmem_shared>>
      %dma_start3A_508 = arith.constant 0 : i32
      %dma_start3A_509 = arith.constant 0 : i32
      %dma_start3A_510 = tpu.memref_slice %arg9[%dma_start3A_508, %dma_start3A_509] : memref<50x128xf32, #tpu.memory_space<vmem>> -> memref<50x16xf32, #tpu.memory_space<vmem>>
      tpu.enqueue_dma source(%dma_start3A_510 : memref<50x16xf32, #tpu.memory_space<vmem>>) target(%dma_start3A_507 : memref<50x16xf32, #tpu.memory_space<vmem_shared>>) target_semaphore(%run_scoped3A : memref<!tpu.dma_semaphore, #tpu.memory_space<semaphore_mem>>)
      %dma_wait3A_511 = arith.constant 0 : i32
      %dma_wait3A_512 = arith.constant 0 : i32
      %dma_wait3A_513 = tpu.memref_slice %arg9[%dma_wait3A_511, %dma_wait3A_512] : memref<50x128xf32, #tpu.memory_space<vmem>> -> memref<50x16xf32, #tpu.memory_space<vmem>>
      %dma_wait3A_514 = arith.constant 0 : i32
      %dma_wait3A_515 = tpu.memref_slice %arg25[%sub3A_247, %dma_wait3A_514] : memref<10000x16xf32, #tpu.memory_space<vmem_shared>> -> memref<50x16xf32, #tpu.memory_space<vmem_shared>>
      %dma_wait3A_516 = arith.constant 0 : i32
      %dma_wait3A_517 = tpu.memref_slice %arg25[%sub3A_247, %dma_wait3A_516] : memref<10000x16xf32, #tpu.memory_space<vmem_shared>> -> memref<50x16xf32, #tpu.memory_space<vmem_shared>>
      %dma_wait3A_518 = arith.constant 0 : i32
      %dma_wait3A_519 = arith.constant 0 : i32
      %dma_wait3A_520 = tpu.memref_slice %arg9[%dma_wait3A_518, %dma_wait3A_519] : memref<50x128xf32, #tpu.memory_space<vmem>> -> memref<50x16xf32, #tpu.memory_space<vmem>>
      tpu.wait_dma2 semaphore(%run_scoped3A : memref<!tpu.dma_semaphore, #tpu.memory_space<semaphore_mem>>) src(%dma_wait3A_520 : memref<50x16xf32, #tpu.memory_space<vmem>>) dst(%dma_wait3A_517 : memref<50x16xf32, #tpu.memory_space<vmem_shared>>)
      tpu.yield
    }) : () -> ()
    %add3A_248 = arith.constant 625 : i32
    %add3A_249 = arith.addi %mul3A_167, %add3A_248 : i32
    %sub3A_250 = arith.constant 325 : i32
    %sub3A_251 = arith.subi %add3A_249, %sub3A_250 : i32
    "tpu.region"() ({
      %run_scoped3A = tpu.sem_alloc : memref<!tpu.dma_semaphore, #tpu.memory_space<semaphore_mem>>
      %dma_start3A_501 = arith.constant 0 : i32
      %dma_start3A_502 = arith.constant 0 : i32
      %dma_start3A_503 = tpu.memref_slice %arg9[%dma_start3A_501, %dma_start3A_502] : memref<50x128xf32, #tpu.memory_space<vmem>> -> memref<50x16xf32, #tpu.memory_space<vmem>>
      %dma_start3A_504 = arith.constant 0 : i32
      %dma_start3A_505 = tpu.memref_slice %arg25[%sub3A_251, %dma_start3A_504] : memref<10000x16xf32, #tpu.memory_space<vmem_shared>> -> memref<50x16xf32, #tpu.memory_space<vmem_shared>>
      %dma_start3A_506 = arith.constant 0 : i32
      %dma_start3A_507 = tpu.memref_slice %arg25[%sub3A_251, %dma_start3A_506] : memref<10000x16xf32, #tpu.memory_space<vmem_shared>> -> memref<50x16xf32, #tpu.memory_space<vmem_shared>>
      %dma_start3A_508 = arith.constant 0 : i32
      %dma_start3A_509 = arith.constant 0 : i32
      %dma_start3A_510 = tpu.memref_slice %arg9[%dma_start3A_508, %dma_start3A_509] : memref<50x128xf32, #tpu.memory_space<vmem>> -> memref<50x16xf32, #tpu.memory_space<vmem>>
      tpu.enqueue_dma source(%dma_start3A_510 : memref<50x16xf32, #tpu.memory_space<vmem>>) target(%dma_start3A_507 : memref<50x16xf32, #tpu.memory_space<vmem_shared>>) target_semaphore(%run_scoped3A : memref<!tpu.dma_semaphore, #tpu.memory_space<semaphore_mem>>)
      %dma_wait3A_511 = arith.constant 0 : i32
      %dma_wait3A_512 = arith.constant 0 : i32
      %dma_wait3A_513 = tpu.memref_slice %arg9[%dma_wait3A_511, %dma_wait3A_512] : memref<50x128xf32, #tpu.memory_space<vmem>> -> memref<50x16xf32, #tpu.memory_space<vmem>>
      %dma_wait3A_514 = arith.constant 0 : i32
      %dma_wait3A_515 = tpu.memref_slice %arg25[%sub3A_251, %dma_wait3A_514] : memref<10000x16xf32, #tpu.memory_space<vmem_shared>> -> memref<50x16xf32, #tpu.memory_space<vmem_shared>>
      %dma_wait3A_516 = arith.constant 0 : i32
      %dma_wait3A_517 = tpu.memref_slice %arg25[%sub3A_251, %dma_wait3A_516] : memref<10000x16xf32, #tpu.memory_space<vmem_shared>> -> memref<50x16xf32, #tpu.memory_space<vmem_shared>>
      %dma_wait3A_518 = arith.constant 0 : i32
      %dma_wait3A_519 = arith.constant 0 : i32
      %dma_wait3A_520 = tpu.memref_slice %arg9[%dma_wait3A_518, %dma_wait3A_519] : memref<50x128xf32, #tpu.memory_space<vmem>> -> memref<50x16xf32, #tpu.memory_space<vmem>>
      tpu.wait_dma2 semaphore(%run_scoped3A : memref<!tpu.dma_semaphore, #tpu.memory_space<semaphore_mem>>) src(%dma_wait3A_520 : memref<50x16xf32, #tpu.memory_space<vmem>>) dst(%dma_wait3A_517 : memref<50x16xf32, #tpu.memory_space<vmem_shared>>)
      tpu.yield
    }) : () -> ()
    %add3A_252 = arith.constant 625 : i32
    %add3A_253 = arith.addi %mul3A_167, %add3A_252 : i32
    %sub3A_254 = arith.constant 275 : i32
    %sub3A_255 = arith.subi %add3A_253, %sub3A_254 : i32
    "tpu.region"() ({
      %run_scoped3A = tpu.sem_alloc : memref<!tpu.dma_semaphore, #tpu.memory_space<semaphore_mem>>
      %dma_start3A_501 = arith.constant 0 : i32
      %dma_start3A_502 = arith.constant 0 : i32
      %dma_start3A_503 = tpu.memref_slice %arg9[%dma_start3A_501, %dma_start3A_502] : memref<50x128xf32, #tpu.memory_space<vmem>> -> memref<50x16xf32, #tpu.memory_space<vmem>>
      %dma_start3A_504 = arith.constant 0 : i32
      %dma_start3A_505 = tpu.memref_slice %arg25[%sub3A_255, %dma_start3A_504] : memref<10000x16xf32, #tpu.memory_space<vmem_shared>> -> memref<50x16xf32, #tpu.memory_space<vmem_shared>>
      %dma_start3A_506 = arith.constant 0 : i32
      %dma_start3A_507 = tpu.memref_slice %arg25[%sub3A_255, %dma_start3A_506] : memref<10000x16xf32, #tpu.memory_space<vmem_shared>> -> memref<50x16xf32, #tpu.memory_space<vmem_shared>>
      %dma_start3A_508 = arith.constant 0 : i32
      %dma_start3A_509 = arith.constant 0 : i32
      %dma_start3A_510 = tpu.memref_slice %arg9[%dma_start3A_508, %dma_start3A_509] : memref<50x128xf32, #tpu.memory_space<vmem>> -> memref<50x16xf32, #tpu.memory_space<vmem>>
      tpu.enqueue_dma source(%dma_start3A_510 : memref<50x16xf32, #tpu.memory_space<vmem>>) target(%dma_start3A_507 : memref<50x16xf32, #tpu.memory_space<vmem_shared>>) target_semaphore(%run_scoped3A : memref<!tpu.dma_semaphore, #tpu.memory_space<semaphore_mem>>)
      %dma_wait3A_511 = arith.constant 0 : i32
      %dma_wait3A_512 = arith.constant 0 : i32
      %dma_wait3A_513 = tpu.memref_slice %arg9[%dma_wait3A_511, %dma_wait3A_512] : memref<50x128xf32, #tpu.memory_space<vmem>> -> memref<50x16xf32, #tpu.memory_space<vmem>>
      %dma_wait3A_514 = arith.constant 0 : i32
      %dma_wait3A_515 = tpu.memref_slice %arg25[%sub3A_255, %dma_wait3A_514] : memref<10000x16xf32, #tpu.memory_space<vmem_shared>> -> memref<50x16xf32, #tpu.memory_space<vmem_shared>>
      %dma_wait3A_516 = arith.constant 0 : i32
      %dma_wait3A_517 = tpu.memref_slice %arg25[%sub3A_255, %dma_wait3A_516] : memref<10000x16xf32, #tpu.memory_space<vmem_shared>> -> memref<50x16xf32, #tpu.memory_space<vmem_shared>>
      %dma_wait3A_518 = arith.constant 0 : i32
      %dma_wait3A_519 = arith.constant 0 : i32
      %dma_wait3A_520 = tpu.memref_slice %arg9[%dma_wait3A_518, %dma_wait3A_519] : memref<50x128xf32, #tpu.memory_space<vmem>> -> memref<50x16xf32, #tpu.memory_space<vmem>>
      tpu.wait_dma2 semaphore(%run_scoped3A : memref<!tpu.dma_semaphore, #tpu.memory_space<semaphore_mem>>) src(%dma_wait3A_520 : memref<50x16xf32, #tpu.memory_space<vmem>>) dst(%dma_wait3A_517 : memref<50x16xf32, #tpu.memory_space<vmem_shared>>)
      tpu.yield
    }) : () -> ()
    %add3A_256 = arith.constant 625 : i32
    %add3A_257 = arith.addi %mul3A_167, %add3A_256 : i32
    %sub3A_258 = arith.constant 225 : i32
    %sub3A_259 = arith.subi %add3A_257, %sub3A_258 : i32
    "tpu.region"() ({
      %run_scoped3A = tpu.sem_alloc : memref<!tpu.dma_semaphore, #tpu.memory_space<semaphore_mem>>
      %dma_start3A_501 = arith.constant 0 : i32
      %dma_start3A_502 = arith.constant 0 : i32
      %dma_start3A_503 = tpu.memref_slice %arg9[%dma_start3A_501, %dma_start3A_502] : memref<50x128xf32, #tpu.memory_space<vmem>> -> memref<50x16xf32, #tpu.memory_space<vmem>>
      %dma_start3A_504 = arith.constant 0 : i32
      %dma_start3A_505 = tpu.memref_slice %arg25[%sub3A_259, %dma_start3A_504] : memref<10000x16xf32, #tpu.memory_space<vmem_shared>> -> memref<50x16xf32, #tpu.memory_space<vmem_shared>>
      %dma_start3A_506 = arith.constant 0 : i32
      %dma_start3A_507 = tpu.memref_slice %arg25[%sub3A_259, %dma_start3A_506] : memref<10000x16xf32, #tpu.memory_space<vmem_shared>> -> memref<50x16xf32, #tpu.memory_space<vmem_shared>>
      %dma_start3A_508 = arith.constant 0 : i32
      %dma_start3A_509 = arith.constant 0 : i32
      %dma_start3A_510 = tpu.memref_slice %arg9[%dma_start3A_508, %dma_start3A_509] : memref<50x128xf32, #tpu.memory_space<vmem>> -> memref<50x16xf32, #tpu.memory_space<vmem>>
      tpu.enqueue_dma source(%dma_start3A_510 : memref<50x16xf32, #tpu.memory_space<vmem>>) target(%dma_start3A_507 : memref<50x16xf32, #tpu.memory_space<vmem_shared>>) target_semaphore(%run_scoped3A : memref<!tpu.dma_semaphore, #tpu.memory_space<semaphore_mem>>)
      %dma_wait3A_511 = arith.constant 0 : i32
      %dma_wait3A_512 = arith.constant 0 : i32
      %dma_wait3A_513 = tpu.memref_slice %arg9[%dma_wait3A_511, %dma_wait3A_512] : memref<50x128xf32, #tpu.memory_space<vmem>> -> memref<50x16xf32, #tpu.memory_space<vmem>>
      %dma_wait3A_514 = arith.constant 0 : i32
      %dma_wait3A_515 = tpu.memref_slice %arg25[%sub3A_259, %dma_wait3A_514] : memref<10000x16xf32, #tpu.memory_space<vmem_shared>> -> memref<50x16xf32, #tpu.memory_space<vmem_shared>>
      %dma_wait3A_516 = arith.constant 0 : i32
      %dma_wait3A_517 = tpu.memref_slice %arg25[%sub3A_259, %dma_wait3A_516] : memref<10000x16xf32, #tpu.memory_space<vmem_shared>> -> memref<50x16xf32, #tpu.memory_space<vmem_shared>>
      %dma_wait3A_518 = arith.constant 0 : i32
      %dma_wait3A_519 = arith.constant 0 : i32
      %dma_wait3A_520 = tpu.memref_slice %arg9[%dma_wait3A_518, %dma_wait3A_519] : memref<50x128xf32, #tpu.memory_space<vmem>> -> memref<50x16xf32, #tpu.memory_space<vmem>>
      tpu.wait_dma2 semaphore(%run_scoped3A : memref<!tpu.dma_semaphore, #tpu.memory_space<semaphore_mem>>) src(%dma_wait3A_520 : memref<50x16xf32, #tpu.memory_space<vmem>>) dst(%dma_wait3A_517 : memref<50x16xf32, #tpu.memory_space<vmem_shared>>)
      tpu.yield
    }) : () -> ()
    %add3A_260 = arith.constant 625 : i32
    %add3A_261 = arith.addi %mul3A_167, %add3A_260 : i32
    %sub3A_262 = arith.constant 175 : i32
    %sub3A_263 = arith.subi %add3A_261, %sub3A_262 : i32
    "tpu.region"() ({
      %run_scoped3A = tpu.sem_alloc : memref<!tpu.dma_semaphore, #tpu.memory_space<semaphore_mem>>
      %dma_start3A_501 = arith.constant 0 : i32
      %dma_start3A_502 = arith.constant 0 : i32
      %dma_start3A_503 = tpu.memref_slice %arg9[%dma_start3A_501, %dma_start3A_502] : memref<50x128xf32, #tpu.memory_space<vmem>> -> memref<50x16xf32, #tpu.memory_space<vmem>>
      %dma_start3A_504 = arith.constant 0 : i32
      %dma_start3A_505 = tpu.memref_slice %arg25[%sub3A_263, %dma_start3A_504] : memref<10000x16xf32, #tpu.memory_space<vmem_shared>> -> memref<50x16xf32, #tpu.memory_space<vmem_shared>>
      %dma_start3A_506 = arith.constant 0 : i32
      %dma_start3A_507 = tpu.memref_slice %arg25[%sub3A_263, %dma_start3A_506] : memref<10000x16xf32, #tpu.memory_space<vmem_shared>> -> memref<50x16xf32, #tpu.memory_space<vmem_shared>>
      %dma_start3A_508 = arith.constant 0 : i32
      %dma_start3A_509 = arith.constant 0 : i32
      %dma_start3A_510 = tpu.memref_slice %arg9[%dma_start3A_508, %dma_start3A_509] : memref<50x128xf32, #tpu.memory_space<vmem>> -> memref<50x16xf32, #tpu.memory_space<vmem>>
      tpu.enqueue_dma source(%dma_start3A_510 : memref<50x16xf32, #tpu.memory_space<vmem>>) target(%dma_start3A_507 : memref<50x16xf32, #tpu.memory_space<vmem_shared>>) target_semaphore(%run_scoped3A : memref<!tpu.dma_semaphore, #tpu.memory_space<semaphore_mem>>)
      %dma_wait3A_511 = arith.constant 0 : i32
      %dma_wait3A_512 = arith.constant 0 : i32
      %dma_wait3A_513 = tpu.memref_slice %arg9[%dma_wait3A_511, %dma_wait3A_512] : memref<50x128xf32, #tpu.memory_space<vmem>> -> memref<50x16xf32, #tpu.memory_space<vmem>>
      %dma_wait3A_514 = arith.constant 0 : i32
      %dma_wait3A_515 = tpu.memref_slice %arg25[%sub3A_263, %dma_wait3A_514] : memref<10000x16xf32, #tpu.memory_space<vmem_shared>> -> memref<50x16xf32, #tpu.memory_space<vmem_shared>>
      %dma_wait3A_516 = arith.constant 0 : i32
      %dma_wait3A_517 = tpu.memref_slice %arg25[%sub3A_263, %dma_wait3A_516] : memref<10000x16xf32, #tpu.memory_space<vmem_shared>> -> memref<50x16xf32, #tpu.memory_space<vmem_shared>>
      %dma_wait3A_518 = arith.constant 0 : i32
      %dma_wait3A_519 = arith.constant 0 : i32
      %dma_wait3A_520 = tpu.memref_slice %arg9[%dma_wait3A_518, %dma_wait3A_519] : memref<50x128xf32, #tpu.memory_space<vmem>> -> memref<50x16xf32, #tpu.memory_space<vmem>>
      tpu.wait_dma2 semaphore(%run_scoped3A : memref<!tpu.dma_semaphore, #tpu.memory_space<semaphore_mem>>) src(%dma_wait3A_520 : memref<50x16xf32, #tpu.memory_space<vmem>>) dst(%dma_wait3A_517 : memref<50x16xf32, #tpu.memory_space<vmem_shared>>)
      tpu.yield
    }) : () -> ()
    %add3A_264 = arith.constant 625 : i32
    %add3A_265 = arith.addi %mul3A_167, %add3A_264 : i32
    %sub3A_266 = arith.constant 125 : i32
    %sub3A_267 = arith.subi %add3A_265, %sub3A_266 : i32
    "tpu.region"() ({
      %run_scoped3A = tpu.sem_alloc : memref<!tpu.dma_semaphore, #tpu.memory_space<semaphore_mem>>
      %dma_start3A_501 = arith.constant 0 : i32
      %dma_start3A_502 = arith.constant 0 : i32
      %dma_start3A_503 = tpu.memref_slice %arg9[%dma_start3A_501, %dma_start3A_502] : memref<50x128xf32, #tpu.memory_space<vmem>> -> memref<50x16xf32, #tpu.memory_space<vmem>>
      %dma_start3A_504 = arith.constant 0 : i32
      %dma_start3A_505 = tpu.memref_slice %arg25[%sub3A_267, %dma_start3A_504] : memref<10000x16xf32, #tpu.memory_space<vmem_shared>> -> memref<50x16xf32, #tpu.memory_space<vmem_shared>>
      %dma_start3A_506 = arith.constant 0 : i32
      %dma_start3A_507 = tpu.memref_slice %arg25[%sub3A_267, %dma_start3A_506] : memref<10000x16xf32, #tpu.memory_space<vmem_shared>> -> memref<50x16xf32, #tpu.memory_space<vmem_shared>>
      %dma_start3A_508 = arith.constant 0 : i32
      %dma_start3A_509 = arith.constant 0 : i32
      %dma_start3A_510 = tpu.memref_slice %arg9[%dma_start3A_508, %dma_start3A_509] : memref<50x128xf32, #tpu.memory_space<vmem>> -> memref<50x16xf32, #tpu.memory_space<vmem>>
      tpu.enqueue_dma source(%dma_start3A_510 : memref<50x16xf32, #tpu.memory_space<vmem>>) target(%dma_start3A_507 : memref<50x16xf32, #tpu.memory_space<vmem_shared>>) target_semaphore(%run_scoped3A : memref<!tpu.dma_semaphore, #tpu.memory_space<semaphore_mem>>)
      %dma_wait3A_511 = arith.constant 0 : i32
      %dma_wait3A_512 = arith.constant 0 : i32
      %dma_wait3A_513 = tpu.memref_slice %arg9[%dma_wait3A_511, %dma_wait3A_512] : memref<50x128xf32, #tpu.memory_space<vmem>> -> memref<50x16xf32, #tpu.memory_space<vmem>>
      %dma_wait3A_514 = arith.constant 0 : i32
      %dma_wait3A_515 = tpu.memref_slice %arg25[%sub3A_267, %dma_wait3A_514] : memref<10000x16xf32, #tpu.memory_space<vmem_shared>> -> memref<50x16xf32, #tpu.memory_space<vmem_shared>>
      %dma_wait3A_516 = arith.constant 0 : i32
      %dma_wait3A_517 = tpu.memref_slice %arg25[%sub3A_267, %dma_wait3A_516] : memref<10000x16xf32, #tpu.memory_space<vmem_shared>> -> memref<50x16xf32, #tpu.memory_space<vmem_shared>>
      %dma_wait3A_518 = arith.constant 0 : i32
      %dma_wait3A_519 = arith.constant 0 : i32
      %dma_wait3A_520 = tpu.memref_slice %arg9[%dma_wait3A_518, %dma_wait3A_519] : memref<50x128xf32, #tpu.memory_space<vmem>> -> memref<50x16xf32, #tpu.memory_space<vmem>>
      tpu.wait_dma2 semaphore(%run_scoped3A : memref<!tpu.dma_semaphore, #tpu.memory_space<semaphore_mem>>) src(%dma_wait3A_520 : memref<50x16xf32, #tpu.memory_space<vmem>>) dst(%dma_wait3A_517 : memref<50x16xf32, #tpu.memory_space<vmem_shared>>)
      tpu.yield
    }) : () -> ()
    %add3A_268 = arith.constant 625 : i32
    %add3A_269 = arith.addi %mul3A_167, %add3A_268 : i32
    %sub3A_270 = arith.constant 75 : i32
    %sub3A_271 = arith.subi %add3A_269, %sub3A_270 : i32
    "tpu.region"() ({
      %run_scoped3A = tpu.sem_alloc : memref<!tpu.dma_semaphore, #tpu.memory_space<semaphore_mem>>
      %dma_start3A_501 = arith.constant 0 : i32
      %dma_start3A_502 = arith.constant 0 : i32
      %dma_start3A_503 = tpu.memref_slice %arg9[%dma_start3A_501, %dma_start3A_502] : memref<50x128xf32, #tpu.memory_space<vmem>> -> memref<50x16xf32, #tpu.memory_space<vmem>>
      %dma_start3A_504 = arith.constant 0 : i32
      %dma_start3A_505 = tpu.memref_slice %arg25[%sub3A_271, %dma_start3A_504] : memref<10000x16xf32, #tpu.memory_space<vmem_shared>> -> memref<50x16xf32, #tpu.memory_space<vmem_shared>>
      %dma_start3A_506 = arith.constant 0 : i32
      %dma_start3A_507 = tpu.memref_slice %arg25[%sub3A_271, %dma_start3A_506] : memref<10000x16xf32, #tpu.memory_space<vmem_shared>> -> memref<50x16xf32, #tpu.memory_space<vmem_shared>>
      %dma_start3A_508 = arith.constant 0 : i32
      %dma_start3A_509 = arith.constant 0 : i32
      %dma_start3A_510 = tpu.memref_slice %arg9[%dma_start3A_508, %dma_start3A_509] : memref<50x128xf32, #tpu.memory_space<vmem>> -> memref<50x16xf32, #tpu.memory_space<vmem>>
      tpu.enqueue_dma source(%dma_start3A_510 : memref<50x16xf32, #tpu.memory_space<vmem>>) target(%dma_start3A_507 : memref<50x16xf32, #tpu.memory_space<vmem_shared>>) target_semaphore(%run_scoped3A : memref<!tpu.dma_semaphore, #tpu.memory_space<semaphore_mem>>)
      %dma_wait3A_511 = arith.constant 0 : i32
      %dma_wait3A_512 = arith.constant 0 : i32
      %dma_wait3A_513 = tpu.memref_slice %arg9[%dma_wait3A_511, %dma_wait3A_512] : memref<50x128xf32, #tpu.memory_space<vmem>> -> memref<50x16xf32, #tpu.memory_space<vmem>>
      %dma_wait3A_514 = arith.constant 0 : i32
      %dma_wait3A_515 = tpu.memref_slice %arg25[%sub3A_271, %dma_wait3A_514] : memref<10000x16xf32, #tpu.memory_space<vmem_shared>> -> memref<50x16xf32, #tpu.memory_space<vmem_shared>>
      %dma_wait3A_516 = arith.constant 0 : i32
      %dma_wait3A_517 = tpu.memref_slice %arg25[%sub3A_271, %dma_wait3A_516] : memref<10000x16xf32, #tpu.memory_space<vmem_shared>> -> memref<50x16xf32, #tpu.memory_space<vmem_shared>>
      %dma_wait3A_518 = arith.constant 0 : i32
      %dma_wait3A_519 = arith.constant 0 : i32
      %dma_wait3A_520 = tpu.memref_slice %arg9[%dma_wait3A_518, %dma_wait3A_519] : memref<50x128xf32, #tpu.memory_space<vmem>> -> memref<50x16xf32, #tpu.memory_space<vmem>>
      tpu.wait_dma2 semaphore(%run_scoped3A : memref<!tpu.dma_semaphore, #tpu.memory_space<semaphore_mem>>) src(%dma_wait3A_520 : memref<50x16xf32, #tpu.memory_space<vmem>>) dst(%dma_wait3A_517 : memref<50x16xf32, #tpu.memory_space<vmem_shared>>)
      tpu.yield
    }) : () -> ()
    %add3A_272 = arith.constant 625 : i32
    %add3A_273 = arith.addi %mul3A_167, %add3A_272 : i32
    %sub3A_274 = arith.constant 25 : i32
    %sub3A_275 = arith.subi %add3A_273, %sub3A_274 : i32
    "tpu.region"() ({
      %run_scoped3A = tpu.sem_alloc : memref<!tpu.dma_semaphore, #tpu.memory_space<semaphore_mem>>
      %dma_start3A_501 = arith.constant 0 : i32
      %dma_start3A_502 = arith.constant 0 : i32
      %dma_start3A_503 = tpu.memref_slice %arg9[%dma_start3A_501, %dma_start3A_502] : memref<50x128xf32, #tpu.memory_space<vmem>> -> memref<25x16xf32, #tpu.memory_space<vmem>>
      %dma_start3A_504 = arith.constant 0 : i32
      %dma_start3A_505 = tpu.memref_slice %arg25[%sub3A_275, %dma_start3A_504] : memref<10000x16xf32, #tpu.memory_space<vmem_shared>> -> memref<25x16xf32, #tpu.memory_space<vmem_shared>>
      %dma_start3A_506 = arith.constant 0 : i32
      %dma_start3A_507 = tpu.memref_slice %arg25[%sub3A_275, %dma_start3A_506] : memref<10000x16xf32, #tpu.memory_space<vmem_shared>> -> memref<25x16xf32, #tpu.memory_space<vmem_shared>>
      %dma_start3A_508 = arith.constant 0 : i32
      %dma_start3A_509 = arith.constant 0 : i32
      %dma_start3A_510 = tpu.memref_slice %arg9[%dma_start3A_508, %dma_start3A_509] : memref<50x128xf32, #tpu.memory_space<vmem>> -> memref<25x16xf32, #tpu.memory_space<vmem>>
      tpu.enqueue_dma source(%dma_start3A_510 : memref<25x16xf32, #tpu.memory_space<vmem>>) target(%dma_start3A_507 : memref<25x16xf32, #tpu.memory_space<vmem_shared>>) target_semaphore(%run_scoped3A : memref<!tpu.dma_semaphore, #tpu.memory_space<semaphore_mem>>)
      %dma_wait3A_511 = arith.constant 0 : i32
      %dma_wait3A_512 = arith.constant 0 : i32
      %dma_wait3A_513 = tpu.memref_slice %arg9[%dma_wait3A_511, %dma_wait3A_512] : memref<50x128xf32, #tpu.memory_space<vmem>> -> memref<25x16xf32, #tpu.memory_space<vmem>>
      %dma_wait3A_514 = arith.constant 0 : i32
      %dma_wait3A_515 = tpu.memref_slice %arg25[%sub3A_275, %dma_wait3A_514] : memref<10000x16xf32, #tpu.memory_space<vmem_shared>> -> memref<25x16xf32, #tpu.memory_space<vmem_shared>>
      %dma_wait3A_516 = arith.constant 0 : i32
      %dma_wait3A_517 = tpu.memref_slice %arg25[%sub3A_275, %dma_wait3A_516] : memref<10000x16xf32, #tpu.memory_space<vmem_shared>> -> memref<25x16xf32, #tpu.memory_space<vmem_shared>>
      %dma_wait3A_518 = arith.constant 0 : i32
      %dma_wait3A_519 = arith.constant 0 : i32
      %dma_wait3A_520 = tpu.memref_slice %arg9[%dma_wait3A_518, %dma_wait3A_519] : memref<50x128xf32, #tpu.memory_space<vmem>> -> memref<25x16xf32, #tpu.memory_space<vmem>>
      tpu.wait_dma2 semaphore(%run_scoped3A : memref<!tpu.dma_semaphore, #tpu.memory_space<semaphore_mem>>) src(%dma_wait3A_520 : memref<25x16xf32, #tpu.memory_space<vmem>>) dst(%dma_wait3A_517 : memref<25x16xf32, #tpu.memory_space<vmem_shared>>)
      tpu.yield
    }) : () -> ()
    %dma_wait3A = arith.constant 0 : i32
    %dma_wait3A_276 = arith.constant 0 : i32
    %dma_wait3A_277 = arith.constant 0 : i32
    %dma_wait3A_278 = arith.constant 0 : i32
    %dma_wait3A_279 = tpu.memref_slice %arg6[%dma_wait3A_277, %dma_wait3A_278] : memref<10x50xi32, #tpu.memory_space<vmem>> -> memref<1x50xi32, #tpu.memory_space<vmem>>
    %dma_wait3A_280 = tpu.memref_squeeze %dma_wait3A_279 : memref<1x50xi32, #tpu.memory_space<vmem>> -> memref<50xi32, #tpu.memory_space<vmem>>
    %dma_wait3A_281 = arith.constant 0 : i32
    %dma_wait3A_282 = tpu.memref_slice %arg3[%dma_wait3A, %dma_wait3A_276, %dma_wait3A_281] : memref<2x6400x50xi32, #tpu.memory_space<hbm>> -> memref<1x1x50xi32, #tpu.memory_space<hbm>>
    %dma_wait3A_283 = tpu.memref_squeeze %dma_wait3A_282 : memref<1x1x50xi32, #tpu.memory_space<hbm>> -> memref<50xi32, #tpu.memory_space<hbm>>
    %dma_wait3A_284 = arith.constant 0 : i32
    %dma_wait3A_285 = tpu.memref_slice %arg6[%dma_wait3A_277, %dma_wait3A_284] : memref<10x50xi32, #tpu.memory_space<vmem>> -> memref<1x50xi32, #tpu.memory_space<vmem>>
    %dma_wait3A_286 = tpu.memref_squeeze %dma_wait3A_285 : memref<1x50xi32, #tpu.memory_space<vmem>> -> memref<50xi32, #tpu.memory_space<vmem>>
    %dma_wait3A_287 = arith.constant 0 : i32
    %dma_wait3A_288 = tpu.memref_slice %arg3[%dma_wait3A, %dma_wait3A_276, %dma_wait3A_287] : memref<2x6400x50xi32, #tpu.memory_space<hbm>> -> memref<1x1x50xi32, #tpu.memory_space<hbm>>
    %dma_wait3A_289 = tpu.memref_squeeze %dma_wait3A_288 : memref<1x1x50xi32, #tpu.memory_space<hbm>> -> memref<50xi32, #tpu.memory_space<hbm>>
    tpu.wait_dma2 semaphore(%arg14 : memref<!tpu.dma_semaphore, #tpu.memory_space<semaphore_mem>>) src(%dma_wait3A_289 : memref<50xi32, #tpu.memory_space<hbm>>) dst(%dma_wait3A_286 : memref<50xi32, #tpu.memory_space<vmem>>)
    %dma_wait3A_290 = arith.constant 0 : i32
    %dma_wait3A_291 = arith.constant 0 : i32
    %dma_wait3A_292 = arith.constant 0 : i32
    %dma_wait3A_293 = arith.constant 0 : i32
    %dma_wait3A_294 = tpu.memref_slice %arg7[%dma_wait3A_292, %dma_wait3A_293] : memref<10x50xi32, #tpu.memory_space<vmem>> -> memref<1x50xi32, #tpu.memory_space<vmem>>
    %dma_wait3A_295 = tpu.memref_squeeze %dma_wait3A_294 : memref<1x50xi32, #tpu.memory_space<vmem>> -> memref<50xi32, #tpu.memory_space<vmem>>
    %dma_wait3A_296 = arith.constant 0 : i32
    %dma_wait3A_297 = tpu.memref_slice %arg3[%dma_wait3A_290, %dma_wait3A_291, %dma_wait3A_296] : memref<2x6400x50xi32, #tpu.memory_space<hbm>> -> memref<1x1x50xi32, #tpu.memory_space<hbm>>
    %dma_wait3A_298 = tpu.memref_squeeze %dma_wait3A_297 : memref<1x1x50xi32, #tpu.memory_space<hbm>> -> memref<50xi32, #tpu.memory_space<hbm>>
    %dma_wait3A_299 = arith.constant 0 : i32
    %dma_wait3A_300 = tpu.memref_slice %arg7[%dma_wait3A_292, %dma_wait3A_299] : memref<10x50xi32, #tpu.memory_space<vmem>> -> memref<1x50xi32, #tpu.memory_space<vmem>>
    %dma_wait3A_301 = tpu.memref_squeeze %dma_wait3A_300 : memref<1x50xi32, #tpu.memory_space<vmem>> -> memref<50xi32, #tpu.memory_space<vmem>>
    %dma_wait3A_302 = arith.constant 0 : i32
    %dma_wait3A_303 = tpu.memref_slice %arg3[%dma_wait3A_290, %dma_wait3A_291, %dma_wait3A_302] : memref<2x6400x50xi32, #tpu.memory_space<hbm>> -> memref<1x1x50xi32, #tpu.memory_space<hbm>>
    %dma_wait3A_304 = tpu.memref_squeeze %dma_wait3A_303 : memref<1x1x50xi32, #tpu.memory_space<hbm>> -> memref<50xi32, #tpu.memory_space<hbm>>
    tpu.wait_dma2 semaphore(%arg14 : memref<!tpu.dma_semaphore, #tpu.memory_space<semaphore_mem>>) src(%dma_wait3A_304 : memref<50xi32, #tpu.memory_space<hbm>>) dst(%dma_wait3A_301 : memref<50xi32, #tpu.memory_space<vmem>>)
    %dma_wait3A_305 = arith.constant 0 : i32
    %dma_wait3A_306 = arith.constant 0 : i32
    %dma_wait3A_307 = arith.constant 0 : i32
    %dma_wait3A_308 = arith.constant 0 : i32
    %dma_wait3A_309 = tpu.memref_slice %arg6[%dma_wait3A_307, %dma_wait3A_308] : memref<10x50xi32, #tpu.memory_space<vmem>> -> memref<1x50xi32, #tpu.memory_space<vmem>>
    %dma_wait3A_310 = tpu.memref_squeeze %dma_wait3A_309 : memref<1x50xi32, #tpu.memory_space<vmem>> -> memref<50xi32, #tpu.memory_space<vmem>>
    %dma_wait3A_311 = arith.constant 0 : i32
    %dma_wait3A_312 = tpu.memref_slice %arg3[%dma_wait3A_305, %dma_wait3A_306, %dma_wait3A_311] : memref<2x6400x50xi32, #tpu.memory_space<hbm>> -> memref<1x1x50xi32, #tpu.memory_space<hbm>>
    %dma_wait3A_313 = tpu.memref_squeeze %dma_wait3A_312 : memref<1x1x50xi32, #tpu.memory_space<hbm>> -> memref<50xi32, #tpu.memory_space<hbm>>
    %dma_wait3A_314 = arith.constant 0 : i32
    %dma_wait3A_315 = tpu.memref_slice %arg6[%dma_wait3A_307, %dma_wait3A_314] : memref<10x50xi32, #tpu.memory_space<vmem>> -> memref<1x50xi32, #tpu.memory_space<vmem>>
    %dma_wait3A_316 = tpu.memref_squeeze %dma_wait3A_315 : memref<1x50xi32, #tpu.memory_space<vmem>> -> memref<50xi32, #tpu.memory_space<vmem>>
    %dma_wait3A_317 = arith.constant 0 : i32
    %dma_wait3A_318 = tpu.memref_slice %arg3[%dma_wait3A_305, %dma_wait3A_306, %dma_wait3A_317] : memref<2x6400x50xi32, #tpu.memory_space<hbm>> -> memref<1x1x50xi32, #tpu.memory_space<hbm>>
    %dma_wait3A_319 = tpu.memref_squeeze %dma_wait3A_318 : memref<1x1x50xi32, #tpu.memory_space<hbm>> -> memref<50xi32, #tpu.memory_space<hbm>>
    tpu.wait_dma2 semaphore(%arg14 : memref<!tpu.dma_semaphore, #tpu.memory_space<semaphore_mem>>) src(%dma_wait3A_319 : memref<50xi32, #tpu.memory_space<hbm>>) dst(%dma_wait3A_316 : memref<50xi32, #tpu.memory_space<vmem>>)
    %dma_wait3A_320 = arith.constant 0 : i32
    %dma_wait3A_321 = arith.constant 0 : i32
    %dma_wait3A_322 = arith.constant 0 : i32
    %dma_wait3A_323 = arith.constant 0 : i32
    %dma_wait3A_324 = tpu.memref_slice %arg7[%dma_wait3A_322, %dma_wait3A_323] : memref<10x50xi32, #tpu.memory_space<vmem>> -> memref<1x50xi32, #tpu.memory_space<vmem>>
    %dma_wait3A_325 = tpu.memref_squeeze %dma_wait3A_324 : memref<1x50xi32, #tpu.memory_space<vmem>> -> memref<50xi32, #tpu.memory_space<vmem>>
    %dma_wait3A_326 = arith.constant 0 : i32
    %dma_wait3A_327 = tpu.memref_slice %arg3[%dma_wait3A_320, %dma_wait3A_321, %dma_wait3A_326] : memref<2x6400x50xi32, #tpu.memory_space<hbm>> -> memref<1x1x50xi32, #tpu.memory_space<hbm>>
    %dma_wait3A_328 = tpu.memref_squeeze %dma_wait3A_327 : memref<1x1x50xi32, #tpu.memory_space<hbm>> -> memref<50xi32, #tpu.memory_space<hbm>>
    %dma_wait3A_329 = arith.constant 0 : i32
    %dma_wait3A_330 = tpu.memref_slice %arg7[%dma_wait3A_322, %dma_wait3A_329] : memref<10x50xi32, #tpu.memory_space<vmem>> -> memref<1x50xi32, #tpu.memory_space<vmem>>
    %dma_wait3A_331 = tpu.memref_squeeze %dma_wait3A_330 : memref<1x50xi32, #tpu.memory_space<vmem>> -> memref<50xi32, #tpu.memory_space<vmem>>
    %dma_wait3A_332 = arith.constant 0 : i32
    %dma_wait3A_333 = tpu.memref_slice %arg3[%dma_wait3A_320, %dma_wait3A_321, %dma_wait3A_332] : memref<2x6400x50xi32, #tpu.memory_space<hbm>> -> memref<1x1x50xi32, #tpu.memory_space<hbm>>
    %dma_wait3A_334 = tpu.memref_squeeze %dma_wait3A_333 : memref<1x1x50xi32, #tpu.memory_space<hbm>> -> memref<50xi32, #tpu.memory_space<hbm>>
    tpu.wait_dma2 semaphore(%arg14 : memref<!tpu.dma_semaphore, #tpu.memory_space<semaphore_mem>>) src(%dma_wait3A_334 : memref<50xi32, #tpu.memory_space<hbm>>) dst(%dma_wait3A_331 : memref<50xi32, #tpu.memory_space<vmem>>)
    %dma_wait3A_335 = arith.constant 0 : i32
    %dma_wait3A_336 = arith.constant 0 : i32
    %dma_wait3A_337 = arith.constant 0 : i32
    %dma_wait3A_338 = arith.constant 0 : i32
    %dma_wait3A_339 = tpu.memref_slice %arg6[%dma_wait3A_337, %dma_wait3A_338] : memref<10x50xi32, #tpu.memory_space<vmem>> -> memref<1x50xi32, #tpu.memory_space<vmem>>
    %dma_wait3A_340 = tpu.memref_squeeze %dma_wait3A_339 : memref<1x50xi32, #tpu.memory_space<vmem>> -> memref<50xi32, #tpu.memory_space<vmem>>
    %dma_wait3A_341 = arith.constant 0 : i32
    %dma_wait3A_342 = tpu.memref_slice %arg3[%dma_wait3A_335, %dma_wait3A_336, %dma_wait3A_341] : memref<2x6400x50xi32, #tpu.memory_space<hbm>> -> memref<1x1x50xi32, #tpu.memory_space<hbm>>
    %dma_wait3A_343 = tpu.memref_squeeze %dma_wait3A_342 : memref<1x1x50xi32, #tpu.memory_space<hbm>> -> memref<50xi32, #tpu.memory_space<hbm>>
    %dma_wait3A_344 = arith.constant 0 : i32
    %dma_wait3A_345 = tpu.memref_slice %arg6[%dma_wait3A_337, %dma_wait3A_344] : memref<10x50xi32, #tpu.memory_space<vmem>> -> memref<1x50xi32, #tpu.memory_space<vmem>>
    %dma_wait3A_346 = tpu.memref_squeeze %dma_wait3A_345 : memref<1x50xi32, #tpu.memory_space<vmem>> -> memref<50xi32, #tpu.memory_space<vmem>>
    %dma_wait3A_347 = arith.constant 0 : i32
    %dma_wait3A_348 = tpu.memref_slice %arg3[%dma_wait3A_335, %dma_wait3A_336, %dma_wait3A_347] : memref<2x6400x50xi32, #tpu.memory_space<hbm>> -> memref<1x1x50xi32, #tpu.memory_space<hbm>>
    %dma_wait3A_349 = tpu.memref_squeeze %dma_wait3A_348 : memref<1x1x50xi32, #tpu.memory_space<hbm>> -> memref<50xi32, #tpu.memory_space<hbm>>
    tpu.wait_dma2 semaphore(%arg14 : memref<!tpu.dma_semaphore, #tpu.memory_space<semaphore_mem>>) src(%dma_wait3A_349 : memref<50xi32, #tpu.memory_space<hbm>>) dst(%dma_wait3A_346 : memref<50xi32, #tpu.memory_space<vmem>>)
    %dma_wait3A_350 = arith.constant 0 : i32
    %dma_wait3A_351 = arith.constant 0 : i32
    %dma_wait3A_352 = arith.constant 0 : i32
    %dma_wait3A_353 = arith.constant 0 : i32
    %dma_wait3A_354 = tpu.memref_slice %arg7[%dma_wait3A_352, %dma_wait3A_353] : memref<10x50xi32, #tpu.memory_space<vmem>> -> memref<1x50xi32, #tpu.memory_space<vmem>>
    %dma_wait3A_355 = tpu.memref_squeeze %dma_wait3A_354 : memref<1x50xi32, #tpu.memory_space<vmem>> -> memref<50xi32, #tpu.memory_space<vmem>>
    %dma_wait3A_356 = arith.constant 0 : i32
    %dma_wait3A_357 = tpu.memref_slice %arg3[%dma_wait3A_350, %dma_wait3A_351, %dma_wait3A_356] : memref<2x6400x50xi32, #tpu.memory_space<hbm>> -> memref<1x1x50xi32, #tpu.memory_space<hbm>>
    %dma_wait3A_358 = tpu.memref_squeeze %dma_wait3A_357 : memref<1x1x50xi32, #tpu.memory_space<hbm>> -> memref<50xi32, #tpu.memory_space<hbm>>
    %dma_wait3A_359 = arith.constant 0 : i32
    %dma_wait3A_360 = tpu.memref_slice %arg7[%dma_wait3A_352, %dma_wait3A_359] : memref<10x50xi32, #tpu.memory_space<vmem>> -> memref<1x50xi32, #tpu.memory_space<vmem>>
    %dma_wait3A_361 = tpu.memref_squeeze %dma_wait3A_360 : memref<1x50xi32, #tpu.memory_space<vmem>> -> memref<50xi32, #tpu.memory_space<vmem>>
    %dma_wait3A_362 = arith.constant 0 : i32
    %dma_wait3A_363 = tpu.memref_slice %arg3[%dma_wait3A_350, %dma_wait3A_351, %dma_wait3A_362] : memref<2x6400x50xi32, #tpu.memory_space<hbm>> -> memref<1x1x50xi32, #tpu.memory_space<hbm>>
    %dma_wait3A_364 = tpu.memref_squeeze %dma_wait3A_363 : memref<1x1x50xi32, #tpu.memory_space<hbm>> -> memref<50xi32, #tpu.memory_space<hbm>>
    tpu.wait_dma2 semaphore(%arg14 : memref<!tpu.dma_semaphore, #tpu.memory_space<semaphore_mem>>) src(%dma_wait3A_364 : memref<50xi32, #tpu.memory_space<hbm>>) dst(%dma_wait3A_361 : memref<50xi32, #tpu.memory_space<vmem>>)
    %dma_wait3A_365 = arith.constant 0 : i32
    %dma_wait3A_366 = arith.constant 0 : i32
    %dma_wait3A_367 = arith.constant 0 : i32
    %dma_wait3A_368 = arith.constant 0 : i32
    %dma_wait3A_369 = tpu.memref_slice %arg6[%dma_wait3A_367, %dma_wait3A_368] : memref<10x50xi32, #tpu.memory_space<vmem>> -> memref<1x50xi32, #tpu.memory_space<vmem>>
    %dma_wait3A_370 = tpu.memref_squeeze %dma_wait3A_369 : memref<1x50xi32, #tpu.memory_space<vmem>> -> memref<50xi32, #tpu.memory_space<vmem>>
    %dma_wait3A_371 = arith.constant 0 : i32
    %dma_wait3A_372 = tpu.memref_slice %arg3[%dma_wait3A_365, %dma_wait3A_366, %dma_wait3A_371] : memref<2x6400x50xi32, #tpu.memory_space<hbm>> -> memref<1x1x50xi32, #tpu.memory_space<hbm>>
    %dma_wait3A_373 = tpu.memref_squeeze %dma_wait3A_372 : memref<1x1x50xi32, #tpu.memory_space<hbm>> -> memref<50xi32, #tpu.memory_space<hbm>>
    %dma_wait3A_374 = arith.constant 0 : i32
    %dma_wait3A_375 = tpu.memref_slice %arg6[%dma_wait3A_367, %dma_wait3A_374] : memref<10x50xi32, #tpu.memory_space<vmem>> -> memref<1x50xi32, #tpu.memory_space<vmem>>
    %dma_wait3A_376 = tpu.memref_squeeze %dma_wait3A_375 : memref<1x50xi32, #tpu.memory_space<vmem>> -> memref<50xi32, #tpu.memory_space<vmem>>
    %dma_wait3A_377 = arith.constant 0 : i32
    %dma_wait3A_378 = tpu.memref_slice %arg3[%dma_wait3A_365, %dma_wait3A_366, %dma_wait3A_377] : memref<2x6400x50xi32, #tpu.memory_space<hbm>> -> memref<1x1x50xi32, #tpu.memory_space<hbm>>
    %dma_wait3A_379 = tpu.memref_squeeze %dma_wait3A_378 : memref<1x1x50xi32, #tpu.memory_space<hbm>> -> memref<50xi32, #tpu.memory_space<hbm>>
    tpu.wait_dma2 semaphore(%arg14 : memref<!tpu.dma_semaphore, #tpu.memory_space<semaphore_mem>>) src(%dma_wait3A_379 : memref<50xi32, #tpu.memory_space<hbm>>) dst(%dma_wait3A_376 : memref<50xi32, #tpu.memory_space<vmem>>)
    %dma_wait3A_380 = arith.constant 0 : i32
    %dma_wait3A_381 = arith.constant 0 : i32
    %dma_wait3A_382 = arith.constant 0 : i32
    %dma_wait3A_383 = arith.constant 0 : i32
    %dma_wait3A_384 = tpu.memref_slice %arg7[%dma_wait3A_382, %dma_wait3A_383] : memref<10x50xi32, #tpu.memory_space<vmem>> -> memref<1x50xi32, #tpu.memory_space<vmem>>
    %dma_wait3A_385 = tpu.memref_squeeze %dma_wait3A_384 : memref<1x50xi32, #tpu.memory_space<vmem>> -> memref<50xi32, #tpu.memory_space<vmem>>
    %dma_wait3A_386 = arith.constant 0 : i32
    %dma_wait3A_387 = tpu.memref_slice %arg3[%dma_wait3A_380, %dma_wait3A_381, %dma_wait3A_386] : memref<2x6400x50xi32, #tpu.memory_space<hbm>> -> memref<1x1x50xi32, #tpu.memory_space<hbm>>
    %dma_wait3A_388 = tpu.memref_squeeze %dma_wait3A_387 : memref<1x1x50xi32, #tpu.memory_space<hbm>> -> memref<50xi32, #tpu.memory_space<hbm>>
    %dma_wait3A_389 = arith.constant 0 : i32
    %dma_wait3A_390 = tpu.memref_slice %arg7[%dma_wait3A_382, %dma_wait3A_389] : memref<10x50xi32, #tpu.memory_space<vmem>> -> memref<1x50xi32, #tpu.memory_space<vmem>>
    %dma_wait3A_391 = tpu.memref_squeeze %dma_wait3A_390 : memref<1x50xi32, #tpu.memory_space<vmem>> -> memref<50xi32, #tpu.memory_space<vmem>>
    %dma_wait3A_392 = arith.constant 0 : i32
    %dma_wait3A_393 = tpu.memref_slice %arg3[%dma_wait3A_380, %dma_wait3A_381, %dma_wait3A_392] : memref<2x6400x50xi32, #tpu.memory_space<hbm>> -> memref<1x1x50xi32, #tpu.memory_space<hbm>>
    %dma_wait3A_394 = tpu.memref_squeeze %dma_wait3A_393 : memref<1x1x50xi32, #tpu.memory_space<hbm>> -> memref<50xi32, #tpu.memory_space<hbm>>
    tpu.wait_dma2 semaphore(%arg14 : memref<!tpu.dma_semaphore, #tpu.memory_space<semaphore_mem>>) src(%dma_wait3A_394 : memref<50xi32, #tpu.memory_space<hbm>>) dst(%dma_wait3A_391 : memref<50xi32, #tpu.memory_space<vmem>>)
    %dma_wait3A_395 = arith.constant 0 : i32
    %dma_wait3A_396 = arith.constant 0 : i32
    %dma_wait3A_397 = arith.constant 0 : i32
    %dma_wait3A_398 = arith.constant 0 : i32
    %dma_wait3A_399 = tpu.memref_slice %arg6[%dma_wait3A_397, %dma_wait3A_398] : memref<10x50xi32, #tpu.memory_space<vmem>> -> memref<1x50xi32, #tpu.memory_space<vmem>>
    %dma_wait3A_400 = tpu.memref_squeeze %dma_wait3A_399 : memref<1x50xi32, #tpu.memory_space<vmem>> -> memref<50xi32, #tpu.memory_space<vmem>>
    %dma_wait3A_401 = arith.constant 0 : i32
    %dma_wait3A_402 = tpu.memref_slice %arg3[%dma_wait3A_395, %dma_wait3A_396, %dma_wait3A_401] : memref<2x6400x50xi32, #tpu.memory_space<hbm>> -> memref<1x1x50xi32, #tpu.memory_space<hbm>>
    %dma_wait3A_403 = tpu.memref_squeeze %dma_wait3A_402 : memref<1x1x50xi32, #tpu.memory_space<hbm>> -> memref<50xi32, #tpu.memory_space<hbm>>
    %dma_wait3A_404 = arith.constant 0 : i32
    %dma_wait3A_405 = tpu.memref_slice %arg6[%dma_wait3A_397, %dma_wait3A_404] : memref<10x50xi32, #tpu.memory_space<vmem>> -> memref<1x50xi32, #tpu.memory_space<vmem>>
    %dma_wait3A_406 = tpu.memref_squeeze %dma_wait3A_405 : memref<1x50xi32, #tpu.memory_space<vmem>> -> memref<50xi32, #tpu.memory_space<vmem>>
    %dma_wait3A_407 = arith.constant 0 : i32
    %dma_wait3A_408 = tpu.memref_slice %arg3[%dma_wait3A_395, %dma_wait3A_396, %dma_wait3A_407] : memref<2x6400x50xi32, #tpu.memory_space<hbm>> -> memref<1x1x50xi32, #tpu.memory_space<hbm>>
    %dma_wait3A_409 = tpu.memref_squeeze %dma_wait3A_408 : memref<1x1x50xi32, #tpu.memory_space<hbm>> -> memref<50xi32, #tpu.memory_space<hbm>>
    tpu.wait_dma2 semaphore(%arg14 : memref<!tpu.dma_semaphore, #tpu.memory_space<semaphore_mem>>) src(%dma_wait3A_409 : memref<50xi32, #tpu.memory_space<hbm>>) dst(%dma_wait3A_406 : memref<50xi32, #tpu.memory_space<vmem>>)
    %dma_wait3A_410 = arith.constant 0 : i32
    %dma_wait3A_411 = arith.constant 0 : i32
    %dma_wait3A_412 = arith.constant 0 : i32
    %dma_wait3A_413 = arith.constant 0 : i32
    %dma_wait3A_414 = tpu.memref_slice %arg7[%dma_wait3A_412, %dma_wait3A_413] : memref<10x50xi32, #tpu.memory_space<vmem>> -> memref<1x50xi32, #tpu.memory_space<vmem>>
    %dma_wait3A_415 = tpu.memref_squeeze %dma_wait3A_414 : memref<1x50xi32, #tpu.memory_space<vmem>> -> memref<50xi32, #tpu.memory_space<vmem>>
    %dma_wait3A_416 = arith.constant 0 : i32
    %dma_wait3A_417 = tpu.memref_slice %arg3[%dma_wait3A_410, %dma_wait3A_411, %dma_wait3A_416] : memref<2x6400x50xi32, #tpu.memory_space<hbm>> -> memref<1x1x50xi32, #tpu.memory_space<hbm>>
    %dma_wait3A_418 = tpu.memref_squeeze %dma_wait3A_417 : memref<1x1x50xi32, #tpu.memory_space<hbm>> -> memref<50xi32, #tpu.memory_space<hbm>>
    %dma_wait3A_419 = arith.constant 0 : i32
    %dma_wait3A_420 = tpu.memref_slice %arg7[%dma_wait3A_412, %dma_wait3A_419] : memref<10x50xi32, #tpu.memory_space<vmem>> -> memref<1x50xi32, #tpu.memory_space<vmem>>
    %dma_wait3A_421 = tpu.memref_squeeze %dma_wait3A_420 : memref<1x50xi32, #tpu.memory_space<vmem>> -> memref<50xi32, #tpu.memory_space<vmem>>
    %dma_wait3A_422 = arith.constant 0 : i32
    %dma_wait3A_423 = tpu.memref_slice %arg3[%dma_wait3A_410, %dma_wait3A_411, %dma_wait3A_422] : memref<2x6400x50xi32, #tpu.memory_space<hbm>> -> memref<1x1x50xi32, #tpu.memory_space<hbm>>
    %dma_wait3A_424 = tpu.memref_squeeze %dma_wait3A_423 : memref<1x1x50xi32, #tpu.memory_space<hbm>> -> memref<50xi32, #tpu.memory_space<hbm>>
    tpu.wait_dma2 semaphore(%arg14 : memref<!tpu.dma_semaphore, #tpu.memory_space<semaphore_mem>>) src(%dma_wait3A_424 : memref<50xi32, #tpu.memory_space<hbm>>) dst(%dma_wait3A_421 : memref<50xi32, #tpu.memory_space<vmem>>)
    %barrier3A = arith.constant 0 : index
    tpu.barrier barrier_id(%barrier3A)
    %scan3A_425 = arith.constant 0 : i32
    %scan3A_426 = arith.constant 20 : i32
    %scan3A_427 = arith.addi %scan3A_425, %scan3A_426 : i32
    %scan3A_428 = arith.constant 1 : i32
    scf.for %scan3A_501 = %scan3A_425 to %scan3A_427 step %scan3A_428  : i32 {
      %mul3A_502 = arith.constant 2 : i32
      %mul3A_503 = arith.muli %mul3A_502, %scan3A_501 : i32
      %mul3A_504 = arith.constant 5 : i32
      %mul3A_505 = arith.muli %mul3A_503, %mul3A_504 : i32
      %gt3A = arith.constant 0 : i32
      %gt3A_506 = arith.cmpi sgt, %mul3A_503, %gt3A : i32
      %convert_element_type3A = arith.extui %gt3A_506 : i1 to i32
      %cond3A = arith.constant 0 : i32
      %cond3A_507 = arith.cmpi ne, %convert_element_type3A, %cond3A : i32
      scf.if %cond3A_507 {
        %dma_wait3A_866 = arith.constant 0 : i32
        %dma_wait3A_867 = arith.constant 0 : i32
        %dma_wait3A_868 = tpu.memref_slice %arg7[%dma_wait3A_866, %dma_wait3A_867] : memref<10x50xi32, #tpu.memory_space<vmem>> -> memref<1x50xi32, #tpu.memory_space<vmem>>
        %dma_wait3A_869 = tpu.memref_squeeze %dma_wait3A_868 : memref<1x50xi32, #tpu.memory_space<vmem>> -> memref<50xi32, #tpu.memory_space<vmem>>
        %dma_wait3A_870 = arith.constant 0 : i32
        %dma_wait3A_871 = arith.constant 0 : i32
        %dma_wait3A_872 = tpu.memref_slice %arg13[%dma_wait3A_870, %dma_wait3A_871] : memref<10000x128xf32, #tpu.memory_space<vmem_shared>> -> memref<10000x128xf32, #tpu.memory_space<vmem_shared>>
        tpu.wait_indirect_dma semaphore(%arg20 : memref<!tpu.dma_semaphore, #tpu.memory_space<semaphore_mem>>) src(%arg8 : memref<50x128xf32, #tpu.memory_space<vmem>>) dst(%dma_wait3A_872 : memref<10000x128xf32, #tpu.memory_space<vmem_shared>>)
        %dma_wait3A_873 = arith.constant 0 : i32
        %dma_wait3A_874 = arith.constant 0 : i32
        %dma_wait3A_875 = tpu.memref_slice %arg7[%dma_wait3A_873, %dma_wait3A_874] : memref<10x50xi32, #tpu.memory_space<vmem>> -> memref<1x50xi32, #tpu.memory_space<vmem>>
        %dma_wait3A_876 = tpu.memref_squeeze %dma_wait3A_875 : memref<1x50xi32, #tpu.memory_space<vmem>> -> memref<50xi32, #tpu.memory_space<vmem>>
        %dma_wait3A_877 = arith.constant 0 : i32
        %dma_wait3A_878 = arith.constant 0 : i32
        %dma_wait3A_879 = tpu.memref_slice %arg25[%dma_wait3A_877, %dma_wait3A_878] : memref<10000x16xf32, #tpu.memory_space<vmem_shared>> -> memref<10000x16xf32, #tpu.memory_space<vmem_shared>>
        tpu.wait_indirect_dma semaphore(%arg20 : memref<!tpu.dma_semaphore, #tpu.memory_space<semaphore_mem>>) src(%arg26 : memref<50x16xf32, #tpu.memory_space<vmem>>) dst(%dma_wait3A_879 : memref<10000x16xf32, #tpu.memory_space<vmem_shared>>)
      } else {
      }
      %dma_start3A_508 = arith.constant 0 : i32
      %dma_start3A_509 = arith.constant 0 : i32
      %dma_start3A_510 = tpu.memref_slice %arg6[%dma_start3A_508, %dma_start3A_509] : memref<10x50xi32, #tpu.memory_space<vmem>> -> memref<1x50xi32, #tpu.memory_space<vmem>>
      %dma_start3A_511 = tpu.memref_squeeze %dma_start3A_510 : memref<1x50xi32, #tpu.memory_space<vmem>> -> memref<50xi32, #tpu.memory_space<vmem>>
      %dma_start3A_512 = arith.constant 0 : i32
      %dma_start3A_513 = arith.constant 0 : i32
      %dma_start3A_514 = tpu.memref_slice %arg2[%dma_start3A_512, %dma_start3A_513] : memref<10000x128xf32, #tpu.memory_space<hbm>> -> memref<10000x128xf32, #tpu.memory_space<hbm>>
      tpu.enqueue_indirect_dma source(%dma_start3A_514 : memref<10000x128xf32, #tpu.memory_space<hbm>>) target(%arg8 : memref<50x128xf32, #tpu.memory_space<vmem>>) offsets(%dma_start3A_511 : memref<50xi32, #tpu.memory_space<vmem>>) semaphore(%arg15 : memref<!tpu.dma_semaphore, #tpu.memory_space<semaphore_mem>>)
      %gt3A_515 = arith.constant 0 : i32
      %gt3A_516 = arith.cmpi sgt, %mul3A_503, %gt3A_515 : i32
      %convert_element_type3A_517 = arith.extui %gt3A_516 : i1 to i32
      %cond3A_518 = arith.constant 0 : i32
      %cond3A_519 = arith.cmpi ne, %convert_element_type3A_517, %cond3A_518 : i32
      scf.if %cond3A_519 {
        %dma_wait3A_866 = arith.constant 0 : i32
        %dma_wait3A_867 = arith.constant 0 : i32
        %dma_wait3A_868 = tpu.memref_slice %arg7[%dma_wait3A_866, %dma_wait3A_867] : memref<10x50xi32, #tpu.memory_space<vmem>> -> memref<1x50xi32, #tpu.memory_space<vmem>>
        %dma_wait3A_869 = tpu.memref_squeeze %dma_wait3A_868 : memref<1x50xi32, #tpu.memory_space<vmem>> -> memref<50xi32, #tpu.memory_space<vmem>>
        %dma_wait3A_870 = arith.constant 0 : i32
        %dma_wait3A_871 = arith.constant 0 : i32
        %dma_wait3A_872 = tpu.memref_slice %arg13[%dma_wait3A_870, %dma_wait3A_871] : memref<10000x128xf32, #tpu.memory_space<vmem_shared>> -> memref<10000x128xf32, #tpu.memory_space<vmem_shared>>
        tpu.wait_indirect_dma semaphore(%arg21 : memref<!tpu.dma_semaphore, #tpu.memory_space<semaphore_mem>>) src(%arg9 : memref<50x128xf32, #tpu.memory_space<vmem>>) dst(%dma_wait3A_872 : memref<10000x128xf32, #tpu.memory_space<vmem_shared>>)
        %dma_wait3A_873 = arith.constant 0 : i32
        %dma_wait3A_874 = arith.constant 0 : i32
        %dma_wait3A_875 = tpu.memref_slice %arg7[%dma_wait3A_873, %dma_wait3A_874] : memref<10x50xi32, #tpu.memory_space<vmem>> -> memref<1x50xi32, #tpu.memory_space<vmem>>
        %dma_wait3A_876 = tpu.memref_squeeze %dma_wait3A_875 : memref<1x50xi32, #tpu.memory_space<vmem>> -> memref<50xi32, #tpu.memory_space<vmem>>
        %dma_wait3A_877 = arith.constant 0 : i32
        %dma_wait3A_878 = arith.constant 0 : i32
        %dma_wait3A_879 = tpu.memref_slice %arg25[%dma_wait3A_877, %dma_wait3A_878] : memref<10000x16xf32, #tpu.memory_space<vmem_shared>> -> memref<10000x16xf32, #tpu.memory_space<vmem_shared>>
        tpu.wait_indirect_dma semaphore(%arg21 : memref<!tpu.dma_semaphore, #tpu.memory_space<semaphore_mem>>) src(%arg26 : memref<50x16xf32, #tpu.memory_space<vmem>>) dst(%dma_wait3A_879 : memref<10000x16xf32, #tpu.memory_space<vmem_shared>>)
      } else {
      }
      %dma_start3A_520 = arith.constant 1 : i32
      %dma_start3A_521 = arith.constant 0 : i32
      %dma_start3A_522 = tpu.memref_slice %arg6[%dma_start3A_520, %dma_start3A_521] : memref<10x50xi32, #tpu.memory_space<vmem>> -> memref<1x50xi32, #tpu.memory_space<vmem>>
      %dma_start3A_523 = tpu.memref_squeeze %dma_start3A_522 : memref<1x50xi32, #tpu.memory_space<vmem>> -> memref<50xi32, #tpu.memory_space<vmem>>
      %dma_start3A_524 = arith.constant 0 : i32
      %dma_start3A_525 = arith.constant 0 : i32
      %dma_start3A_526 = tpu.memref_slice %arg2[%dma_start3A_524, %dma_start3A_525] : memref<10000x128xf32, #tpu.memory_space<hbm>> -> memref<10000x128xf32, #tpu.memory_space<hbm>>
      tpu.enqueue_indirect_dma source(%dma_start3A_526 : memref<10000x128xf32, #tpu.memory_space<hbm>>) target(%arg9 : memref<50x128xf32, #tpu.memory_space<vmem>>) offsets(%dma_start3A_523 : memref<50xi32, #tpu.memory_space<vmem>>) semaphore(%arg16 : memref<!tpu.dma_semaphore, #tpu.memory_space<semaphore_mem>>)
      %gt3A_527 = arith.constant 0 : i32
      %gt3A_528 = arith.cmpi sgt, %mul3A_503, %gt3A_527 : i32
      %convert_element_type3A_529 = arith.extui %gt3A_528 : i1 to i32
      %cond3A_530 = arith.constant 0 : i32
      %cond3A_531 = arith.cmpi ne, %convert_element_type3A_529, %cond3A_530 : i32
      scf.if %cond3A_531 {
        %dma_wait3A_866 = arith.constant 0 : i32
        %dma_wait3A_867 = arith.constant 0 : i32
        %dma_wait3A_868 = tpu.memref_slice %arg7[%dma_wait3A_866, %dma_wait3A_867] : memref<10x50xi32, #tpu.memory_space<vmem>> -> memref<1x50xi32, #tpu.memory_space<vmem>>
        %dma_wait3A_869 = tpu.memref_squeeze %dma_wait3A_868 : memref<1x50xi32, #tpu.memory_space<vmem>> -> memref<50xi32, #tpu.memory_space<vmem>>
        %dma_wait3A_870 = arith.constant 0 : i32
        %dma_wait3A_871 = arith.constant 0 : i32
        %dma_wait3A_872 = tpu.memref_slice %arg13[%dma_wait3A_870, %dma_wait3A_871] : memref<10000x128xf32, #tpu.memory_space<vmem_shared>> -> memref<10000x128xf32, #tpu.memory_space<vmem_shared>>
        tpu.wait_indirect_dma semaphore(%arg22 : memref<!tpu.dma_semaphore, #tpu.memory_space<semaphore_mem>>) src(%arg10 : memref<50x128xf32, #tpu.memory_space<vmem>>) dst(%dma_wait3A_872 : memref<10000x128xf32, #tpu.memory_space<vmem_shared>>)
        %dma_wait3A_873 = arith.constant 0 : i32
        %dma_wait3A_874 = arith.constant 0 : i32
        %dma_wait3A_875 = tpu.memref_slice %arg7[%dma_wait3A_873, %dma_wait3A_874] : memref<10x50xi32, #tpu.memory_space<vmem>> -> memref<1x50xi32, #tpu.memory_space<vmem>>
        %dma_wait3A_876 = tpu.memref_squeeze %dma_wait3A_875 : memref<1x50xi32, #tpu.memory_space<vmem>> -> memref<50xi32, #tpu.memory_space<vmem>>
        %dma_wait3A_877 = arith.constant 0 : i32
        %dma_wait3A_878 = arith.constant 0 : i32
        %dma_wait3A_879 = tpu.memref_slice %arg25[%dma_wait3A_877, %dma_wait3A_878] : memref<10000x16xf32, #tpu.memory_space<vmem_shared>> -> memref<10000x16xf32, #tpu.memory_space<vmem_shared>>
        tpu.wait_indirect_dma semaphore(%arg22 : memref<!tpu.dma_semaphore, #tpu.memory_space<semaphore_mem>>) src(%arg26 : memref<50x16xf32, #tpu.memory_space<vmem>>) dst(%dma_wait3A_879 : memref<10000x16xf32, #tpu.memory_space<vmem_shared>>)
      } else {
      }
      %dma_start3A_532 = arith.constant 2 : i32
      %dma_start3A_533 = arith.constant 0 : i32
      %dma_start3A_534 = tpu.memref_slice %arg6[%dma_start3A_532, %dma_start3A_533] : memref<10x50xi32, #tpu.memory_space<vmem>> -> memref<1x50xi32, #tpu.memory_space<vmem>>
      %dma_start3A_535 = tpu.memref_squeeze %dma_start3A_534 : memref<1x50xi32, #tpu.memory_space<vmem>> -> memref<50xi32, #tpu.memory_space<vmem>>
      %dma_start3A_536 = arith.constant 0 : i32
      %dma_start3A_537 = arith.constant 0 : i32
      %dma_start3A_538 = tpu.memref_slice %arg2[%dma_start3A_536, %dma_start3A_537] : memref<10000x128xf32, #tpu.memory_space<hbm>> -> memref<10000x128xf32, #tpu.memory_space<hbm>>
      tpu.enqueue_indirect_dma source(%dma_start3A_538 : memref<10000x128xf32, #tpu.memory_space<hbm>>) target(%arg10 : memref<50x128xf32, #tpu.memory_space<vmem>>) offsets(%dma_start3A_535 : memref<50xi32, #tpu.memory_space<vmem>>) semaphore(%arg17 : memref<!tpu.dma_semaphore, #tpu.memory_space<semaphore_mem>>)
      %gt3A_539 = arith.constant 0 : i32
      %gt3A_540 = arith.cmpi sgt, %mul3A_503, %gt3A_539 : i32
      %convert_element_type3A_541 = arith.extui %gt3A_540 : i1 to i32
      %cond3A_542 = arith.constant 0 : i32
      %cond3A_543 = arith.cmpi ne, %convert_element_type3A_541, %cond3A_542 : i32
      scf.if %cond3A_543 {
        %dma_wait3A_866 = arith.constant 0 : i32
        %dma_wait3A_867 = arith.constant 0 : i32
        %dma_wait3A_868 = tpu.memref_slice %arg7[%dma_wait3A_866, %dma_wait3A_867] : memref<10x50xi32, #tpu.memory_space<vmem>> -> memref<1x50xi32, #tpu.memory_space<vmem>>
        %dma_wait3A_869 = tpu.memref_squeeze %dma_wait3A_868 : memref<1x50xi32, #tpu.memory_space<vmem>> -> memref<50xi32, #tpu.memory_space<vmem>>
        %dma_wait3A_870 = arith.constant 0 : i32
        %dma_wait3A_871 = arith.constant 0 : i32
        %dma_wait3A_872 = tpu.memref_slice %arg13[%dma_wait3A_870, %dma_wait3A_871] : memref<10000x128xf32, #tpu.memory_space<vmem_shared>> -> memref<10000x128xf32, #tpu.memory_space<vmem_shared>>
        tpu.wait_indirect_dma semaphore(%arg23 : memref<!tpu.dma_semaphore, #tpu.memory_space<semaphore_mem>>) src(%arg11 : memref<50x128xf32, #tpu.memory_space<vmem>>) dst(%dma_wait3A_872 : memref<10000x128xf32, #tpu.memory_space<vmem_shared>>)
        %dma_wait3A_873 = arith.constant 0 : i32
        %dma_wait3A_874 = arith.constant 0 : i32
        %dma_wait3A_875 = tpu.memref_slice %arg7[%dma_wait3A_873, %dma_wait3A_874] : memref<10x50xi32, #tpu.memory_space<vmem>> -> memref<1x50xi32, #tpu.memory_space<vmem>>
        %dma_wait3A_876 = tpu.memref_squeeze %dma_wait3A_875 : memref<1x50xi32, #tpu.memory_space<vmem>> -> memref<50xi32, #tpu.memory_space<vmem>>
        %dma_wait3A_877 = arith.constant 0 : i32
        %dma_wait3A_878 = arith.constant 0 : i32
        %dma_wait3A_879 = tpu.memref_slice %arg25[%dma_wait3A_877, %dma_wait3A_878] : memref<10000x16xf32, #tpu.memory_space<vmem_shared>> -> memref<10000x16xf32, #tpu.memory_space<vmem_shared>>
        tpu.wait_indirect_dma semaphore(%arg23 : memref<!tpu.dma_semaphore, #tpu.memory_space<semaphore_mem>>) src(%arg26 : memref<50x16xf32, #tpu.memory_space<vmem>>) dst(%dma_wait3A_879 : memref<10000x16xf32, #tpu.memory_space<vmem_shared>>)
      } else {
      }
      %dma_start3A_544 = arith.constant 3 : i32
      %dma_start3A_545 = arith.constant 0 : i32
      %dma_start3A_546 = tpu.memref_slice %arg6[%dma_start3A_544, %dma_start3A_545] : memref<10x50xi32, #tpu.memory_space<vmem>> -> memref<1x50xi32, #tpu.memory_space<vmem>>
      %dma_start3A_547 = tpu.memref_squeeze %dma_start3A_546 : memref<1x50xi32, #tpu.memory_space<vmem>> -> memref<50xi32, #tpu.memory_space<vmem>>
      %dma_start3A_548 = arith.constant 0 : i32
      %dma_start3A_549 = arith.constant 0 : i32
      %dma_start3A_550 = tpu.memref_slice %arg2[%dma_start3A_548, %dma_start3A_549] : memref<10000x128xf32, #tpu.memory_space<hbm>> -> memref<10000x128xf32, #tpu.memory_space<hbm>>
      tpu.enqueue_indirect_dma source(%dma_start3A_550 : memref<10000x128xf32, #tpu.memory_space<hbm>>) target(%arg11 : memref<50x128xf32, #tpu.memory_space<vmem>>) offsets(%dma_start3A_547 : memref<50xi32, #tpu.memory_space<vmem>>) semaphore(%arg18 : memref<!tpu.dma_semaphore, #tpu.memory_space<semaphore_mem>>)
      %gt3A_551 = arith.constant 0 : i32
      %gt3A_552 = arith.cmpi sgt, %mul3A_503, %gt3A_551 : i32
      %convert_element_type3A_553 = arith.extui %gt3A_552 : i1 to i32
      %cond3A_554 = arith.constant 0 : i32
      %cond3A_555 = arith.cmpi ne, %convert_element_type3A_553, %cond3A_554 : i32
      scf.if %cond3A_555 {
        %dma_wait3A_866 = arith.constant 0 : i32
        %dma_wait3A_867 = arith.constant 0 : i32
        %dma_wait3A_868 = tpu.memref_slice %arg7[%dma_wait3A_866, %dma_wait3A_867] : memref<10x50xi32, #tpu.memory_space<vmem>> -> memref<1x50xi32, #tpu.memory_space<vmem>>
        %dma_wait3A_869 = tpu.memref_squeeze %dma_wait3A_868 : memref<1x50xi32, #tpu.memory_space<vmem>> -> memref<50xi32, #tpu.memory_space<vmem>>
        %dma_wait3A_870 = arith.constant 0 : i32
        %dma_wait3A_871 = arith.constant 0 : i32
        %dma_wait3A_872 = tpu.memref_slice %arg13[%dma_wait3A_870, %dma_wait3A_871] : memref<10000x128xf32, #tpu.memory_space<vmem_shared>> -> memref<10000x128xf32, #tpu.memory_space<vmem_shared>>
        tpu.wait_indirect_dma semaphore(%arg24 : memref<!tpu.dma_semaphore, #tpu.memory_space<semaphore_mem>>) src(%arg12 : memref<50x128xf32, #tpu.memory_space<vmem>>) dst(%dma_wait3A_872 : memref<10000x128xf32, #tpu.memory_space<vmem_shared>>)
        %dma_wait3A_873 = arith.constant 0 : i32
        %dma_wait3A_874 = arith.constant 0 : i32
        %dma_wait3A_875 = tpu.memref_slice %arg7[%dma_wait3A_873, %dma_wait3A_874] : memref<10x50xi32, #tpu.memory_space<vmem>> -> memref<1x50xi32, #tpu.memory_space<vmem>>
        %dma_wait3A_876 = tpu.memref_squeeze %dma_wait3A_875 : memref<1x50xi32, #tpu.memory_space<vmem>> -> memref<50xi32, #tpu.memory_space<vmem>>
        %dma_wait3A_877 = arith.constant 0 : i32
        %dma_wait3A_878 = arith.constant 0 : i32
        %dma_wait3A_879 = tpu.memref_slice %arg25[%dma_wait3A_877, %dma_wait3A_878] : memref<10000x16xf32, #tpu.memory_space<vmem_shared>> -> memref<10000x16xf32, #tpu.memory_space<vmem_shared>>
        tpu.wait_indirect_dma semaphore(%arg24 : memref<!tpu.dma_semaphore, #tpu.memory_space<semaphore_mem>>) src(%arg26 : memref<50x16xf32, #tpu.memory_space<vmem>>) dst(%dma_wait3A_879 : memref<10000x16xf32, #tpu.memory_space<vmem_shared>>)
      } else {
      }
      %dma_start3A_556 = arith.constant 4 : i32
      %dma_start3A_557 = arith.constant 0 : i32
      %dma_start3A_558 = tpu.memref_slice %arg6[%dma_start3A_556, %dma_start3A_557] : memref<10x50xi32, #tpu.memory_space<vmem>> -> memref<1x50xi32, #tpu.memory_space<vmem>>
      %dma_start3A_559 = tpu.memref_squeeze %dma_start3A_558 : memref<1x50xi32, #tpu.memory_space<vmem>> -> memref<50xi32, #tpu.memory_space<vmem>>
      %dma_start3A_560 = arith.constant 0 : i32
      %dma_start3A_561 = arith.constant 0 : i32
      %dma_start3A_562 = tpu.memref_slice %arg2[%dma_start3A_560, %dma_start3A_561] : memref<10000x128xf32, #tpu.memory_space<hbm>> -> memref<10000x128xf32, #tpu.memory_space<hbm>>
      tpu.enqueue_indirect_dma source(%dma_start3A_562 : memref<10000x128xf32, #tpu.memory_space<hbm>>) target(%arg12 : memref<50x128xf32, #tpu.memory_space<vmem>>) offsets(%dma_start3A_559 : memref<50xi32, #tpu.memory_space<vmem>>) semaphore(%arg19 : memref<!tpu.dma_semaphore, #tpu.memory_space<semaphore_mem>>)
      %add3A_563 = arith.constant 1 : i32
      %add3A_564 = arith.addi %mul3A_503, %add3A_563 : i32
      %lt3A = arith.constant 40 : i32
      %lt3A_565 = arith.cmpi slt, %add3A_564, %lt3A : i32
      %convert_element_type3A_566 = arith.extui %lt3A_565 : i1 to i32
      %cond3A_567 = arith.constant 0 : i32
      %cond3A_568 = arith.cmpi ne, %convert_element_type3A_566, %cond3A_567 : i32
      scf.if %cond3A_568 {
        %add3A_866 = arith.constant 5 : i32
        %add3A_867 = arith.addi %mul3A_505, %add3A_866 : i32
        %add3A_868 = arith.constant 0 : i32
        %add3A_869 = arith.addi %add3A_867, %add3A_868 : i32
        %add3A_870 = arith.addi %mul3A_2, %add3A_869 : i32
        %dma_start3A_871 = arith.constant 0 : i32
        %dma_start3A_872 = arith.constant 5 : i32
        %dma_start3A_873 = arith.constant 0 : i32
        %dma_start3A_874 = tpu.memref_slice %arg6[%dma_start3A_872, %dma_start3A_873] : memref<10x50xi32, #tpu.memory_space<vmem>> -> memref<1x50xi32, #tpu.memory_space<vmem>>
        %dma_start3A_875 = tpu.memref_squeeze %dma_start3A_874 : memref<1x50xi32, #tpu.memory_space<vmem>> -> memref<50xi32, #tpu.memory_space<vmem>>
        %dma_start3A_876 = arith.constant 0 : i32
        %dma_start3A_877 = tpu.memref_slice %arg3[%dma_start3A_871, %add3A_870, %dma_start3A_876] : memref<2x6400x50xi32, #tpu.memory_space<hbm>> -> memref<1x1x50xi32, #tpu.memory_space<hbm>>
        %dma_start3A_878 = tpu.memref_squeeze %dma_start3A_877 : memref<1x1x50xi32, #tpu.memory_space<hbm>> -> memref<50xi32, #tpu.memory_space<hbm>>
        %dma_start3A_879 = arith.constant 0 : i32
        %dma_start3A_880 = tpu.memref_slice %arg6[%dma_start3A_872, %dma_start3A_879] : memref<10x50xi32, #tpu.memory_space<vmem>> -> memref<1x50xi32, #tpu.memory_space<vmem>>
        %dma_start3A_881 = tpu.memref_squeeze %dma_start3A_880 : memref<1x50xi32, #tpu.memory_space<vmem>> -> memref<50xi32, #tpu.memory_space<vmem>>
        %dma_start3A_882 = arith.constant 0 : i32
        %dma_start3A_883 = tpu.memref_slice %arg3[%dma_start3A_871, %add3A_870, %dma_start3A_882] : memref<2x6400x50xi32, #tpu.memory_space<hbm>> -> memref<1x1x50xi32, #tpu.memory_space<hbm>>
        %dma_start3A_884 = tpu.memref_squeeze %dma_start3A_883 : memref<1x1x50xi32, #tpu.memory_space<hbm>> -> memref<50xi32, #tpu.memory_space<hbm>>
        tpu.enqueue_dma source(%dma_start3A_884 : memref<50xi32, #tpu.memory_space<hbm>>) target(%dma_start3A_881 : memref<50xi32, #tpu.memory_space<vmem>>) target_semaphore(%arg14 : memref<!tpu.dma_semaphore, #tpu.memory_space<semaphore_mem>>)
        %add3A_885 = arith.addi %mul3A_2, %add3A_869 : i32
        %dma_start3A_886 = arith.constant 1 : i32
        %dma_start3A_887 = arith.constant 5 : i32
        %dma_start3A_888 = arith.constant 0 : i32
        %dma_start3A_889 = tpu.memref_slice %arg7[%dma_start3A_887, %dma_start3A_888] : memref<10x50xi32, #tpu.memory_space<vmem>> -> memref<1x50xi32, #tpu.memory_space<vmem>>
        %dma_start3A_890 = tpu.memref_squeeze %dma_start3A_889 : memref<1x50xi32, #tpu.memory_space<vmem>> -> memref<50xi32, #tpu.memory_space<vmem>>
        %dma_start3A_891 = arith.constant 0 : i32
        %dma_start3A_892 = tpu.memref_slice %arg3[%dma_start3A_886, %add3A_885, %dma_start3A_891] : memref<2x6400x50xi32, #tpu.memory_space<hbm>> -> memref<1x1x50xi32, #tpu.memory_space<hbm>>
        %dma_start3A_893 = tpu.memref_squeeze %dma_start3A_892 : memref<1x1x50xi32, #tpu.memory_space<hbm>> -> memref<50xi32, #tpu.memory_space<hbm>>
        %dma_start3A_894 = arith.constant 0 : i32
        %dma_start3A_895 = tpu.memref_slice %arg7[%dma_start3A_887, %dma_start3A_894] : memref<10x50xi32, #tpu.memory_space<vmem>> -> memref<1x50xi32, #tpu.memory_space<vmem>>
        %dma_start3A_896 = tpu.memref_squeeze %dma_start3A_895 : memref<1x50xi32, #tpu.memory_space<vmem>> -> memref<50xi32, #tpu.memory_space<vmem>>
        %dma_start3A_897 = arith.constant 0 : i32
        %dma_start3A_898 = tpu.memref_slice %arg3[%dma_start3A_886, %add3A_885, %dma_start3A_897] : memref<2x6400x50xi32, #tpu.memory_space<hbm>> -> memref<1x1x50xi32, #tpu.memory_space<hbm>>
        %dma_start3A_899 = tpu.memref_squeeze %dma_start3A_898 : memref<1x1x50xi32, #tpu.memory_space<hbm>> -> memref<50xi32, #tpu.memory_space<hbm>>
        tpu.enqueue_dma source(%dma_start3A_899 : memref<50xi32, #tpu.memory_space<hbm>>) target(%dma_start3A_896 : memref<50xi32, #tpu.memory_space<vmem>>) target_semaphore(%arg14 : memref<!tpu.dma_semaphore, #tpu.memory_space<semaphore_mem>>)
        %add3A_900 = arith.constant 5 : i32
        %add3A_901 = arith.addi %mul3A_505, %add3A_900 : i32
        %add3A_902 = arith.constant 1 : i32
        %add3A_903 = arith.addi %add3A_901, %add3A_902 : i32
        %add3A_904 = arith.addi %mul3A_2, %add3A_903 : i32
        %dma_start3A_905 = arith.constant 0 : i32
        %dma_start3A_906 = arith.constant 6 : i32
        %dma_start3A_907 = arith.constant 0 : i32
        %dma_start3A_908 = tpu.memref_slice %arg6[%dma_start3A_906, %dma_start3A_907] : memref<10x50xi32, #tpu.memory_space<vmem>> -> memref<1x50xi32, #tpu.memory_space<vmem>>
        %dma_start3A_909 = tpu.memref_squeeze %dma_start3A_908 : memref<1x50xi32, #tpu.memory_space<vmem>> -> memref<50xi32, #tpu.memory_space<vmem>>
        %dma_start3A_910 = arith.constant 0 : i32
        %dma_start3A_911 = tpu.memref_slice %arg3[%dma_start3A_905, %add3A_904, %dma_start3A_910] : memref<2x6400x50xi32, #tpu.memory_space<hbm>> -> memref<1x1x50xi32, #tpu.memory_space<hbm>>
        %dma_start3A_912 = tpu.memref_squeeze %dma_start3A_911 : memref<1x1x50xi32, #tpu.memory_space<hbm>> -> memref<50xi32, #tpu.memory_space<hbm>>
        %dma_start3A_913 = arith.constant 0 : i32
        %dma_start3A_914 = tpu.memref_slice %arg6[%dma_start3A_906, %dma_start3A_913] : memref<10x50xi32, #tpu.memory_space<vmem>> -> memref<1x50xi32, #tpu.memory_space<vmem>>
        %dma_start3A_915 = tpu.memref_squeeze %dma_start3A_914 : memref<1x50xi32, #tpu.memory_space<vmem>> -> memref<50xi32, #tpu.memory_space<vmem>>
        %dma_start3A_916 = arith.constant 0 : i32
        %dma_start3A_917 = tpu.memref_slice %arg3[%dma_start3A_905, %add3A_904, %dma_start3A_916] : memref<2x6400x50xi32, #tpu.memory_space<hbm>> -> memref<1x1x50xi32, #tpu.memory_space<hbm>>
        %dma_start3A_918 = tpu.memref_squeeze %dma_start3A_917 : memref<1x1x50xi32, #tpu.memory_space<hbm>> -> memref<50xi32, #tpu.memory_space<hbm>>
        tpu.enqueue_dma source(%dma_start3A_918 : memref<50xi32, #tpu.memory_space<hbm>>) target(%dma_start3A_915 : memref<50xi32, #tpu.memory_space<vmem>>) target_semaphore(%arg14 : memref<!tpu.dma_semaphore, #tpu.memory_space<semaphore_mem>>)
        %add3A_919 = arith.addi %mul3A_2, %add3A_903 : i32
        %dma_start3A_920 = arith.constant 1 : i32
        %dma_start3A_921 = arith.constant 6 : i32
        %dma_start3A_922 = arith.constant 0 : i32
        %dma_start3A_923 = tpu.memref_slice %arg7[%dma_start3A_921, %dma_start3A_922] : memref<10x50xi32, #tpu.memory_space<vmem>> -> memref<1x50xi32, #tpu.memory_space<vmem>>
        %dma_start3A_924 = tpu.memref_squeeze %dma_start3A_923 : memref<1x50xi32, #tpu.memory_space<vmem>> -> memref<50xi32, #tpu.memory_space<vmem>>
        %dma_start3A_925 = arith.constant 0 : i32
        %dma_start3A_926 = tpu.memref_slice %arg3[%dma_start3A_920, %add3A_919, %dma_start3A_925] : memref<2x6400x50xi32, #tpu.memory_space<hbm>> -> memref<1x1x50xi32, #tpu.memory_space<hbm>>
        %dma_start3A_927 = tpu.memref_squeeze %dma_start3A_926 : memref<1x1x50xi32, #tpu.memory_space<hbm>> -> memref<50xi32, #tpu.memory_space<hbm>>
        %dma_start3A_928 = arith.constant 0 : i32
        %dma_start3A_929 = tpu.memref_slice %arg7[%dma_start3A_921, %dma_start3A_928] : memref<10x50xi32, #tpu.memory_space<vmem>> -> memref<1x50xi32, #tpu.memory_space<vmem>>
        %dma_start3A_930 = tpu.memref_squeeze %dma_start3A_929 : memref<1x50xi32, #tpu.memory_space<vmem>> -> memref<50xi32, #tpu.memory_space<vmem>>
        %dma_start3A_931 = arith.constant 0 : i32
        %dma_start3A_932 = tpu.memref_slice %arg3[%dma_start3A_920, %add3A_919, %dma_start3A_931] : memref<2x6400x50xi32, #tpu.memory_space<hbm>> -> memref<1x1x50xi32, #tpu.memory_space<hbm>>
        %dma_start3A_933 = tpu.memref_squeeze %dma_start3A_932 : memref<1x1x50xi32, #tpu.memory_space<hbm>> -> memref<50xi32, #tpu.memory_space<hbm>>
        tpu.enqueue_dma source(%dma_start3A_933 : memref<50xi32, #tpu.memory_space<hbm>>) target(%dma_start3A_930 : memref<50xi32, #tpu.memory_space<vmem>>) target_semaphore(%arg14 : memref<!tpu.dma_semaphore, #tpu.memory_space<semaphore_mem>>)
        %add3A_934 = arith.constant 5 : i32
        %add3A_935 = arith.addi %mul3A_505, %add3A_934 : i32
        %add3A_936 = arith.constant 2 : i32
        %add3A_937 = arith.addi %add3A_935, %add3A_936 : i32
        %add3A_938 = arith.addi %mul3A_2, %add3A_937 : i32
        %dma_start3A_939 = arith.constant 0 : i32
        %dma_start3A_940 = arith.constant 7 : i32
        %dma_start3A_941 = arith.constant 0 : i32
        %dma_start3A_942 = tpu.memref_slice %arg6[%dma_start3A_940, %dma_start3A_941] : memref<10x50xi32, #tpu.memory_space<vmem>> -> memref<1x50xi32, #tpu.memory_space<vmem>>
        %dma_start3A_943 = tpu.memref_squeeze %dma_start3A_942 : memref<1x50xi32, #tpu.memory_space<vmem>> -> memref<50xi32, #tpu.memory_space<vmem>>
        %dma_start3A_944 = arith.constant 0 : i32
        %dma_start3A_945 = tpu.memref_slice %arg3[%dma_start3A_939, %add3A_938, %dma_start3A_944] : memref<2x6400x50xi32, #tpu.memory_space<hbm>> -> memref<1x1x50xi32, #tpu.memory_space<hbm>>
        %dma_start3A_946 = tpu.memref_squeeze %dma_start3A_945 : memref<1x1x50xi32, #tpu.memory_space<hbm>> -> memref<50xi32, #tpu.memory_space<hbm>>
        %dma_start3A_947 = arith.constant 0 : i32
        %dma_start3A_948 = tpu.memref_slice %arg6[%dma_start3A_940, %dma_start3A_947] : memref<10x50xi32, #tpu.memory_space<vmem>> -> memref<1x50xi32, #tpu.memory_space<vmem>>
        %dma_start3A_949 = tpu.memref_squeeze %dma_start3A_948 : memref<1x50xi32, #tpu.memory_space<vmem>> -> memref<50xi32, #tpu.memory_space<vmem>>
        %dma_start3A_950 = arith.constant 0 : i32
        %dma_start3A_951 = tpu.memref_slice %arg3[%dma_start3A_939, %add3A_938, %dma_start3A_950] : memref<2x6400x50xi32, #tpu.memory_space<hbm>> -> memref<1x1x50xi32, #tpu.memory_space<hbm>>
        %dma_start3A_952 = tpu.memref_squeeze %dma_start3A_951 : memref<1x1x50xi32, #tpu.memory_space<hbm>> -> memref<50xi32, #tpu.memory_space<hbm>>
        tpu.enqueue_dma source(%dma_start3A_952 : memref<50xi32, #tpu.memory_space<hbm>>) target(%dma_start3A_949 : memref<50xi32, #tpu.memory_space<vmem>>) target_semaphore(%arg14 : memref<!tpu.dma_semaphore, #tpu.memory_space<semaphore_mem>>)
        %add3A_953 = arith.addi %mul3A_2, %add3A_937 : i32
        %dma_start3A_954 = arith.constant 1 : i32
        %dma_start3A_955 = arith.constant 7 : i32
        %dma_start3A_956 = arith.constant 0 : i32
        %dma_start3A_957 = tpu.memref_slice %arg7[%dma_start3A_955, %dma_start3A_956] : memref<10x50xi32, #tpu.memory_space<vmem>> -> memref<1x50xi32, #tpu.memory_space<vmem>>
        %dma_start3A_958 = tpu.memref_squeeze %dma_start3A_957 : memref<1x50xi32, #tpu.memory_space<vmem>> -> memref<50xi32, #tpu.memory_space<vmem>>
        %dma_start3A_959 = arith.constant 0 : i32
        %dma_start3A_960 = tpu.memref_slice %arg3[%dma_start3A_954, %add3A_953, %dma_start3A_959] : memref<2x6400x50xi32, #tpu.memory_space<hbm>> -> memref<1x1x50xi32, #tpu.memory_space<hbm>>
        %dma_start3A_961 = tpu.memref_squeeze %dma_start3A_960 : memref<1x1x50xi32, #tpu.memory_space<hbm>> -> memref<50xi32, #tpu.memory_space<hbm>>
        %dma_start3A_962 = arith.constant 0 : i32
        %dma_start3A_963 = tpu.memref_slice %arg7[%dma_start3A_955, %dma_start3A_962] : memref<10x50xi32, #tpu.memory_space<vmem>> -> memref<1x50xi32, #tpu.memory_space<vmem>>
        %dma_start3A_964 = tpu.memref_squeeze %dma_start3A_963 : memref<1x50xi32, #tpu.memory_space<vmem>> -> memref<50xi32, #tpu.memory_space<vmem>>
        %dma_start3A_965 = arith.constant 0 : i32
        %dma_start3A_966 = tpu.memref_slice %arg3[%dma_start3A_954, %add3A_953, %dma_start3A_965] : memref<2x6400x50xi32, #tpu.memory_space<hbm>> -> memref<1x1x50xi32, #tpu.memory_space<hbm>>
        %dma_start3A_967 = tpu.memref_squeeze %dma_start3A_966 : memref<1x1x50xi32, #tpu.memory_space<hbm>> -> memref<50xi32, #tpu.memory_space<hbm>>
        tpu.enqueue_dma source(%dma_start3A_967 : memref<50xi32, #tpu.memory_space<hbm>>) target(%dma_start3A_964 : memref<50xi32, #tpu.memory_space<vmem>>) target_semaphore(%arg14 : memref<!tpu.dma_semaphore, #tpu.memory_space<semaphore_mem>>)
        %add3A_968 = arith.constant 5 : i32
        %add3A_969 = arith.addi %mul3A_505, %add3A_968 : i32
        %add3A_970 = arith.constant 3 : i32
        %add3A_971 = arith.addi %add3A_969, %add3A_970 : i32
        %add3A_972 = arith.addi %mul3A_2, %add3A_971 : i32
        %dma_start3A_973 = arith.constant 0 : i32
        %dma_start3A_974 = arith.constant 8 : i32
        %dma_start3A_975 = arith.constant 0 : i32
        %dma_start3A_976 = tpu.memref_slice %arg6[%dma_start3A_974, %dma_start3A_975] : memref<10x50xi32, #tpu.memory_space<vmem>> -> memref<1x50xi32, #tpu.memory_space<vmem>>
        %dma_start3A_977 = tpu.memref_squeeze %dma_start3A_976 : memref<1x50xi32, #tpu.memory_space<vmem>> -> memref<50xi32, #tpu.memory_space<vmem>>
        %dma_start3A_978 = arith.constant 0 : i32
        %dma_start3A_979 = tpu.memref_slice %arg3[%dma_start3A_973, %add3A_972, %dma_start3A_978] : memref<2x6400x50xi32, #tpu.memory_space<hbm>> -> memref<1x1x50xi32, #tpu.memory_space<hbm>>
        %dma_start3A_980 = tpu.memref_squeeze %dma_start3A_979 : memref<1x1x50xi32, #tpu.memory_space<hbm>> -> memref<50xi32, #tpu.memory_space<hbm>>
        %dma_start3A_981 = arith.constant 0 : i32
        %dma_start3A_982 = tpu.memref_slice %arg6[%dma_start3A_974, %dma_start3A_981] : memref<10x50xi32, #tpu.memory_space<vmem>> -> memref<1x50xi32, #tpu.memory_space<vmem>>
        %dma_start3A_983 = tpu.memref_squeeze %dma_start3A_982 : memref<1x50xi32, #tpu.memory_space<vmem>> -> memref<50xi32, #tpu.memory_space<vmem>>
        %dma_start3A_984 = arith.constant 0 : i32
        %dma_start3A_985 = tpu.memref_slice %arg3[%dma_start3A_973, %add3A_972, %dma_start3A_984] : memref<2x6400x50xi32, #tpu.memory_space<hbm>> -> memref<1x1x50xi32, #tpu.memory_space<hbm>>
        %dma_start3A_986 = tpu.memref_squeeze %dma_start3A_985 : memref<1x1x50xi32, #tpu.memory_space<hbm>> -> memref<50xi32, #tpu.memory_space<hbm>>
        tpu.enqueue_dma source(%dma_start3A_986 : memref<50xi32, #tpu.memory_space<hbm>>) target(%dma_start3A_983 : memref<50xi32, #tpu.memory_space<vmem>>) target_semaphore(%arg14 : memref<!tpu.dma_semaphore, #tpu.memory_space<semaphore_mem>>)
        %add3A_987 = arith.addi %mul3A_2, %add3A_971 : i32
        %dma_start3A_988 = arith.constant 1 : i32
        %dma_start3A_989 = arith.constant 8 : i32
        %dma_start3A_990 = arith.constant 0 : i32
        %dma_start3A_991 = tpu.memref_slice %arg7[%dma_start3A_989, %dma_start3A_990] : memref<10x50xi32, #tpu.memory_space<vmem>> -> memref<1x50xi32, #tpu.memory_space<vmem>>
        %dma_start3A_992 = tpu.memref_squeeze %dma_start3A_991 : memref<1x50xi32, #tpu.memory_space<vmem>> -> memref<50xi32, #tpu.memory_space<vmem>>
        %dma_start3A_993 = arith.constant 0 : i32
        %dma_start3A_994 = tpu.memref_slice %arg3[%dma_start3A_988, %add3A_987, %dma_start3A_993] : memref<2x6400x50xi32, #tpu.memory_space<hbm>> -> memref<1x1x50xi32, #tpu.memory_space<hbm>>
        %dma_start3A_995 = tpu.memref_squeeze %dma_start3A_994 : memref<1x1x50xi32, #tpu.memory_space<hbm>> -> memref<50xi32, #tpu.memory_space<hbm>>
        %dma_start3A_996 = arith.constant 0 : i32
        %dma_start3A_997 = tpu.memref_slice %arg7[%dma_start3A_989, %dma_start3A_996] : memref<10x50xi32, #tpu.memory_space<vmem>> -> memref<1x50xi32, #tpu.memory_space<vmem>>
        %dma_start3A_998 = tpu.memref_squeeze %dma_start3A_997 : memref<1x50xi32, #tpu.memory_space<vmem>> -> memref<50xi32, #tpu.memory_space<vmem>>
        %dma_start3A_999 = arith.constant 0 : i32
        %dma_start3A_1000 = tpu.memref_slice %arg3[%dma_start3A_988, %add3A_987, %dma_start3A_999] : memref<2x6400x50xi32, #tpu.memory_space<hbm>> -> memref<1x1x50xi32, #tpu.memory_space<hbm>>
        %dma_start3A_1001 = tpu.memref_squeeze %dma_start3A_1000 : memref<1x1x50xi32, #tpu.memory_space<hbm>> -> memref<50xi32, #tpu.memory_space<hbm>>
        tpu.enqueue_dma source(%dma_start3A_1001 : memref<50xi32, #tpu.memory_space<hbm>>) target(%dma_start3A_998 : memref<50xi32, #tpu.memory_space<vmem>>) target_semaphore(%arg14 : memref<!tpu.dma_semaphore, #tpu.memory_space<semaphore_mem>>)
        %add3A_1002 = arith.constant 5 : i32
        %add3A_1003 = arith.addi %mul3A_505, %add3A_1002 : i32
        %add3A_1004 = arith.constant 4 : i32
        %add3A_1005 = arith.addi %add3A_1003, %add3A_1004 : i32
        %add3A_1006 = arith.addi %mul3A_2, %add3A_1005 : i32
        %dma_start3A_1007 = arith.constant 0 : i32
        %dma_start3A_1008 = arith.constant 9 : i32
        %dma_start3A_1009 = arith.constant 0 : i32
        %dma_start3A_1010 = tpu.memref_slice %arg6[%dma_start3A_1008, %dma_start3A_1009] : memref<10x50xi32, #tpu.memory_space<vmem>> -> memref<1x50xi32, #tpu.memory_space<vmem>>
        %dma_start3A_1011 = tpu.memref_squeeze %dma_start3A_1010 : memref<1x50xi32, #tpu.memory_space<vmem>> -> memref<50xi32, #tpu.memory_space<vmem>>
        %dma_start3A_1012 = arith.constant 0 : i32
        %dma_start3A_1013 = tpu.memref_slice %arg3[%dma_start3A_1007, %add3A_1006, %dma_start3A_1012] : memref<2x6400x50xi32, #tpu.memory_space<hbm>> -> memref<1x1x50xi32, #tpu.memory_space<hbm>>
        %dma_start3A_1014 = tpu.memref_squeeze %dma_start3A_1013 : memref<1x1x50xi32, #tpu.memory_space<hbm>> -> memref<50xi32, #tpu.memory_space<hbm>>
        %dma_start3A_1015 = arith.constant 0 : i32
        %dma_start3A_1016 = tpu.memref_slice %arg6[%dma_start3A_1008, %dma_start3A_1015] : memref<10x50xi32, #tpu.memory_space<vmem>> -> memref<1x50xi32, #tpu.memory_space<vmem>>
        %dma_start3A_1017 = tpu.memref_squeeze %dma_start3A_1016 : memref<1x50xi32, #tpu.memory_space<vmem>> -> memref<50xi32, #tpu.memory_space<vmem>>
        %dma_start3A_1018 = arith.constant 0 : i32
        %dma_start3A_1019 = tpu.memref_slice %arg3[%dma_start3A_1007, %add3A_1006, %dma_start3A_1018] : memref<2x6400x50xi32, #tpu.memory_space<hbm>> -> memref<1x1x50xi32, #tpu.memory_space<hbm>>
        %dma_start3A_1020 = tpu.memref_squeeze %dma_start3A_1019 : memref<1x1x50xi32, #tpu.memory_space<hbm>> -> memref<50xi32, #tpu.memory_space<hbm>>
        tpu.enqueue_dma source(%dma_start3A_1020 : memref<50xi32, #tpu.memory_space<hbm>>) target(%dma_start3A_1017 : memref<50xi32, #tpu.memory_space<vmem>>) target_semaphore(%arg14 : memref<!tpu.dma_semaphore, #tpu.memory_space<semaphore_mem>>)
        %add3A_1021 = arith.addi %mul3A_2, %add3A_1005 : i32
        %dma_start3A_1022 = arith.constant 1 : i32
        %dma_start3A_1023 = arith.constant 9 : i32
        %dma_start3A_1024 = arith.constant 0 : i32
        %dma_start3A_1025 = tpu.memref_slice %arg7[%dma_start3A_1023, %dma_start3A_1024] : memref<10x50xi32, #tpu.memory_space<vmem>> -> memref<1x50xi32, #tpu.memory_space<vmem>>
        %dma_start3A_1026 = tpu.memref_squeeze %dma_start3A_1025 : memref<1x50xi32, #tpu.memory_space<vmem>> -> memref<50xi32, #tpu.memory_space<vmem>>
        %dma_start3A_1027 = arith.constant 0 : i32
        %dma_start3A_1028 = tpu.memref_slice %arg3[%dma_start3A_1022, %add3A_1021, %dma_start3A_1027] : memref<2x6400x50xi32, #tpu.memory_space<hbm>> -> memref<1x1x50xi32, #tpu.memory_space<hbm>>
        %dma_start3A_1029 = tpu.memref_squeeze %dma_start3A_1028 : memref<1x1x50xi32, #tpu.memory_space<hbm>> -> memref<50xi32, #tpu.memory_space<hbm>>
        %dma_start3A_1030 = arith.constant 0 : i32
        %dma_start3A_1031 = tpu.memref_slice %arg7[%dma_start3A_1023, %dma_start3A_1030] : memref<10x50xi32, #tpu.memory_space<vmem>> -> memref<1x50xi32, #tpu.memory_space<vmem>>
        %dma_start3A_1032 = tpu.memref_squeeze %dma_start3A_1031 : memref<1x50xi32, #tpu.memory_space<vmem>> -> memref<50xi32, #tpu.memory_space<vmem>>
        %dma_start3A_1033 = arith.constant 0 : i32
        %dma_start3A_1034 = tpu.memref_slice %arg3[%dma_start3A_1022, %add3A_1021, %dma_start3A_1033] : memref<2x6400x50xi32, #tpu.memory_space<hbm>> -> memref<1x1x50xi32, #tpu.memory_space<hbm>>
        %dma_start3A_1035 = tpu.memref_squeeze %dma_start3A_1034 : memref<1x1x50xi32, #tpu.memory_space<hbm>> -> memref<50xi32, #tpu.memory_space<hbm>>
        tpu.enqueue_dma source(%dma_start3A_1035 : memref<50xi32, #tpu.memory_space<hbm>>) target(%dma_start3A_1032 : memref<50xi32, #tpu.memory_space<vmem>>) target_semaphore(%arg14 : memref<!tpu.dma_semaphore, #tpu.memory_space<semaphore_mem>>)
      } else {
      }
      %dma_wait3A_569 = arith.constant 0 : i32
      %dma_wait3A_570 = arith.constant 0 : i32
      %dma_wait3A_571 = tpu.memref_slice %arg6[%dma_wait3A_569, %dma_wait3A_570] : memref<10x50xi32, #tpu.memory_space<vmem>> -> memref<1x50xi32, #tpu.memory_space<vmem>>
      %dma_wait3A_572 = tpu.memref_squeeze %dma_wait3A_571 : memref<1x50xi32, #tpu.memory_space<vmem>> -> memref<50xi32, #tpu.memory_space<vmem>>
      %dma_wait3A_573 = arith.constant 0 : i32
      %dma_wait3A_574 = arith.constant 0 : i32
      %dma_wait3A_575 = tpu.memref_slice %arg2[%dma_wait3A_573, %dma_wait3A_574] : memref<10000x128xf32, #tpu.memory_space<hbm>> -> memref<10000x128xf32, #tpu.memory_space<hbm>>
      tpu.wait_indirect_dma semaphore(%arg15 : memref<!tpu.dma_semaphore, #tpu.memory_space<semaphore_mem>>) src(%dma_wait3A_575 : memref<10000x128xf32, #tpu.memory_space<hbm>>) dst(%arg8 : memref<50x128xf32, #tpu.memory_space<vmem>>)
      %dma_start3A_576 = arith.constant 0 : i32
      %dma_start3A_577 = arith.constant 0 : i32
      %dma_start3A_578 = tpu.memref_slice %arg7[%dma_start3A_576, %dma_start3A_577] : memref<10x50xi32, #tpu.memory_space<vmem>> -> memref<1x50xi32, #tpu.memory_space<vmem>>
      %dma_start3A_579 = tpu.memref_squeeze %dma_start3A_578 : memref<1x50xi32, #tpu.memory_space<vmem>> -> memref<50xi32, #tpu.memory_space<vmem>>
      %dma_start3A_580 = arith.constant 0 : i32
      %dma_start3A_581 = arith.constant 0 : i32
      %dma_start3A_582 = tpu.memref_slice %arg13[%dma_start3A_580, %dma_start3A_581] : memref<10000x128xf32, #tpu.memory_space<vmem_shared>> -> memref<10000x128xf32, #tpu.memory_space<vmem_shared>>
      tpu.enqueue_indirect_dma source(%arg8 : memref<50x128xf32, #tpu.memory_space<vmem>>) target(%dma_start3A_582 : memref<10000x128xf32, #tpu.memory_space<vmem_shared>>) offsets(%dma_start3A_579 : memref<50xi32, #tpu.memory_space<vmem>>) semaphore(%arg20 : memref<!tpu.dma_semaphore, #tpu.memory_space<semaphore_mem>>) {add = true}
      %dma_start3A_583 = arith.constant 0 : i32
      %dma_start3A_584 = arith.constant 0 : i32
      %dma_start3A_585 = tpu.memref_slice %arg7[%dma_start3A_583, %dma_start3A_584] : memref<10x50xi32, #tpu.memory_space<vmem>> -> memref<1x50xi32, #tpu.memory_space<vmem>>
      %dma_start3A_586 = tpu.memref_squeeze %dma_start3A_585 : memref<1x50xi32, #tpu.memory_space<vmem>> -> memref<50xi32, #tpu.memory_space<vmem>>
      %dma_start3A_587 = arith.constant 0 : i32
      %dma_start3A_588 = arith.constant 0 : i32
      %dma_start3A_589 = tpu.memref_slice %arg25[%dma_start3A_587, %dma_start3A_588] : memref<10000x16xf32, #tpu.memory_space<vmem_shared>> -> memref<10000x16xf32, #tpu.memory_space<vmem_shared>>
      tpu.enqueue_indirect_dma source(%arg26 : memref<50x16xf32, #tpu.memory_space<vmem>>) target(%dma_start3A_589 : memref<10000x16xf32, #tpu.memory_space<vmem_shared>>) offsets(%dma_start3A_586 : memref<50xi32, #tpu.memory_space<vmem>>) semaphore(%arg20 : memref<!tpu.dma_semaphore, #tpu.memory_space<semaphore_mem>>) {add = true}
      %dma_wait3A_590 = arith.constant 0 : i32
      %dma_wait3A_591 = arith.constant 0 : i32
      %dma_wait3A_592 = tpu.memref_slice %arg6[%dma_wait3A_590, %dma_wait3A_591] : memref<10x50xi32, #tpu.memory_space<vmem>> -> memref<1x50xi32, #tpu.memory_space<vmem>>
      %dma_wait3A_593 = tpu.memref_squeeze %dma_wait3A_592 : memref<1x50xi32, #tpu.memory_space<vmem>> -> memref<50xi32, #tpu.memory_space<vmem>>
      %dma_wait3A_594 = arith.constant 0 : i32
      %dma_wait3A_595 = arith.constant 0 : i32
      %dma_wait3A_596 = tpu.memref_slice %arg2[%dma_wait3A_594, %dma_wait3A_595] : memref<10000x128xf32, #tpu.memory_space<hbm>> -> memref<10000x128xf32, #tpu.memory_space<hbm>>
      tpu.wait_indirect_dma semaphore(%arg16 : memref<!tpu.dma_semaphore, #tpu.memory_space<semaphore_mem>>) src(%dma_wait3A_596 : memref<10000x128xf32, #tpu.memory_space<hbm>>) dst(%arg9 : memref<50x128xf32, #tpu.memory_space<vmem>>)
      %dma_start3A_597 = arith.constant 1 : i32
      %dma_start3A_598 = arith.constant 0 : i32
      %dma_start3A_599 = tpu.memref_slice %arg7[%dma_start3A_597, %dma_start3A_598] : memref<10x50xi32, #tpu.memory_space<vmem>> -> memref<1x50xi32, #tpu.memory_space<vmem>>
      %dma_start3A_600 = tpu.memref_squeeze %dma_start3A_599 : memref<1x50xi32, #tpu.memory_space<vmem>> -> memref<50xi32, #tpu.memory_space<vmem>>
      %dma_start3A_601 = arith.constant 0 : i32
      %dma_start3A_602 = arith.constant 0 : i32
      %dma_start3A_603 = tpu.memref_slice %arg13[%dma_start3A_601, %dma_start3A_602] : memref<10000x128xf32, #tpu.memory_space<vmem_shared>> -> memref<10000x128xf32, #tpu.memory_space<vmem_shared>>
      tpu.enqueue_indirect_dma source(%arg9 : memref<50x128xf32, #tpu.memory_space<vmem>>) target(%dma_start3A_603 : memref<10000x128xf32, #tpu.memory_space<vmem_shared>>) offsets(%dma_start3A_600 : memref<50xi32, #tpu.memory_space<vmem>>) semaphore(%arg21 : memref<!tpu.dma_semaphore, #tpu.memory_space<semaphore_mem>>) {add = true}
      %dma_start3A_604 = arith.constant 1 : i32
      %dma_start3A_605 = arith.constant 0 : i32
      %dma_start3A_606 = tpu.memref_slice %arg7[%dma_start3A_604, %dma_start3A_605] : memref<10x50xi32, #tpu.memory_space<vmem>> -> memref<1x50xi32, #tpu.memory_space<vmem>>
      %dma_start3A_607 = tpu.memref_squeeze %dma_start3A_606 : memref<1x50xi32, #tpu.memory_space<vmem>> -> memref<50xi32, #tpu.memory_space<vmem>>
      %dma_start3A_608 = arith.constant 0 : i32
      %dma_start3A_609 = arith.constant 0 : i32
      %dma_start3A_610 = tpu.memref_slice %arg25[%dma_start3A_608, %dma_start3A_609] : memref<10000x16xf32, #tpu.memory_space<vmem_shared>> -> memref<10000x16xf32, #tpu.memory_space<vmem_shared>>
      tpu.enqueue_indirect_dma source(%arg26 : memref<50x16xf32, #tpu.memory_space<vmem>>) target(%dma_start3A_610 : memref<10000x16xf32, #tpu.memory_space<vmem_shared>>) offsets(%dma_start3A_607 : memref<50xi32, #tpu.memory_space<vmem>>) semaphore(%arg21 : memref<!tpu.dma_semaphore, #tpu.memory_space<semaphore_mem>>) {add = true}
      %dma_wait3A_611 = arith.constant 0 : i32
      %dma_wait3A_612 = arith.constant 0 : i32
      %dma_wait3A_613 = tpu.memref_slice %arg6[%dma_wait3A_611, %dma_wait3A_612] : memref<10x50xi32, #tpu.memory_space<vmem>> -> memref<1x50xi32, #tpu.memory_space<vmem>>
      %dma_wait3A_614 = tpu.memref_squeeze %dma_wait3A_613 : memref<1x50xi32, #tpu.memory_space<vmem>> -> memref<50xi32, #tpu.memory_space<vmem>>
      %dma_wait3A_615 = arith.constant 0 : i32
      %dma_wait3A_616 = arith.constant 0 : i32
      %dma_wait3A_617 = tpu.memref_slice %arg2[%dma_wait3A_615, %dma_wait3A_616] : memref<10000x128xf32, #tpu.memory_space<hbm>> -> memref<10000x128xf32, #tpu.memory_space<hbm>>
      tpu.wait_indirect_dma semaphore(%arg17 : memref<!tpu.dma_semaphore, #tpu.memory_space<semaphore_mem>>) src(%dma_wait3A_617 : memref<10000x128xf32, #tpu.memory_space<hbm>>) dst(%arg10 : memref<50x128xf32, #tpu.memory_space<vmem>>)
      %dma_start3A_618 = arith.constant 2 : i32
      %dma_start3A_619 = arith.constant 0 : i32
      %dma_start3A_620 = tpu.memref_slice %arg7[%dma_start3A_618, %dma_start3A_619] : memref<10x50xi32, #tpu.memory_space<vmem>> -> memref<1x50xi32, #tpu.memory_space<vmem>>
      %dma_start3A_621 = tpu.memref_squeeze %dma_start3A_620 : memref<1x50xi32, #tpu.memory_space<vmem>> -> memref<50xi32, #tpu.memory_space<vmem>>
      %dma_start3A_622 = arith.constant 0 : i32
      %dma_start3A_623 = arith.constant 0 : i32
      %dma_start3A_624 = tpu.memref_slice %arg13[%dma_start3A_622, %dma_start3A_623] : memref<10000x128xf32, #tpu.memory_space<vmem_shared>> -> memref<10000x128xf32, #tpu.memory_space<vmem_shared>>
      tpu.enqueue_indirect_dma source(%arg10 : memref<50x128xf32, #tpu.memory_space<vmem>>) target(%dma_start3A_624 : memref<10000x128xf32, #tpu.memory_space<vmem_shared>>) offsets(%dma_start3A_621 : memref<50xi32, #tpu.memory_space<vmem>>) semaphore(%arg22 : memref<!tpu.dma_semaphore, #tpu.memory_space<semaphore_mem>>) {add = true}
      %dma_start3A_625 = arith.constant 2 : i32
      %dma_start3A_626 = arith.constant 0 : i32
      %dma_start3A_627 = tpu.memref_slice %arg7[%dma_start3A_625, %dma_start3A_626] : memref<10x50xi32, #tpu.memory_space<vmem>> -> memref<1x50xi32, #tpu.memory_space<vmem>>
      %dma_start3A_628 = tpu.memref_squeeze %dma_start3A_627 : memref<1x50xi32, #tpu.memory_space<vmem>> -> memref<50xi32, #tpu.memory_space<vmem>>
      %dma_start3A_629 = arith.constant 0 : i32
      %dma_start3A_630 = arith.constant 0 : i32
      %dma_start3A_631 = tpu.memref_slice %arg25[%dma_start3A_629, %dma_start3A_630] : memref<10000x16xf32, #tpu.memory_space<vmem_shared>> -> memref<10000x16xf32, #tpu.memory_space<vmem_shared>>
      tpu.enqueue_indirect_dma source(%arg26 : memref<50x16xf32, #tpu.memory_space<vmem>>) target(%dma_start3A_631 : memref<10000x16xf32, #tpu.memory_space<vmem_shared>>) offsets(%dma_start3A_628 : memref<50xi32, #tpu.memory_space<vmem>>) semaphore(%arg22 : memref<!tpu.dma_semaphore, #tpu.memory_space<semaphore_mem>>) {add = true}
      %dma_wait3A_632 = arith.constant 0 : i32
      %dma_wait3A_633 = arith.constant 0 : i32
      %dma_wait3A_634 = tpu.memref_slice %arg6[%dma_wait3A_632, %dma_wait3A_633] : memref<10x50xi32, #tpu.memory_space<vmem>> -> memref<1x50xi32, #tpu.memory_space<vmem>>
      %dma_wait3A_635 = tpu.memref_squeeze %dma_wait3A_634 : memref<1x50xi32, #tpu.memory_space<vmem>> -> memref<50xi32, #tpu.memory_space<vmem>>
      %dma_wait3A_636 = arith.constant 0 : i32
      %dma_wait3A_637 = arith.constant 0 : i32
      %dma_wait3A_638 = tpu.memref_slice %arg2[%dma_wait3A_636, %dma_wait3A_637] : memref<10000x128xf32, #tpu.memory_space<hbm>> -> memref<10000x128xf32, #tpu.memory_space<hbm>>
      tpu.wait_indirect_dma semaphore(%arg18 : memref<!tpu.dma_semaphore, #tpu.memory_space<semaphore_mem>>) src(%dma_wait3A_638 : memref<10000x128xf32, #tpu.memory_space<hbm>>) dst(%arg11 : memref<50x128xf32, #tpu.memory_space<vmem>>)
      %dma_start3A_639 = arith.constant 3 : i32
      %dma_start3A_640 = arith.constant 0 : i32
      %dma_start3A_641 = tpu.memref_slice %arg7[%dma_start3A_639, %dma_start3A_640] : memref<10x50xi32, #tpu.memory_space<vmem>> -> memref<1x50xi32, #tpu.memory_space<vmem>>
      %dma_start3A_642 = tpu.memref_squeeze %dma_start3A_641 : memref<1x50xi32, #tpu.memory_space<vmem>> -> memref<50xi32, #tpu.memory_space<vmem>>
      %dma_start3A_643 = arith.constant 0 : i32
      %dma_start3A_644 = arith.constant 0 : i32
      %dma_start3A_645 = tpu.memref_slice %arg13[%dma_start3A_643, %dma_start3A_644] : memref<10000x128xf32, #tpu.memory_space<vmem_shared>> -> memref<10000x128xf32, #tpu.memory_space<vmem_shared>>
      tpu.enqueue_indirect_dma source(%arg11 : memref<50x128xf32, #tpu.memory_space<vmem>>) target(%dma_start3A_645 : memref<10000x128xf32, #tpu.memory_space<vmem_shared>>) offsets(%dma_start3A_642 : memref<50xi32, #tpu.memory_space<vmem>>) semaphore(%arg23 : memref<!tpu.dma_semaphore, #tpu.memory_space<semaphore_mem>>) {add = true}
      %dma_start3A_646 = arith.constant 3 : i32
      %dma_start3A_647 = arith.constant 0 : i32
      %dma_start3A_648 = tpu.memref_slice %arg7[%dma_start3A_646, %dma_start3A_647] : memref<10x50xi32, #tpu.memory_space<vmem>> -> memref<1x50xi32, #tpu.memory_space<vmem>>
      %dma_start3A_649 = tpu.memref_squeeze %dma_start3A_648 : memref<1x50xi32, #tpu.memory_space<vmem>> -> memref<50xi32, #tpu.memory_space<vmem>>
      %dma_start3A_650 = arith.constant 0 : i32
      %dma_start3A_651 = arith.constant 0 : i32
      %dma_start3A_652 = tpu.memref_slice %arg25[%dma_start3A_650, %dma_start3A_651] : memref<10000x16xf32, #tpu.memory_space<vmem_shared>> -> memref<10000x16xf32, #tpu.memory_space<vmem_shared>>
      tpu.enqueue_indirect_dma source(%arg26 : memref<50x16xf32, #tpu.memory_space<vmem>>) target(%dma_start3A_652 : memref<10000x16xf32, #tpu.memory_space<vmem_shared>>) offsets(%dma_start3A_649 : memref<50xi32, #tpu.memory_space<vmem>>) semaphore(%arg23 : memref<!tpu.dma_semaphore, #tpu.memory_space<semaphore_mem>>) {add = true}
      %dma_wait3A_653 = arith.constant 0 : i32
      %dma_wait3A_654 = arith.constant 0 : i32
      %dma_wait3A_655 = tpu.memref_slice %arg6[%dma_wait3A_653, %dma_wait3A_654] : memref<10x50xi32, #tpu.memory_space<vmem>> -> memref<1x50xi32, #tpu.memory_space<vmem>>
      %dma_wait3A_656 = tpu.memref_squeeze %dma_wait3A_655 : memref<1x50xi32, #tpu.memory_space<vmem>> -> memref<50xi32, #tpu.memory_space<vmem>>
      %dma_wait3A_657 = arith.constant 0 : i32
      %dma_wait3A_658 = arith.constant 0 : i32
      %dma_wait3A_659 = tpu.memref_slice %arg2[%dma_wait3A_657, %dma_wait3A_658] : memref<10000x128xf32, #tpu.memory_space<hbm>> -> memref<10000x128xf32, #tpu.memory_space<hbm>>
      tpu.wait_indirect_dma semaphore(%arg19 : memref<!tpu.dma_semaphore, #tpu.memory_space<semaphore_mem>>) src(%dma_wait3A_659 : memref<10000x128xf32, #tpu.memory_space<hbm>>) dst(%arg12 : memref<50x128xf32, #tpu.memory_space<vmem>>)
      %dma_start3A_660 = arith.constant 4 : i32
      %dma_start3A_661 = arith.constant 0 : i32
      %dma_start3A_662 = tpu.memref_slice %arg7[%dma_start3A_660, %dma_start3A_661] : memref<10x50xi32, #tpu.memory_space<vmem>> -> memref<1x50xi32, #tpu.memory_space<vmem>>
      %dma_start3A_663 = tpu.memref_squeeze %dma_start3A_662 : memref<1x50xi32, #tpu.memory_space<vmem>> -> memref<50xi32, #tpu.memory_space<vmem>>
      %dma_start3A_664 = arith.constant 0 : i32
      %dma_start3A_665 = arith.constant 0 : i32
      %dma_start3A_666 = tpu.memref_slice %arg13[%dma_start3A_664, %dma_start3A_665] : memref<10000x128xf32, #tpu.memory_space<vmem_shared>> -> memref<10000x128xf32, #tpu.memory_space<vmem_shared>>
      tpu.enqueue_indirect_dma source(%arg12 : memref<50x128xf32, #tpu.memory_space<vmem>>) target(%dma_start3A_666 : memref<10000x128xf32, #tpu.memory_space<vmem_shared>>) offsets(%dma_start3A_663 : memref<50xi32, #tpu.memory_space<vmem>>) semaphore(%arg24 : memref<!tpu.dma_semaphore, #tpu.memory_space<semaphore_mem>>) {add = true}
      %dma_start3A_667 = arith.constant 4 : i32
      %dma_start3A_668 = arith.constant 0 : i32
      %dma_start3A_669 = tpu.memref_slice %arg7[%dma_start3A_667, %dma_start3A_668] : memref<10x50xi32, #tpu.memory_space<vmem>> -> memref<1x50xi32, #tpu.memory_space<vmem>>
      %dma_start3A_670 = tpu.memref_squeeze %dma_start3A_669 : memref<1x50xi32, #tpu.memory_space<vmem>> -> memref<50xi32, #tpu.memory_space<vmem>>
      %dma_start3A_671 = arith.constant 0 : i32
      %dma_start3A_672 = arith.constant 0 : i32
      %dma_start3A_673 = tpu.memref_slice %arg25[%dma_start3A_671, %dma_start3A_672] : memref<10000x16xf32, #tpu.memory_space<vmem_shared>> -> memref<10000x16xf32, #tpu.memory_space<vmem_shared>>
      tpu.enqueue_indirect_dma source(%arg26 : memref<50x16xf32, #tpu.memory_space<vmem>>) target(%dma_start3A_673 : memref<10000x16xf32, #tpu.memory_space<vmem_shared>>) offsets(%dma_start3A_670 : memref<50xi32, #tpu.memory_space<vmem>>) semaphore(%arg24 : memref<!tpu.dma_semaphore, #tpu.memory_space<semaphore_mem>>) {add = true}
      %add3A_674 = arith.constant 1 : i32
      %add3A_675 = arith.addi %mul3A_503, %add3A_674 : i32
      %lt3A_676 = arith.constant 40 : i32
      %lt3A_677 = arith.cmpi slt, %add3A_675, %lt3A_676 : i32
      %convert_element_type3A_678 = arith.extui %lt3A_677 : i1 to i32
      %cond3A_679 = arith.constant 0 : i32
      %cond3A_680 = arith.cmpi ne, %convert_element_type3A_678, %cond3A_679 : i32
      scf.if %cond3A_680 {
        %dma_wait3A_866 = arith.constant 0 : i32
        %dma_wait3A_867 = arith.constant 0 : i32
        %dma_wait3A_868 = arith.constant 0 : i32
        %dma_wait3A_869 = arith.constant 0 : i32
        %dma_wait3A_870 = tpu.memref_slice %arg6[%dma_wait3A_868, %dma_wait3A_869] : memref<10x50xi32, #tpu.memory_space<vmem>> -> memref<1x50xi32, #tpu.memory_space<vmem>>
        %dma_wait3A_871 = tpu.memref_squeeze %dma_wait3A_870 : memref<1x50xi32, #tpu.memory_space<vmem>> -> memref<50xi32, #tpu.memory_space<vmem>>
        %dma_wait3A_872 = arith.constant 0 : i32
        %dma_wait3A_873 = tpu.memref_slice %arg3[%dma_wait3A_866, %dma_wait3A_867, %dma_wait3A_872] : memref<2x6400x50xi32, #tpu.memory_space<hbm>> -> memref<1x1x50xi32, #tpu.memory_space<hbm>>
        %dma_wait3A_874 = tpu.memref_squeeze %dma_wait3A_873 : memref<1x1x50xi32, #tpu.memory_space<hbm>> -> memref<50xi32, #tpu.memory_space<hbm>>
        %dma_wait3A_875 = arith.constant 0 : i32
        %dma_wait3A_876 = tpu.memref_slice %arg6[%dma_wait3A_868, %dma_wait3A_875] : memref<10x50xi32, #tpu.memory_space<vmem>> -> memref<1x50xi32, #tpu.memory_space<vmem>>
        %dma_wait3A_877 = tpu.memref_squeeze %dma_wait3A_876 : memref<1x50xi32, #tpu.memory_space<vmem>> -> memref<50xi32, #tpu.memory_space<vmem>>
        %dma_wait3A_878 = arith.constant 0 : i32
        %dma_wait3A_879 = tpu.memref_slice %arg3[%dma_wait3A_866, %dma_wait3A_867, %dma_wait3A_878] : memref<2x6400x50xi32, #tpu.memory_space<hbm>> -> memref<1x1x50xi32, #tpu.memory_space<hbm>>
        %dma_wait3A_880 = tpu.memref_squeeze %dma_wait3A_879 : memref<1x1x50xi32, #tpu.memory_space<hbm>> -> memref<50xi32, #tpu.memory_space<hbm>>
        tpu.wait_dma2 semaphore(%arg14 : memref<!tpu.dma_semaphore, #tpu.memory_space<semaphore_mem>>) src(%dma_wait3A_880 : memref<50xi32, #tpu.memory_space<hbm>>) dst(%dma_wait3A_877 : memref<50xi32, #tpu.memory_space<vmem>>)
        %dma_wait3A_881 = arith.constant 0 : i32
        %dma_wait3A_882 = arith.constant 0 : i32
        %dma_wait3A_883 = arith.constant 0 : i32
        %dma_wait3A_884 = arith.constant 0 : i32
        %dma_wait3A_885 = tpu.memref_slice %arg7[%dma_wait3A_883, %dma_wait3A_884] : memref<10x50xi32, #tpu.memory_space<vmem>> -> memref<1x50xi32, #tpu.memory_space<vmem>>
        %dma_wait3A_886 = tpu.memref_squeeze %dma_wait3A_885 : memref<1x50xi32, #tpu.memory_space<vmem>> -> memref<50xi32, #tpu.memory_space<vmem>>
        %dma_wait3A_887 = arith.constant 0 : i32
        %dma_wait3A_888 = tpu.memref_slice %arg3[%dma_wait3A_881, %dma_wait3A_882, %dma_wait3A_887] : memref<2x6400x50xi32, #tpu.memory_space<hbm>> -> memref<1x1x50xi32, #tpu.memory_space<hbm>>
        %dma_wait3A_889 = tpu.memref_squeeze %dma_wait3A_888 : memref<1x1x50xi32, #tpu.memory_space<hbm>> -> memref<50xi32, #tpu.memory_space<hbm>>
        %dma_wait3A_890 = arith.constant 0 : i32
        %dma_wait3A_891 = tpu.memref_slice %arg7[%dma_wait3A_883, %dma_wait3A_890] : memref<10x50xi32, #tpu.memory_space<vmem>> -> memref<1x50xi32, #tpu.memory_space<vmem>>
        %dma_wait3A_892 = tpu.memref_squeeze %dma_wait3A_891 : memref<1x50xi32, #tpu.memory_space<vmem>> -> memref<50xi32, #tpu.memory_space<vmem>>
        %dma_wait3A_893 = arith.constant 0 : i32
        %dma_wait3A_894 = tpu.memref_slice %arg3[%dma_wait3A_881, %dma_wait3A_882, %dma_wait3A_893] : memref<2x6400x50xi32, #tpu.memory_space<hbm>> -> memref<1x1x50xi32, #tpu.memory_space<hbm>>
        %dma_wait3A_895 = tpu.memref_squeeze %dma_wait3A_894 : memref<1x1x50xi32, #tpu.memory_space<hbm>> -> memref<50xi32, #tpu.memory_space<hbm>>
        tpu.wait_dma2 semaphore(%arg14 : memref<!tpu.dma_semaphore, #tpu.memory_space<semaphore_mem>>) src(%dma_wait3A_895 : memref<50xi32, #tpu.memory_space<hbm>>) dst(%dma_wait3A_892 : memref<50xi32, #tpu.memory_space<vmem>>)
        %dma_wait3A_896 = arith.constant 0 : i32
        %dma_wait3A_897 = arith.constant 0 : i32
        %dma_wait3A_898 = arith.constant 0 : i32
        %dma_wait3A_899 = arith.constant 0 : i32
        %dma_wait3A_900 = tpu.memref_slice %arg6[%dma_wait3A_898, %dma_wait3A_899] : memref<10x50xi32, #tpu.memory_space<vmem>> -> memref<1x50xi32, #tpu.memory_space<vmem>>
        %dma_wait3A_901 = tpu.memref_squeeze %dma_wait3A_900 : memref<1x50xi32, #tpu.memory_space<vmem>> -> memref<50xi32, #tpu.memory_space<vmem>>
        %dma_wait3A_902 = arith.constant 0 : i32
        %dma_wait3A_903 = tpu.memref_slice %arg3[%dma_wait3A_896, %dma_wait3A_897, %dma_wait3A_902] : memref<2x6400x50xi32, #tpu.memory_space<hbm>> -> memref<1x1x50xi32, #tpu.memory_space<hbm>>
        %dma_wait3A_904 = tpu.memref_squeeze %dma_wait3A_903 : memref<1x1x50xi32, #tpu.memory_space<hbm>> -> memref<50xi32, #tpu.memory_space<hbm>>
        %dma_wait3A_905 = arith.constant 0 : i32
        %dma_wait3A_906 = tpu.memref_slice %arg6[%dma_wait3A_898, %dma_wait3A_905] : memref<10x50xi32, #tpu.memory_space<vmem>> -> memref<1x50xi32, #tpu.memory_space<vmem>>
        %dma_wait3A_907 = tpu.memref_squeeze %dma_wait3A_906 : memref<1x50xi32, #tpu.memory_space<vmem>> -> memref<50xi32, #tpu.memory_space<vmem>>
        %dma_wait3A_908 = arith.constant 0 : i32
        %dma_wait3A_909 = tpu.memref_slice %arg3[%dma_wait3A_896, %dma_wait3A_897, %dma_wait3A_908] : memref<2x6400x50xi32, #tpu.memory_space<hbm>> -> memref<1x1x50xi32, #tpu.memory_space<hbm>>
        %dma_wait3A_910 = tpu.memref_squeeze %dma_wait3A_909 : memref<1x1x50xi32, #tpu.memory_space<hbm>> -> memref<50xi32, #tpu.memory_space<hbm>>
        tpu.wait_dma2 semaphore(%arg14 : memref<!tpu.dma_semaphore, #tpu.memory_space<semaphore_mem>>) src(%dma_wait3A_910 : memref<50xi32, #tpu.memory_space<hbm>>) dst(%dma_wait3A_907 : memref<50xi32, #tpu.memory_space<vmem>>)
        %dma_wait3A_911 = arith.constant 0 : i32
        %dma_wait3A_912 = arith.constant 0 : i32
        %dma_wait3A_913 = arith.constant 0 : i32
        %dma_wait3A_914 = arith.constant 0 : i32
        %dma_wait3A_915 = tpu.memref_slice %arg7[%dma_wait3A_913, %dma_wait3A_914] : memref<10x50xi32, #tpu.memory_space<vmem>> -> memref<1x50xi32, #tpu.memory_space<vmem>>
        %dma_wait3A_916 = tpu.memref_squeeze %dma_wait3A_915 : memref<1x50xi32, #tpu.memory_space<vmem>> -> memref<50xi32, #tpu.memory_space<vmem>>
        %dma_wait3A_917 = arith.constant 0 : i32
        %dma_wait3A_918 = tpu.memref_slice %arg3[%dma_wait3A_911, %dma_wait3A_912, %dma_wait3A_917] : memref<2x6400x50xi32, #tpu.memory_space<hbm>> -> memref<1x1x50xi32, #tpu.memory_space<hbm>>
        %dma_wait3A_919 = tpu.memref_squeeze %dma_wait3A_918 : memref<1x1x50xi32, #tpu.memory_space<hbm>> -> memref<50xi32, #tpu.memory_space<hbm>>
        %dma_wait3A_920 = arith.constant 0 : i32
        %dma_wait3A_921 = tpu.memref_slice %arg7[%dma_wait3A_913, %dma_wait3A_920] : memref<10x50xi32, #tpu.memory_space<vmem>> -> memref<1x50xi32, #tpu.memory_space<vmem>>
        %dma_wait3A_922 = tpu.memref_squeeze %dma_wait3A_921 : memref<1x50xi32, #tpu.memory_space<vmem>> -> memref<50xi32, #tpu.memory_space<vmem>>
        %dma_wait3A_923 = arith.constant 0 : i32
        %dma_wait3A_924 = tpu.memref_slice %arg3[%dma_wait3A_911, %dma_wait3A_912, %dma_wait3A_923] : memref<2x6400x50xi32, #tpu.memory_space<hbm>> -> memref<1x1x50xi32, #tpu.memory_space<hbm>>
        %dma_wait3A_925 = tpu.memref_squeeze %dma_wait3A_924 : memref<1x1x50xi32, #tpu.memory_space<hbm>> -> memref<50xi32, #tpu.memory_space<hbm>>
        tpu.wait_dma2 semaphore(%arg14 : memref<!tpu.dma_semaphore, #tpu.memory_space<semaphore_mem>>) src(%dma_wait3A_925 : memref<50xi32, #tpu.memory_space<hbm>>) dst(%dma_wait3A_922 : memref<50xi32, #tpu.memory_space<vmem>>)
        %dma_wait3A_926 = arith.constant 0 : i32
        %dma_wait3A_927 = arith.constant 0 : i32
        %dma_wait3A_928 = arith.constant 0 : i32
        %dma_wait3A_929 = arith.constant 0 : i32
        %dma_wait3A_930 = tpu.memref_slice %arg6[%dma_wait3A_928, %dma_wait3A_929] : memref<10x50xi32, #tpu.memory_space<vmem>> -> memref<1x50xi32, #tpu.memory_space<vmem>>
        %dma_wait3A_931 = tpu.memref_squeeze %dma_wait3A_930 : memref<1x50xi32, #tpu.memory_space<vmem>> -> memref<50xi32, #tpu.memory_space<vmem>>
        %dma_wait3A_932 = arith.constant 0 : i32
        %dma_wait3A_933 = tpu.memref_slice %arg3[%dma_wait3A_926, %dma_wait3A_927, %dma_wait3A_932] : memref<2x6400x50xi32, #tpu.memory_space<hbm>> -> memref<1x1x50xi32, #tpu.memory_space<hbm>>
        %dma_wait3A_934 = tpu.memref_squeeze %dma_wait3A_933 : memref<1x1x50xi32, #tpu.memory_space<hbm>> -> memref<50xi32, #tpu.memory_space<hbm>>
        %dma_wait3A_935 = arith.constant 0 : i32
        %dma_wait3A_936 = tpu.memref_slice %arg6[%dma_wait3A_928, %dma_wait3A_935] : memref<10x50xi32, #tpu.memory_space<vmem>> -> memref<1x50xi32, #tpu.memory_space<vmem>>
        %dma_wait3A_937 = tpu.memref_squeeze %dma_wait3A_936 : memref<1x50xi32, #tpu.memory_space<vmem>> -> memref<50xi32, #tpu.memory_space<vmem>>
        %dma_wait3A_938 = arith.constant 0 : i32
        %dma_wait3A_939 = tpu.memref_slice %arg3[%dma_wait3A_926, %dma_wait3A_927, %dma_wait3A_938] : memref<2x6400x50xi32, #tpu.memory_space<hbm>> -> memref<1x1x50xi32, #tpu.memory_space<hbm>>
        %dma_wait3A_940 = tpu.memref_squeeze %dma_wait3A_939 : memref<1x1x50xi32, #tpu.memory_space<hbm>> -> memref<50xi32, #tpu.memory_space<hbm>>
        tpu.wait_dma2 semaphore(%arg14 : memref<!tpu.dma_semaphore, #tpu.memory_space<semaphore_mem>>) src(%dma_wait3A_940 : memref<50xi32, #tpu.memory_space<hbm>>) dst(%dma_wait3A_937 : memref<50xi32, #tpu.memory_space<vmem>>)
        %dma_wait3A_941 = arith.constant 0 : i32
        %dma_wait3A_942 = arith.constant 0 : i32
        %dma_wait3A_943 = arith.constant 0 : i32
        %dma_wait3A_944 = arith.constant 0 : i32
        %dma_wait3A_945 = tpu.memref_slice %arg7[%dma_wait3A_943, %dma_wait3A_944] : memref<10x50xi32, #tpu.memory_space<vmem>> -> memref<1x50xi32, #tpu.memory_space<vmem>>
        %dma_wait3A_946 = tpu.memref_squeeze %dma_wait3A_945 : memref<1x50xi32, #tpu.memory_space<vmem>> -> memref<50xi32, #tpu.memory_space<vmem>>
        %dma_wait3A_947 = arith.constant 0 : i32
        %dma_wait3A_948 = tpu.memref_slice %arg3[%dma_wait3A_941, %dma_wait3A_942, %dma_wait3A_947] : memref<2x6400x50xi32, #tpu.memory_space<hbm>> -> memref<1x1x50xi32, #tpu.memory_space<hbm>>
        %dma_wait3A_949 = tpu.memref_squeeze %dma_wait3A_948 : memref<1x1x50xi32, #tpu.memory_space<hbm>> -> memref<50xi32, #tpu.memory_space<hbm>>
        %dma_wait3A_950 = arith.constant 0 : i32
        %dma_wait3A_951 = tpu.memref_slice %arg7[%dma_wait3A_943, %dma_wait3A_950] : memref<10x50xi32, #tpu.memory_space<vmem>> -> memref<1x50xi32, #tpu.memory_space<vmem>>
        %dma_wait3A_952 = tpu.memref_squeeze %dma_wait3A_951 : memref<1x50xi32, #tpu.memory_space<vmem>> -> memref<50xi32, #tpu.memory_space<vmem>>
        %dma_wait3A_953 = arith.constant 0 : i32
        %dma_wait3A_954 = tpu.memref_slice %arg3[%dma_wait3A_941, %dma_wait3A_942, %dma_wait3A_953] : memref<2x6400x50xi32, #tpu.memory_space<hbm>> -> memref<1x1x50xi32, #tpu.memory_space<hbm>>
        %dma_wait3A_955 = tpu.memref_squeeze %dma_wait3A_954 : memref<1x1x50xi32, #tpu.memory_space<hbm>> -> memref<50xi32, #tpu.memory_space<hbm>>
        tpu.wait_dma2 semaphore(%arg14 : memref<!tpu.dma_semaphore, #tpu.memory_space<semaphore_mem>>) src(%dma_wait3A_955 : memref<50xi32, #tpu.memory_space<hbm>>) dst(%dma_wait3A_952 : memref<50xi32, #tpu.memory_space<vmem>>)
        %dma_wait3A_956 = arith.constant 0 : i32
        %dma_wait3A_957 = arith.constant 0 : i32
        %dma_wait3A_958 = arith.constant 0 : i32
        %dma_wait3A_959 = arith.constant 0 : i32
        %dma_wait3A_960 = tpu.memref_slice %arg6[%dma_wait3A_958, %dma_wait3A_959] : memref<10x50xi32, #tpu.memory_space<vmem>> -> memref<1x50xi32, #tpu.memory_space<vmem>>
        %dma_wait3A_961 = tpu.memref_squeeze %dma_wait3A_960 : memref<1x50xi32, #tpu.memory_space<vmem>> -> memref<50xi32, #tpu.memory_space<vmem>>
        %dma_wait3A_962 = arith.constant 0 : i32
        %dma_wait3A_963 = tpu.memref_slice %arg3[%dma_wait3A_956, %dma_wait3A_957, %dma_wait3A_962] : memref<2x6400x50xi32, #tpu.memory_space<hbm>> -> memref<1x1x50xi32, #tpu.memory_space<hbm>>
        %dma_wait3A_964 = tpu.memref_squeeze %dma_wait3A_963 : memref<1x1x50xi32, #tpu.memory_space<hbm>> -> memref<50xi32, #tpu.memory_space<hbm>>
        %dma_wait3A_965 = arith.constant 0 : i32
        %dma_wait3A_966 = tpu.memref_slice %arg6[%dma_wait3A_958, %dma_wait3A_965] : memref<10x50xi32, #tpu.memory_space<vmem>> -> memref<1x50xi32, #tpu.memory_space<vmem>>
        %dma_wait3A_967 = tpu.memref_squeeze %dma_wait3A_966 : memref<1x50xi32, #tpu.memory_space<vmem>> -> memref<50xi32, #tpu.memory_space<vmem>>
        %dma_wait3A_968 = arith.constant 0 : i32
        %dma_wait3A_969 = tpu.memref_slice %arg3[%dma_wait3A_956, %dma_wait3A_957, %dma_wait3A_968] : memref<2x6400x50xi32, #tpu.memory_space<hbm>> -> memref<1x1x50xi32, #tpu.memory_space<hbm>>
        %dma_wait3A_970 = tpu.memref_squeeze %dma_wait3A_969 : memref<1x1x50xi32, #tpu.memory_space<hbm>> -> memref<50xi32, #tpu.memory_space<hbm>>
        tpu.wait_dma2 semaphore(%arg14 : memref<!tpu.dma_semaphore, #tpu.memory_space<semaphore_mem>>) src(%dma_wait3A_970 : memref<50xi32, #tpu.memory_space<hbm>>) dst(%dma_wait3A_967 : memref<50xi32, #tpu.memory_space<vmem>>)
        %dma_wait3A_971 = arith.constant 0 : i32
        %dma_wait3A_972 = arith.constant 0 : i32
        %dma_wait3A_973 = arith.constant 0 : i32
        %dma_wait3A_974 = arith.constant 0 : i32
        %dma_wait3A_975 = tpu.memref_slice %arg7[%dma_wait3A_973, %dma_wait3A_974] : memref<10x50xi32, #tpu.memory_space<vmem>> -> memref<1x50xi32, #tpu.memory_space<vmem>>
        %dma_wait3A_976 = tpu.memref_squeeze %dma_wait3A_975 : memref<1x50xi32, #tpu.memory_space<vmem>> -> memref<50xi32, #tpu.memory_space<vmem>>
        %dma_wait3A_977 = arith.constant 0 : i32
        %dma_wait3A_978 = tpu.memref_slice %arg3[%dma_wait3A_971, %dma_wait3A_972, %dma_wait3A_977] : memref<2x6400x50xi32, #tpu.memory_space<hbm>> -> memref<1x1x50xi32, #tpu.memory_space<hbm>>
        %dma_wait3A_979 = tpu.memref_squeeze %dma_wait3A_978 : memref<1x1x50xi32, #tpu.memory_space<hbm>> -> memref<50xi32, #tpu.memory_space<hbm>>
        %dma_wait3A_980 = arith.constant 0 : i32
        %dma_wait3A_981 = tpu.memref_slice %arg7[%dma_wait3A_973, %dma_wait3A_980] : memref<10x50xi32, #tpu.memory_space<vmem>> -> memref<1x50xi32, #tpu.memory_space<vmem>>
        %dma_wait3A_982 = tpu.memref_squeeze %dma_wait3A_981 : memref<1x50xi32, #tpu.memory_space<vmem>> -> memref<50xi32, #tpu.memory_space<vmem>>
        %dma_wait3A_983 = arith.constant 0 : i32
        %dma_wait3A_984 = tpu.memref_slice %arg3[%dma_wait3A_971, %dma_wait3A_972, %dma_wait3A_983] : memref<2x6400x50xi32, #tpu.memory_space<hbm>> -> memref<1x1x50xi32, #tpu.memory_space<hbm>>
        %dma_wait3A_985 = tpu.memref_squeeze %dma_wait3A_984 : memref<1x1x50xi32, #tpu.memory_space<hbm>> -> memref<50xi32, #tpu.memory_space<hbm>>
        tpu.wait_dma2 semaphore(%arg14 : memref<!tpu.dma_semaphore, #tpu.memory_space<semaphore_mem>>) src(%dma_wait3A_985 : memref<50xi32, #tpu.memory_space<hbm>>) dst(%dma_wait3A_982 : memref<50xi32, #tpu.memory_space<vmem>>)
        %dma_wait3A_986 = arith.constant 0 : i32
        %dma_wait3A_987 = arith.constant 0 : i32
        %dma_wait3A_988 = arith.constant 0 : i32
        %dma_wait3A_989 = arith.constant 0 : i32
        %dma_wait3A_990 = tpu.memref_slice %arg6[%dma_wait3A_988, %dma_wait3A_989] : memref<10x50xi32, #tpu.memory_space<vmem>> -> memref<1x50xi32, #tpu.memory_space<vmem>>
        %dma_wait3A_991 = tpu.memref_squeeze %dma_wait3A_990 : memref<1x50xi32, #tpu.memory_space<vmem>> -> memref<50xi32, #tpu.memory_space<vmem>>
        %dma_wait3A_992 = arith.constant 0 : i32
        %dma_wait3A_993 = tpu.memref_slice %arg3[%dma_wait3A_986, %dma_wait3A_987, %dma_wait3A_992] : memref<2x6400x50xi32, #tpu.memory_space<hbm>> -> memref<1x1x50xi32, #tpu.memory_space<hbm>>
        %dma_wait3A_994 = tpu.memref_squeeze %dma_wait3A_993 : memref<1x1x50xi32, #tpu.memory_space<hbm>> -> memref<50xi32, #tpu.memory_space<hbm>>
        %dma_wait3A_995 = arith.constant 0 : i32
        %dma_wait3A_996 = tpu.memref_slice %arg6[%dma_wait3A_988, %dma_wait3A_995] : memref<10x50xi32, #tpu.memory_space<vmem>> -> memref<1x50xi32, #tpu.memory_space<vmem>>
        %dma_wait3A_997 = tpu.memref_squeeze %dma_wait3A_996 : memref<1x50xi32, #tpu.memory_space<vmem>> -> memref<50xi32, #tpu.memory_space<vmem>>
        %dma_wait3A_998 = arith.constant 0 : i32
        %dma_wait3A_999 = tpu.memref_slice %arg3[%dma_wait3A_986, %dma_wait3A_987, %dma_wait3A_998] : memref<2x6400x50xi32, #tpu.memory_space<hbm>> -> memref<1x1x50xi32, #tpu.memory_space<hbm>>
        %dma_wait3A_1000 = tpu.memref_squeeze %dma_wait3A_999 : memref<1x1x50xi32, #tpu.memory_space<hbm>> -> memref<50xi32, #tpu.memory_space<hbm>>
        tpu.wait_dma2 semaphore(%arg14 : memref<!tpu.dma_semaphore, #tpu.memory_space<semaphore_mem>>) src(%dma_wait3A_1000 : memref<50xi32, #tpu.memory_space<hbm>>) dst(%dma_wait3A_997 : memref<50xi32, #tpu.memory_space<vmem>>)
        %dma_wait3A_1001 = arith.constant 0 : i32
        %dma_wait3A_1002 = arith.constant 0 : i32
        %dma_wait3A_1003 = arith.constant 0 : i32
        %dma_wait3A_1004 = arith.constant 0 : i32
        %dma_wait3A_1005 = tpu.memref_slice %arg7[%dma_wait3A_1003, %dma_wait3A_1004] : memref<10x50xi32, #tpu.memory_space<vmem>> -> memref<1x50xi32, #tpu.memory_space<vmem>>
        %dma_wait3A_1006 = tpu.memref_squeeze %dma_wait3A_1005 : memref<1x50xi32, #tpu.memory_space<vmem>> -> memref<50xi32, #tpu.memory_space<vmem>>
        %dma_wait3A_1007 = arith.constant 0 : i32
        %dma_wait3A_1008 = tpu.memref_slice %arg3[%dma_wait3A_1001, %dma_wait3A_1002, %dma_wait3A_1007] : memref<2x6400x50xi32, #tpu.memory_space<hbm>> -> memref<1x1x50xi32, #tpu.memory_space<hbm>>
        %dma_wait3A_1009 = tpu.memref_squeeze %dma_wait3A_1008 : memref<1x1x50xi32, #tpu.memory_space<hbm>> -> memref<50xi32, #tpu.memory_space<hbm>>
        %dma_wait3A_1010 = arith.constant 0 : i32
        %dma_wait3A_1011 = tpu.memref_slice %arg7[%dma_wait3A_1003, %dma_wait3A_1010] : memref<10x50xi32, #tpu.memory_space<vmem>> -> memref<1x50xi32, #tpu.memory_space<vmem>>
        %dma_wait3A_1012 = tpu.memref_squeeze %dma_wait3A_1011 : memref<1x50xi32, #tpu.memory_space<vmem>> -> memref<50xi32, #tpu.memory_space<vmem>>
        %dma_wait3A_1013 = arith.constant 0 : i32
        %dma_wait3A_1014 = tpu.memref_slice %arg3[%dma_wait3A_1001, %dma_wait3A_1002, %dma_wait3A_1013] : memref<2x6400x50xi32, #tpu.memory_space<hbm>> -> memref<1x1x50xi32, #tpu.memory_space<hbm>>
        %dma_wait3A_1015 = tpu.memref_squeeze %dma_wait3A_1014 : memref<1x1x50xi32, #tpu.memory_space<hbm>> -> memref<50xi32, #tpu.memory_space<hbm>>
        tpu.wait_dma2 semaphore(%arg14 : memref<!tpu.dma_semaphore, #tpu.memory_space<semaphore_mem>>) src(%dma_wait3A_1015 : memref<50xi32, #tpu.memory_space<hbm>>) dst(%dma_wait3A_1012 : memref<50xi32, #tpu.memory_space<vmem>>)
      } else {
      }
      %mul3A_681 = arith.constant 2 : i32
      %mul3A_682 = arith.muli %mul3A_681, %scan3A_501 : i32
      %add3A_683 = arith.constant 1 : i32
      %add3A_684 = arith.addi %mul3A_682, %add3A_683 : i32
      %mul3A_685 = arith.constant 5 : i32
      %mul3A_686 = arith.muli %add3A_684, %mul3A_685 : i32
      %gt3A_687 = arith.constant 0 : i32
      %gt3A_688 = arith.cmpi sgt, %add3A_684, %gt3A_687 : i32
      %convert_element_type3A_689 = arith.extui %gt3A_688 : i1 to i32
      %cond3A_690 = arith.constant 0 : i32
      %cond3A_691 = arith.cmpi ne, %convert_element_type3A_689, %cond3A_690 : i32
      scf.if %cond3A_691 {
        %dma_wait3A_866 = arith.constant 0 : i32
        %dma_wait3A_867 = arith.constant 0 : i32
        %dma_wait3A_868 = tpu.memref_slice %arg7[%dma_wait3A_866, %dma_wait3A_867] : memref<10x50xi32, #tpu.memory_space<vmem>> -> memref<1x50xi32, #tpu.memory_space<vmem>>
        %dma_wait3A_869 = tpu.memref_squeeze %dma_wait3A_868 : memref<1x50xi32, #tpu.memory_space<vmem>> -> memref<50xi32, #tpu.memory_space<vmem>>
        %dma_wait3A_870 = arith.constant 0 : i32
        %dma_wait3A_871 = arith.constant 0 : i32
        %dma_wait3A_872 = tpu.memref_slice %arg13[%dma_wait3A_870, %dma_wait3A_871] : memref<10000x128xf32, #tpu.memory_space<vmem_shared>> -> memref<10000x128xf32, #tpu.memory_space<vmem_shared>>
        tpu.wait_indirect_dma semaphore(%arg20 : memref<!tpu.dma_semaphore, #tpu.memory_space<semaphore_mem>>) src(%arg8 : memref<50x128xf32, #tpu.memory_space<vmem>>) dst(%dma_wait3A_872 : memref<10000x128xf32, #tpu.memory_space<vmem_shared>>)
        %dma_wait3A_873 = arith.constant 0 : i32
        %dma_wait3A_874 = arith.constant 0 : i32
        %dma_wait3A_875 = tpu.memref_slice %arg7[%dma_wait3A_873, %dma_wait3A_874] : memref<10x50xi32, #tpu.memory_space<vmem>> -> memref<1x50xi32, #tpu.memory_space<vmem>>
        %dma_wait3A_876 = tpu.memref_squeeze %dma_wait3A_875 : memref<1x50xi32, #tpu.memory_space<vmem>> -> memref<50xi32, #tpu.memory_space<vmem>>
        %dma_wait3A_877 = arith.constant 0 : i32
        %dma_wait3A_878 = arith.constant 0 : i32
        %dma_wait3A_879 = tpu.memref_slice %arg25[%dma_wait3A_877, %dma_wait3A_878] : memref<10000x16xf32, #tpu.memory_space<vmem_shared>> -> memref<10000x16xf32, #tpu.memory_space<vmem_shared>>
        tpu.wait_indirect_dma semaphore(%arg20 : memref<!tpu.dma_semaphore, #tpu.memory_space<semaphore_mem>>) src(%arg26 : memref<50x16xf32, #tpu.memory_space<vmem>>) dst(%dma_wait3A_879 : memref<10000x16xf32, #tpu.memory_space<vmem_shared>>)
      } else {
      }
      %dma_start3A_692 = arith.constant 5 : i32
      %dma_start3A_693 = arith.constant 0 : i32
      %dma_start3A_694 = tpu.memref_slice %arg6[%dma_start3A_692, %dma_start3A_693] : memref<10x50xi32, #tpu.memory_space<vmem>> -> memref<1x50xi32, #tpu.memory_space<vmem>>
      %dma_start3A_695 = tpu.memref_squeeze %dma_start3A_694 : memref<1x50xi32, #tpu.memory_space<vmem>> -> memref<50xi32, #tpu.memory_space<vmem>>
      %dma_start3A_696 = arith.constant 0 : i32
      %dma_start3A_697 = arith.constant 0 : i32
      %dma_start3A_698 = tpu.memref_slice %arg2[%dma_start3A_696, %dma_start3A_697] : memref<10000x128xf32, #tpu.memory_space<hbm>> -> memref<10000x128xf32, #tpu.memory_space<hbm>>
      tpu.enqueue_indirect_dma source(%dma_start3A_698 : memref<10000x128xf32, #tpu.memory_space<hbm>>) target(%arg8 : memref<50x128xf32, #tpu.memory_space<vmem>>) offsets(%dma_start3A_695 : memref<50xi32, #tpu.memory_space<vmem>>) semaphore(%arg15 : memref<!tpu.dma_semaphore, #tpu.memory_space<semaphore_mem>>)
      %gt3A_699 = arith.constant 0 : i32
      %gt3A_700 = arith.cmpi sgt, %add3A_684, %gt3A_699 : i32
      %convert_element_type3A_701 = arith.extui %gt3A_700 : i1 to i32
      %cond3A_702 = arith.constant 0 : i32
      %cond3A_703 = arith.cmpi ne, %convert_element_type3A_701, %cond3A_702 : i32
      scf.if %cond3A_703 {
        %dma_wait3A_866 = arith.constant 0 : i32
        %dma_wait3A_867 = arith.constant 0 : i32
        %dma_wait3A_868 = tpu.memref_slice %arg7[%dma_wait3A_866, %dma_wait3A_867] : memref<10x50xi32, #tpu.memory_space<vmem>> -> memref<1x50xi32, #tpu.memory_space<vmem>>
        %dma_wait3A_869 = tpu.memref_squeeze %dma_wait3A_868 : memref<1x50xi32, #tpu.memory_space<vmem>> -> memref<50xi32, #tpu.memory_space<vmem>>
        %dma_wait3A_870 = arith.constant 0 : i32
        %dma_wait3A_871 = arith.constant 0 : i32
        %dma_wait3A_872 = tpu.memref_slice %arg13[%dma_wait3A_870, %dma_wait3A_871] : memref<10000x128xf32, #tpu.memory_space<vmem_shared>> -> memref<10000x128xf32, #tpu.memory_space<vmem_shared>>
        tpu.wait_indirect_dma semaphore(%arg21 : memref<!tpu.dma_semaphore, #tpu.memory_space<semaphore_mem>>) src(%arg9 : memref<50x128xf32, #tpu.memory_space<vmem>>) dst(%dma_wait3A_872 : memref<10000x128xf32, #tpu.memory_space<vmem_shared>>)
        %dma_wait3A_873 = arith.constant 0 : i32
        %dma_wait3A_874 = arith.constant 0 : i32
        %dma_wait3A_875 = tpu.memref_slice %arg7[%dma_wait3A_873, %dma_wait3A_874] : memref<10x50xi32, #tpu.memory_space<vmem>> -> memref<1x50xi32, #tpu.memory_space<vmem>>
        %dma_wait3A_876 = tpu.memref_squeeze %dma_wait3A_875 : memref<1x50xi32, #tpu.memory_space<vmem>> -> memref<50xi32, #tpu.memory_space<vmem>>
        %dma_wait3A_877 = arith.constant 0 : i32
        %dma_wait3A_878 = arith.constant 0 : i32
        %dma_wait3A_879 = tpu.memref_slice %arg25[%dma_wait3A_877, %dma_wait3A_878] : memref<10000x16xf32, #tpu.memory_space<vmem_shared>> -> memref<10000x16xf32, #tpu.memory_space<vmem_shared>>
        tpu.wait_indirect_dma semaphore(%arg21 : memref<!tpu.dma_semaphore, #tpu.memory_space<semaphore_mem>>) src(%arg26 : memref<50x16xf32, #tpu.memory_space<vmem>>) dst(%dma_wait3A_879 : memref<10000x16xf32, #tpu.memory_space<vmem_shared>>)
      } else {
      }
      %dma_start3A_704 = arith.constant 6 : i32
      %dma_start3A_705 = arith.constant 0 : i32
      %dma_start3A_706 = tpu.memref_slice %arg6[%dma_start3A_704, %dma_start3A_705] : memref<10x50xi32, #tpu.memory_space<vmem>> -> memref<1x50xi32, #tpu.memory_space<vmem>>
      %dma_start3A_707 = tpu.memref_squeeze %dma_start3A_706 : memref<1x50xi32, #tpu.memory_space<vmem>> -> memref<50xi32, #tpu.memory_space<vmem>>
      %dma_start3A_708 = arith.constant 0 : i32
      %dma_start3A_709 = arith.constant 0 : i32
      %dma_start3A_710 = tpu.memref_slice %arg2[%dma_start3A_708, %dma_start3A_709] : memref<10000x128xf32, #tpu.memory_space<hbm>> -> memref<10000x128xf32, #tpu.memory_space<hbm>>
      tpu.enqueue_indirect_dma source(%dma_start3A_710 : memref<10000x128xf32, #tpu.memory_space<hbm>>) target(%arg9 : memref<50x128xf32, #tpu.memory_space<vmem>>) offsets(%dma_start3A_707 : memref<50xi32, #tpu.memory_space<vmem>>) semaphore(%arg16 : memref<!tpu.dma_semaphore, #tpu.memory_space<semaphore_mem>>)
      %gt3A_711 = arith.constant 0 : i32
      %gt3A_712 = arith.cmpi sgt, %add3A_684, %gt3A_711 : i32
      %convert_element_type3A_713 = arith.extui %gt3A_712 : i1 to i32
      %cond3A_714 = arith.constant 0 : i32
      %cond3A_715 = arith.cmpi ne, %convert_element_type3A_713, %cond3A_714 : i32
      scf.if %cond3A_715 {
        %dma_wait3A_866 = arith.constant 0 : i32
        %dma_wait3A_867 = arith.constant 0 : i32
        %dma_wait3A_868 = tpu.memref_slice %arg7[%dma_wait3A_866, %dma_wait3A_867] : memref<10x50xi32, #tpu.memory_space<vmem>> -> memref<1x50xi32, #tpu.memory_space<vmem>>
        %dma_wait3A_869 = tpu.memref_squeeze %dma_wait3A_868 : memref<1x50xi32, #tpu.memory_space<vmem>> -> memref<50xi32, #tpu.memory_space<vmem>>
        %dma_wait3A_870 = arith.constant 0 : i32
        %dma_wait3A_871 = arith.constant 0 : i32
        %dma_wait3A_872 = tpu.memref_slice %arg13[%dma_wait3A_870, %dma_wait3A_871] : memref<10000x128xf32, #tpu.memory_space<vmem_shared>> -> memref<10000x128xf32, #tpu.memory_space<vmem_shared>>
        tpu.wait_indirect_dma semaphore(%arg22 : memref<!tpu.dma_semaphore, #tpu.memory_space<semaphore_mem>>) src(%arg10 : memref<50x128xf32, #tpu.memory_space<vmem>>) dst(%dma_wait3A_872 : memref<10000x128xf32, #tpu.memory_space<vmem_shared>>)
        %dma_wait3A_873 = arith.constant 0 : i32
        %dma_wait3A_874 = arith.constant 0 : i32
        %dma_wait3A_875 = tpu.memref_slice %arg7[%dma_wait3A_873, %dma_wait3A_874] : memref<10x50xi32, #tpu.memory_space<vmem>> -> memref<1x50xi32, #tpu.memory_space<vmem>>
        %dma_wait3A_876 = tpu.memref_squeeze %dma_wait3A_875 : memref<1x50xi32, #tpu.memory_space<vmem>> -> memref<50xi32, #tpu.memory_space<vmem>>
        %dma_wait3A_877 = arith.constant 0 : i32
        %dma_wait3A_878 = arith.constant 0 : i32
        %dma_wait3A_879 = tpu.memref_slice %arg25[%dma_wait3A_877, %dma_wait3A_878] : memref<10000x16xf32, #tpu.memory_space<vmem_shared>> -> memref<10000x16xf32, #tpu.memory_space<vmem_shared>>
        tpu.wait_indirect_dma semaphore(%arg22 : memref<!tpu.dma_semaphore, #tpu.memory_space<semaphore_mem>>) src(%arg26 : memref<50x16xf32, #tpu.memory_space<vmem>>) dst(%dma_wait3A_879 : memref<10000x16xf32, #tpu.memory_space<vmem_shared>>)
      } else {
      }
      %dma_start3A_716 = arith.constant 7 : i32
      %dma_start3A_717 = arith.constant 0 : i32
      %dma_start3A_718 = tpu.memref_slice %arg6[%dma_start3A_716, %dma_start3A_717] : memref<10x50xi32, #tpu.memory_space<vmem>> -> memref<1x50xi32, #tpu.memory_space<vmem>>
      %dma_start3A_719 = tpu.memref_squeeze %dma_start3A_718 : memref<1x50xi32, #tpu.memory_space<vmem>> -> memref<50xi32, #tpu.memory_space<vmem>>
      %dma_start3A_720 = arith.constant 0 : i32
      %dma_start3A_721 = arith.constant 0 : i32
      %dma_start3A_722 = tpu.memref_slice %arg2[%dma_start3A_720, %dma_start3A_721] : memref<10000x128xf32, #tpu.memory_space<hbm>> -> memref<10000x128xf32, #tpu.memory_space<hbm>>
      tpu.enqueue_indirect_dma source(%dma_start3A_722 : memref<10000x128xf32, #tpu.memory_space<hbm>>) target(%arg10 : memref<50x128xf32, #tpu.memory_space<vmem>>) offsets(%dma_start3A_719 : memref<50xi32, #tpu.memory_space<vmem>>) semaphore(%arg17 : memref<!tpu.dma_semaphore, #tpu.memory_space<semaphore_mem>>)
      %gt3A_723 = arith.constant 0 : i32
      %gt3A_724 = arith.cmpi sgt, %add3A_684, %gt3A_723 : i32
      %convert_element_type3A_725 = arith.extui %gt3A_724 : i1 to i32
      %cond3A_726 = arith.constant 0 : i32
      %cond3A_727 = arith.cmpi ne, %convert_element_type3A_725, %cond3A_726 : i32
      scf.if %cond3A_727 {
        %dma_wait3A_866 = arith.constant 0 : i32
        %dma_wait3A_867 = arith.constant 0 : i32
        %dma_wait3A_868 = tpu.memref_slice %arg7[%dma_wait3A_866, %dma_wait3A_867] : memref<10x50xi32, #tpu.memory_space<vmem>> -> memref<1x50xi32, #tpu.memory_space<vmem>>
        %dma_wait3A_869 = tpu.memref_squeeze %dma_wait3A_868 : memref<1x50xi32, #tpu.memory_space<vmem>> -> memref<50xi32, #tpu.memory_space<vmem>>
        %dma_wait3A_870 = arith.constant 0 : i32
        %dma_wait3A_871 = arith.constant 0 : i32
        %dma_wait3A_872 = tpu.memref_slice %arg13[%dma_wait3A_870, %dma_wait3A_871] : memref<10000x128xf32, #tpu.memory_space<vmem_shared>> -> memref<10000x128xf32, #tpu.memory_space<vmem_shared>>
        tpu.wait_indirect_dma semaphore(%arg23 : memref<!tpu.dma_semaphore, #tpu.memory_space<semaphore_mem>>) src(%arg11 : memref<50x128xf32, #tpu.memory_space<vmem>>) dst(%dma_wait3A_872 : memref<10000x128xf32, #tpu.memory_space<vmem_shared>>)
        %dma_wait3A_873 = arith.constant 0 : i32
        %dma_wait3A_874 = arith.constant 0 : i32
        %dma_wait3A_875 = tpu.memref_slice %arg7[%dma_wait3A_873, %dma_wait3A_874] : memref<10x50xi32, #tpu.memory_space<vmem>> -> memref<1x50xi32, #tpu.memory_space<vmem>>
        %dma_wait3A_876 = tpu.memref_squeeze %dma_wait3A_875 : memref<1x50xi32, #tpu.memory_space<vmem>> -> memref<50xi32, #tpu.memory_space<vmem>>
        %dma_wait3A_877 = arith.constant 0 : i32
        %dma_wait3A_878 = arith.constant 0 : i32
        %dma_wait3A_879 = tpu.memref_slice %arg25[%dma_wait3A_877, %dma_wait3A_878] : memref<10000x16xf32, #tpu.memory_space<vmem_shared>> -> memref<10000x16xf32, #tpu.memory_space<vmem_shared>>
        tpu.wait_indirect_dma semaphore(%arg23 : memref<!tpu.dma_semaphore, #tpu.memory_space<semaphore_mem>>) src(%arg26 : memref<50x16xf32, #tpu.memory_space<vmem>>) dst(%dma_wait3A_879 : memref<10000x16xf32, #tpu.memory_space<vmem_shared>>)
      } else {
      }
      %dma_start3A_728 = arith.constant 8 : i32
      %dma_start3A_729 = arith.constant 0 : i32
      %dma_start3A_730 = tpu.memref_slice %arg6[%dma_start3A_728, %dma_start3A_729] : memref<10x50xi32, #tpu.memory_space<vmem>> -> memref<1x50xi32, #tpu.memory_space<vmem>>
      %dma_start3A_731 = tpu.memref_squeeze %dma_start3A_730 : memref<1x50xi32, #tpu.memory_space<vmem>> -> memref<50xi32, #tpu.memory_space<vmem>>
      %dma_start3A_732 = arith.constant 0 : i32
      %dma_start3A_733 = arith.constant 0 : i32
      %dma_start3A_734 = tpu.memref_slice %arg2[%dma_start3A_732, %dma_start3A_733] : memref<10000x128xf32, #tpu.memory_space<hbm>> -> memref<10000x128xf32, #tpu.memory_space<hbm>>
      tpu.enqueue_indirect_dma source(%dma_start3A_734 : memref<10000x128xf32, #tpu.memory_space<hbm>>) target(%arg11 : memref<50x128xf32, #tpu.memory_space<vmem>>) offsets(%dma_start3A_731 : memref<50xi32, #tpu.memory_space<vmem>>) semaphore(%arg18 : memref<!tpu.dma_semaphore, #tpu.memory_space<semaphore_mem>>)
      %gt3A_735 = arith.constant 0 : i32
      %gt3A_736 = arith.cmpi sgt, %add3A_684, %gt3A_735 : i32
      %convert_element_type3A_737 = arith.extui %gt3A_736 : i1 to i32
      %cond3A_738 = arith.constant 0 : i32
      %cond3A_739 = arith.cmpi ne, %convert_element_type3A_737, %cond3A_738 : i32
      scf.if %cond3A_739 {
        %dma_wait3A_866 = arith.constant 0 : i32
        %dma_wait3A_867 = arith.constant 0 : i32
        %dma_wait3A_868 = tpu.memref_slice %arg7[%dma_wait3A_866, %dma_wait3A_867] : memref<10x50xi32, #tpu.memory_space<vmem>> -> memref<1x50xi32, #tpu.memory_space<vmem>>
        %dma_wait3A_869 = tpu.memref_squeeze %dma_wait3A_868 : memref<1x50xi32, #tpu.memory_space<vmem>> -> memref<50xi32, #tpu.memory_space<vmem>>
        %dma_wait3A_870 = arith.constant 0 : i32
        %dma_wait3A_871 = arith.constant 0 : i32
        %dma_wait3A_872 = tpu.memref_slice %arg13[%dma_wait3A_870, %dma_wait3A_871] : memref<10000x128xf32, #tpu.memory_space<vmem_shared>> -> memref<10000x128xf32, #tpu.memory_space<vmem_shared>>
        tpu.wait_indirect_dma semaphore(%arg24 : memref<!tpu.dma_semaphore, #tpu.memory_space<semaphore_mem>>) src(%arg12 : memref<50x128xf32, #tpu.memory_space<vmem>>) dst(%dma_wait3A_872 : memref<10000x128xf32, #tpu.memory_space<vmem_shared>>)
        %dma_wait3A_873 = arith.constant 0 : i32
        %dma_wait3A_874 = arith.constant 0 : i32
        %dma_wait3A_875 = tpu.memref_slice %arg7[%dma_wait3A_873, %dma_wait3A_874] : memref<10x50xi32, #tpu.memory_space<vmem>> -> memref<1x50xi32, #tpu.memory_space<vmem>>
        %dma_wait3A_876 = tpu.memref_squeeze %dma_wait3A_875 : memref<1x50xi32, #tpu.memory_space<vmem>> -> memref<50xi32, #tpu.memory_space<vmem>>
        %dma_wait3A_877 = arith.constant 0 : i32
        %dma_wait3A_878 = arith.constant 0 : i32
        %dma_wait3A_879 = tpu.memref_slice %arg25[%dma_wait3A_877, %dma_wait3A_878] : memref<10000x16xf32, #tpu.memory_space<vmem_shared>> -> memref<10000x16xf32, #tpu.memory_space<vmem_shared>>
        tpu.wait_indirect_dma semaphore(%arg24 : memref<!tpu.dma_semaphore, #tpu.memory_space<semaphore_mem>>) src(%arg26 : memref<50x16xf32, #tpu.memory_space<vmem>>) dst(%dma_wait3A_879 : memref<10000x16xf32, #tpu.memory_space<vmem_shared>>)
      } else {
      }
      %dma_start3A_740 = arith.constant 9 : i32
      %dma_start3A_741 = arith.constant 0 : i32
      %dma_start3A_742 = tpu.memref_slice %arg6[%dma_start3A_740, %dma_start3A_741] : memref<10x50xi32, #tpu.memory_space<vmem>> -> memref<1x50xi32, #tpu.memory_space<vmem>>
      %dma_start3A_743 = tpu.memref_squeeze %dma_start3A_742 : memref<1x50xi32, #tpu.memory_space<vmem>> -> memref<50xi32, #tpu.memory_space<vmem>>
      %dma_start3A_744 = arith.constant 0 : i32
      %dma_start3A_745 = arith.constant 0 : i32
      %dma_start3A_746 = tpu.memref_slice %arg2[%dma_start3A_744, %dma_start3A_745] : memref<10000x128xf32, #tpu.memory_space<hbm>> -> memref<10000x128xf32, #tpu.memory_space<hbm>>
      tpu.enqueue_indirect_dma source(%dma_start3A_746 : memref<10000x128xf32, #tpu.memory_space<hbm>>) target(%arg12 : memref<50x128xf32, #tpu.memory_space<vmem>>) offsets(%dma_start3A_743 : memref<50xi32, #tpu.memory_space<vmem>>) semaphore(%arg19 : memref<!tpu.dma_semaphore, #tpu.memory_space<semaphore_mem>>)
      %add3A_747 = arith.constant 1 : i32
      %add3A_748 = arith.addi %add3A_684, %add3A_747 : i32
      %lt3A_749 = arith.constant 40 : i32
      %lt3A_750 = arith.cmpi slt, %add3A_748, %lt3A_749 : i32
      %convert_element_type3A_751 = arith.extui %lt3A_750 : i1 to i32
      %cond3A_752 = arith.constant 0 : i32
      %cond3A_753 = arith.cmpi ne, %convert_element_type3A_751, %cond3A_752 : i32
      scf.if %cond3A_753 {
        %add3A_866 = arith.constant 5 : i32
        %add3A_867 = arith.addi %mul3A_686, %add3A_866 : i32
        %add3A_868 = arith.constant 0 : i32
        %add3A_869 = arith.addi %add3A_867, %add3A_868 : i32
        %add3A_870 = arith.addi %mul3A_2, %add3A_869 : i32
        %dma_start3A_871 = arith.constant 0 : i32
        %dma_start3A_872 = arith.constant 0 : i32
        %dma_start3A_873 = arith.constant 0 : i32
        %dma_start3A_874 = tpu.memref_slice %arg6[%dma_start3A_872, %dma_start3A_873] : memref<10x50xi32, #tpu.memory_space<vmem>> -> memref<1x50xi32, #tpu.memory_space<vmem>>
        %dma_start3A_875 = tpu.memref_squeeze %dma_start3A_874 : memref<1x50xi32, #tpu.memory_space<vmem>> -> memref<50xi32, #tpu.memory_space<vmem>>
        %dma_start3A_876 = arith.constant 0 : i32
        %dma_start3A_877 = tpu.memref_slice %arg3[%dma_start3A_871, %add3A_870, %dma_start3A_876] : memref<2x6400x50xi32, #tpu.memory_space<hbm>> -> memref<1x1x50xi32, #tpu.memory_space<hbm>>
        %dma_start3A_878 = tpu.memref_squeeze %dma_start3A_877 : memref<1x1x50xi32, #tpu.memory_space<hbm>> -> memref<50xi32, #tpu.memory_space<hbm>>
        %dma_start3A_879 = arith.constant 0 : i32
        %dma_start3A_880 = tpu.memref_slice %arg6[%dma_start3A_872, %dma_start3A_879] : memref<10x50xi32, #tpu.memory_space<vmem>> -> memref<1x50xi32, #tpu.memory_space<vmem>>
        %dma_start3A_881 = tpu.memref_squeeze %dma_start3A_880 : memref<1x50xi32, #tpu.memory_space<vmem>> -> memref<50xi32, #tpu.memory_space<vmem>>
        %dma_start3A_882 = arith.constant 0 : i32
        %dma_start3A_883 = tpu.memref_slice %arg3[%dma_start3A_871, %add3A_870, %dma_start3A_882] : memref<2x6400x50xi32, #tpu.memory_space<hbm>> -> memref<1x1x50xi32, #tpu.memory_space<hbm>>
        %dma_start3A_884 = tpu.memref_squeeze %dma_start3A_883 : memref<1x1x50xi32, #tpu.memory_space<hbm>> -> memref<50xi32, #tpu.memory_space<hbm>>
        tpu.enqueue_dma source(%dma_start3A_884 : memref<50xi32, #tpu.memory_space<hbm>>) target(%dma_start3A_881 : memref<50xi32, #tpu.memory_space<vmem>>) target_semaphore(%arg14 : memref<!tpu.dma_semaphore, #tpu.memory_space<semaphore_mem>>)
        %add3A_885 = arith.addi %mul3A_2, %add3A_869 : i32
        %dma_start3A_886 = arith.constant 1 : i32
        %dma_start3A_887 = arith.constant 0 : i32
        %dma_start3A_888 = arith.constant 0 : i32
        %dma_start3A_889 = tpu.memref_slice %arg7[%dma_start3A_887, %dma_start3A_888] : memref<10x50xi32, #tpu.memory_space<vmem>> -> memref<1x50xi32, #tpu.memory_space<vmem>>
        %dma_start3A_890 = tpu.memref_squeeze %dma_start3A_889 : memref<1x50xi32, #tpu.memory_space<vmem>> -> memref<50xi32, #tpu.memory_space<vmem>>
        %dma_start3A_891 = arith.constant 0 : i32
        %dma_start3A_892 = tpu.memref_slice %arg3[%dma_start3A_886, %add3A_885, %dma_start3A_891] : memref<2x6400x50xi32, #tpu.memory_space<hbm>> -> memref<1x1x50xi32, #tpu.memory_space<hbm>>
        %dma_start3A_893 = tpu.memref_squeeze %dma_start3A_892 : memref<1x1x50xi32, #tpu.memory_space<hbm>> -> memref<50xi32, #tpu.memory_space<hbm>>
        %dma_start3A_894 = arith.constant 0 : i32
        %dma_start3A_895 = tpu.memref_slice %arg7[%dma_start3A_887, %dma_start3A_894] : memref<10x50xi32, #tpu.memory_space<vmem>> -> memref<1x50xi32, #tpu.memory_space<vmem>>
        %dma_start3A_896 = tpu.memref_squeeze %dma_start3A_895 : memref<1x50xi32, #tpu.memory_space<vmem>> -> memref<50xi32, #tpu.memory_space<vmem>>
        %dma_start3A_897 = arith.constant 0 : i32
        %dma_start3A_898 = tpu.memref_slice %arg3[%dma_start3A_886, %add3A_885, %dma_start3A_897] : memref<2x6400x50xi32, #tpu.memory_space<hbm>> -> memref<1x1x50xi32, #tpu.memory_space<hbm>>
        %dma_start3A_899 = tpu.memref_squeeze %dma_start3A_898 : memref<1x1x50xi32, #tpu.memory_space<hbm>> -> memref<50xi32, #tpu.memory_space<hbm>>
        tpu.enqueue_dma source(%dma_start3A_899 : memref<50xi32, #tpu.memory_space<hbm>>) target(%dma_start3A_896 : memref<50xi32, #tpu.memory_space<vmem>>) target_semaphore(%arg14 : memref<!tpu.dma_semaphore, #tpu.memory_space<semaphore_mem>>)
        %add3A_900 = arith.constant 5 : i32
        %add3A_901 = arith.addi %mul3A_686, %add3A_900 : i32
        %add3A_902 = arith.constant 1 : i32
        %add3A_903 = arith.addi %add3A_901, %add3A_902 : i32
        %add3A_904 = arith.addi %mul3A_2, %add3A_903 : i32
        %dma_start3A_905 = arith.constant 0 : i32
        %dma_start3A_906 = arith.constant 1 : i32
        %dma_start3A_907 = arith.constant 0 : i32
        %dma_start3A_908 = tpu.memref_slice %arg6[%dma_start3A_906, %dma_start3A_907] : memref<10x50xi32, #tpu.memory_space<vmem>> -> memref<1x50xi32, #tpu.memory_space<vmem>>
        %dma_start3A_909 = tpu.memref_squeeze %dma_start3A_908 : memref<1x50xi32, #tpu.memory_space<vmem>> -> memref<50xi32, #tpu.memory_space<vmem>>
        %dma_start3A_910 = arith.constant 0 : i32
        %dma_start3A_911 = tpu.memref_slice %arg3[%dma_start3A_905, %add3A_904, %dma_start3A_910] : memref<2x6400x50xi32, #tpu.memory_space<hbm>> -> memref<1x1x50xi32, #tpu.memory_space<hbm>>
        %dma_start3A_912 = tpu.memref_squeeze %dma_start3A_911 : memref<1x1x50xi32, #tpu.memory_space<hbm>> -> memref<50xi32, #tpu.memory_space<hbm>>
        %dma_start3A_913 = arith.constant 0 : i32
        %dma_start3A_914 = tpu.memref_slice %arg6[%dma_start3A_906, %dma_start3A_913] : memref<10x50xi32, #tpu.memory_space<vmem>> -> memref<1x50xi32, #tpu.memory_space<vmem>>
        %dma_start3A_915 = tpu.memref_squeeze %dma_start3A_914 : memref<1x50xi32, #tpu.memory_space<vmem>> -> memref<50xi32, #tpu.memory_space<vmem>>
        %dma_start3A_916 = arith.constant 0 : i32
        %dma_start3A_917 = tpu.memref_slice %arg3[%dma_start3A_905, %add3A_904, %dma_start3A_916] : memref<2x6400x50xi32, #tpu.memory_space<hbm>> -> memref<1x1x50xi32, #tpu.memory_space<hbm>>
        %dma_start3A_918 = tpu.memref_squeeze %dma_start3A_917 : memref<1x1x50xi32, #tpu.memory_space<hbm>> -> memref<50xi32, #tpu.memory_space<hbm>>
        tpu.enqueue_dma source(%dma_start3A_918 : memref<50xi32, #tpu.memory_space<hbm>>) target(%dma_start3A_915 : memref<50xi32, #tpu.memory_space<vmem>>) target_semaphore(%arg14 : memref<!tpu.dma_semaphore, #tpu.memory_space<semaphore_mem>>)
        %add3A_919 = arith.addi %mul3A_2, %add3A_903 : i32
        %dma_start3A_920 = arith.constant 1 : i32
        %dma_start3A_921 = arith.constant 1 : i32
        %dma_start3A_922 = arith.constant 0 : i32
        %dma_start3A_923 = tpu.memref_slice %arg7[%dma_start3A_921, %dma_start3A_922] : memref<10x50xi32, #tpu.memory_space<vmem>> -> memref<1x50xi32, #tpu.memory_space<vmem>>
        %dma_start3A_924 = tpu.memref_squeeze %dma_start3A_923 : memref<1x50xi32, #tpu.memory_space<vmem>> -> memref<50xi32, #tpu.memory_space<vmem>>
        %dma_start3A_925 = arith.constant 0 : i32
        %dma_start3A_926 = tpu.memref_slice %arg3[%dma_start3A_920, %add3A_919, %dma_start3A_925] : memref<2x6400x50xi32, #tpu.memory_space<hbm>> -> memref<1x1x50xi32, #tpu.memory_space<hbm>>
        %dma_start3A_927 = tpu.memref_squeeze %dma_start3A_926 : memref<1x1x50xi32, #tpu.memory_space<hbm>> -> memref<50xi32, #tpu.memory_space<hbm>>
        %dma_start3A_928 = arith.constant 0 : i32
        %dma_start3A_929 = tpu.memref_slice %arg7[%dma_start3A_921, %dma_start3A_928] : memref<10x50xi32, #tpu.memory_space<vmem>> -> memref<1x50xi32, #tpu.memory_space<vmem>>
        %dma_start3A_930 = tpu.memref_squeeze %dma_start3A_929 : memref<1x50xi32, #tpu.memory_space<vmem>> -> memref<50xi32, #tpu.memory_space<vmem>>
        %dma_start3A_931 = arith.constant 0 : i32
        %dma_start3A_932 = tpu.memref_slice %arg3[%dma_start3A_920, %add3A_919, %dma_start3A_931] : memref<2x6400x50xi32, #tpu.memory_space<hbm>> -> memref<1x1x50xi32, #tpu.memory_space<hbm>>
        %dma_start3A_933 = tpu.memref_squeeze %dma_start3A_932 : memref<1x1x50xi32, #tpu.memory_space<hbm>> -> memref<50xi32, #tpu.memory_space<hbm>>
        tpu.enqueue_dma source(%dma_start3A_933 : memref<50xi32, #tpu.memory_space<hbm>>) target(%dma_start3A_930 : memref<50xi32, #tpu.memory_space<vmem>>) target_semaphore(%arg14 : memref<!tpu.dma_semaphore, #tpu.memory_space<semaphore_mem>>)
        %add3A_934 = arith.constant 5 : i32
        %add3A_935 = arith.addi %mul3A_686, %add3A_934 : i32
        %add3A_936 = arith.constant 2 : i32
        %add3A_937 = arith.addi %add3A_935, %add3A_936 : i32
        %add3A_938 = arith.addi %mul3A_2, %add3A_937 : i32
        %dma_start3A_939 = arith.constant 0 : i32
        %dma_start3A_940 = arith.constant 2 : i32
        %dma_start3A_941 = arith.constant 0 : i32
        %dma_start3A_942 = tpu.memref_slice %arg6[%dma_start3A_940, %dma_start3A_941] : memref<10x50xi32, #tpu.memory_space<vmem>> -> memref<1x50xi32, #tpu.memory_space<vmem>>
        %dma_start3A_943 = tpu.memref_squeeze %dma_start3A_942 : memref<1x50xi32, #tpu.memory_space<vmem>> -> memref<50xi32, #tpu.memory_space<vmem>>
        %dma_start3A_944 = arith.constant 0 : i32
        %dma_start3A_945 = tpu.memref_slice %arg3[%dma_start3A_939, %add3A_938, %dma_start3A_944] : memref<2x6400x50xi32, #tpu.memory_space<hbm>> -> memref<1x1x50xi32, #tpu.memory_space<hbm>>
        %dma_start3A_946 = tpu.memref_squeeze %dma_start3A_945 : memref<1x1x50xi32, #tpu.memory_space<hbm>> -> memref<50xi32, #tpu.memory_space<hbm>>
        %dma_start3A_947 = arith.constant 0 : i32
        %dma_start3A_948 = tpu.memref_slice %arg6[%dma_start3A_940, %dma_start3A_947] : memref<10x50xi32, #tpu.memory_space<vmem>> -> memref<1x50xi32, #tpu.memory_space<vmem>>
        %dma_start3A_949 = tpu.memref_squeeze %dma_start3A_948 : memref<1x50xi32, #tpu.memory_space<vmem>> -> memref<50xi32, #tpu.memory_space<vmem>>
        %dma_start3A_950 = arith.constant 0 : i32
        %dma_start3A_951 = tpu.memref_slice %arg3[%dma_start3A_939, %add3A_938, %dma_start3A_950] : memref<2x6400x50xi32, #tpu.memory_space<hbm>> -> memref<1x1x50xi32, #tpu.memory_space<hbm>>
        %dma_start3A_952 = tpu.memref_squeeze %dma_start3A_951 : memref<1x1x50xi32, #tpu.memory_space<hbm>> -> memref<50xi32, #tpu.memory_space<hbm>>
        tpu.enqueue_dma source(%dma_start3A_952 : memref<50xi32, #tpu.memory_space<hbm>>) target(%dma_start3A_949 : memref<50xi32, #tpu.memory_space<vmem>>) target_semaphore(%arg14 : memref<!tpu.dma_semaphore, #tpu.memory_space<semaphore_mem>>)
        %add3A_953 = arith.addi %mul3A_2, %add3A_937 : i32
        %dma_start3A_954 = arith.constant 1 : i32
        %dma_start3A_955 = arith.constant 2 : i32
        %dma_start3A_956 = arith.constant 0 : i32
        %dma_start3A_957 = tpu.memref_slice %arg7[%dma_start3A_955, %dma_start3A_956] : memref<10x50xi32, #tpu.memory_space<vmem>> -> memref<1x50xi32, #tpu.memory_space<vmem>>
        %dma_start3A_958 = tpu.memref_squeeze %dma_start3A_957 : memref<1x50xi32, #tpu.memory_space<vmem>> -> memref<50xi32, #tpu.memory_space<vmem>>
        %dma_start3A_959 = arith.constant 0 : i32
        %dma_start3A_960 = tpu.memref_slice %arg3[%dma_start3A_954, %add3A_953, %dma_start3A_959] : memref<2x6400x50xi32, #tpu.memory_space<hbm>> -> memref<1x1x50xi32, #tpu.memory_space<hbm>>
        %dma_start3A_961 = tpu.memref_squeeze %dma_start3A_960 : memref<1x1x50xi32, #tpu.memory_space<hbm>> -> memref<50xi32, #tpu.memory_space<hbm>>
        %dma_start3A_962 = arith.constant 0 : i32
        %dma_start3A_963 = tpu.memref_slice %arg7[%dma_start3A_955, %dma_start3A_962] : memref<10x50xi32, #tpu.memory_space<vmem>> -> memref<1x50xi32, #tpu.memory_space<vmem>>
        %dma_start3A_964 = tpu.memref_squeeze %dma_start3A_963 : memref<1x50xi32, #tpu.memory_space<vmem>> -> memref<50xi32, #tpu.memory_space<vmem>>
        %dma_start3A_965 = arith.constant 0 : i32
        %dma_start3A_966 = tpu.memref_slice %arg3[%dma_start3A_954, %add3A_953, %dma_start3A_965] : memref<2x6400x50xi32, #tpu.memory_space<hbm>> -> memref<1x1x50xi32, #tpu.memory_space<hbm>>
        %dma_start3A_967 = tpu.memref_squeeze %dma_start3A_966 : memref<1x1x50xi32, #tpu.memory_space<hbm>> -> memref<50xi32, #tpu.memory_space<hbm>>
        tpu.enqueue_dma source(%dma_start3A_967 : memref<50xi32, #tpu.memory_space<hbm>>) target(%dma_start3A_964 : memref<50xi32, #tpu.memory_space<vmem>>) target_semaphore(%arg14 : memref<!tpu.dma_semaphore, #tpu.memory_space<semaphore_mem>>)
        %add3A_968 = arith.constant 5 : i32
        %add3A_969 = arith.addi %mul3A_686, %add3A_968 : i32
        %add3A_970 = arith.constant 3 : i32
        %add3A_971 = arith.addi %add3A_969, %add3A_970 : i32
        %add3A_972 = arith.addi %mul3A_2, %add3A_971 : i32
        %dma_start3A_973 = arith.constant 0 : i32
        %dma_start3A_974 = arith.constant 3 : i32
        %dma_start3A_975 = arith.constant 0 : i32
        %dma_start3A_976 = tpu.memref_slice %arg6[%dma_start3A_974, %dma_start3A_975] : memref<10x50xi32, #tpu.memory_space<vmem>> -> memref<1x50xi32, #tpu.memory_space<vmem>>
        %dma_start3A_977 = tpu.memref_squeeze %dma_start3A_976 : memref<1x50xi32, #tpu.memory_space<vmem>> -> memref<50xi32, #tpu.memory_space<vmem>>
        %dma_start3A_978 = arith.constant 0 : i32
        %dma_start3A_979 = tpu.memref_slice %arg3[%dma_start3A_973, %add3A_972, %dma_start3A_978] : memref<2x6400x50xi32, #tpu.memory_space<hbm>> -> memref<1x1x50xi32, #tpu.memory_space<hbm>>
        %dma_start3A_980 = tpu.memref_squeeze %dma_start3A_979 : memref<1x1x50xi32, #tpu.memory_space<hbm>> -> memref<50xi32, #tpu.memory_space<hbm>>
        %dma_start3A_981 = arith.constant 0 : i32
        %dma_start3A_982 = tpu.memref_slice %arg6[%dma_start3A_974, %dma_start3A_981] : memref<10x50xi32, #tpu.memory_space<vmem>> -> memref<1x50xi32, #tpu.memory_space<vmem>>
        %dma_start3A_983 = tpu.memref_squeeze %dma_start3A_982 : memref<1x50xi32, #tpu.memory_space<vmem>> -> memref<50xi32, #tpu.memory_space<vmem>>
        %dma_start3A_984 = arith.constant 0 : i32
        %dma_start3A_985 = tpu.memref_slice %arg3[%dma_start3A_973, %add3A_972, %dma_start3A_984] : memref<2x6400x50xi32, #tpu.memory_space<hbm>> -> memref<1x1x50xi32, #tpu.memory_space<hbm>>
        %dma_start3A_986 = tpu.memref_squeeze %dma_start3A_985 : memref<1x1x50xi32, #tpu.memory_space<hbm>> -> memref<50xi32, #tpu.memory_space<hbm>>
        tpu.enqueue_dma source(%dma_start3A_986 : memref<50xi32, #tpu.memory_space<hbm>>) target(%dma_start3A_983 : memref<50xi32, #tpu.memory_space<vmem>>) target_semaphore(%arg14 : memref<!tpu.dma_semaphore, #tpu.memory_space<semaphore_mem>>)
        %add3A_987 = arith.addi %mul3A_2, %add3A_971 : i32
        %dma_start3A_988 = arith.constant 1 : i32
        %dma_start3A_989 = arith.constant 3 : i32
        %dma_start3A_990 = arith.constant 0 : i32
        %dma_start3A_991 = tpu.memref_slice %arg7[%dma_start3A_989, %dma_start3A_990] : memref<10x50xi32, #tpu.memory_space<vmem>> -> memref<1x50xi32, #tpu.memory_space<vmem>>
        %dma_start3A_992 = tpu.memref_squeeze %dma_start3A_991 : memref<1x50xi32, #tpu.memory_space<vmem>> -> memref<50xi32, #tpu.memory_space<vmem>>
        %dma_start3A_993 = arith.constant 0 : i32
        %dma_start3A_994 = tpu.memref_slice %arg3[%dma_start3A_988, %add3A_987, %dma_start3A_993] : memref<2x6400x50xi32, #tpu.memory_space<hbm>> -> memref<1x1x50xi32, #tpu.memory_space<hbm>>
        %dma_start3A_995 = tpu.memref_squeeze %dma_start3A_994 : memref<1x1x50xi32, #tpu.memory_space<hbm>> -> memref<50xi32, #tpu.memory_space<hbm>>
        %dma_start3A_996 = arith.constant 0 : i32
        %dma_start3A_997 = tpu.memref_slice %arg7[%dma_start3A_989, %dma_start3A_996] : memref<10x50xi32, #tpu.memory_space<vmem>> -> memref<1x50xi32, #tpu.memory_space<vmem>>
        %dma_start3A_998 = tpu.memref_squeeze %dma_start3A_997 : memref<1x50xi32, #tpu.memory_space<vmem>> -> memref<50xi32, #tpu.memory_space<vmem>>
        %dma_start3A_999 = arith.constant 0 : i32
        %dma_start3A_1000 = tpu.memref_slice %arg3[%dma_start3A_988, %add3A_987, %dma_start3A_999] : memref<2x6400x50xi32, #tpu.memory_space<hbm>> -> memref<1x1x50xi32, #tpu.memory_space<hbm>>
        %dma_start3A_1001 = tpu.memref_squeeze %dma_start3A_1000 : memref<1x1x50xi32, #tpu.memory_space<hbm>> -> memref<50xi32, #tpu.memory_space<hbm>>
        tpu.enqueue_dma source(%dma_start3A_1001 : memref<50xi32, #tpu.memory_space<hbm>>) target(%dma_start3A_998 : memref<50xi32, #tpu.memory_space<vmem>>) target_semaphore(%arg14 : memref<!tpu.dma_semaphore, #tpu.memory_space<semaphore_mem>>)
        %add3A_1002 = arith.constant 5 : i32
        %add3A_1003 = arith.addi %mul3A_686, %add3A_1002 : i32
        %add3A_1004 = arith.constant 4 : i32
        %add3A_1005 = arith.addi %add3A_1003, %add3A_1004 : i32
        %add3A_1006 = arith.addi %mul3A_2, %add3A_1005 : i32
        %dma_start3A_1007 = arith.constant 0 : i32
        %dma_start3A_1008 = arith.constant 4 : i32
        %dma_start3A_1009 = arith.constant 0 : i32
        %dma_start3A_1010 = tpu.memref_slice %arg6[%dma_start3A_1008, %dma_start3A_1009] : memref<10x50xi32, #tpu.memory_space<vmem>> -> memref<1x50xi32, #tpu.memory_space<vmem>>
        %dma_start3A_1011 = tpu.memref_squeeze %dma_start3A_1010 : memref<1x50xi32, #tpu.memory_space<vmem>> -> memref<50xi32, #tpu.memory_space<vmem>>
        %dma_start3A_1012 = arith.constant 0 : i32
        %dma_start3A_1013 = tpu.memref_slice %arg3[%dma_start3A_1007, %add3A_1006, %dma_start3A_1012] : memref<2x6400x50xi32, #tpu.memory_space<hbm>> -> memref<1x1x50xi32, #tpu.memory_space<hbm>>
        %dma_start3A_1014 = tpu.memref_squeeze %dma_start3A_1013 : memref<1x1x50xi32, #tpu.memory_space<hbm>> -> memref<50xi32, #tpu.memory_space<hbm>>
        %dma_start3A_1015 = arith.constant 0 : i32
        %dma_start3A_1016 = tpu.memref_slice %arg6[%dma_start3A_1008, %dma_start3A_1015] : memref<10x50xi32, #tpu.memory_space<vmem>> -> memref<1x50xi32, #tpu.memory_space<vmem>>
        %dma_start3A_1017 = tpu.memref_squeeze %dma_start3A_1016 : memref<1x50xi32, #tpu.memory_space<vmem>> -> memref<50xi32, #tpu.memory_space<vmem>>
        %dma_start3A_1018 = arith.constant 0 : i32
        %dma_start3A_1019 = tpu.memref_slice %arg3[%dma_start3A_1007, %add3A_1006, %dma_start3A_1018] : memref<2x6400x50xi32, #tpu.memory_space<hbm>> -> memref<1x1x50xi32, #tpu.memory_space<hbm>>
        %dma_start3A_1020 = tpu.memref_squeeze %dma_start3A_1019 : memref<1x1x50xi32, #tpu.memory_space<hbm>> -> memref<50xi32, #tpu.memory_space<hbm>>
        tpu.enqueue_dma source(%dma_start3A_1020 : memref<50xi32, #tpu.memory_space<hbm>>) target(%dma_start3A_1017 : memref<50xi32, #tpu.memory_space<vmem>>) target_semaphore(%arg14 : memref<!tpu.dma_semaphore, #tpu.memory_space<semaphore_mem>>)
        %add3A_1021 = arith.addi %mul3A_2, %add3A_1005 : i32
        %dma_start3A_1022 = arith.constant 1 : i32
        %dma_start3A_1023 = arith.constant 4 : i32
        %dma_start3A_1024 = arith.constant 0 : i32
        %dma_start3A_1025 = tpu.memref_slice %arg7[%dma_start3A_1023, %dma_start3A_1024] : memref<10x50xi32, #tpu.memory_space<vmem>> -> memref<1x50xi32, #tpu.memory_space<vmem>>
        %dma_start3A_1026 = tpu.memref_squeeze %dma_start3A_1025 : memref<1x50xi32, #tpu.memory_space<vmem>> -> memref<50xi32, #tpu.memory_space<vmem>>
        %dma_start3A_1027 = arith.constant 0 : i32
        %dma_start3A_1028 = tpu.memref_slice %arg3[%dma_start3A_1022, %add3A_1021, %dma_start3A_1027] : memref<2x6400x50xi32, #tpu.memory_space<hbm>> -> memref<1x1x50xi32, #tpu.memory_space<hbm>>
        %dma_start3A_1029 = tpu.memref_squeeze %dma_start3A_1028 : memref<1x1x50xi32, #tpu.memory_space<hbm>> -> memref<50xi32, #tpu.memory_space<hbm>>
        %dma_start3A_1030 = arith.constant 0 : i32
        %dma_start3A_1031 = tpu.memref_slice %arg7[%dma_start3A_1023, %dma_start3A_1030] : memref<10x50xi32, #tpu.memory_space<vmem>> -> memref<1x50xi32, #tpu.memory_space<vmem>>
        %dma_start3A_1032 = tpu.memref_squeeze %dma_start3A_1031 : memref<1x50xi32, #tpu.memory_space<vmem>> -> memref<50xi32, #tpu.memory_space<vmem>>
        %dma_start3A_1033 = arith.constant 0 : i32
        %dma_start3A_1034 = tpu.memref_slice %arg3[%dma_start3A_1022, %add3A_1021, %dma_start3A_1033] : memref<2x6400x50xi32, #tpu.memory_space<hbm>> -> memref<1x1x50xi32, #tpu.memory_space<hbm>>
        %dma_start3A_1035 = tpu.memref_squeeze %dma_start3A_1034 : memref<1x1x50xi32, #tpu.memory_space<hbm>> -> memref<50xi32, #tpu.memory_space<hbm>>
        tpu.enqueue_dma source(%dma_start3A_1035 : memref<50xi32, #tpu.memory_space<hbm>>) target(%dma_start3A_1032 : memref<50xi32, #tpu.memory_space<vmem>>) target_semaphore(%arg14 : memref<!tpu.dma_semaphore, #tpu.memory_space<semaphore_mem>>)
      } else {
      }
      %dma_wait3A_754 = arith.constant 0 : i32
      %dma_wait3A_755 = arith.constant 0 : i32
      %dma_wait3A_756 = tpu.memref_slice %arg6[%dma_wait3A_754, %dma_wait3A_755] : memref<10x50xi32, #tpu.memory_space<vmem>> -> memref<1x50xi32, #tpu.memory_space<vmem>>
      %dma_wait3A_757 = tpu.memref_squeeze %dma_wait3A_756 : memref<1x50xi32, #tpu.memory_space<vmem>> -> memref<50xi32, #tpu.memory_space<vmem>>
      %dma_wait3A_758 = arith.constant 0 : i32
      %dma_wait3A_759 = arith.constant 0 : i32
      %dma_wait3A_760 = tpu.memref_slice %arg2[%dma_wait3A_758, %dma_wait3A_759] : memref<10000x128xf32, #tpu.memory_space<hbm>> -> memref<10000x128xf32, #tpu.memory_space<hbm>>
      tpu.wait_indirect_dma semaphore(%arg15 : memref<!tpu.dma_semaphore, #tpu.memory_space<semaphore_mem>>) src(%dma_wait3A_760 : memref<10000x128xf32, #tpu.memory_space<hbm>>) dst(%arg8 : memref<50x128xf32, #tpu.memory_space<vmem>>)
      %dma_start3A_761 = arith.constant 5 : i32
      %dma_start3A_762 = arith.constant 0 : i32
      %dma_start3A_763 = tpu.memref_slice %arg7[%dma_start3A_761, %dma_start3A_762] : memref<10x50xi32, #tpu.memory_space<vmem>> -> memref<1x50xi32, #tpu.memory_space<vmem>>
      %dma_start3A_764 = tpu.memref_squeeze %dma_start3A_763 : memref<1x50xi32, #tpu.memory_space<vmem>> -> memref<50xi32, #tpu.memory_space<vmem>>
      %dma_start3A_765 = arith.constant 0 : i32
      %dma_start3A_766 = arith.constant 0 : i32
      %dma_start3A_767 = tpu.memref_slice %arg13[%dma_start3A_765, %dma_start3A_766] : memref<10000x128xf32, #tpu.memory_space<vmem_shared>> -> memref<10000x128xf32, #tpu.memory_space<vmem_shared>>
      tpu.enqueue_indirect_dma source(%arg8 : memref<50x128xf32, #tpu.memory_space<vmem>>) target(%dma_start3A_767 : memref<10000x128xf32, #tpu.memory_space<vmem_shared>>) offsets(%dma_start3A_764 : memref<50xi32, #tpu.memory_space<vmem>>) semaphore(%arg20 : memref<!tpu.dma_semaphore, #tpu.memory_space<semaphore_mem>>) {add = true}
      %dma_start3A_768 = arith.constant 5 : i32
      %dma_start3A_769 = arith.constant 0 : i32
      %dma_start3A_770 = tpu.memref_slice %arg7[%dma_start3A_768, %dma_start3A_769] : memref<10x50xi32, #tpu.memory_space<vmem>> -> memref<1x50xi32, #tpu.memory_space<vmem>>
      %dma_start3A_771 = tpu.memref_squeeze %dma_start3A_770 : memref<1x50xi32, #tpu.memory_space<vmem>> -> memref<50xi32, #tpu.memory_space<vmem>>
      %dma_start3A_772 = arith.constant 0 : i32
      %dma_start3A_773 = arith.constant 0 : i32
      %dma_start3A_774 = tpu.memref_slice %arg25[%dma_start3A_772, %dma_start3A_773] : memref<10000x16xf32, #tpu.memory_space<vmem_shared>> -> memref<10000x16xf32, #tpu.memory_space<vmem_shared>>
      tpu.enqueue_indirect_dma source(%arg26 : memref<50x16xf32, #tpu.memory_space<vmem>>) target(%dma_start3A_774 : memref<10000x16xf32, #tpu.memory_space<vmem_shared>>) offsets(%dma_start3A_771 : memref<50xi32, #tpu.memory_space<vmem>>) semaphore(%arg20 : memref<!tpu.dma_semaphore, #tpu.memory_space<semaphore_mem>>) {add = true}
      %dma_wait3A_775 = arith.constant 0 : i32
      %dma_wait3A_776 = arith.constant 0 : i32
      %dma_wait3A_777 = tpu.memref_slice %arg6[%dma_wait3A_775, %dma_wait3A_776] : memref<10x50xi32, #tpu.memory_space<vmem>> -> memref<1x50xi32, #tpu.memory_space<vmem>>
      %dma_wait3A_778 = tpu.memref_squeeze %dma_wait3A_777 : memref<1x50xi32, #tpu.memory_space<vmem>> -> memref<50xi32, #tpu.memory_space<vmem>>
      %dma_wait3A_779 = arith.constant 0 : i32
      %dma_wait3A_780 = arith.constant 0 : i32
      %dma_wait3A_781 = tpu.memref_slice %arg2[%dma_wait3A_779, %dma_wait3A_780] : memref<10000x128xf32, #tpu.memory_space<hbm>> -> memref<10000x128xf32, #tpu.memory_space<hbm>>
      tpu.wait_indirect_dma semaphore(%arg16 : memref<!tpu.dma_semaphore, #tpu.memory_space<semaphore_mem>>) src(%dma_wait3A_781 : memref<10000x128xf32, #tpu.memory_space<hbm>>) dst(%arg9 : memref<50x128xf32, #tpu.memory_space<vmem>>)
      %dma_start3A_782 = arith.constant 6 : i32
      %dma_start3A_783 = arith.constant 0 : i32
      %dma_start3A_784 = tpu.memref_slice %arg7[%dma_start3A_782, %dma_start3A_783] : memref<10x50xi32, #tpu.memory_space<vmem>> -> memref<1x50xi32, #tpu.memory_space<vmem>>
      %dma_start3A_785 = tpu.memref_squeeze %dma_start3A_784 : memref<1x50xi32, #tpu.memory_space<vmem>> -> memref<50xi32, #tpu.memory_space<vmem>>
      %dma_start3A_786 = arith.constant 0 : i32
      %dma_start3A_787 = arith.constant 0 : i32
      %dma_start3A_788 = tpu.memref_slice %arg13[%dma_start3A_786, %dma_start3A_787] : memref<10000x128xf32, #tpu.memory_space<vmem_shared>> -> memref<10000x128xf32, #tpu.memory_space<vmem_shared>>
      tpu.enqueue_indirect_dma source(%arg9 : memref<50x128xf32, #tpu.memory_space<vmem>>) target(%dma_start3A_788 : memref<10000x128xf32, #tpu.memory_space<vmem_shared>>) offsets(%dma_start3A_785 : memref<50xi32, #tpu.memory_space<vmem>>) semaphore(%arg21 : memref<!tpu.dma_semaphore, #tpu.memory_space<semaphore_mem>>) {add = true}
      %dma_start3A_789 = arith.constant 6 : i32
      %dma_start3A_790 = arith.constant 0 : i32
      %dma_start3A_791 = tpu.memref_slice %arg7[%dma_start3A_789, %dma_start3A_790] : memref<10x50xi32, #tpu.memory_space<vmem>> -> memref<1x50xi32, #tpu.memory_space<vmem>>
      %dma_start3A_792 = tpu.memref_squeeze %dma_start3A_791 : memref<1x50xi32, #tpu.memory_space<vmem>> -> memref<50xi32, #tpu.memory_space<vmem>>
      %dma_start3A_793 = arith.constant 0 : i32
      %dma_start3A_794 = arith.constant 0 : i32
      %dma_start3A_795 = tpu.memref_slice %arg25[%dma_start3A_793, %dma_start3A_794] : memref<10000x16xf32, #tpu.memory_space<vmem_shared>> -> memref<10000x16xf32, #tpu.memory_space<vmem_shared>>
      tpu.enqueue_indirect_dma source(%arg26 : memref<50x16xf32, #tpu.memory_space<vmem>>) target(%dma_start3A_795 : memref<10000x16xf32, #tpu.memory_space<vmem_shared>>) offsets(%dma_start3A_792 : memref<50xi32, #tpu.memory_space<vmem>>) semaphore(%arg21 : memref<!tpu.dma_semaphore, #tpu.memory_space<semaphore_mem>>) {add = true}
      %dma_wait3A_796 = arith.constant 0 : i32
      %dma_wait3A_797 = arith.constant 0 : i32
      %dma_wait3A_798 = tpu.memref_slice %arg6[%dma_wait3A_796, %dma_wait3A_797] : memref<10x50xi32, #tpu.memory_space<vmem>> -> memref<1x50xi32, #tpu.memory_space<vmem>>
      %dma_wait3A_799 = tpu.memref_squeeze %dma_wait3A_798 : memref<1x50xi32, #tpu.memory_space<vmem>> -> memref<50xi32, #tpu.memory_space<vmem>>
      %dma_wait3A_800 = arith.constant 0 : i32
      %dma_wait3A_801 = arith.constant 0 : i32
      %dma_wait3A_802 = tpu.memref_slice %arg2[%dma_wait3A_800, %dma_wait3A_801] : memref<10000x128xf32, #tpu.memory_space<hbm>> -> memref<10000x128xf32, #tpu.memory_space<hbm>>
      tpu.wait_indirect_dma semaphore(%arg17 : memref<!tpu.dma_semaphore, #tpu.memory_space<semaphore_mem>>) src(%dma_wait3A_802 : memref<10000x128xf32, #tpu.memory_space<hbm>>) dst(%arg10 : memref<50x128xf32, #tpu.memory_space<vmem>>)
      %dma_start3A_803 = arith.constant 7 : i32
      %dma_start3A_804 = arith.constant 0 : i32
      %dma_start3A_805 = tpu.memref_slice %arg7[%dma_start3A_803, %dma_start3A_804] : memref<10x50xi32, #tpu.memory_space<vmem>> -> memref<1x50xi32, #tpu.memory_space<vmem>>
      %dma_start3A_806 = tpu.memref_squeeze %dma_start3A_805 : memref<1x50xi32, #tpu.memory_space<vmem>> -> memref<50xi32, #tpu.memory_space<vmem>>
      %dma_start3A_807 = arith.constant 0 : i32
      %dma_start3A_808 = arith.constant 0 : i32
      %dma_start3A_809 = tpu.memref_slice %arg13[%dma_start3A_807, %dma_start3A_808] : memref<10000x128xf32, #tpu.memory_space<vmem_shared>> -> memref<10000x128xf32, #tpu.memory_space<vmem_shared>>
      tpu.enqueue_indirect_dma source(%arg10 : memref<50x128xf32, #tpu.memory_space<vmem>>) target(%dma_start3A_809 : memref<10000x128xf32, #tpu.memory_space<vmem_shared>>) offsets(%dma_start3A_806 : memref<50xi32, #tpu.memory_space<vmem>>) semaphore(%arg22 : memref<!tpu.dma_semaphore, #tpu.memory_space<semaphore_mem>>) {add = true}
      %dma_start3A_810 = arith.constant 7 : i32
      %dma_start3A_811 = arith.constant 0 : i32
      %dma_start3A_812 = tpu.memref_slice %arg7[%dma_start3A_810, %dma_start3A_811] : memref<10x50xi32, #tpu.memory_space<vmem>> -> memref<1x50xi32, #tpu.memory_space<vmem>>
      %dma_start3A_813 = tpu.memref_squeeze %dma_start3A_812 : memref<1x50xi32, #tpu.memory_space<vmem>> -> memref<50xi32, #tpu.memory_space<vmem>>
      %dma_start3A_814 = arith.constant 0 : i32
      %dma_start3A_815 = arith.constant 0 : i32
      %dma_start3A_816 = tpu.memref_slice %arg25[%dma_start3A_814, %dma_start3A_815] : memref<10000x16xf32, #tpu.memory_space<vmem_shared>> -> memref<10000x16xf32, #tpu.memory_space<vmem_shared>>
      tpu.enqueue_indirect_dma source(%arg26 : memref<50x16xf32, #tpu.memory_space<vmem>>) target(%dma_start3A_816 : memref<10000x16xf32, #tpu.memory_space<vmem_shared>>) offsets(%dma_start3A_813 : memref<50xi32, #tpu.memory_space<vmem>>) semaphore(%arg22 : memref<!tpu.dma_semaphore, #tpu.memory_space<semaphore_mem>>) {add = true}
      %dma_wait3A_817 = arith.constant 0 : i32
      %dma_wait3A_818 = arith.constant 0 : i32
      %dma_wait3A_819 = tpu.memref_slice %arg6[%dma_wait3A_817, %dma_wait3A_818] : memref<10x50xi32, #tpu.memory_space<vmem>> -> memref<1x50xi32, #tpu.memory_space<vmem>>
      %dma_wait3A_820 = tpu.memref_squeeze %dma_wait3A_819 : memref<1x50xi32, #tpu.memory_space<vmem>> -> memref<50xi32, #tpu.memory_space<vmem>>
      %dma_wait3A_821 = arith.constant 0 : i32
      %dma_wait3A_822 = arith.constant 0 : i32
      %dma_wait3A_823 = tpu.memref_slice %arg2[%dma_wait3A_821, %dma_wait3A_822] : memref<10000x128xf32, #tpu.memory_space<hbm>> -> memref<10000x128xf32, #tpu.memory_space<hbm>>
      tpu.wait_indirect_dma semaphore(%arg18 : memref<!tpu.dma_semaphore, #tpu.memory_space<semaphore_mem>>) src(%dma_wait3A_823 : memref<10000x128xf32, #tpu.memory_space<hbm>>) dst(%arg11 : memref<50x128xf32, #tpu.memory_space<vmem>>)
      %dma_start3A_824 = arith.constant 8 : i32
      %dma_start3A_825 = arith.constant 0 : i32
      %dma_start3A_826 = tpu.memref_slice %arg7[%dma_start3A_824, %dma_start3A_825] : memref<10x50xi32, #tpu.memory_space<vmem>> -> memref<1x50xi32, #tpu.memory_space<vmem>>
      %dma_start3A_827 = tpu.memref_squeeze %dma_start3A_826 : memref<1x50xi32, #tpu.memory_space<vmem>> -> memref<50xi32, #tpu.memory_space<vmem>>
      %dma_start3A_828 = arith.constant 0 : i32
      %dma_start3A_829 = arith.constant 0 : i32
      %dma_start3A_830 = tpu.memref_slice %arg13[%dma_start3A_828, %dma_start3A_829] : memref<10000x128xf32, #tpu.memory_space<vmem_shared>> -> memref<10000x128xf32, #tpu.memory_space<vmem_shared>>
      tpu.enqueue_indirect_dma source(%arg11 : memref<50x128xf32, #tpu.memory_space<vmem>>) target(%dma_start3A_830 : memref<10000x128xf32, #tpu.memory_space<vmem_shared>>) offsets(%dma_start3A_827 : memref<50xi32, #tpu.memory_space<vmem>>) semaphore(%arg23 : memref<!tpu.dma_semaphore, #tpu.memory_space<semaphore_mem>>) {add = true}
      %dma_start3A_831 = arith.constant 8 : i32
      %dma_start3A_832 = arith.constant 0 : i32
      %dma_start3A_833 = tpu.memref_slice %arg7[%dma_start3A_831, %dma_start3A_832] : memref<10x50xi32, #tpu.memory_space<vmem>> -> memref<1x50xi32, #tpu.memory_space<vmem>>
      %dma_start3A_834 = tpu.memref_squeeze %dma_start3A_833 : memref<1x50xi32, #tpu.memory_space<vmem>> -> memref<50xi32, #tpu.memory_space<vmem>>
      %dma_start3A_835 = arith.constant 0 : i32
      %dma_start3A_836 = arith.constant 0 : i32
      %dma_start3A_837 = tpu.memref_slice %arg25[%dma_start3A_835, %dma_start3A_836] : memref<10000x16xf32, #tpu.memory_space<vmem_shared>> -> memref<10000x16xf32, #tpu.memory_space<vmem_shared>>
      tpu.enqueue_indirect_dma source(%arg26 : memref<50x16xf32, #tpu.memory_space<vmem>>) target(%dma_start3A_837 : memref<10000x16xf32, #tpu.memory_space<vmem_shared>>) offsets(%dma_start3A_834 : memref<50xi32, #tpu.memory_space<vmem>>) semaphore(%arg23 : memref<!tpu.dma_semaphore, #tpu.memory_space<semaphore_mem>>) {add = true}
      %dma_wait3A_838 = arith.constant 0 : i32
      %dma_wait3A_839 = arith.constant 0 : i32
      %dma_wait3A_840 = tpu.memref_slice %arg6[%dma_wait3A_838, %dma_wait3A_839] : memref<10x50xi32, #tpu.memory_space<vmem>> -> memref<1x50xi32, #tpu.memory_space<vmem>>
      %dma_wait3A_841 = tpu.memref_squeeze %dma_wait3A_840 : memref<1x50xi32, #tpu.memory_space<vmem>> -> memref<50xi32, #tpu.memory_space<vmem>>
      %dma_wait3A_842 = arith.constant 0 : i32
      %dma_wait3A_843 = arith.constant 0 : i32
      %dma_wait3A_844 = tpu.memref_slice %arg2[%dma_wait3A_842, %dma_wait3A_843] : memref<10000x128xf32, #tpu.memory_space<hbm>> -> memref<10000x128xf32, #tpu.memory_space<hbm>>
      tpu.wait_indirect_dma semaphore(%arg19 : memref<!tpu.dma_semaphore, #tpu.memory_space<semaphore_mem>>) src(%dma_wait3A_844 : memref<10000x128xf32, #tpu.memory_space<hbm>>) dst(%arg12 : memref<50x128xf32, #tpu.memory_space<vmem>>)
      %dma_start3A_845 = arith.constant 9 : i32
      %dma_start3A_846 = arith.constant 0 : i32
      %dma_start3A_847 = tpu.memref_slice %arg7[%dma_start3A_845, %dma_start3A_846] : memref<10x50xi32, #tpu.memory_space<vmem>> -> memref<1x50xi32, #tpu.memory_space<vmem>>
      %dma_start3A_848 = tpu.memref_squeeze %dma_start3A_847 : memref<1x50xi32, #tpu.memory_space<vmem>> -> memref<50xi32, #tpu.memory_space<vmem>>
      %dma_start3A_849 = arith.constant 0 : i32
      %dma_start3A_850 = arith.constant 0 : i32
      %dma_start3A_851 = tpu.memref_slice %arg13[%dma_start3A_849, %dma_start3A_850] : memref<10000x128xf32, #tpu.memory_space<vmem_shared>> -> memref<10000x128xf32, #tpu.memory_space<vmem_shared>>
      tpu.enqueue_indirect_dma source(%arg12 : memref<50x128xf32, #tpu.memory_space<vmem>>) target(%dma_start3A_851 : memref<10000x128xf32, #tpu.memory_space<vmem_shared>>) offsets(%dma_start3A_848 : memref<50xi32, #tpu.memory_space<vmem>>) semaphore(%arg24 : memref<!tpu.dma_semaphore, #tpu.memory_space<semaphore_mem>>) {add = true}
      %dma_start3A_852 = arith.constant 9 : i32
      %dma_start3A_853 = arith.constant 0 : i32
      %dma_start3A_854 = tpu.memref_slice %arg7[%dma_start3A_852, %dma_start3A_853] : memref<10x50xi32, #tpu.memory_space<vmem>> -> memref<1x50xi32, #tpu.memory_space<vmem>>
      %dma_start3A_855 = tpu.memref_squeeze %dma_start3A_854 : memref<1x50xi32, #tpu.memory_space<vmem>> -> memref<50xi32, #tpu.memory_space<vmem>>
      %dma_start3A_856 = arith.constant 0 : i32
      %dma_start3A_857 = arith.constant 0 : i32
      %dma_start3A_858 = tpu.memref_slice %arg25[%dma_start3A_856, %dma_start3A_857] : memref<10000x16xf32, #tpu.memory_space<vmem_shared>> -> memref<10000x16xf32, #tpu.memory_space<vmem_shared>>
      tpu.enqueue_indirect_dma source(%arg26 : memref<50x16xf32, #tpu.memory_space<vmem>>) target(%dma_start3A_858 : memref<10000x16xf32, #tpu.memory_space<vmem_shared>>) offsets(%dma_start3A_855 : memref<50xi32, #tpu.memory_space<vmem>>) semaphore(%arg24 : memref<!tpu.dma_semaphore, #tpu.memory_space<semaphore_mem>>) {add = true}
      %add3A_859 = arith.constant 1 : i32
      %add3A_860 = arith.addi %add3A_684, %add3A_859 : i32
      %lt3A_861 = arith.constant 40 : i32
      %lt3A_862 = arith.cmpi slt, %add3A_860, %lt3A_861 : i32
      %convert_element_type3A_863 = arith.extui %lt3A_862 : i1 to i32
      %cond3A_864 = arith.constant 0 : i32
      %cond3A_865 = arith.cmpi ne, %convert_element_type3A_863, %cond3A_864 : i32
      scf.if %cond3A_865 {
        %dma_wait3A_866 = arith.constant 0 : i32
        %dma_wait3A_867 = arith.constant 0 : i32
        %dma_wait3A_868 = arith.constant 0 : i32
        %dma_wait3A_869 = arith.constant 0 : i32
        %dma_wait3A_870 = tpu.memref_slice %arg6[%dma_wait3A_868, %dma_wait3A_869] : memref<10x50xi32, #tpu.memory_space<vmem>> -> memref<1x50xi32, #tpu.memory_space<vmem>>
        %dma_wait3A_871 = tpu.memref_squeeze %dma_wait3A_870 : memref<1x50xi32, #tpu.memory_space<vmem>> -> memref<50xi32, #tpu.memory_space<vmem>>
        %dma_wait3A_872 = arith.constant 0 : i32
        %dma_wait3A_873 = tpu.memref_slice %arg3[%dma_wait3A_866, %dma_wait3A_867, %dma_wait3A_872] : memref<2x6400x50xi32, #tpu.memory_space<hbm>> -> memref<1x1x50xi32, #tpu.memory_space<hbm>>
        %dma_wait3A_874 = tpu.memref_squeeze %dma_wait3A_873 : memref<1x1x50xi32, #tpu.memory_space<hbm>> -> memref<50xi32, #tpu.memory_space<hbm>>
        %dma_wait3A_875 = arith.constant 0 : i32
        %dma_wait3A_876 = tpu.memref_slice %arg6[%dma_wait3A_868, %dma_wait3A_875] : memref<10x50xi32, #tpu.memory_space<vmem>> -> memref<1x50xi32, #tpu.memory_space<vmem>>
        %dma_wait3A_877 = tpu.memref_squeeze %dma_wait3A_876 : memref<1x50xi32, #tpu.memory_space<vmem>> -> memref<50xi32, #tpu.memory_space<vmem>>
        %dma_wait3A_878 = arith.constant 0 : i32
        %dma_wait3A_879 = tpu.memref_slice %arg3[%dma_wait3A_866, %dma_wait3A_867, %dma_wait3A_878] : memref<2x6400x50xi32, #tpu.memory_space<hbm>> -> memref<1x1x50xi32, #tpu.memory_space<hbm>>
        %dma_wait3A_880 = tpu.memref_squeeze %dma_wait3A_879 : memref<1x1x50xi32, #tpu.memory_space<hbm>> -> memref<50xi32, #tpu.memory_space<hbm>>
        tpu.wait_dma2 semaphore(%arg14 : memref<!tpu.dma_semaphore, #tpu.memory_space<semaphore_mem>>) src(%dma_wait3A_880 : memref<50xi32, #tpu.memory_space<hbm>>) dst(%dma_wait3A_877 : memref<50xi32, #tpu.memory_space<vmem>>)
        %dma_wait3A_881 = arith.constant 0 : i32
        %dma_wait3A_882 = arith.constant 0 : i32
        %dma_wait3A_883 = arith.constant 0 : i32
        %dma_wait3A_884 = arith.constant 0 : i32
        %dma_wait3A_885 = tpu.memref_slice %arg7[%dma_wait3A_883, %dma_wait3A_884] : memref<10x50xi32, #tpu.memory_space<vmem>> -> memref<1x50xi32, #tpu.memory_space<vmem>>
        %dma_wait3A_886 = tpu.memref_squeeze %dma_wait3A_885 : memref<1x50xi32, #tpu.memory_space<vmem>> -> memref<50xi32, #tpu.memory_space<vmem>>
        %dma_wait3A_887 = arith.constant 0 : i32
        %dma_wait3A_888 = tpu.memref_slice %arg3[%dma_wait3A_881, %dma_wait3A_882, %dma_wait3A_887] : memref<2x6400x50xi32, #tpu.memory_space<hbm>> -> memref<1x1x50xi32, #tpu.memory_space<hbm>>
        %dma_wait3A_889 = tpu.memref_squeeze %dma_wait3A_888 : memref<1x1x50xi32, #tpu.memory_space<hbm>> -> memref<50xi32, #tpu.memory_space<hbm>>
        %dma_wait3A_890 = arith.constant 0 : i32
        %dma_wait3A_891 = tpu.memref_slice %arg7[%dma_wait3A_883, %dma_wait3A_890] : memref<10x50xi32, #tpu.memory_space<vmem>> -> memref<1x50xi32, #tpu.memory_space<vmem>>
        %dma_wait3A_892 = tpu.memref_squeeze %dma_wait3A_891 : memref<1x50xi32, #tpu.memory_space<vmem>> -> memref<50xi32, #tpu.memory_space<vmem>>
        %dma_wait3A_893 = arith.constant 0 : i32
        %dma_wait3A_894 = tpu.memref_slice %arg3[%dma_wait3A_881, %dma_wait3A_882, %dma_wait3A_893] : memref<2x6400x50xi32, #tpu.memory_space<hbm>> -> memref<1x1x50xi32, #tpu.memory_space<hbm>>
        %dma_wait3A_895 = tpu.memref_squeeze %dma_wait3A_894 : memref<1x1x50xi32, #tpu.memory_space<hbm>> -> memref<50xi32, #tpu.memory_space<hbm>>
        tpu.wait_dma2 semaphore(%arg14 : memref<!tpu.dma_semaphore, #tpu.memory_space<semaphore_mem>>) src(%dma_wait3A_895 : memref<50xi32, #tpu.memory_space<hbm>>) dst(%dma_wait3A_892 : memref<50xi32, #tpu.memory_space<vmem>>)
        %dma_wait3A_896 = arith.constant 0 : i32
        %dma_wait3A_897 = arith.constant 0 : i32
        %dma_wait3A_898 = arith.constant 0 : i32
        %dma_wait3A_899 = arith.constant 0 : i32
        %dma_wait3A_900 = tpu.memref_slice %arg6[%dma_wait3A_898, %dma_wait3A_899] : memref<10x50xi32, #tpu.memory_space<vmem>> -> memref<1x50xi32, #tpu.memory_space<vmem>>
        %dma_wait3A_901 = tpu.memref_squeeze %dma_wait3A_900 : memref<1x50xi32, #tpu.memory_space<vmem>> -> memref<50xi32, #tpu.memory_space<vmem>>
        %dma_wait3A_902 = arith.constant 0 : i32
        %dma_wait3A_903 = tpu.memref_slice %arg3[%dma_wait3A_896, %dma_wait3A_897, %dma_wait3A_902] : memref<2x6400x50xi32, #tpu.memory_space<hbm>> -> memref<1x1x50xi32, #tpu.memory_space<hbm>>
        %dma_wait3A_904 = tpu.memref_squeeze %dma_wait3A_903 : memref<1x1x50xi32, #tpu.memory_space<hbm>> -> memref<50xi32, #tpu.memory_space<hbm>>
        %dma_wait3A_905 = arith.constant 0 : i32
        %dma_wait3A_906 = tpu.memref_slice %arg6[%dma_wait3A_898, %dma_wait3A_905] : memref<10x50xi32, #tpu.memory_space<vmem>> -> memref<1x50xi32, #tpu.memory_space<vmem>>
        %dma_wait3A_907 = tpu.memref_squeeze %dma_wait3A_906 : memref<1x50xi32, #tpu.memory_space<vmem>> -> memref<50xi32, #tpu.memory_space<vmem>>
        %dma_wait3A_908 = arith.constant 0 : i32
        %dma_wait3A_909 = tpu.memref_slice %arg3[%dma_wait3A_896, %dma_wait3A_897, %dma_wait3A_908] : memref<2x6400x50xi32, #tpu.memory_space<hbm>> -> memref<1x1x50xi32, #tpu.memory_space<hbm>>
        %dma_wait3A_910 = tpu.memref_squeeze %dma_wait3A_909 : memref<1x1x50xi32, #tpu.memory_space<hbm>> -> memref<50xi32, #tpu.memory_space<hbm>>
        tpu.wait_dma2 semaphore(%arg14 : memref<!tpu.dma_semaphore, #tpu.memory_space<semaphore_mem>>) src(%dma_wait3A_910 : memref<50xi32, #tpu.memory_space<hbm>>) dst(%dma_wait3A_907 : memref<50xi32, #tpu.memory_space<vmem>>)
        %dma_wait3A_911 = arith.constant 0 : i32
        %dma_wait3A_912 = arith.constant 0 : i32
        %dma_wait3A_913 = arith.constant 0 : i32
        %dma_wait3A_914 = arith.constant 0 : i32
        %dma_wait3A_915 = tpu.memref_slice %arg7[%dma_wait3A_913, %dma_wait3A_914] : memref<10x50xi32, #tpu.memory_space<vmem>> -> memref<1x50xi32, #tpu.memory_space<vmem>>
        %dma_wait3A_916 = tpu.memref_squeeze %dma_wait3A_915 : memref<1x50xi32, #tpu.memory_space<vmem>> -> memref<50xi32, #tpu.memory_space<vmem>>
        %dma_wait3A_917 = arith.constant 0 : i32
        %dma_wait3A_918 = tpu.memref_slice %arg3[%dma_wait3A_911, %dma_wait3A_912, %dma_wait3A_917] : memref<2x6400x50xi32, #tpu.memory_space<hbm>> -> memref<1x1x50xi32, #tpu.memory_space<hbm>>
        %dma_wait3A_919 = tpu.memref_squeeze %dma_wait3A_918 : memref<1x1x50xi32, #tpu.memory_space<hbm>> -> memref<50xi32, #tpu.memory_space<hbm>>
        %dma_wait3A_920 = arith.constant 0 : i32
        %dma_wait3A_921 = tpu.memref_slice %arg7[%dma_wait3A_913, %dma_wait3A_920] : memref<10x50xi32, #tpu.memory_space<vmem>> -> memref<1x50xi32, #tpu.memory_space<vmem>>
        %dma_wait3A_922 = tpu.memref_squeeze %dma_wait3A_921 : memref<1x50xi32, #tpu.memory_space<vmem>> -> memref<50xi32, #tpu.memory_space<vmem>>
        %dma_wait3A_923 = arith.constant 0 : i32
        %dma_wait3A_924 = tpu.memref_slice %arg3[%dma_wait3A_911, %dma_wait3A_912, %dma_wait3A_923] : memref<2x6400x50xi32, #tpu.memory_space<hbm>> -> memref<1x1x50xi32, #tpu.memory_space<hbm>>
        %dma_wait3A_925 = tpu.memref_squeeze %dma_wait3A_924 : memref<1x1x50xi32, #tpu.memory_space<hbm>> -> memref<50xi32, #tpu.memory_space<hbm>>
        tpu.wait_dma2 semaphore(%arg14 : memref<!tpu.dma_semaphore, #tpu.memory_space<semaphore_mem>>) src(%dma_wait3A_925 : memref<50xi32, #tpu.memory_space<hbm>>) dst(%dma_wait3A_922 : memref<50xi32, #tpu.memory_space<vmem>>)
        %dma_wait3A_926 = arith.constant 0 : i32
        %dma_wait3A_927 = arith.constant 0 : i32
        %dma_wait3A_928 = arith.constant 0 : i32
        %dma_wait3A_929 = arith.constant 0 : i32
        %dma_wait3A_930 = tpu.memref_slice %arg6[%dma_wait3A_928, %dma_wait3A_929] : memref<10x50xi32, #tpu.memory_space<vmem>> -> memref<1x50xi32, #tpu.memory_space<vmem>>
        %dma_wait3A_931 = tpu.memref_squeeze %dma_wait3A_930 : memref<1x50xi32, #tpu.memory_space<vmem>> -> memref<50xi32, #tpu.memory_space<vmem>>
        %dma_wait3A_932 = arith.constant 0 : i32
        %dma_wait3A_933 = tpu.memref_slice %arg3[%dma_wait3A_926, %dma_wait3A_927, %dma_wait3A_932] : memref<2x6400x50xi32, #tpu.memory_space<hbm>> -> memref<1x1x50xi32, #tpu.memory_space<hbm>>
        %dma_wait3A_934 = tpu.memref_squeeze %dma_wait3A_933 : memref<1x1x50xi32, #tpu.memory_space<hbm>> -> memref<50xi32, #tpu.memory_space<hbm>>
        %dma_wait3A_935 = arith.constant 0 : i32
        %dma_wait3A_936 = tpu.memref_slice %arg6[%dma_wait3A_928, %dma_wait3A_935] : memref<10x50xi32, #tpu.memory_space<vmem>> -> memref<1x50xi32, #tpu.memory_space<vmem>>
        %dma_wait3A_937 = tpu.memref_squeeze %dma_wait3A_936 : memref<1x50xi32, #tpu.memory_space<vmem>> -> memref<50xi32, #tpu.memory_space<vmem>>
        %dma_wait3A_938 = arith.constant 0 : i32
        %dma_wait3A_939 = tpu.memref_slice %arg3[%dma_wait3A_926, %dma_wait3A_927, %dma_wait3A_938] : memref<2x6400x50xi32, #tpu.memory_space<hbm>> -> memref<1x1x50xi32, #tpu.memory_space<hbm>>
        %dma_wait3A_940 = tpu.memref_squeeze %dma_wait3A_939 : memref<1x1x50xi32, #tpu.memory_space<hbm>> -> memref<50xi32, #tpu.memory_space<hbm>>
        tpu.wait_dma2 semaphore(%arg14 : memref<!tpu.dma_semaphore, #tpu.memory_space<semaphore_mem>>) src(%dma_wait3A_940 : memref<50xi32, #tpu.memory_space<hbm>>) dst(%dma_wait3A_937 : memref<50xi32, #tpu.memory_space<vmem>>)
        %dma_wait3A_941 = arith.constant 0 : i32
        %dma_wait3A_942 = arith.constant 0 : i32
        %dma_wait3A_943 = arith.constant 0 : i32
        %dma_wait3A_944 = arith.constant 0 : i32
        %dma_wait3A_945 = tpu.memref_slice %arg7[%dma_wait3A_943, %dma_wait3A_944] : memref<10x50xi32, #tpu.memory_space<vmem>> -> memref<1x50xi32, #tpu.memory_space<vmem>>
        %dma_wait3A_946 = tpu.memref_squeeze %dma_wait3A_945 : memref<1x50xi32, #tpu.memory_space<vmem>> -> memref<50xi32, #tpu.memory_space<vmem>>
        %dma_wait3A_947 = arith.constant 0 : i32
        %dma_wait3A_948 = tpu.memref_slice %arg3[%dma_wait3A_941, %dma_wait3A_942, %dma_wait3A_947] : memref<2x6400x50xi32, #tpu.memory_space<hbm>> -> memref<1x1x50xi32, #tpu.memory_space<hbm>>
        %dma_wait3A_949 = tpu.memref_squeeze %dma_wait3A_948 : memref<1x1x50xi32, #tpu.memory_space<hbm>> -> memref<50xi32, #tpu.memory_space<hbm>>
        %dma_wait3A_950 = arith.constant 0 : i32
        %dma_wait3A_951 = tpu.memref_slice %arg7[%dma_wait3A_943, %dma_wait3A_950] : memref<10x50xi32, #tpu.memory_space<vmem>> -> memref<1x50xi32, #tpu.memory_space<vmem>>
        %dma_wait3A_952 = tpu.memref_squeeze %dma_wait3A_951 : memref<1x50xi32, #tpu.memory_space<vmem>> -> memref<50xi32, #tpu.memory_space<vmem>>
        %dma_wait3A_953 = arith.constant 0 : i32
        %dma_wait3A_954 = tpu.memref_slice %arg3[%dma_wait3A_941, %dma_wait3A_942, %dma_wait3A_953] : memref<2x6400x50xi32, #tpu.memory_space<hbm>> -> memref<1x1x50xi32, #tpu.memory_space<hbm>>
        %dma_wait3A_955 = tpu.memref_squeeze %dma_wait3A_954 : memref<1x1x50xi32, #tpu.memory_space<hbm>> -> memref<50xi32, #tpu.memory_space<hbm>>
        tpu.wait_dma2 semaphore(%arg14 : memref<!tpu.dma_semaphore, #tpu.memory_space<semaphore_mem>>) src(%dma_wait3A_955 : memref<50xi32, #tpu.memory_space<hbm>>) dst(%dma_wait3A_952 : memref<50xi32, #tpu.memory_space<vmem>>)
        %dma_wait3A_956 = arith.constant 0 : i32
        %dma_wait3A_957 = arith.constant 0 : i32
        %dma_wait3A_958 = arith.constant 0 : i32
        %dma_wait3A_959 = arith.constant 0 : i32
        %dma_wait3A_960 = tpu.memref_slice %arg6[%dma_wait3A_958, %dma_wait3A_959] : memref<10x50xi32, #tpu.memory_space<vmem>> -> memref<1x50xi32, #tpu.memory_space<vmem>>
        %dma_wait3A_961 = tpu.memref_squeeze %dma_wait3A_960 : memref<1x50xi32, #tpu.memory_space<vmem>> -> memref<50xi32, #tpu.memory_space<vmem>>
        %dma_wait3A_962 = arith.constant 0 : i32
        %dma_wait3A_963 = tpu.memref_slice %arg3[%dma_wait3A_956, %dma_wait3A_957, %dma_wait3A_962] : memref<2x6400x50xi32, #tpu.memory_space<hbm>> -> memref<1x1x50xi32, #tpu.memory_space<hbm>>
        %dma_wait3A_964 = tpu.memref_squeeze %dma_wait3A_963 : memref<1x1x50xi32, #tpu.memory_space<hbm>> -> memref<50xi32, #tpu.memory_space<hbm>>
        %dma_wait3A_965 = arith.constant 0 : i32
        %dma_wait3A_966 = tpu.memref_slice %arg6[%dma_wait3A_958, %dma_wait3A_965] : memref<10x50xi32, #tpu.memory_space<vmem>> -> memref<1x50xi32, #tpu.memory_space<vmem>>
        %dma_wait3A_967 = tpu.memref_squeeze %dma_wait3A_966 : memref<1x50xi32, #tpu.memory_space<vmem>> -> memref<50xi32, #tpu.memory_space<vmem>>
        %dma_wait3A_968 = arith.constant 0 : i32
        %dma_wait3A_969 = tpu.memref_slice %arg3[%dma_wait3A_956, %dma_wait3A_957, %dma_wait3A_968] : memref<2x6400x50xi32, #tpu.memory_space<hbm>> -> memref<1x1x50xi32, #tpu.memory_space<hbm>>
        %dma_wait3A_970 = tpu.memref_squeeze %dma_wait3A_969 : memref<1x1x50xi32, #tpu.memory_space<hbm>> -> memref<50xi32, #tpu.memory_space<hbm>>
        tpu.wait_dma2 semaphore(%arg14 : memref<!tpu.dma_semaphore, #tpu.memory_space<semaphore_mem>>) src(%dma_wait3A_970 : memref<50xi32, #tpu.memory_space<hbm>>) dst(%dma_wait3A_967 : memref<50xi32, #tpu.memory_space<vmem>>)
        %dma_wait3A_971 = arith.constant 0 : i32
        %dma_wait3A_972 = arith.constant 0 : i32
        %dma_wait3A_973 = arith.constant 0 : i32
        %dma_wait3A_974 = arith.constant 0 : i32
        %dma_wait3A_975 = tpu.memref_slice %arg7[%dma_wait3A_973, %dma_wait3A_974] : memref<10x50xi32, #tpu.memory_space<vmem>> -> memref<1x50xi32, #tpu.memory_space<vmem>>
        %dma_wait3A_976 = tpu.memref_squeeze %dma_wait3A_975 : memref<1x50xi32, #tpu.memory_space<vmem>> -> memref<50xi32, #tpu.memory_space<vmem>>
        %dma_wait3A_977 = arith.constant 0 : i32
        %dma_wait3A_978 = tpu.memref_slice %arg3[%dma_wait3A_971, %dma_wait3A_972, %dma_wait3A_977] : memref<2x6400x50xi32, #tpu.memory_space<hbm>> -> memref<1x1x50xi32, #tpu.memory_space<hbm>>
        %dma_wait3A_979 = tpu.memref_squeeze %dma_wait3A_978 : memref<1x1x50xi32, #tpu.memory_space<hbm>> -> memref<50xi32, #tpu.memory_space<hbm>>
        %dma_wait3A_980 = arith.constant 0 : i32
        %dma_wait3A_981 = tpu.memref_slice %arg7[%dma_wait3A_973, %dma_wait3A_980] : memref<10x50xi32, #tpu.memory_space<vmem>> -> memref<1x50xi32, #tpu.memory_space<vmem>>
        %dma_wait3A_982 = tpu.memref_squeeze %dma_wait3A_981 : memref<1x50xi32, #tpu.memory_space<vmem>> -> memref<50xi32, #tpu.memory_space<vmem>>
        %dma_wait3A_983 = arith.constant 0 : i32
        %dma_wait3A_984 = tpu.memref_slice %arg3[%dma_wait3A_971, %dma_wait3A_972, %dma_wait3A_983] : memref<2x6400x50xi32, #tpu.memory_space<hbm>> -> memref<1x1x50xi32, #tpu.memory_space<hbm>>
        %dma_wait3A_985 = tpu.memref_squeeze %dma_wait3A_984 : memref<1x1x50xi32, #tpu.memory_space<hbm>> -> memref<50xi32, #tpu.memory_space<hbm>>
        tpu.wait_dma2 semaphore(%arg14 : memref<!tpu.dma_semaphore, #tpu.memory_space<semaphore_mem>>) src(%dma_wait3A_985 : memref<50xi32, #tpu.memory_space<hbm>>) dst(%dma_wait3A_982 : memref<50xi32, #tpu.memory_space<vmem>>)
        %dma_wait3A_986 = arith.constant 0 : i32
        %dma_wait3A_987 = arith.constant 0 : i32
        %dma_wait3A_988 = arith.constant 0 : i32
        %dma_wait3A_989 = arith.constant 0 : i32
        %dma_wait3A_990 = tpu.memref_slice %arg6[%dma_wait3A_988, %dma_wait3A_989] : memref<10x50xi32, #tpu.memory_space<vmem>> -> memref<1x50xi32, #tpu.memory_space<vmem>>
        %dma_wait3A_991 = tpu.memref_squeeze %dma_wait3A_990 : memref<1x50xi32, #tpu.memory_space<vmem>> -> memref<50xi32, #tpu.memory_space<vmem>>
        %dma_wait3A_992 = arith.constant 0 : i32
        %dma_wait3A_993 = tpu.memref_slice %arg3[%dma_wait3A_986, %dma_wait3A_987, %dma_wait3A_992] : memref<2x6400x50xi32, #tpu.memory_space<hbm>> -> memref<1x1x50xi32, #tpu.memory_space<hbm>>
        %dma_wait3A_994 = tpu.memref_squeeze %dma_wait3A_993 : memref<1x1x50xi32, #tpu.memory_space<hbm>> -> memref<50xi32, #tpu.memory_space<hbm>>
        %dma_wait3A_995 = arith.constant 0 : i32
        %dma_wait3A_996 = tpu.memref_slice %arg6[%dma_wait3A_988, %dma_wait3A_995] : memref<10x50xi32, #tpu.memory_space<vmem>> -> memref<1x50xi32, #tpu.memory_space<vmem>>
        %dma_wait3A_997 = tpu.memref_squeeze %dma_wait3A_996 : memref<1x50xi32, #tpu.memory_space<vmem>> -> memref<50xi32, #tpu.memory_space<vmem>>
        %dma_wait3A_998 = arith.constant 0 : i32
        %dma_wait3A_999 = tpu.memref_slice %arg3[%dma_wait3A_986, %dma_wait3A_987, %dma_wait3A_998] : memref<2x6400x50xi32, #tpu.memory_space<hbm>> -> memref<1x1x50xi32, #tpu.memory_space<hbm>>
        %dma_wait3A_1000 = tpu.memref_squeeze %dma_wait3A_999 : memref<1x1x50xi32, #tpu.memory_space<hbm>> -> memref<50xi32, #tpu.memory_space<hbm>>
        tpu.wait_dma2 semaphore(%arg14 : memref<!tpu.dma_semaphore, #tpu.memory_space<semaphore_mem>>) src(%dma_wait3A_1000 : memref<50xi32, #tpu.memory_space<hbm>>) dst(%dma_wait3A_997 : memref<50xi32, #tpu.memory_space<vmem>>)
        %dma_wait3A_1001 = arith.constant 0 : i32
        %dma_wait3A_1002 = arith.constant 0 : i32
        %dma_wait3A_1003 = arith.constant 0 : i32
        %dma_wait3A_1004 = arith.constant 0 : i32
        %dma_wait3A_1005 = tpu.memref_slice %arg7[%dma_wait3A_1003, %dma_wait3A_1004] : memref<10x50xi32, #tpu.memory_space<vmem>> -> memref<1x50xi32, #tpu.memory_space<vmem>>
        %dma_wait3A_1006 = tpu.memref_squeeze %dma_wait3A_1005 : memref<1x50xi32, #tpu.memory_space<vmem>> -> memref<50xi32, #tpu.memory_space<vmem>>
        %dma_wait3A_1007 = arith.constant 0 : i32
        %dma_wait3A_1008 = tpu.memref_slice %arg3[%dma_wait3A_1001, %dma_wait3A_1002, %dma_wait3A_1007] : memref<2x6400x50xi32, #tpu.memory_space<hbm>> -> memref<1x1x50xi32, #tpu.memory_space<hbm>>
        %dma_wait3A_1009 = tpu.memref_squeeze %dma_wait3A_1008 : memref<1x1x50xi32, #tpu.memory_space<hbm>> -> memref<50xi32, #tpu.memory_space<hbm>>
        %dma_wait3A_1010 = arith.constant 0 : i32
        %dma_wait3A_1011 = tpu.memref_slice %arg7[%dma_wait3A_1003, %dma_wait3A_1010] : memref<10x50xi32, #tpu.memory_space<vmem>> -> memref<1x50xi32, #tpu.memory_space<vmem>>
        %dma_wait3A_1012 = tpu.memref_squeeze %dma_wait3A_1011 : memref<1x50xi32, #tpu.memory_space<vmem>> -> memref<50xi32, #tpu.memory_space<vmem>>
        %dma_wait3A_1013 = arith.constant 0 : i32
        %dma_wait3A_1014 = tpu.memref_slice %arg3[%dma_wait3A_1001, %dma_wait3A_1002, %dma_wait3A_1013] : memref<2x6400x50xi32, #tpu.memory_space<hbm>> -> memref<1x1x50xi32, #tpu.memory_space<hbm>>
        %dma_wait3A_1015 = tpu.memref_squeeze %dma_wait3A_1014 : memref<1x1x50xi32, #tpu.memory_space<hbm>> -> memref<50xi32, #tpu.memory_space<hbm>>
        tpu.wait_dma2 semaphore(%arg14 : memref<!tpu.dma_semaphore, #tpu.memory_space<semaphore_mem>>) src(%dma_wait3A_1015 : memref<50xi32, #tpu.memory_space<hbm>>) dst(%dma_wait3A_1012 : memref<50xi32, #tpu.memory_space<vmem>>)
      } else {
      }
    }
    %scan3A_429 = arith.constant 20 : i32
    %dma_wait3A_430 = arith.constant 0 : i32
    %dma_wait3A_431 = arith.constant 0 : i32
    %dma_wait3A_432 = tpu.memref_slice %arg7[%dma_wait3A_430, %dma_wait3A_431] : memref<10x50xi32, #tpu.memory_space<vmem>> -> memref<1x50xi32, #tpu.memory_space<vmem>>
    %dma_wait3A_433 = tpu.memref_squeeze %dma_wait3A_432 : memref<1x50xi32, #tpu.memory_space<vmem>> -> memref<50xi32, #tpu.memory_space<vmem>>
    %dma_wait3A_434 = arith.constant 0 : i32
    %dma_wait3A_435 = arith.constant 0 : i32
    %dma_wait3A_436 = tpu.memref_slice %arg13[%dma_wait3A_434, %dma_wait3A_435] : memref<10000x128xf32, #tpu.memory_space<vmem_shared>> -> memref<10000x128xf32, #tpu.memory_space<vmem_shared>>
    tpu.wait_indirect_dma semaphore(%arg20 : memref<!tpu.dma_semaphore, #tpu.memory_space<semaphore_mem>>) src(%arg8 : memref<50x128xf32, #tpu.memory_space<vmem>>) dst(%dma_wait3A_436 : memref<10000x128xf32, #tpu.memory_space<vmem_shared>>)
    %dma_wait3A_437 = arith.constant 0 : i32
    %dma_wait3A_438 = arith.constant 0 : i32
    %dma_wait3A_439 = tpu.memref_slice %arg7[%dma_wait3A_437, %dma_wait3A_438] : memref<10x50xi32, #tpu.memory_space<vmem>> -> memref<1x50xi32, #tpu.memory_space<vmem>>
    %dma_wait3A_440 = tpu.memref_squeeze %dma_wait3A_439 : memref<1x50xi32, #tpu.memory_space<vmem>> -> memref<50xi32, #tpu.memory_space<vmem>>
    %dma_wait3A_441 = arith.constant 0 : i32
    %dma_wait3A_442 = arith.constant 0 : i32
    %dma_wait3A_443 = tpu.memref_slice %arg25[%dma_wait3A_441, %dma_wait3A_442] : memref<10000x16xf32, #tpu.memory_space<vmem_shared>> -> memref<10000x16xf32, #tpu.memory_space<vmem_shared>>
    tpu.wait_indirect_dma semaphore(%arg20 : memref<!tpu.dma_semaphore, #tpu.memory_space<semaphore_mem>>) src(%arg26 : memref<50x16xf32, #tpu.memory_space<vmem>>) dst(%dma_wait3A_443 : memref<10000x16xf32, #tpu.memory_space<vmem_shared>>)
    %dma_wait3A_444 = arith.constant 0 : i32
    %dma_wait3A_445 = arith.constant 0 : i32
    %dma_wait3A_446 = tpu.memref_slice %arg7[%dma_wait3A_444, %dma_wait3A_445] : memref<10x50xi32, #tpu.memory_space<vmem>> -> memref<1x50xi32, #tpu.memory_space<vmem>>
    %dma_wait3A_447 = tpu.memref_squeeze %dma_wait3A_446 : memref<1x50xi32, #tpu.memory_space<vmem>> -> memref<50xi32, #tpu.memory_space<vmem>>
    %dma_wait3A_448 = arith.constant 0 : i32
    %dma_wait3A_449 = arith.constant 0 : i32
    %dma_wait3A_450 = tpu.memref_slice %arg13[%dma_wait3A_448, %dma_wait3A_449] : memref<10000x128xf32, #tpu.memory_space<vmem_shared>> -> memref<10000x128xf32, #tpu.memory_space<vmem_shared>>
    tpu.wait_indirect_dma semaphore(%arg21 : memref<!tpu.dma_semaphore, #tpu.memory_space<semaphore_mem>>) src(%arg9 : memref<50x128xf32, #tpu.memory_space<vmem>>) dst(%dma_wait3A_450 : memref<10000x128xf32, #tpu.memory_space<vmem_shared>>)
    %dma_wait3A_451 = arith.constant 0 : i32
    %dma_wait3A_452 = arith.constant 0 : i32
    %dma_wait3A_453 = tpu.memref_slice %arg7[%dma_wait3A_451, %dma_wait3A_452] : memref<10x50xi32, #tpu.memory_space<vmem>> -> memref<1x50xi32, #tpu.memory_space<vmem>>
    %dma_wait3A_454 = tpu.memref_squeeze %dma_wait3A_453 : memref<1x50xi32, #tpu.memory_space<vmem>> -> memref<50xi32, #tpu.memory_space<vmem>>
    %dma_wait3A_455 = arith.constant 0 : i32
    %dma_wait3A_456 = arith.constant 0 : i32
    %dma_wait3A_457 = tpu.memref_slice %arg25[%dma_wait3A_455, %dma_wait3A_456] : memref<10000x16xf32, #tpu.memory_space<vmem_shared>> -> memref<10000x16xf32, #tpu.memory_space<vmem_shared>>
    tpu.wait_indirect_dma semaphore(%arg21 : memref<!tpu.dma_semaphore, #tpu.memory_space<semaphore_mem>>) src(%arg26 : memref<50x16xf32, #tpu.memory_space<vmem>>) dst(%dma_wait3A_457 : memref<10000x16xf32, #tpu.memory_space<vmem_shared>>)
    %dma_wait3A_458 = arith.constant 0 : i32
    %dma_wait3A_459 = arith.constant 0 : i32
    %dma_wait3A_460 = tpu.memref_slice %arg7[%dma_wait3A_458, %dma_wait3A_459] : memref<10x50xi32, #tpu.memory_space<vmem>> -> memref<1x50xi32, #tpu.memory_space<vmem>>
    %dma_wait3A_461 = tpu.memref_squeeze %dma_wait3A_460 : memref<1x50xi32, #tpu.memory_space<vmem>> -> memref<50xi32, #tpu.memory_space<vmem>>
    %dma_wait3A_462 = arith.constant 0 : i32
    %dma_wait3A_463 = arith.constant 0 : i32
    %dma_wait3A_464 = tpu.memref_slice %arg13[%dma_wait3A_462, %dma_wait3A_463] : memref<10000x128xf32, #tpu.memory_space<vmem_shared>> -> memref<10000x128xf32, #tpu.memory_space<vmem_shared>>
    tpu.wait_indirect_dma semaphore(%arg22 : memref<!tpu.dma_semaphore, #tpu.memory_space<semaphore_mem>>) src(%arg10 : memref<50x128xf32, #tpu.memory_space<vmem>>) dst(%dma_wait3A_464 : memref<10000x128xf32, #tpu.memory_space<vmem_shared>>)
    %dma_wait3A_465 = arith.constant 0 : i32
    %dma_wait3A_466 = arith.constant 0 : i32
    %dma_wait3A_467 = tpu.memref_slice %arg7[%dma_wait3A_465, %dma_wait3A_466] : memref<10x50xi32, #tpu.memory_space<vmem>> -> memref<1x50xi32, #tpu.memory_space<vmem>>
    %dma_wait3A_468 = tpu.memref_squeeze %dma_wait3A_467 : memref<1x50xi32, #tpu.memory_space<vmem>> -> memref<50xi32, #tpu.memory_space<vmem>>
    %dma_wait3A_469 = arith.constant 0 : i32
    %dma_wait3A_470 = arith.constant 0 : i32
    %dma_wait3A_471 = tpu.memref_slice %arg25[%dma_wait3A_469, %dma_wait3A_470] : memref<10000x16xf32, #tpu.memory_space<vmem_shared>> -> memref<10000x16xf32, #tpu.memory_space<vmem_shared>>
    tpu.wait_indirect_dma semaphore(%arg22 : memref<!tpu.dma_semaphore, #tpu.memory_space<semaphore_mem>>) src(%arg26 : memref<50x16xf32, #tpu.memory_space<vmem>>) dst(%dma_wait3A_471 : memref<10000x16xf32, #tpu.memory_space<vmem_shared>>)
    %dma_wait3A_472 = arith.constant 0 : i32
    %dma_wait3A_473 = arith.constant 0 : i32
    %dma_wait3A_474 = tpu.memref_slice %arg7[%dma_wait3A_472, %dma_wait3A_473] : memref<10x50xi32, #tpu.memory_space<vmem>> -> memref<1x50xi32, #tpu.memory_space<vmem>>
    %dma_wait3A_475 = tpu.memref_squeeze %dma_wait3A_474 : memref<1x50xi32, #tpu.memory_space<vmem>> -> memref<50xi32, #tpu.memory_space<vmem>>
    %dma_wait3A_476 = arith.constant 0 : i32
    %dma_wait3A_477 = arith.constant 0 : i32
    %dma_wait3A_478 = tpu.memref_slice %arg13[%dma_wait3A_476, %dma_wait3A_477] : memref<10000x128xf32, #tpu.memory_space<vmem_shared>> -> memref<10000x128xf32, #tpu.memory_space<vmem_shared>>
    tpu.wait_indirect_dma semaphore(%arg23 : memref<!tpu.dma_semaphore, #tpu.memory_space<semaphore_mem>>) src(%arg11 : memref<50x128xf32, #tpu.memory_space<vmem>>) dst(%dma_wait3A_478 : memref<10000x128xf32, #tpu.memory_space<vmem_shared>>)
    %dma_wait3A_479 = arith.constant 0 : i32
    %dma_wait3A_480 = arith.constant 0 : i32
    %dma_wait3A_481 = tpu.memref_slice %arg7[%dma_wait3A_479, %dma_wait3A_480] : memref<10x50xi32, #tpu.memory_space<vmem>> -> memref<1x50xi32, #tpu.memory_space<vmem>>
    %dma_wait3A_482 = tpu.memref_squeeze %dma_wait3A_481 : memref<1x50xi32, #tpu.memory_space<vmem>> -> memref<50xi32, #tpu.memory_space<vmem>>
    %dma_wait3A_483 = arith.constant 0 : i32
    %dma_wait3A_484 = arith.constant 0 : i32
    %dma_wait3A_485 = tpu.memref_slice %arg25[%dma_wait3A_483, %dma_wait3A_484] : memref<10000x16xf32, #tpu.memory_space<vmem_shared>> -> memref<10000x16xf32, #tpu.memory_space<vmem_shared>>
    tpu.wait_indirect_dma semaphore(%arg23 : memref<!tpu.dma_semaphore, #tpu.memory_space<semaphore_mem>>) src(%arg26 : memref<50x16xf32, #tpu.memory_space<vmem>>) dst(%dma_wait3A_485 : memref<10000x16xf32, #tpu.memory_space<vmem_shared>>)
    %dma_wait3A_486 = arith.constant 0 : i32
    %dma_wait3A_487 = arith.constant 0 : i32
    %dma_wait3A_488 = tpu.memref_slice %arg7[%dma_wait3A_486, %dma_wait3A_487] : memref<10x50xi32, #tpu.memory_space<vmem>> -> memref<1x50xi32, #tpu.memory_space<vmem>>
    %dma_wait3A_489 = tpu.memref_squeeze %dma_wait3A_488 : memref<1x50xi32, #tpu.memory_space<vmem>> -> memref<50xi32, #tpu.memory_space<vmem>>
    %dma_wait3A_490 = arith.constant 0 : i32
    %dma_wait3A_491 = arith.constant 0 : i32
    %dma_wait3A_492 = tpu.memref_slice %arg13[%dma_wait3A_490, %dma_wait3A_491] : memref<10000x128xf32, #tpu.memory_space<vmem_shared>> -> memref<10000x128xf32, #tpu.memory_space<vmem_shared>>
    tpu.wait_indirect_dma semaphore(%arg24 : memref<!tpu.dma_semaphore, #tpu.memory_space<semaphore_mem>>) src(%arg12 : memref<50x128xf32, #tpu.memory_space<vmem>>) dst(%dma_wait3A_492 : memref<10000x128xf32, #tpu.memory_space<vmem_shared>>)
    %dma_wait3A_493 = arith.constant 0 : i32
    %dma_wait3A_494 = arith.constant 0 : i32
    %dma_wait3A_495 = tpu.memref_slice %arg7[%dma_wait3A_493, %dma_wait3A_494] : memref<10x50xi32, #tpu.memory_space<vmem>> -> memref<1x50xi32, #tpu.memory_space<vmem>>
    %dma_wait3A_496 = tpu.memref_squeeze %dma_wait3A_495 : memref<1x50xi32, #tpu.memory_space<vmem>> -> memref<50xi32, #tpu.memory_space<vmem>>
    %dma_wait3A_497 = arith.constant 0 : i32
    %dma_wait3A_498 = arith.constant 0 : i32
    %dma_wait3A_499 = tpu.memref_slice %arg25[%dma_wait3A_497, %dma_wait3A_498] : memref<10000x16xf32, #tpu.memory_space<vmem_shared>> -> memref<10000x16xf32, #tpu.memory_space<vmem_shared>>
    tpu.wait_indirect_dma semaphore(%arg24 : memref<!tpu.dma_semaphore, #tpu.memory_space<semaphore_mem>>) src(%arg26 : memref<50x16xf32, #tpu.memory_space<vmem>>) dst(%dma_wait3A_499 : memref<10000x16xf32, #tpu.memory_space<vmem_shared>>)
    %barrier3A_500 = arith.constant 0 : index
    tpu.barrier barrier_id(%barrier3A_500)
    "tpu.region"() ({
      %run_scoped3A = tpu.sem_alloc : memref<!tpu.dma_semaphore, #tpu.memory_space<semaphore_mem>>
      %dma_start3A_501 = arith.constant 0 : i32
      %dma_start3A_502 = arith.constant 0 : i32
      %dma_start3A_503 = tpu.memref_slice %arg4[%arg0, %dma_start3A_501, %dma_start3A_502] : memref<2x10000x128xf32, #tpu.memory_space<hbm>> -> memref<1x10000x128xf32, #tpu.memory_space<hbm>>
      %dma_start3A_504 = tpu.memref_squeeze %dma_start3A_503 : memref<1x10000x128xf32, #tpu.memory_space<hbm>> -> memref<10000x128xf32, #tpu.memory_space<hbm>>
      %dma_start3A_505 = arith.constant 0 : i32
      %dma_start3A_506 = tpu.memref_slice %dma_start3A_504[%mul3A_167, %dma_start3A_505] : memref<10000x128xf32, #tpu.memory_space<hbm>> -> memref<625x128xf32, #tpu.memory_space<hbm>>
      %dma_start3A_507 = arith.constant 0 : i32
      %dma_start3A_508 = tpu.memref_slice %arg13[%mul3A_167, %dma_start3A_507] : memref<10000x128xf32, #tpu.memory_space<vmem_shared>> -> memref<625x128xf32, #tpu.memory_space<vmem_shared>>
      tpu.enqueue_dma source(%dma_start3A_508 : memref<625x128xf32, #tpu.memory_space<vmem_shared>>) target(%dma_start3A_506 : memref<625x128xf32, #tpu.memory_space<hbm>>) target_semaphore(%run_scoped3A : memref<!tpu.dma_semaphore, #tpu.memory_space<semaphore_mem>>)
      %dma_wait3A_509 = arith.constant 0 : i32
      %dma_wait3A_510 = arith.constant 0 : i32
      %dma_wait3A_511 = tpu.memref_slice %arg4[%arg0, %dma_wait3A_509, %dma_wait3A_510] : memref<2x10000x128xf32, #tpu.memory_space<hbm>> -> memref<1x10000x128xf32, #tpu.memory_space<hbm>>
      %dma_wait3A_512 = tpu.memref_squeeze %dma_wait3A_511 : memref<1x10000x128xf32, #tpu.memory_space<hbm>> -> memref<10000x128xf32, #tpu.memory_space<hbm>>
      %dma_wait3A_513 = arith.constant 0 : i32
      %dma_wait3A_514 = tpu.memref_slice %dma_wait3A_512[%mul3A_167, %dma_wait3A_513] : memref<10000x128xf32, #tpu.memory_space<hbm>> -> memref<625x128xf32, #tpu.memory_space<hbm>>
      %dma_wait3A_515 = arith.constant 0 : i32
      %dma_wait3A_516 = tpu.memref_slice %arg13[%mul3A_167, %dma_wait3A_515] : memref<10000x128xf32, #tpu.memory_space<vmem_shared>> -> memref<625x128xf32, #tpu.memory_space<vmem_shared>>
      tpu.wait_dma2 semaphore(%run_scoped3A : memref<!tpu.dma_semaphore, #tpu.memory_space<semaphore_mem>>) src(%dma_wait3A_516 : memref<625x128xf32, #tpu.memory_space<vmem_shared>>) dst(%dma_wait3A_514 : memref<625x128xf32, #tpu.memory_space<hbm>>)
      tpu.yield
    }) : () -> ()
    "tpu.region"() ({
      %run_scoped3A = tpu.sem_alloc : memref<!tpu.dma_semaphore, #tpu.memory_space<semaphore_mem>>
      %dma_start3A_501 = arith.constant 0 : i32
      %dma_start3A_502 = arith.constant 0 : i32
      %dma_start3A_503 = tpu.memref_slice %arg5[%arg0, %dma_start3A_501, %dma_start3A_502] : memref<2x10000x16xf32, #tpu.memory_space<hbm>> -> memref<1x10000x16xf32, #tpu.memory_space<hbm>>
      %dma_start3A_504 = tpu.memref_squeeze %dma_start3A_503 : memref<1x10000x16xf32, #tpu.memory_space<hbm>> -> memref<10000x16xf32, #tpu.memory_space<hbm>>
      %dma_start3A_505 = arith.constant 0 : i32
      %dma_start3A_506 = tpu.memref_slice %dma_start3A_504[%mul3A_167, %dma_start3A_505] : memref<10000x16xf32, #tpu.memory_space<hbm>> -> memref<625x16xf32, #tpu.memory_space<hbm>>
      %dma_start3A_507 = arith.constant 0 : i32
      %dma_start3A_508 = tpu.memref_slice %arg25[%mul3A_167, %dma_start3A_507] : memref<10000x16xf32, #tpu.memory_space<vmem_shared>> -> memref<625x16xf32, #tpu.memory_space<vmem_shared>>
      tpu.enqueue_dma source(%dma_start3A_508 : memref<625x16xf32, #tpu.memory_space<vmem_shared>>) target(%dma_start3A_506 : memref<625x16xf32, #tpu.memory_space<hbm>>) target_semaphore(%run_scoped3A : memref<!tpu.dma_semaphore, #tpu.memory_space<semaphore_mem>>)
      %dma_wait3A_509 = arith.constant 0 : i32
      %dma_wait3A_510 = arith.constant 0 : i32
      %dma_wait3A_511 = tpu.memref_slice %arg5[%arg0, %dma_wait3A_509, %dma_wait3A_510] : memref<2x10000x16xf32, #tpu.memory_space<hbm>> -> memref<1x10000x16xf32, #tpu.memory_space<hbm>>
      %dma_wait3A_512 = tpu.memref_squeeze %dma_wait3A_511 : memref<1x10000x16xf32, #tpu.memory_space<hbm>> -> memref<10000x16xf32, #tpu.memory_space<hbm>>
      %dma_wait3A_513 = arith.constant 0 : i32
      %dma_wait3A_514 = tpu.memref_slice %dma_wait3A_512[%mul3A_167, %dma_wait3A_513] : memref<10000x16xf32, #tpu.memory_space<hbm>> -> memref<625x16xf32, #tpu.memory_space<hbm>>
      %dma_wait3A_515 = arith.constant 0 : i32
      %dma_wait3A_516 = tpu.memref_slice %arg25[%mul3A_167, %dma_wait3A_515] : memref<10000x16xf32, #tpu.memory_space<vmem_shared>> -> memref<625x16xf32, #tpu.memory_space<vmem_shared>>
      tpu.wait_dma2 semaphore(%run_scoped3A : memref<!tpu.dma_semaphore, #tpu.memory_space<semaphore_mem>>) src(%dma_wait3A_516 : memref<625x16xf32, #tpu.memory_space<vmem_shared>>) dst(%dma_wait3A_514 : memref<625x16xf32, #tpu.memory_space<hbm>>)
      tpu.yield
    }) : () -> ()
    return
  }
}

#map = affine_map<(d0, d1) -> (0, 0)>
#map1 = affine_map<(d0, d1) -> (0, 0, 0)>
module attributes {stable_mosaic.version = 14 : i64} {
  func.func @sc_agg_l2(%arg0: i32, %arg1: i32, %arg2: memref<10000x16xf32, #tpu.memory_space<hbm>>, %arg3: memref<2x6400x50xi32, #tpu.memory_space<hbm>>, %arg4: memref<2x10000x16xf32, #tpu.memory_space<hbm>>, %arg5: memref<200x50xi32, #tpu.memory_space<vmem>>, %arg6: memref<200x50xi32, #tpu.memory_space<vmem>>, %arg7: memref<50x16xf32, #tpu.memory_space<vmem>>, %arg8: memref<50x16xf32, #tpu.memory_space<vmem>>, %arg9: memref<50x16xf32, #tpu.memory_space<vmem>>, %arg10: memref<50x16xf32, #tpu.memory_space<vmem>>, %arg11: memref<50x16xf32, #tpu.memory_space<vmem>>, %arg12: memref<50x16xf32, #tpu.memory_space<vmem>>, %arg13: memref<50x16xf32, #tpu.memory_space<vmem>>, %arg14: memref<50x16xf32, #tpu.memory_space<vmem>>, %arg15: memref<50x16xf32, #tpu.memory_space<vmem>>, %arg16: memref<50x16xf32, #tpu.memory_space<vmem>>, %arg17: memref<10000x16xf32, #tpu.memory_space<vmem_shared>>, %arg18: memref<!tpu.dma_semaphore, #tpu.memory_space<semaphore_mem>>, %arg19: memref<!tpu.dma_semaphore, #tpu.memory_space<semaphore_mem>>, %arg20: memref<!tpu.dma_semaphore, #tpu.memory_space<semaphore_mem>>, %arg21: memref<!tpu.dma_semaphore, #tpu.memory_space<semaphore_mem>>, %arg22: memref<!tpu.dma_semaphore, #tpu.memory_space<semaphore_mem>>, %arg23: memref<!tpu.dma_semaphore, #tpu.memory_space<semaphore_mem>>, %arg24: memref<!tpu.dma_semaphore, #tpu.memory_space<semaphore_mem>>, %arg25: memref<!tpu.dma_semaphore, #tpu.memory_space<semaphore_mem>>, %arg26: memref<!tpu.dma_semaphore, #tpu.memory_space<semaphore_mem>>, %arg27: memref<!tpu.dma_semaphore, #tpu.memory_space<semaphore_mem>>, %arg28: memref<!tpu.dma_semaphore, #tpu.memory_space<semaphore_mem>>, %arg29: memref<!tpu.dma_semaphore, #tpu.memory_space<semaphore_mem>>, %arg30: memref<!tpu.dma_semaphore, #tpu.memory_space<semaphore_mem>>, %arg31: memref<!tpu.dma_semaphore, #tpu.memory_space<semaphore_mem>>, %arg32: memref<!tpu.dma_semaphore, #tpu.memory_space<semaphore_mem>>, %arg33: memref<!tpu.dma_semaphore, #tpu.memory_space<semaphore_mem>>, %arg34: memref<!tpu.dma_semaphore, #tpu.memory_space<semaphore_mem>>, %arg35: memref<!tpu.dma_semaphore, #tpu.memory_space<semaphore_mem>>, %arg36: memref<!tpu.dma_semaphore, #tpu.memory_space<semaphore_mem>>, %arg37: memref<!tpu.dma_semaphore, #tpu.memory_space<semaphore_mem>>, %arg38: memref<!tpu.dma_semaphore, #tpu.memory_space<semaphore_mem>>) attributes {dimension_semantics = [#tpu.dimension_semantics<core_parallel>, #tpu.dimension_semantics<subcore_parallel>], iteration_bounds = array<i64: 2, 16>, scalar_prefetch = 0 : i64, scratch_operands = 34 : i64, tpu.core_type = #tpu.core_type<sc_vector_subcore>, window_params = [{transform_indices = #map}, {transform_indices = #map1}, {transform_indices = #map1}]} {
    %mul3A = arith.constant 2 : i32
    %mul3A_0 = arith.muli %arg1, %mul3A : i32
    %add3A = arith.addi %mul3A_0, %arg0 : i32
    %mul3A_1 = arith.constant 200 : i32
    %mul3A_2 = arith.muli %add3A, %mul3A_1 : i32
    %scan3A = arith.constant 0 : i32
    %scan3A_3 = arith.constant 200 : i32
    %scan3A_4 = arith.addi %scan3A, %scan3A_3 : i32
    %scan3A_5 = arith.constant 1 : i32
    scf.for %scan3A_145 = %scan3A to %scan3A_4 step %scan3A_5  : i32 {
      %add3A_146 = arith.addi %mul3A_2, %scan3A_145 : i32
      %dma_start3A = arith.constant 0 : i32
      %dma_start3A_147 = arith.constant 0 : i32
      %dma_start3A_148 = tpu.memref_slice %arg5[%scan3A_145, %dma_start3A_147] : memref<200x50xi32, #tpu.memory_space<vmem>> -> memref<1x50xi32, #tpu.memory_space<vmem>>
      %dma_start3A_149 = tpu.memref_squeeze %dma_start3A_148 : memref<1x50xi32, #tpu.memory_space<vmem>> -> memref<50xi32, #tpu.memory_space<vmem>>
      %dma_start3A_150 = arith.constant 0 : i32
      %dma_start3A_151 = tpu.memref_slice %arg3[%dma_start3A, %add3A_146, %dma_start3A_150] : memref<2x6400x50xi32, #tpu.memory_space<hbm>> -> memref<1x1x50xi32, #tpu.memory_space<hbm>>
      %dma_start3A_152 = tpu.memref_squeeze %dma_start3A_151 : memref<1x1x50xi32, #tpu.memory_space<hbm>> -> memref<50xi32, #tpu.memory_space<hbm>>
      %dma_start3A_153 = arith.constant 0 : i32
      %dma_start3A_154 = tpu.memref_slice %arg5[%scan3A_145, %dma_start3A_153] : memref<200x50xi32, #tpu.memory_space<vmem>> -> memref<1x50xi32, #tpu.memory_space<vmem>>
      %dma_start3A_155 = tpu.memref_squeeze %dma_start3A_154 : memref<1x50xi32, #tpu.memory_space<vmem>> -> memref<50xi32, #tpu.memory_space<vmem>>
      %dma_start3A_156 = arith.constant 0 : i32
      %dma_start3A_157 = tpu.memref_slice %arg3[%dma_start3A, %add3A_146, %dma_start3A_156] : memref<2x6400x50xi32, #tpu.memory_space<hbm>> -> memref<1x1x50xi32, #tpu.memory_space<hbm>>
      %dma_start3A_158 = tpu.memref_squeeze %dma_start3A_157 : memref<1x1x50xi32, #tpu.memory_space<hbm>> -> memref<50xi32, #tpu.memory_space<hbm>>
      tpu.enqueue_dma source(%dma_start3A_158 : memref<50xi32, #tpu.memory_space<hbm>>) target(%dma_start3A_155 : memref<50xi32, #tpu.memory_space<vmem>>) target_semaphore(%arg18 : memref<!tpu.dma_semaphore, #tpu.memory_space<semaphore_mem>>)
      %add3A_159 = arith.addi %mul3A_2, %scan3A_145 : i32
      %dma_start3A_160 = arith.constant 1 : i32
      %dma_start3A_161 = arith.constant 0 : i32
      %dma_start3A_162 = tpu.memref_slice %arg6[%scan3A_145, %dma_start3A_161] : memref<200x50xi32, #tpu.memory_space<vmem>> -> memref<1x50xi32, #tpu.memory_space<vmem>>
      %dma_start3A_163 = tpu.memref_squeeze %dma_start3A_162 : memref<1x50xi32, #tpu.memory_space<vmem>> -> memref<50xi32, #tpu.memory_space<vmem>>
      %dma_start3A_164 = arith.constant 0 : i32
      %dma_start3A_165 = tpu.memref_slice %arg3[%dma_start3A_160, %add3A_159, %dma_start3A_164] : memref<2x6400x50xi32, #tpu.memory_space<hbm>> -> memref<1x1x50xi32, #tpu.memory_space<hbm>>
      %dma_start3A_166 = tpu.memref_squeeze %dma_start3A_165 : memref<1x1x50xi32, #tpu.memory_space<hbm>> -> memref<50xi32, #tpu.memory_space<hbm>>
      %dma_start3A_167 = arith.constant 0 : i32
      %dma_start3A_168 = tpu.memref_slice %arg6[%scan3A_145, %dma_start3A_167] : memref<200x50xi32, #tpu.memory_space<vmem>> -> memref<1x50xi32, #tpu.memory_space<vmem>>
      %dma_start3A_169 = tpu.memref_squeeze %dma_start3A_168 : memref<1x50xi32, #tpu.memory_space<vmem>> -> memref<50xi32, #tpu.memory_space<vmem>>
      %dma_start3A_170 = arith.constant 0 : i32
      %dma_start3A_171 = tpu.memref_slice %arg3[%dma_start3A_160, %add3A_159, %dma_start3A_170] : memref<2x6400x50xi32, #tpu.memory_space<hbm>> -> memref<1x1x50xi32, #tpu.memory_space<hbm>>
      %dma_start3A_172 = tpu.memref_squeeze %dma_start3A_171 : memref<1x1x50xi32, #tpu.memory_space<hbm>> -> memref<50xi32, #tpu.memory_space<hbm>>
      tpu.enqueue_dma source(%dma_start3A_172 : memref<50xi32, #tpu.memory_space<hbm>>) target(%dma_start3A_169 : memref<50xi32, #tpu.memory_space<vmem>>) target_semaphore(%arg18 : memref<!tpu.dma_semaphore, #tpu.memory_space<semaphore_mem>>)
    }
    %scan3A_6 = arith.constant 200 : i32
    %scan3A_7 = arith.constant 0 : i32
    %scan3A_8 = arith.constant 50 : i32
    %scan3A_9 = arith.addi %scan3A_7, %scan3A_8 : i32
    %scan3A_10 = arith.constant 1 : i32
    scf.for %scan3A_145 = %scan3A_7 to %scan3A_9 step %scan3A_10  : i32 {
      %scan3A_146 = arith.constant 0 : i32
      %broadcast_in_dim3A = arith.constant 0.000000e+00 : f32
      %broadcast_in_dim3A_147 = vector.broadcast %broadcast_in_dim3A : f32 to vector<16xf32>
      %mul3A_148 = arith.constant 16 : i32
      %mul3A_149 = arith.muli %scan3A_146, %mul3A_148 : i32
      %swap3A = arith.index_cast %scan3A_145 : i32 to index
      %swap3A_150 = arith.index_cast %mul3A_149 : i32 to index
      %swap3A_151 = tpu.vector_load %arg7[%swap3A, %swap3A_150] {strides = array<i32>} : memref<50x16xf32, #tpu.memory_space<vmem>>, vector<1x16xf32>,
      %swap3A_152 = vector.shape_cast %swap3A_151 : vector<1x16xf32> to vector<16xf32>
      %swap3A_153 = vector.shape_cast %broadcast_in_dim3A_147 : vector<16xf32> to vector<1x16xf32>
      tpu.vector_store %arg7[%swap3A, %swap3A_150], %swap3A_153 {strides = array<i32>} : memref<50x16xf32, #tpu.memory_space<vmem>>, vector<1x16xf32>,
      %scan3A_154 = arith.constant 1 : i32
    }
    %scan3A_11 = arith.constant 50 : i32
    %mul3A_12 = arith.constant 625 : i32
    %mul3A_13 = arith.muli %arg1, %mul3A_12 : i32
    %add3A_14 = arith.constant 625 : i32
    %add3A_15 = arith.addi %mul3A_13, %add3A_14 : i32
    %sub3A = arith.constant 625 : i32
    %sub3A_16 = arith.subi %add3A_15, %sub3A : i32
    "tpu.region"() ({
      %run_scoped3A = tpu.sem_alloc : memref<!tpu.dma_semaphore, #tpu.memory_space<semaphore_mem>>
      %dma_start3A = arith.constant 0 : i32
      %dma_start3A_145 = arith.constant 0 : i32
      %dma_start3A_146 = tpu.memref_slice %arg7[%dma_start3A, %dma_start3A_145] : memref<50x16xf32, #tpu.memory_space<vmem>> -> memref<50x16xf32, #tpu.memory_space<vmem>>
      %dma_start3A_147 = arith.constant 0 : i32
      %dma_start3A_148 = tpu.memref_slice %arg17[%sub3A_16, %dma_start3A_147] : memref<10000x16xf32, #tpu.memory_space<vmem_shared>> -> memref<50x16xf32, #tpu.memory_space<vmem_shared>>
      %dma_start3A_149 = arith.constant 0 : i32
      %dma_start3A_150 = tpu.memref_slice %arg17[%sub3A_16, %dma_start3A_149] : memref<10000x16xf32, #tpu.memory_space<vmem_shared>> -> memref<50x16xf32, #tpu.memory_space<vmem_shared>>
      %dma_start3A_151 = arith.constant 0 : i32
      %dma_start3A_152 = arith.constant 0 : i32
      %dma_start3A_153 = tpu.memref_slice %arg7[%dma_start3A_151, %dma_start3A_152] : memref<50x16xf32, #tpu.memory_space<vmem>> -> memref<50x16xf32, #tpu.memory_space<vmem>>
      tpu.enqueue_dma source(%dma_start3A_153 : memref<50x16xf32, #tpu.memory_space<vmem>>) target(%dma_start3A_150 : memref<50x16xf32, #tpu.memory_space<vmem_shared>>) target_semaphore(%run_scoped3A : memref<!tpu.dma_semaphore, #tpu.memory_space<semaphore_mem>>)
      %dma_wait3A_154 = arith.constant 0 : i32
      %dma_wait3A_155 = arith.constant 0 : i32
      %dma_wait3A_156 = tpu.memref_slice %arg7[%dma_wait3A_154, %dma_wait3A_155] : memref<50x16xf32, #tpu.memory_space<vmem>> -> memref<50x16xf32, #tpu.memory_space<vmem>>
      %dma_wait3A_157 = arith.constant 0 : i32
      %dma_wait3A_158 = tpu.memref_slice %arg17[%sub3A_16, %dma_wait3A_157] : memref<10000x16xf32, #tpu.memory_space<vmem_shared>> -> memref<50x16xf32, #tpu.memory_space<vmem_shared>>
      %dma_wait3A_159 = arith.constant 0 : i32
      %dma_wait3A_160 = tpu.memref_slice %arg17[%sub3A_16, %dma_wait3A_159] : memref<10000x16xf32, #tpu.memory_space<vmem_shared>> -> memref<50x16xf32, #tpu.memory_space<vmem_shared>>
      %dma_wait3A_161 = arith.constant 0 : i32
      %dma_wait3A_162 = arith.constant 0 : i32
      %dma_wait3A_163 = tpu.memref_slice %arg7[%dma_wait3A_161, %dma_wait3A_162] : memref<50x16xf32, #tpu.memory_space<vmem>> -> memref<50x16xf32, #tpu.memory_space<vmem>>
      tpu.wait_dma2 semaphore(%run_scoped3A : memref<!tpu.dma_semaphore, #tpu.memory_space<semaphore_mem>>) src(%dma_wait3A_163 : memref<50x16xf32, #tpu.memory_space<vmem>>) dst(%dma_wait3A_160 : memref<50x16xf32, #tpu.memory_space<vmem_shared>>)
      tpu.yield
    }) : () -> ()
    %add3A_17 = arith.constant 625 : i32
    %add3A_18 = arith.addi %mul3A_13, %add3A_17 : i32
    %sub3A_19 = arith.constant 575 : i32
    %sub3A_20 = arith.subi %add3A_18, %sub3A_19 : i32
    "tpu.region"() ({
      %run_scoped3A = tpu.sem_alloc : memref<!tpu.dma_semaphore, #tpu.memory_space<semaphore_mem>>
      %dma_start3A = arith.constant 0 : i32
      %dma_start3A_145 = arith.constant 0 : i32
      %dma_start3A_146 = tpu.memref_slice %arg7[%dma_start3A, %dma_start3A_145] : memref<50x16xf32, #tpu.memory_space<vmem>> -> memref<50x16xf32, #tpu.memory_space<vmem>>
      %dma_start3A_147 = arith.constant 0 : i32
      %dma_start3A_148 = tpu.memref_slice %arg17[%sub3A_20, %dma_start3A_147] : memref<10000x16xf32, #tpu.memory_space<vmem_shared>> -> memref<50x16xf32, #tpu.memory_space<vmem_shared>>
      %dma_start3A_149 = arith.constant 0 : i32
      %dma_start3A_150 = tpu.memref_slice %arg17[%sub3A_20, %dma_start3A_149] : memref<10000x16xf32, #tpu.memory_space<vmem_shared>> -> memref<50x16xf32, #tpu.memory_space<vmem_shared>>
      %dma_start3A_151 = arith.constant 0 : i32
      %dma_start3A_152 = arith.constant 0 : i32
      %dma_start3A_153 = tpu.memref_slice %arg7[%dma_start3A_151, %dma_start3A_152] : memref<50x16xf32, #tpu.memory_space<vmem>> -> memref<50x16xf32, #tpu.memory_space<vmem>>
      tpu.enqueue_dma source(%dma_start3A_153 : memref<50x16xf32, #tpu.memory_space<vmem>>) target(%dma_start3A_150 : memref<50x16xf32, #tpu.memory_space<vmem_shared>>) target_semaphore(%run_scoped3A : memref<!tpu.dma_semaphore, #tpu.memory_space<semaphore_mem>>)
      %dma_wait3A_154 = arith.constant 0 : i32
      %dma_wait3A_155 = arith.constant 0 : i32
      %dma_wait3A_156 = tpu.memref_slice %arg7[%dma_wait3A_154, %dma_wait3A_155] : memref<50x16xf32, #tpu.memory_space<vmem>> -> memref<50x16xf32, #tpu.memory_space<vmem>>
      %dma_wait3A_157 = arith.constant 0 : i32
      %dma_wait3A_158 = tpu.memref_slice %arg17[%sub3A_20, %dma_wait3A_157] : memref<10000x16xf32, #tpu.memory_space<vmem_shared>> -> memref<50x16xf32, #tpu.memory_space<vmem_shared>>
      %dma_wait3A_159 = arith.constant 0 : i32
      %dma_wait3A_160 = tpu.memref_slice %arg17[%sub3A_20, %dma_wait3A_159] : memref<10000x16xf32, #tpu.memory_space<vmem_shared>> -> memref<50x16xf32, #tpu.memory_space<vmem_shared>>
      %dma_wait3A_161 = arith.constant 0 : i32
      %dma_wait3A_162 = arith.constant 0 : i32
      %dma_wait3A_163 = tpu.memref_slice %arg7[%dma_wait3A_161, %dma_wait3A_162] : memref<50x16xf32, #tpu.memory_space<vmem>> -> memref<50x16xf32, #tpu.memory_space<vmem>>
      tpu.wait_dma2 semaphore(%run_scoped3A : memref<!tpu.dma_semaphore, #tpu.memory_space<semaphore_mem>>) src(%dma_wait3A_163 : memref<50x16xf32, #tpu.memory_space<vmem>>) dst(%dma_wait3A_160 : memref<50x16xf32, #tpu.memory_space<vmem_shared>>)
      tpu.yield
    }) : () -> ()
    %add3A_21 = arith.constant 625 : i32
    %add3A_22 = arith.addi %mul3A_13, %add3A_21 : i32
    %sub3A_23 = arith.constant 525 : i32
    %sub3A_24 = arith.subi %add3A_22, %sub3A_23 : i32
    "tpu.region"() ({
      %run_scoped3A = tpu.sem_alloc : memref<!tpu.dma_semaphore, #tpu.memory_space<semaphore_mem>>
      %dma_start3A = arith.constant 0 : i32
      %dma_start3A_145 = arith.constant 0 : i32
      %dma_start3A_146 = tpu.memref_slice %arg7[%dma_start3A, %dma_start3A_145] : memref<50x16xf32, #tpu.memory_space<vmem>> -> memref<50x16xf32, #tpu.memory_space<vmem>>
      %dma_start3A_147 = arith.constant 0 : i32
      %dma_start3A_148 = tpu.memref_slice %arg17[%sub3A_24, %dma_start3A_147] : memref<10000x16xf32, #tpu.memory_space<vmem_shared>> -> memref<50x16xf32, #tpu.memory_space<vmem_shared>>
      %dma_start3A_149 = arith.constant 0 : i32
      %dma_start3A_150 = tpu.memref_slice %arg17[%sub3A_24, %dma_start3A_149] : memref<10000x16xf32, #tpu.memory_space<vmem_shared>> -> memref<50x16xf32, #tpu.memory_space<vmem_shared>>
      %dma_start3A_151 = arith.constant 0 : i32
      %dma_start3A_152 = arith.constant 0 : i32
      %dma_start3A_153 = tpu.memref_slice %arg7[%dma_start3A_151, %dma_start3A_152] : memref<50x16xf32, #tpu.memory_space<vmem>> -> memref<50x16xf32, #tpu.memory_space<vmem>>
      tpu.enqueue_dma source(%dma_start3A_153 : memref<50x16xf32, #tpu.memory_space<vmem>>) target(%dma_start3A_150 : memref<50x16xf32, #tpu.memory_space<vmem_shared>>) target_semaphore(%run_scoped3A : memref<!tpu.dma_semaphore, #tpu.memory_space<semaphore_mem>>)
      %dma_wait3A_154 = arith.constant 0 : i32
      %dma_wait3A_155 = arith.constant 0 : i32
      %dma_wait3A_156 = tpu.memref_slice %arg7[%dma_wait3A_154, %dma_wait3A_155] : memref<50x16xf32, #tpu.memory_space<vmem>> -> memref<50x16xf32, #tpu.memory_space<vmem>>
      %dma_wait3A_157 = arith.constant 0 : i32
      %dma_wait3A_158 = tpu.memref_slice %arg17[%sub3A_24, %dma_wait3A_157] : memref<10000x16xf32, #tpu.memory_space<vmem_shared>> -> memref<50x16xf32, #tpu.memory_space<vmem_shared>>
      %dma_wait3A_159 = arith.constant 0 : i32
      %dma_wait3A_160 = tpu.memref_slice %arg17[%sub3A_24, %dma_wait3A_159] : memref<10000x16xf32, #tpu.memory_space<vmem_shared>> -> memref<50x16xf32, #tpu.memory_space<vmem_shared>>
      %dma_wait3A_161 = arith.constant 0 : i32
      %dma_wait3A_162 = arith.constant 0 : i32
      %dma_wait3A_163 = tpu.memref_slice %arg7[%dma_wait3A_161, %dma_wait3A_162] : memref<50x16xf32, #tpu.memory_space<vmem>> -> memref<50x16xf32, #tpu.memory_space<vmem>>
      tpu.wait_dma2 semaphore(%run_scoped3A : memref<!tpu.dma_semaphore, #tpu.memory_space<semaphore_mem>>) src(%dma_wait3A_163 : memref<50x16xf32, #tpu.memory_space<vmem>>) dst(%dma_wait3A_160 : memref<50x16xf32, #tpu.memory_space<vmem_shared>>)
      tpu.yield
    }) : () -> ()
    %add3A_25 = arith.constant 625 : i32
    %add3A_26 = arith.addi %mul3A_13, %add3A_25 : i32
    %sub3A_27 = arith.constant 475 : i32
    %sub3A_28 = arith.subi %add3A_26, %sub3A_27 : i32
    "tpu.region"() ({
      %run_scoped3A = tpu.sem_alloc : memref<!tpu.dma_semaphore, #tpu.memory_space<semaphore_mem>>
      %dma_start3A = arith.constant 0 : i32
      %dma_start3A_145 = arith.constant 0 : i32
      %dma_start3A_146 = tpu.memref_slice %arg7[%dma_start3A, %dma_start3A_145] : memref<50x16xf32, #tpu.memory_space<vmem>> -> memref<50x16xf32, #tpu.memory_space<vmem>>
      %dma_start3A_147 = arith.constant 0 : i32
      %dma_start3A_148 = tpu.memref_slice %arg17[%sub3A_28, %dma_start3A_147] : memref<10000x16xf32, #tpu.memory_space<vmem_shared>> -> memref<50x16xf32, #tpu.memory_space<vmem_shared>>
      %dma_start3A_149 = arith.constant 0 : i32
      %dma_start3A_150 = tpu.memref_slice %arg17[%sub3A_28, %dma_start3A_149] : memref<10000x16xf32, #tpu.memory_space<vmem_shared>> -> memref<50x16xf32, #tpu.memory_space<vmem_shared>>
      %dma_start3A_151 = arith.constant 0 : i32
      %dma_start3A_152 = arith.constant 0 : i32
      %dma_start3A_153 = tpu.memref_slice %arg7[%dma_start3A_151, %dma_start3A_152] : memref<50x16xf32, #tpu.memory_space<vmem>> -> memref<50x16xf32, #tpu.memory_space<vmem>>
      tpu.enqueue_dma source(%dma_start3A_153 : memref<50x16xf32, #tpu.memory_space<vmem>>) target(%dma_start3A_150 : memref<50x16xf32, #tpu.memory_space<vmem_shared>>) target_semaphore(%run_scoped3A : memref<!tpu.dma_semaphore, #tpu.memory_space<semaphore_mem>>)
      %dma_wait3A_154 = arith.constant 0 : i32
      %dma_wait3A_155 = arith.constant 0 : i32
      %dma_wait3A_156 = tpu.memref_slice %arg7[%dma_wait3A_154, %dma_wait3A_155] : memref<50x16xf32, #tpu.memory_space<vmem>> -> memref<50x16xf32, #tpu.memory_space<vmem>>
      %dma_wait3A_157 = arith.constant 0 : i32
      %dma_wait3A_158 = tpu.memref_slice %arg17[%sub3A_28, %dma_wait3A_157] : memref<10000x16xf32, #tpu.memory_space<vmem_shared>> -> memref<50x16xf32, #tpu.memory_space<vmem_shared>>
      %dma_wait3A_159 = arith.constant 0 : i32
      %dma_wait3A_160 = tpu.memref_slice %arg17[%sub3A_28, %dma_wait3A_159] : memref<10000x16xf32, #tpu.memory_space<vmem_shared>> -> memref<50x16xf32, #tpu.memory_space<vmem_shared>>
      %dma_wait3A_161 = arith.constant 0 : i32
      %dma_wait3A_162 = arith.constant 0 : i32
      %dma_wait3A_163 = tpu.memref_slice %arg7[%dma_wait3A_161, %dma_wait3A_162] : memref<50x16xf32, #tpu.memory_space<vmem>> -> memref<50x16xf32, #tpu.memory_space<vmem>>
      tpu.wait_dma2 semaphore(%run_scoped3A : memref<!tpu.dma_semaphore, #tpu.memory_space<semaphore_mem>>) src(%dma_wait3A_163 : memref<50x16xf32, #tpu.memory_space<vmem>>) dst(%dma_wait3A_160 : memref<50x16xf32, #tpu.memory_space<vmem_shared>>)
      tpu.yield
    }) : () -> ()
    %add3A_29 = arith.constant 625 : i32
    %add3A_30 = arith.addi %mul3A_13, %add3A_29 : i32
    %sub3A_31 = arith.constant 425 : i32
    %sub3A_32 = arith.subi %add3A_30, %sub3A_31 : i32
    "tpu.region"() ({
      %run_scoped3A = tpu.sem_alloc : memref<!tpu.dma_semaphore, #tpu.memory_space<semaphore_mem>>
      %dma_start3A = arith.constant 0 : i32
      %dma_start3A_145 = arith.constant 0 : i32
      %dma_start3A_146 = tpu.memref_slice %arg7[%dma_start3A, %dma_start3A_145] : memref<50x16xf32, #tpu.memory_space<vmem>> -> memref<50x16xf32, #tpu.memory_space<vmem>>
      %dma_start3A_147 = arith.constant 0 : i32
      %dma_start3A_148 = tpu.memref_slice %arg17[%sub3A_32, %dma_start3A_147] : memref<10000x16xf32, #tpu.memory_space<vmem_shared>> -> memref<50x16xf32, #tpu.memory_space<vmem_shared>>
      %dma_start3A_149 = arith.constant 0 : i32
      %dma_start3A_150 = tpu.memref_slice %arg17[%sub3A_32, %dma_start3A_149] : memref<10000x16xf32, #tpu.memory_space<vmem_shared>> -> memref<50x16xf32, #tpu.memory_space<vmem_shared>>
      %dma_start3A_151 = arith.constant 0 : i32
      %dma_start3A_152 = arith.constant 0 : i32
      %dma_start3A_153 = tpu.memref_slice %arg7[%dma_start3A_151, %dma_start3A_152] : memref<50x16xf32, #tpu.memory_space<vmem>> -> memref<50x16xf32, #tpu.memory_space<vmem>>
      tpu.enqueue_dma source(%dma_start3A_153 : memref<50x16xf32, #tpu.memory_space<vmem>>) target(%dma_start3A_150 : memref<50x16xf32, #tpu.memory_space<vmem_shared>>) target_semaphore(%run_scoped3A : memref<!tpu.dma_semaphore, #tpu.memory_space<semaphore_mem>>)
      %dma_wait3A_154 = arith.constant 0 : i32
      %dma_wait3A_155 = arith.constant 0 : i32
      %dma_wait3A_156 = tpu.memref_slice %arg7[%dma_wait3A_154, %dma_wait3A_155] : memref<50x16xf32, #tpu.memory_space<vmem>> -> memref<50x16xf32, #tpu.memory_space<vmem>>
      %dma_wait3A_157 = arith.constant 0 : i32
      %dma_wait3A_158 = tpu.memref_slice %arg17[%sub3A_32, %dma_wait3A_157] : memref<10000x16xf32, #tpu.memory_space<vmem_shared>> -> memref<50x16xf32, #tpu.memory_space<vmem_shared>>
      %dma_wait3A_159 = arith.constant 0 : i32
      %dma_wait3A_160 = tpu.memref_slice %arg17[%sub3A_32, %dma_wait3A_159] : memref<10000x16xf32, #tpu.memory_space<vmem_shared>> -> memref<50x16xf32, #tpu.memory_space<vmem_shared>>
      %dma_wait3A_161 = arith.constant 0 : i32
      %dma_wait3A_162 = arith.constant 0 : i32
      %dma_wait3A_163 = tpu.memref_slice %arg7[%dma_wait3A_161, %dma_wait3A_162] : memref<50x16xf32, #tpu.memory_space<vmem>> -> memref<50x16xf32, #tpu.memory_space<vmem>>
      tpu.wait_dma2 semaphore(%run_scoped3A : memref<!tpu.dma_semaphore, #tpu.memory_space<semaphore_mem>>) src(%dma_wait3A_163 : memref<50x16xf32, #tpu.memory_space<vmem>>) dst(%dma_wait3A_160 : memref<50x16xf32, #tpu.memory_space<vmem_shared>>)
      tpu.yield
    }) : () -> ()
    %add3A_33 = arith.constant 625 : i32
    %add3A_34 = arith.addi %mul3A_13, %add3A_33 : i32
    %sub3A_35 = arith.constant 375 : i32
    %sub3A_36 = arith.subi %add3A_34, %sub3A_35 : i32
    "tpu.region"() ({
      %run_scoped3A = tpu.sem_alloc : memref<!tpu.dma_semaphore, #tpu.memory_space<semaphore_mem>>
      %dma_start3A = arith.constant 0 : i32
      %dma_start3A_145 = arith.constant 0 : i32
      %dma_start3A_146 = tpu.memref_slice %arg7[%dma_start3A, %dma_start3A_145] : memref<50x16xf32, #tpu.memory_space<vmem>> -> memref<50x16xf32, #tpu.memory_space<vmem>>
      %dma_start3A_147 = arith.constant 0 : i32
      %dma_start3A_148 = tpu.memref_slice %arg17[%sub3A_36, %dma_start3A_147] : memref<10000x16xf32, #tpu.memory_space<vmem_shared>> -> memref<50x16xf32, #tpu.memory_space<vmem_shared>>
      %dma_start3A_149 = arith.constant 0 : i32
      %dma_start3A_150 = tpu.memref_slice %arg17[%sub3A_36, %dma_start3A_149] : memref<10000x16xf32, #tpu.memory_space<vmem_shared>> -> memref<50x16xf32, #tpu.memory_space<vmem_shared>>
      %dma_start3A_151 = arith.constant 0 : i32
      %dma_start3A_152 = arith.constant 0 : i32
      %dma_start3A_153 = tpu.memref_slice %arg7[%dma_start3A_151, %dma_start3A_152] : memref<50x16xf32, #tpu.memory_space<vmem>> -> memref<50x16xf32, #tpu.memory_space<vmem>>
      tpu.enqueue_dma source(%dma_start3A_153 : memref<50x16xf32, #tpu.memory_space<vmem>>) target(%dma_start3A_150 : memref<50x16xf32, #tpu.memory_space<vmem_shared>>) target_semaphore(%run_scoped3A : memref<!tpu.dma_semaphore, #tpu.memory_space<semaphore_mem>>)
      %dma_wait3A_154 = arith.constant 0 : i32
      %dma_wait3A_155 = arith.constant 0 : i32
      %dma_wait3A_156 = tpu.memref_slice %arg7[%dma_wait3A_154, %dma_wait3A_155] : memref<50x16xf32, #tpu.memory_space<vmem>> -> memref<50x16xf32, #tpu.memory_space<vmem>>
      %dma_wait3A_157 = arith.constant 0 : i32
      %dma_wait3A_158 = tpu.memref_slice %arg17[%sub3A_36, %dma_wait3A_157] : memref<10000x16xf32, #tpu.memory_space<vmem_shared>> -> memref<50x16xf32, #tpu.memory_space<vmem_shared>>
      %dma_wait3A_159 = arith.constant 0 : i32
      %dma_wait3A_160 = tpu.memref_slice %arg17[%sub3A_36, %dma_wait3A_159] : memref<10000x16xf32, #tpu.memory_space<vmem_shared>> -> memref<50x16xf32, #tpu.memory_space<vmem_shared>>
      %dma_wait3A_161 = arith.constant 0 : i32
      %dma_wait3A_162 = arith.constant 0 : i32
      %dma_wait3A_163 = tpu.memref_slice %arg7[%dma_wait3A_161, %dma_wait3A_162] : memref<50x16xf32, #tpu.memory_space<vmem>> -> memref<50x16xf32, #tpu.memory_space<vmem>>
      tpu.wait_dma2 semaphore(%run_scoped3A : memref<!tpu.dma_semaphore, #tpu.memory_space<semaphore_mem>>) src(%dma_wait3A_163 : memref<50x16xf32, #tpu.memory_space<vmem>>) dst(%dma_wait3A_160 : memref<50x16xf32, #tpu.memory_space<vmem_shared>>)
      tpu.yield
    }) : () -> ()
    %add3A_37 = arith.constant 625 : i32
    %add3A_38 = arith.addi %mul3A_13, %add3A_37 : i32
    %sub3A_39 = arith.constant 325 : i32
    %sub3A_40 = arith.subi %add3A_38, %sub3A_39 : i32
    "tpu.region"() ({
      %run_scoped3A = tpu.sem_alloc : memref<!tpu.dma_semaphore, #tpu.memory_space<semaphore_mem>>
      %dma_start3A = arith.constant 0 : i32
      %dma_start3A_145 = arith.constant 0 : i32
      %dma_start3A_146 = tpu.memref_slice %arg7[%dma_start3A, %dma_start3A_145] : memref<50x16xf32, #tpu.memory_space<vmem>> -> memref<50x16xf32, #tpu.memory_space<vmem>>
      %dma_start3A_147 = arith.constant 0 : i32
      %dma_start3A_148 = tpu.memref_slice %arg17[%sub3A_40, %dma_start3A_147] : memref<10000x16xf32, #tpu.memory_space<vmem_shared>> -> memref<50x16xf32, #tpu.memory_space<vmem_shared>>
      %dma_start3A_149 = arith.constant 0 : i32
      %dma_start3A_150 = tpu.memref_slice %arg17[%sub3A_40, %dma_start3A_149] : memref<10000x16xf32, #tpu.memory_space<vmem_shared>> -> memref<50x16xf32, #tpu.memory_space<vmem_shared>>
      %dma_start3A_151 = arith.constant 0 : i32
      %dma_start3A_152 = arith.constant 0 : i32
      %dma_start3A_153 = tpu.memref_slice %arg7[%dma_start3A_151, %dma_start3A_152] : memref<50x16xf32, #tpu.memory_space<vmem>> -> memref<50x16xf32, #tpu.memory_space<vmem>>
      tpu.enqueue_dma source(%dma_start3A_153 : memref<50x16xf32, #tpu.memory_space<vmem>>) target(%dma_start3A_150 : memref<50x16xf32, #tpu.memory_space<vmem_shared>>) target_semaphore(%run_scoped3A : memref<!tpu.dma_semaphore, #tpu.memory_space<semaphore_mem>>)
      %dma_wait3A_154 = arith.constant 0 : i32
      %dma_wait3A_155 = arith.constant 0 : i32
      %dma_wait3A_156 = tpu.memref_slice %arg7[%dma_wait3A_154, %dma_wait3A_155] : memref<50x16xf32, #tpu.memory_space<vmem>> -> memref<50x16xf32, #tpu.memory_space<vmem>>
      %dma_wait3A_157 = arith.constant 0 : i32
      %dma_wait3A_158 = tpu.memref_slice %arg17[%sub3A_40, %dma_wait3A_157] : memref<10000x16xf32, #tpu.memory_space<vmem_shared>> -> memref<50x16xf32, #tpu.memory_space<vmem_shared>>
      %dma_wait3A_159 = arith.constant 0 : i32
      %dma_wait3A_160 = tpu.memref_slice %arg17[%sub3A_40, %dma_wait3A_159] : memref<10000x16xf32, #tpu.memory_space<vmem_shared>> -> memref<50x16xf32, #tpu.memory_space<vmem_shared>>
      %dma_wait3A_161 = arith.constant 0 : i32
      %dma_wait3A_162 = arith.constant 0 : i32
      %dma_wait3A_163 = tpu.memref_slice %arg7[%dma_wait3A_161, %dma_wait3A_162] : memref<50x16xf32, #tpu.memory_space<vmem>> -> memref<50x16xf32, #tpu.memory_space<vmem>>
      tpu.wait_dma2 semaphore(%run_scoped3A : memref<!tpu.dma_semaphore, #tpu.memory_space<semaphore_mem>>) src(%dma_wait3A_163 : memref<50x16xf32, #tpu.memory_space<vmem>>) dst(%dma_wait3A_160 : memref<50x16xf32, #tpu.memory_space<vmem_shared>>)
      tpu.yield
    }) : () -> ()
    %add3A_41 = arith.constant 625 : i32
    %add3A_42 = arith.addi %mul3A_13, %add3A_41 : i32
    %sub3A_43 = arith.constant 275 : i32
    %sub3A_44 = arith.subi %add3A_42, %sub3A_43 : i32
    "tpu.region"() ({
      %run_scoped3A = tpu.sem_alloc : memref<!tpu.dma_semaphore, #tpu.memory_space<semaphore_mem>>
      %dma_start3A = arith.constant 0 : i32
      %dma_start3A_145 = arith.constant 0 : i32
      %dma_start3A_146 = tpu.memref_slice %arg7[%dma_start3A, %dma_start3A_145] : memref<50x16xf32, #tpu.memory_space<vmem>> -> memref<50x16xf32, #tpu.memory_space<vmem>>
      %dma_start3A_147 = arith.constant 0 : i32
      %dma_start3A_148 = tpu.memref_slice %arg17[%sub3A_44, %dma_start3A_147] : memref<10000x16xf32, #tpu.memory_space<vmem_shared>> -> memref<50x16xf32, #tpu.memory_space<vmem_shared>>
      %dma_start3A_149 = arith.constant 0 : i32
      %dma_start3A_150 = tpu.memref_slice %arg17[%sub3A_44, %dma_start3A_149] : memref<10000x16xf32, #tpu.memory_space<vmem_shared>> -> memref<50x16xf32, #tpu.memory_space<vmem_shared>>
      %dma_start3A_151 = arith.constant 0 : i32
      %dma_start3A_152 = arith.constant 0 : i32
      %dma_start3A_153 = tpu.memref_slice %arg7[%dma_start3A_151, %dma_start3A_152] : memref<50x16xf32, #tpu.memory_space<vmem>> -> memref<50x16xf32, #tpu.memory_space<vmem>>
      tpu.enqueue_dma source(%dma_start3A_153 : memref<50x16xf32, #tpu.memory_space<vmem>>) target(%dma_start3A_150 : memref<50x16xf32, #tpu.memory_space<vmem_shared>>) target_semaphore(%run_scoped3A : memref<!tpu.dma_semaphore, #tpu.memory_space<semaphore_mem>>)
      %dma_wait3A_154 = arith.constant 0 : i32
      %dma_wait3A_155 = arith.constant 0 : i32
      %dma_wait3A_156 = tpu.memref_slice %arg7[%dma_wait3A_154, %dma_wait3A_155] : memref<50x16xf32, #tpu.memory_space<vmem>> -> memref<50x16xf32, #tpu.memory_space<vmem>>
      %dma_wait3A_157 = arith.constant 0 : i32
      %dma_wait3A_158 = tpu.memref_slice %arg17[%sub3A_44, %dma_wait3A_157] : memref<10000x16xf32, #tpu.memory_space<vmem_shared>> -> memref<50x16xf32, #tpu.memory_space<vmem_shared>>
      %dma_wait3A_159 = arith.constant 0 : i32
      %dma_wait3A_160 = tpu.memref_slice %arg17[%sub3A_44, %dma_wait3A_159] : memref<10000x16xf32, #tpu.memory_space<vmem_shared>> -> memref<50x16xf32, #tpu.memory_space<vmem_shared>>
      %dma_wait3A_161 = arith.constant 0 : i32
      %dma_wait3A_162 = arith.constant 0 : i32
      %dma_wait3A_163 = tpu.memref_slice %arg7[%dma_wait3A_161, %dma_wait3A_162] : memref<50x16xf32, #tpu.memory_space<vmem>> -> memref<50x16xf32, #tpu.memory_space<vmem>>
      tpu.wait_dma2 semaphore(%run_scoped3A : memref<!tpu.dma_semaphore, #tpu.memory_space<semaphore_mem>>) src(%dma_wait3A_163 : memref<50x16xf32, #tpu.memory_space<vmem>>) dst(%dma_wait3A_160 : memref<50x16xf32, #tpu.memory_space<vmem_shared>>)
      tpu.yield
    }) : () -> ()
    %add3A_45 = arith.constant 625 : i32
    %add3A_46 = arith.addi %mul3A_13, %add3A_45 : i32
    %sub3A_47 = arith.constant 225 : i32
    %sub3A_48 = arith.subi %add3A_46, %sub3A_47 : i32
    "tpu.region"() ({
      %run_scoped3A = tpu.sem_alloc : memref<!tpu.dma_semaphore, #tpu.memory_space<semaphore_mem>>
      %dma_start3A = arith.constant 0 : i32
      %dma_start3A_145 = arith.constant 0 : i32
      %dma_start3A_146 = tpu.memref_slice %arg7[%dma_start3A, %dma_start3A_145] : memref<50x16xf32, #tpu.memory_space<vmem>> -> memref<50x16xf32, #tpu.memory_space<vmem>>
      %dma_start3A_147 = arith.constant 0 : i32
      %dma_start3A_148 = tpu.memref_slice %arg17[%sub3A_48, %dma_start3A_147] : memref<10000x16xf32, #tpu.memory_space<vmem_shared>> -> memref<50x16xf32, #tpu.memory_space<vmem_shared>>
      %dma_start3A_149 = arith.constant 0 : i32
      %dma_start3A_150 = tpu.memref_slice %arg17[%sub3A_48, %dma_start3A_149] : memref<10000x16xf32, #tpu.memory_space<vmem_shared>> -> memref<50x16xf32, #tpu.memory_space<vmem_shared>>
      %dma_start3A_151 = arith.constant 0 : i32
      %dma_start3A_152 = arith.constant 0 : i32
      %dma_start3A_153 = tpu.memref_slice %arg7[%dma_start3A_151, %dma_start3A_152] : memref<50x16xf32, #tpu.memory_space<vmem>> -> memref<50x16xf32, #tpu.memory_space<vmem>>
      tpu.enqueue_dma source(%dma_start3A_153 : memref<50x16xf32, #tpu.memory_space<vmem>>) target(%dma_start3A_150 : memref<50x16xf32, #tpu.memory_space<vmem_shared>>) target_semaphore(%run_scoped3A : memref<!tpu.dma_semaphore, #tpu.memory_space<semaphore_mem>>)
      %dma_wait3A_154 = arith.constant 0 : i32
      %dma_wait3A_155 = arith.constant 0 : i32
      %dma_wait3A_156 = tpu.memref_slice %arg7[%dma_wait3A_154, %dma_wait3A_155] : memref<50x16xf32, #tpu.memory_space<vmem>> -> memref<50x16xf32, #tpu.memory_space<vmem>>
      %dma_wait3A_157 = arith.constant 0 : i32
      %dma_wait3A_158 = tpu.memref_slice %arg17[%sub3A_48, %dma_wait3A_157] : memref<10000x16xf32, #tpu.memory_space<vmem_shared>> -> memref<50x16xf32, #tpu.memory_space<vmem_shared>>
      %dma_wait3A_159 = arith.constant 0 : i32
      %dma_wait3A_160 = tpu.memref_slice %arg17[%sub3A_48, %dma_wait3A_159] : memref<10000x16xf32, #tpu.memory_space<vmem_shared>> -> memref<50x16xf32, #tpu.memory_space<vmem_shared>>
      %dma_wait3A_161 = arith.constant 0 : i32
      %dma_wait3A_162 = arith.constant 0 : i32
      %dma_wait3A_163 = tpu.memref_slice %arg7[%dma_wait3A_161, %dma_wait3A_162] : memref<50x16xf32, #tpu.memory_space<vmem>> -> memref<50x16xf32, #tpu.memory_space<vmem>>
      tpu.wait_dma2 semaphore(%run_scoped3A : memref<!tpu.dma_semaphore, #tpu.memory_space<semaphore_mem>>) src(%dma_wait3A_163 : memref<50x16xf32, #tpu.memory_space<vmem>>) dst(%dma_wait3A_160 : memref<50x16xf32, #tpu.memory_space<vmem_shared>>)
      tpu.yield
    }) : () -> ()
    %add3A_49 = arith.constant 625 : i32
    %add3A_50 = arith.addi %mul3A_13, %add3A_49 : i32
    %sub3A_51 = arith.constant 175 : i32
    %sub3A_52 = arith.subi %add3A_50, %sub3A_51 : i32
    "tpu.region"() ({
      %run_scoped3A = tpu.sem_alloc : memref<!tpu.dma_semaphore, #tpu.memory_space<semaphore_mem>>
      %dma_start3A = arith.constant 0 : i32
      %dma_start3A_145 = arith.constant 0 : i32
      %dma_start3A_146 = tpu.memref_slice %arg7[%dma_start3A, %dma_start3A_145] : memref<50x16xf32, #tpu.memory_space<vmem>> -> memref<50x16xf32, #tpu.memory_space<vmem>>
      %dma_start3A_147 = arith.constant 0 : i32
      %dma_start3A_148 = tpu.memref_slice %arg17[%sub3A_52, %dma_start3A_147] : memref<10000x16xf32, #tpu.memory_space<vmem_shared>> -> memref<50x16xf32, #tpu.memory_space<vmem_shared>>
      %dma_start3A_149 = arith.constant 0 : i32
      %dma_start3A_150 = tpu.memref_slice %arg17[%sub3A_52, %dma_start3A_149] : memref<10000x16xf32, #tpu.memory_space<vmem_shared>> -> memref<50x16xf32, #tpu.memory_space<vmem_shared>>
      %dma_start3A_151 = arith.constant 0 : i32
      %dma_start3A_152 = arith.constant 0 : i32
      %dma_start3A_153 = tpu.memref_slice %arg7[%dma_start3A_151, %dma_start3A_152] : memref<50x16xf32, #tpu.memory_space<vmem>> -> memref<50x16xf32, #tpu.memory_space<vmem>>
      tpu.enqueue_dma source(%dma_start3A_153 : memref<50x16xf32, #tpu.memory_space<vmem>>) target(%dma_start3A_150 : memref<50x16xf32, #tpu.memory_space<vmem_shared>>) target_semaphore(%run_scoped3A : memref<!tpu.dma_semaphore, #tpu.memory_space<semaphore_mem>>)
      %dma_wait3A_154 = arith.constant 0 : i32
      %dma_wait3A_155 = arith.constant 0 : i32
      %dma_wait3A_156 = tpu.memref_slice %arg7[%dma_wait3A_154, %dma_wait3A_155] : memref<50x16xf32, #tpu.memory_space<vmem>> -> memref<50x16xf32, #tpu.memory_space<vmem>>
      %dma_wait3A_157 = arith.constant 0 : i32
      %dma_wait3A_158 = tpu.memref_slice %arg17[%sub3A_52, %dma_wait3A_157] : memref<10000x16xf32, #tpu.memory_space<vmem_shared>> -> memref<50x16xf32, #tpu.memory_space<vmem_shared>>
      %dma_wait3A_159 = arith.constant 0 : i32
      %dma_wait3A_160 = tpu.memref_slice %arg17[%sub3A_52, %dma_wait3A_159] : memref<10000x16xf32, #tpu.memory_space<vmem_shared>> -> memref<50x16xf32, #tpu.memory_space<vmem_shared>>
      %dma_wait3A_161 = arith.constant 0 : i32
      %dma_wait3A_162 = arith.constant 0 : i32
      %dma_wait3A_163 = tpu.memref_slice %arg7[%dma_wait3A_161, %dma_wait3A_162] : memref<50x16xf32, #tpu.memory_space<vmem>> -> memref<50x16xf32, #tpu.memory_space<vmem>>
      tpu.wait_dma2 semaphore(%run_scoped3A : memref<!tpu.dma_semaphore, #tpu.memory_space<semaphore_mem>>) src(%dma_wait3A_163 : memref<50x16xf32, #tpu.memory_space<vmem>>) dst(%dma_wait3A_160 : memref<50x16xf32, #tpu.memory_space<vmem_shared>>)
      tpu.yield
    }) : () -> ()
    %add3A_53 = arith.constant 625 : i32
    %add3A_54 = arith.addi %mul3A_13, %add3A_53 : i32
    %sub3A_55 = arith.constant 125 : i32
    %sub3A_56 = arith.subi %add3A_54, %sub3A_55 : i32
    "tpu.region"() ({
      %run_scoped3A = tpu.sem_alloc : memref<!tpu.dma_semaphore, #tpu.memory_space<semaphore_mem>>
      %dma_start3A = arith.constant 0 : i32
      %dma_start3A_145 = arith.constant 0 : i32
      %dma_start3A_146 = tpu.memref_slice %arg7[%dma_start3A, %dma_start3A_145] : memref<50x16xf32, #tpu.memory_space<vmem>> -> memref<50x16xf32, #tpu.memory_space<vmem>>
      %dma_start3A_147 = arith.constant 0 : i32
      %dma_start3A_148 = tpu.memref_slice %arg17[%sub3A_56, %dma_start3A_147] : memref<10000x16xf32, #tpu.memory_space<vmem_shared>> -> memref<50x16xf32, #tpu.memory_space<vmem_shared>>
      %dma_start3A_149 = arith.constant 0 : i32
      %dma_start3A_150 = tpu.memref_slice %arg17[%sub3A_56, %dma_start3A_149] : memref<10000x16xf32, #tpu.memory_space<vmem_shared>> -> memref<50x16xf32, #tpu.memory_space<vmem_shared>>
      %dma_start3A_151 = arith.constant 0 : i32
      %dma_start3A_152 = arith.constant 0 : i32
      %dma_start3A_153 = tpu.memref_slice %arg7[%dma_start3A_151, %dma_start3A_152] : memref<50x16xf32, #tpu.memory_space<vmem>> -> memref<50x16xf32, #tpu.memory_space<vmem>>
      tpu.enqueue_dma source(%dma_start3A_153 : memref<50x16xf32, #tpu.memory_space<vmem>>) target(%dma_start3A_150 : memref<50x16xf32, #tpu.memory_space<vmem_shared>>) target_semaphore(%run_scoped3A : memref<!tpu.dma_semaphore, #tpu.memory_space<semaphore_mem>>)
      %dma_wait3A_154 = arith.constant 0 : i32
      %dma_wait3A_155 = arith.constant 0 : i32
      %dma_wait3A_156 = tpu.memref_slice %arg7[%dma_wait3A_154, %dma_wait3A_155] : memref<50x16xf32, #tpu.memory_space<vmem>> -> memref<50x16xf32, #tpu.memory_space<vmem>>
      %dma_wait3A_157 = arith.constant 0 : i32
      %dma_wait3A_158 = tpu.memref_slice %arg17[%sub3A_56, %dma_wait3A_157] : memref<10000x16xf32, #tpu.memory_space<vmem_shared>> -> memref<50x16xf32, #tpu.memory_space<vmem_shared>>
      %dma_wait3A_159 = arith.constant 0 : i32
      %dma_wait3A_160 = tpu.memref_slice %arg17[%sub3A_56, %dma_wait3A_159] : memref<10000x16xf32, #tpu.memory_space<vmem_shared>> -> memref<50x16xf32, #tpu.memory_space<vmem_shared>>
      %dma_wait3A_161 = arith.constant 0 : i32
      %dma_wait3A_162 = arith.constant 0 : i32
      %dma_wait3A_163 = tpu.memref_slice %arg7[%dma_wait3A_161, %dma_wait3A_162] : memref<50x16xf32, #tpu.memory_space<vmem>> -> memref<50x16xf32, #tpu.memory_space<vmem>>
      tpu.wait_dma2 semaphore(%run_scoped3A : memref<!tpu.dma_semaphore, #tpu.memory_space<semaphore_mem>>) src(%dma_wait3A_163 : memref<50x16xf32, #tpu.memory_space<vmem>>) dst(%dma_wait3A_160 : memref<50x16xf32, #tpu.memory_space<vmem_shared>>)
      tpu.yield
    }) : () -> ()
    %add3A_57 = arith.constant 625 : i32
    %add3A_58 = arith.addi %mul3A_13, %add3A_57 : i32
    %sub3A_59 = arith.constant 75 : i32
    %sub3A_60 = arith.subi %add3A_58, %sub3A_59 : i32
    "tpu.region"() ({
      %run_scoped3A = tpu.sem_alloc : memref<!tpu.dma_semaphore, #tpu.memory_space<semaphore_mem>>
      %dma_start3A = arith.constant 0 : i32
      %dma_start3A_145 = arith.constant 0 : i32
      %dma_start3A_146 = tpu.memref_slice %arg7[%dma_start3A, %dma_start3A_145] : memref<50x16xf32, #tpu.memory_space<vmem>> -> memref<50x16xf32, #tpu.memory_space<vmem>>
      %dma_start3A_147 = arith.constant 0 : i32
      %dma_start3A_148 = tpu.memref_slice %arg17[%sub3A_60, %dma_start3A_147] : memref<10000x16xf32, #tpu.memory_space<vmem_shared>> -> memref<50x16xf32, #tpu.memory_space<vmem_shared>>
      %dma_start3A_149 = arith.constant 0 : i32
      %dma_start3A_150 = tpu.memref_slice %arg17[%sub3A_60, %dma_start3A_149] : memref<10000x16xf32, #tpu.memory_space<vmem_shared>> -> memref<50x16xf32, #tpu.memory_space<vmem_shared>>
      %dma_start3A_151 = arith.constant 0 : i32
      %dma_start3A_152 = arith.constant 0 : i32
      %dma_start3A_153 = tpu.memref_slice %arg7[%dma_start3A_151, %dma_start3A_152] : memref<50x16xf32, #tpu.memory_space<vmem>> -> memref<50x16xf32, #tpu.memory_space<vmem>>
      tpu.enqueue_dma source(%dma_start3A_153 : memref<50x16xf32, #tpu.memory_space<vmem>>) target(%dma_start3A_150 : memref<50x16xf32, #tpu.memory_space<vmem_shared>>) target_semaphore(%run_scoped3A : memref<!tpu.dma_semaphore, #tpu.memory_space<semaphore_mem>>)
      %dma_wait3A_154 = arith.constant 0 : i32
      %dma_wait3A_155 = arith.constant 0 : i32
      %dma_wait3A_156 = tpu.memref_slice %arg7[%dma_wait3A_154, %dma_wait3A_155] : memref<50x16xf32, #tpu.memory_space<vmem>> -> memref<50x16xf32, #tpu.memory_space<vmem>>
      %dma_wait3A_157 = arith.constant 0 : i32
      %dma_wait3A_158 = tpu.memref_slice %arg17[%sub3A_60, %dma_wait3A_157] : memref<10000x16xf32, #tpu.memory_space<vmem_shared>> -> memref<50x16xf32, #tpu.memory_space<vmem_shared>>
      %dma_wait3A_159 = arith.constant 0 : i32
      %dma_wait3A_160 = tpu.memref_slice %arg17[%sub3A_60, %dma_wait3A_159] : memref<10000x16xf32, #tpu.memory_space<vmem_shared>> -> memref<50x16xf32, #tpu.memory_space<vmem_shared>>
      %dma_wait3A_161 = arith.constant 0 : i32
      %dma_wait3A_162 = arith.constant 0 : i32
      %dma_wait3A_163 = tpu.memref_slice %arg7[%dma_wait3A_161, %dma_wait3A_162] : memref<50x16xf32, #tpu.memory_space<vmem>> -> memref<50x16xf32, #tpu.memory_space<vmem>>
      tpu.wait_dma2 semaphore(%run_scoped3A : memref<!tpu.dma_semaphore, #tpu.memory_space<semaphore_mem>>) src(%dma_wait3A_163 : memref<50x16xf32, #tpu.memory_space<vmem>>) dst(%dma_wait3A_160 : memref<50x16xf32, #tpu.memory_space<vmem_shared>>)
      tpu.yield
    }) : () -> ()
    %add3A_61 = arith.constant 625 : i32
    %add3A_62 = arith.addi %mul3A_13, %add3A_61 : i32
    %sub3A_63 = arith.constant 25 : i32
    %sub3A_64 = arith.subi %add3A_62, %sub3A_63 : i32
    "tpu.region"() ({
      %run_scoped3A = tpu.sem_alloc : memref<!tpu.dma_semaphore, #tpu.memory_space<semaphore_mem>>
      %dma_start3A = arith.constant 0 : i32
      %dma_start3A_145 = arith.constant 0 : i32
      %dma_start3A_146 = tpu.memref_slice %arg7[%dma_start3A, %dma_start3A_145] : memref<50x16xf32, #tpu.memory_space<vmem>> -> memref<25x16xf32, #tpu.memory_space<vmem>>
      %dma_start3A_147 = arith.constant 0 : i32
      %dma_start3A_148 = tpu.memref_slice %arg17[%sub3A_64, %dma_start3A_147] : memref<10000x16xf32, #tpu.memory_space<vmem_shared>> -> memref<25x16xf32, #tpu.memory_space<vmem_shared>>
      %dma_start3A_149 = arith.constant 0 : i32
      %dma_start3A_150 = tpu.memref_slice %arg17[%sub3A_64, %dma_start3A_149] : memref<10000x16xf32, #tpu.memory_space<vmem_shared>> -> memref<25x16xf32, #tpu.memory_space<vmem_shared>>
      %dma_start3A_151 = arith.constant 0 : i32
      %dma_start3A_152 = arith.constant 0 : i32
      %dma_start3A_153 = tpu.memref_slice %arg7[%dma_start3A_151, %dma_start3A_152] : memref<50x16xf32, #tpu.memory_space<vmem>> -> memref<25x16xf32, #tpu.memory_space<vmem>>
      tpu.enqueue_dma source(%dma_start3A_153 : memref<25x16xf32, #tpu.memory_space<vmem>>) target(%dma_start3A_150 : memref<25x16xf32, #tpu.memory_space<vmem_shared>>) target_semaphore(%run_scoped3A : memref<!tpu.dma_semaphore, #tpu.memory_space<semaphore_mem>>)
      %dma_wait3A_154 = arith.constant 0 : i32
      %dma_wait3A_155 = arith.constant 0 : i32
      %dma_wait3A_156 = tpu.memref_slice %arg7[%dma_wait3A_154, %dma_wait3A_155] : memref<50x16xf32, #tpu.memory_space<vmem>> -> memref<25x16xf32, #tpu.memory_space<vmem>>
      %dma_wait3A_157 = arith.constant 0 : i32
      %dma_wait3A_158 = tpu.memref_slice %arg17[%sub3A_64, %dma_wait3A_157] : memref<10000x16xf32, #tpu.memory_space<vmem_shared>> -> memref<25x16xf32, #tpu.memory_space<vmem_shared>>
      %dma_wait3A_159 = arith.constant 0 : i32
      %dma_wait3A_160 = tpu.memref_slice %arg17[%sub3A_64, %dma_wait3A_159] : memref<10000x16xf32, #tpu.memory_space<vmem_shared>> -> memref<25x16xf32, #tpu.memory_space<vmem_shared>>
      %dma_wait3A_161 = arith.constant 0 : i32
      %dma_wait3A_162 = arith.constant 0 : i32
      %dma_wait3A_163 = tpu.memref_slice %arg7[%dma_wait3A_161, %dma_wait3A_162] : memref<50x16xf32, #tpu.memory_space<vmem>> -> memref<25x16xf32, #tpu.memory_space<vmem>>
      tpu.wait_dma2 semaphore(%run_scoped3A : memref<!tpu.dma_semaphore, #tpu.memory_space<semaphore_mem>>) src(%dma_wait3A_163 : memref<25x16xf32, #tpu.memory_space<vmem>>) dst(%dma_wait3A_160 : memref<25x16xf32, #tpu.memory_space<vmem_shared>>)
      tpu.yield
    }) : () -> ()
    %scan3A_65 = arith.constant 0 : i32
    %scan3A_66 = arith.constant 200 : i32
    %scan3A_67 = arith.addi %scan3A_65, %scan3A_66 : i32
    %scan3A_68 = arith.constant 1 : i32
    scf.for %scan3A_145 = %scan3A_65 to %scan3A_67 step %scan3A_68  : i32 {
      %dma_wait3A_146 = arith.constant 0 : i32
      %dma_wait3A_147 = arith.constant 0 : i32
      %dma_wait3A_148 = arith.constant 0 : i32
      %dma_wait3A_149 = arith.constant 0 : i32
      %dma_wait3A_150 = tpu.memref_slice %arg5[%dma_wait3A_148, %dma_wait3A_149] : memref<200x50xi32, #tpu.memory_space<vmem>> -> memref<1x50xi32, #tpu.memory_space<vmem>>
      %dma_wait3A_151 = tpu.memref_squeeze %dma_wait3A_150 : memref<1x50xi32, #tpu.memory_space<vmem>> -> memref<50xi32, #tpu.memory_space<vmem>>
      %dma_wait3A_152 = arith.constant 0 : i32
      %dma_wait3A_153 = tpu.memref_slice %arg3[%dma_wait3A_146, %dma_wait3A_147, %dma_wait3A_152] : memref<2x6400x50xi32, #tpu.memory_space<hbm>> -> memref<1x1x50xi32, #tpu.memory_space<hbm>>
      %dma_wait3A_154 = tpu.memref_squeeze %dma_wait3A_153 : memref<1x1x50xi32, #tpu.memory_space<hbm>> -> memref<50xi32, #tpu.memory_space<hbm>>
      %dma_wait3A_155 = arith.constant 0 : i32
      %dma_wait3A_156 = tpu.memref_slice %arg5[%dma_wait3A_148, %dma_wait3A_155] : memref<200x50xi32, #tpu.memory_space<vmem>> -> memref<1x50xi32, #tpu.memory_space<vmem>>
      %dma_wait3A_157 = tpu.memref_squeeze %dma_wait3A_156 : memref<1x50xi32, #tpu.memory_space<vmem>> -> memref<50xi32, #tpu.memory_space<vmem>>
      %dma_wait3A_158 = arith.constant 0 : i32
      %dma_wait3A_159 = tpu.memref_slice %arg3[%dma_wait3A_146, %dma_wait3A_147, %dma_wait3A_158] : memref<2x6400x50xi32, #tpu.memory_space<hbm>> -> memref<1x1x50xi32, #tpu.memory_space<hbm>>
      %dma_wait3A_160 = tpu.memref_squeeze %dma_wait3A_159 : memref<1x1x50xi32, #tpu.memory_space<hbm>> -> memref<50xi32, #tpu.memory_space<hbm>>
      tpu.wait_dma2 semaphore(%arg18 : memref<!tpu.dma_semaphore, #tpu.memory_space<semaphore_mem>>) src(%dma_wait3A_160 : memref<50xi32, #tpu.memory_space<hbm>>) dst(%dma_wait3A_157 : memref<50xi32, #tpu.memory_space<vmem>>)
      %dma_wait3A_161 = arith.constant 0 : i32
      %dma_wait3A_162 = arith.constant 0 : i32
      %dma_wait3A_163 = arith.constant 0 : i32
      %dma_wait3A_164 = arith.constant 0 : i32
      %dma_wait3A_165 = tpu.memref_slice %arg6[%dma_wait3A_163, %dma_wait3A_164] : memref<200x50xi32, #tpu.memory_space<vmem>> -> memref<1x50xi32, #tpu.memory_space<vmem>>
      %dma_wait3A_166 = tpu.memref_squeeze %dma_wait3A_165 : memref<1x50xi32, #tpu.memory_space<vmem>> -> memref<50xi32, #tpu.memory_space<vmem>>
      %dma_wait3A_167 = arith.constant 0 : i32
      %dma_wait3A_168 = tpu.memref_slice %arg3[%dma_wait3A_161, %dma_wait3A_162, %dma_wait3A_167] : memref<2x6400x50xi32, #tpu.memory_space<hbm>> -> memref<1x1x50xi32, #tpu.memory_space<hbm>>
      %dma_wait3A_169 = tpu.memref_squeeze %dma_wait3A_168 : memref<1x1x50xi32, #tpu.memory_space<hbm>> -> memref<50xi32, #tpu.memory_space<hbm>>
      %dma_wait3A_170 = arith.constant 0 : i32
      %dma_wait3A_171 = tpu.memref_slice %arg6[%dma_wait3A_163, %dma_wait3A_170] : memref<200x50xi32, #tpu.memory_space<vmem>> -> memref<1x50xi32, #tpu.memory_space<vmem>>
      %dma_wait3A_172 = tpu.memref_squeeze %dma_wait3A_171 : memref<1x50xi32, #tpu.memory_space<vmem>> -> memref<50xi32, #tpu.memory_space<vmem>>
      %dma_wait3A_173 = arith.constant 0 : i32
      %dma_wait3A_174 = tpu.memref_slice %arg3[%dma_wait3A_161, %dma_wait3A_162, %dma_wait3A_173] : memref<2x6400x50xi32, #tpu.memory_space<hbm>> -> memref<1x1x50xi32, #tpu.memory_space<hbm>>
      %dma_wait3A_175 = tpu.memref_squeeze %dma_wait3A_174 : memref<1x1x50xi32, #tpu.memory_space<hbm>> -> memref<50xi32, #tpu.memory_space<hbm>>
      tpu.wait_dma2 semaphore(%arg18 : memref<!tpu.dma_semaphore, #tpu.memory_space<semaphore_mem>>) src(%dma_wait3A_175 : memref<50xi32, #tpu.memory_space<hbm>>) dst(%dma_wait3A_172 : memref<50xi32, #tpu.memory_space<vmem>>)
    }
    %scan3A_69 = arith.constant 200 : i32
    %barrier3A = arith.constant 0 : index
    tpu.barrier barrier_id(%barrier3A)
    %scan3A_70 = arith.constant 0 : i32
    %scan3A_71 = arith.constant 20 : i32
    %scan3A_72 = arith.addi %scan3A_70, %scan3A_71 : i32
    %scan3A_73 = arith.constant 1 : i32
    scf.for %scan3A_145 = %scan3A_70 to %scan3A_72 step %scan3A_73  : i32 {
      %mul3A_146 = arith.constant 10 : i32
      %mul3A_147 = arith.muli %scan3A_145, %mul3A_146 : i32
      %gt3A = arith.constant 0 : i32
      %gt3A_148 = arith.cmpi sgt, %scan3A_145, %gt3A : i32
      %convert_element_type3A = arith.extui %gt3A_148 : i1 to i32
      %cond3A = arith.constant 0 : i32
      %cond3A_149 = arith.cmpi ne, %convert_element_type3A, %cond3A : i32
      scf.if %cond3A_149 {
        %dma_wait3A_424 = arith.constant 0 : i32
        %dma_wait3A_425 = arith.constant 0 : i32
        %dma_wait3A_426 = tpu.memref_slice %arg6[%dma_wait3A_424, %dma_wait3A_425] : memref<200x50xi32, #tpu.memory_space<vmem>> -> memref<1x50xi32, #tpu.memory_space<vmem>>
        %dma_wait3A_427 = tpu.memref_squeeze %dma_wait3A_426 : memref<1x50xi32, #tpu.memory_space<vmem>> -> memref<50xi32, #tpu.memory_space<vmem>>
        %dma_wait3A_428 = arith.constant 0 : i32
        %dma_wait3A_429 = arith.constant 0 : i32
        %dma_wait3A_430 = tpu.memref_slice %arg17[%dma_wait3A_428, %dma_wait3A_429] : memref<10000x16xf32, #tpu.memory_space<vmem_shared>> -> memref<10000x16xf32, #tpu.memory_space<vmem_shared>>
        tpu.wait_indirect_dma semaphore(%arg29 : memref<!tpu.dma_semaphore, #tpu.memory_space<semaphore_mem>>) src(%arg7 : memref<50x16xf32, #tpu.memory_space<vmem>>) dst(%dma_wait3A_430 : memref<10000x16xf32, #tpu.memory_space<vmem_shared>>)
      } else {
      }
      %add3A_150 = arith.constant 0 : i32
      %add3A_151 = arith.addi %mul3A_147, %add3A_150 : i32
      %dma_start3A = arith.constant 0 : i32
      %dma_start3A_152 = tpu.memref_slice %arg5[%add3A_151, %dma_start3A] : memref<200x50xi32, #tpu.memory_space<vmem>> -> memref<1x50xi32, #tpu.memory_space<vmem>>
      %dma_start3A_153 = tpu.memref_squeeze %dma_start3A_152 : memref<1x50xi32, #tpu.memory_space<vmem>> -> memref<50xi32, #tpu.memory_space<vmem>>
      %dma_start3A_154 = arith.constant 0 : i32
      %dma_start3A_155 = arith.constant 0 : i32
      %dma_start3A_156 = tpu.memref_slice %arg2[%dma_start3A_154, %dma_start3A_155] : memref<10000x16xf32, #tpu.memory_space<hbm>> -> memref<10000x16xf32, #tpu.memory_space<hbm>>
      tpu.enqueue_indirect_dma source(%dma_start3A_156 : memref<10000x16xf32, #tpu.memory_space<hbm>>) target(%arg7 : memref<50x16xf32, #tpu.memory_space<vmem>>) offsets(%dma_start3A_153 : memref<50xi32, #tpu.memory_space<vmem>>) semaphore(%arg19 : memref<!tpu.dma_semaphore, #tpu.memory_space<semaphore_mem>>)
      %gt3A_157 = arith.constant 0 : i32
      %gt3A_158 = arith.cmpi sgt, %scan3A_145, %gt3A_157 : i32
      %convert_element_type3A_159 = arith.extui %gt3A_158 : i1 to i32
      %cond3A_160 = arith.constant 0 : i32
      %cond3A_161 = arith.cmpi ne, %convert_element_type3A_159, %cond3A_160 : i32
      scf.if %cond3A_161 {
        %dma_wait3A_424 = arith.constant 0 : i32
        %dma_wait3A_425 = arith.constant 0 : i32
        %dma_wait3A_426 = tpu.memref_slice %arg6[%dma_wait3A_424, %dma_wait3A_425] : memref<200x50xi32, #tpu.memory_space<vmem>> -> memref<1x50xi32, #tpu.memory_space<vmem>>
        %dma_wait3A_427 = tpu.memref_squeeze %dma_wait3A_426 : memref<1x50xi32, #tpu.memory_space<vmem>> -> memref<50xi32, #tpu.memory_space<vmem>>
        %dma_wait3A_428 = arith.constant 0 : i32
        %dma_wait3A_429 = arith.constant 0 : i32
        %dma_wait3A_430 = tpu.memref_slice %arg17[%dma_wait3A_428, %dma_wait3A_429] : memref<10000x16xf32, #tpu.memory_space<vmem_shared>> -> memref<10000x16xf32, #tpu.memory_space<vmem_shared>>
        tpu.wait_indirect_dma semaphore(%arg30 : memref<!tpu.dma_semaphore, #tpu.memory_space<semaphore_mem>>) src(%arg8 : memref<50x16xf32, #tpu.memory_space<vmem>>) dst(%dma_wait3A_430 : memref<10000x16xf32, #tpu.memory_space<vmem_shared>>)
      } else {
      }
      %add3A_162 = arith.constant 1 : i32
      %add3A_163 = arith.addi %mul3A_147, %add3A_162 : i32
      %dma_start3A_164 = arith.constant 0 : i32
      %dma_start3A_165 = tpu.memref_slice %arg5[%add3A_163, %dma_start3A_164] : memref<200x50xi32, #tpu.memory_space<vmem>> -> memref<1x50xi32, #tpu.memory_space<vmem>>
      %dma_start3A_166 = tpu.memref_squeeze %dma_start3A_165 : memref<1x50xi32, #tpu.memory_space<vmem>> -> memref<50xi32, #tpu.memory_space<vmem>>
      %dma_start3A_167 = arith.constant 0 : i32
      %dma_start3A_168 = arith.constant 0 : i32
      %dma_start3A_169 = tpu.memref_slice %arg2[%dma_start3A_167, %dma_start3A_168] : memref<10000x16xf32, #tpu.memory_space<hbm>> -> memref<10000x16xf32, #tpu.memory_space<hbm>>
      tpu.enqueue_indirect_dma source(%dma_start3A_169 : memref<10000x16xf32, #tpu.memory_space<hbm>>) target(%arg8 : memref<50x16xf32, #tpu.memory_space<vmem>>) offsets(%dma_start3A_166 : memref<50xi32, #tpu.memory_space<vmem>>) semaphore(%arg20 : memref<!tpu.dma_semaphore, #tpu.memory_space<semaphore_mem>>)
      %gt3A_170 = arith.constant 0 : i32
      %gt3A_171 = arith.cmpi sgt, %scan3A_145, %gt3A_170 : i32
      %convert_element_type3A_172 = arith.extui %gt3A_171 : i1 to i32
      %cond3A_173 = arith.constant 0 : i32
      %cond3A_174 = arith.cmpi ne, %convert_element_type3A_172, %cond3A_173 : i32
      scf.if %cond3A_174 {
        %dma_wait3A_424 = arith.constant 0 : i32
        %dma_wait3A_425 = arith.constant 0 : i32
        %dma_wait3A_426 = tpu.memref_slice %arg6[%dma_wait3A_424, %dma_wait3A_425] : memref<200x50xi32, #tpu.memory_space<vmem>> -> memref<1x50xi32, #tpu.memory_space<vmem>>
        %dma_wait3A_427 = tpu.memref_squeeze %dma_wait3A_426 : memref<1x50xi32, #tpu.memory_space<vmem>> -> memref<50xi32, #tpu.memory_space<vmem>>
        %dma_wait3A_428 = arith.constant 0 : i32
        %dma_wait3A_429 = arith.constant 0 : i32
        %dma_wait3A_430 = tpu.memref_slice %arg17[%dma_wait3A_428, %dma_wait3A_429] : memref<10000x16xf32, #tpu.memory_space<vmem_shared>> -> memref<10000x16xf32, #tpu.memory_space<vmem_shared>>
        tpu.wait_indirect_dma semaphore(%arg31 : memref<!tpu.dma_semaphore, #tpu.memory_space<semaphore_mem>>) src(%arg9 : memref<50x16xf32, #tpu.memory_space<vmem>>) dst(%dma_wait3A_430 : memref<10000x16xf32, #tpu.memory_space<vmem_shared>>)
      } else {
      }
      %add3A_175 = arith.constant 2 : i32
      %add3A_176 = arith.addi %mul3A_147, %add3A_175 : i32
      %dma_start3A_177 = arith.constant 0 : i32
      %dma_start3A_178 = tpu.memref_slice %arg5[%add3A_176, %dma_start3A_177] : memref<200x50xi32, #tpu.memory_space<vmem>> -> memref<1x50xi32, #tpu.memory_space<vmem>>
      %dma_start3A_179 = tpu.memref_squeeze %dma_start3A_178 : memref<1x50xi32, #tpu.memory_space<vmem>> -> memref<50xi32, #tpu.memory_space<vmem>>
      %dma_start3A_180 = arith.constant 0 : i32
      %dma_start3A_181 = arith.constant 0 : i32
      %dma_start3A_182 = tpu.memref_slice %arg2[%dma_start3A_180, %dma_start3A_181] : memref<10000x16xf32, #tpu.memory_space<hbm>> -> memref<10000x16xf32, #tpu.memory_space<hbm>>
      tpu.enqueue_indirect_dma source(%dma_start3A_182 : memref<10000x16xf32, #tpu.memory_space<hbm>>) target(%arg9 : memref<50x16xf32, #tpu.memory_space<vmem>>) offsets(%dma_start3A_179 : memref<50xi32, #tpu.memory_space<vmem>>) semaphore(%arg21 : memref<!tpu.dma_semaphore, #tpu.memory_space<semaphore_mem>>)
      %gt3A_183 = arith.constant 0 : i32
      %gt3A_184 = arith.cmpi sgt, %scan3A_145, %gt3A_183 : i32
      %convert_element_type3A_185 = arith.extui %gt3A_184 : i1 to i32
      %cond3A_186 = arith.constant 0 : i32
      %cond3A_187 = arith.cmpi ne, %convert_element_type3A_185, %cond3A_186 : i32
      scf.if %cond3A_187 {
        %dma_wait3A_424 = arith.constant 0 : i32
        %dma_wait3A_425 = arith.constant 0 : i32
        %dma_wait3A_426 = tpu.memref_slice %arg6[%dma_wait3A_424, %dma_wait3A_425] : memref<200x50xi32, #tpu.memory_space<vmem>> -> memref<1x50xi32, #tpu.memory_space<vmem>>
        %dma_wait3A_427 = tpu.memref_squeeze %dma_wait3A_426 : memref<1x50xi32, #tpu.memory_space<vmem>> -> memref<50xi32, #tpu.memory_space<vmem>>
        %dma_wait3A_428 = arith.constant 0 : i32
        %dma_wait3A_429 = arith.constant 0 : i32
        %dma_wait3A_430 = tpu.memref_slice %arg17[%dma_wait3A_428, %dma_wait3A_429] : memref<10000x16xf32, #tpu.memory_space<vmem_shared>> -> memref<10000x16xf32, #tpu.memory_space<vmem_shared>>
        tpu.wait_indirect_dma semaphore(%arg32 : memref<!tpu.dma_semaphore, #tpu.memory_space<semaphore_mem>>) src(%arg10 : memref<50x16xf32, #tpu.memory_space<vmem>>) dst(%dma_wait3A_430 : memref<10000x16xf32, #tpu.memory_space<vmem_shared>>)
      } else {
      }
      %add3A_188 = arith.constant 3 : i32
      %add3A_189 = arith.addi %mul3A_147, %add3A_188 : i32
      %dma_start3A_190 = arith.constant 0 : i32
      %dma_start3A_191 = tpu.memref_slice %arg5[%add3A_189, %dma_start3A_190] : memref<200x50xi32, #tpu.memory_space<vmem>> -> memref<1x50xi32, #tpu.memory_space<vmem>>
      %dma_start3A_192 = tpu.memref_squeeze %dma_start3A_191 : memref<1x50xi32, #tpu.memory_space<vmem>> -> memref<50xi32, #tpu.memory_space<vmem>>
      %dma_start3A_193 = arith.constant 0 : i32
      %dma_start3A_194 = arith.constant 0 : i32
      %dma_start3A_195 = tpu.memref_slice %arg2[%dma_start3A_193, %dma_start3A_194] : memref<10000x16xf32, #tpu.memory_space<hbm>> -> memref<10000x16xf32, #tpu.memory_space<hbm>>
      tpu.enqueue_indirect_dma source(%dma_start3A_195 : memref<10000x16xf32, #tpu.memory_space<hbm>>) target(%arg10 : memref<50x16xf32, #tpu.memory_space<vmem>>) offsets(%dma_start3A_192 : memref<50xi32, #tpu.memory_space<vmem>>) semaphore(%arg22 : memref<!tpu.dma_semaphore, #tpu.memory_space<semaphore_mem>>)
      %gt3A_196 = arith.constant 0 : i32
      %gt3A_197 = arith.cmpi sgt, %scan3A_145, %gt3A_196 : i32
      %convert_element_type3A_198 = arith.extui %gt3A_197 : i1 to i32
      %cond3A_199 = arith.constant 0 : i32
      %cond3A_200 = arith.cmpi ne, %convert_element_type3A_198, %cond3A_199 : i32
      scf.if %cond3A_200 {
        %dma_wait3A_424 = arith.constant 0 : i32
        %dma_wait3A_425 = arith.constant 0 : i32
        %dma_wait3A_426 = tpu.memref_slice %arg6[%dma_wait3A_424, %dma_wait3A_425] : memref<200x50xi32, #tpu.memory_space<vmem>> -> memref<1x50xi32, #tpu.memory_space<vmem>>
        %dma_wait3A_427 = tpu.memref_squeeze %dma_wait3A_426 : memref<1x50xi32, #tpu.memory_space<vmem>> -> memref<50xi32, #tpu.memory_space<vmem>>
        %dma_wait3A_428 = arith.constant 0 : i32
        %dma_wait3A_429 = arith.constant 0 : i32
        %dma_wait3A_430 = tpu.memref_slice %arg17[%dma_wait3A_428, %dma_wait3A_429] : memref<10000x16xf32, #tpu.memory_space<vmem_shared>> -> memref<10000x16xf32, #tpu.memory_space<vmem_shared>>
        tpu.wait_indirect_dma semaphore(%arg33 : memref<!tpu.dma_semaphore, #tpu.memory_space<semaphore_mem>>) src(%arg11 : memref<50x16xf32, #tpu.memory_space<vmem>>) dst(%dma_wait3A_430 : memref<10000x16xf32, #tpu.memory_space<vmem_shared>>)
      } else {
      }
      %add3A_201 = arith.constant 4 : i32
      %add3A_202 = arith.addi %mul3A_147, %add3A_201 : i32
      %dma_start3A_203 = arith.constant 0 : i32
      %dma_start3A_204 = tpu.memref_slice %arg5[%add3A_202, %dma_start3A_203] : memref<200x50xi32, #tpu.memory_space<vmem>> -> memref<1x50xi32, #tpu.memory_space<vmem>>
      %dma_start3A_205 = tpu.memref_squeeze %dma_start3A_204 : memref<1x50xi32, #tpu.memory_space<vmem>> -> memref<50xi32, #tpu.memory_space<vmem>>
      %dma_start3A_206 = arith.constant 0 : i32
      %dma_start3A_207 = arith.constant 0 : i32
      %dma_start3A_208 = tpu.memref_slice %arg2[%dma_start3A_206, %dma_start3A_207] : memref<10000x16xf32, #tpu.memory_space<hbm>> -> memref<10000x16xf32, #tpu.memory_space<hbm>>
      tpu.enqueue_indirect_dma source(%dma_start3A_208 : memref<10000x16xf32, #tpu.memory_space<hbm>>) target(%arg11 : memref<50x16xf32, #tpu.memory_space<vmem>>) offsets(%dma_start3A_205 : memref<50xi32, #tpu.memory_space<vmem>>) semaphore(%arg23 : memref<!tpu.dma_semaphore, #tpu.memory_space<semaphore_mem>>)
      %gt3A_209 = arith.constant 0 : i32
      %gt3A_210 = arith.cmpi sgt, %scan3A_145, %gt3A_209 : i32
      %convert_element_type3A_211 = arith.extui %gt3A_210 : i1 to i32
      %cond3A_212 = arith.constant 0 : i32
      %cond3A_213 = arith.cmpi ne, %convert_element_type3A_211, %cond3A_212 : i32
      scf.if %cond3A_213 {
        %dma_wait3A_424 = arith.constant 0 : i32
        %dma_wait3A_425 = arith.constant 0 : i32
        %dma_wait3A_426 = tpu.memref_slice %arg6[%dma_wait3A_424, %dma_wait3A_425] : memref<200x50xi32, #tpu.memory_space<vmem>> -> memref<1x50xi32, #tpu.memory_space<vmem>>
        %dma_wait3A_427 = tpu.memref_squeeze %dma_wait3A_426 : memref<1x50xi32, #tpu.memory_space<vmem>> -> memref<50xi32, #tpu.memory_space<vmem>>
        %dma_wait3A_428 = arith.constant 0 : i32
        %dma_wait3A_429 = arith.constant 0 : i32
        %dma_wait3A_430 = tpu.memref_slice %arg17[%dma_wait3A_428, %dma_wait3A_429] : memref<10000x16xf32, #tpu.memory_space<vmem_shared>> -> memref<10000x16xf32, #tpu.memory_space<vmem_shared>>
        tpu.wait_indirect_dma semaphore(%arg34 : memref<!tpu.dma_semaphore, #tpu.memory_space<semaphore_mem>>) src(%arg12 : memref<50x16xf32, #tpu.memory_space<vmem>>) dst(%dma_wait3A_430 : memref<10000x16xf32, #tpu.memory_space<vmem_shared>>)
      } else {
      }
      %add3A_214 = arith.constant 5 : i32
      %add3A_215 = arith.addi %mul3A_147, %add3A_214 : i32
      %dma_start3A_216 = arith.constant 0 : i32
      %dma_start3A_217 = tpu.memref_slice %arg5[%add3A_215, %dma_start3A_216] : memref<200x50xi32, #tpu.memory_space<vmem>> -> memref<1x50xi32, #tpu.memory_space<vmem>>
      %dma_start3A_218 = tpu.memref_squeeze %dma_start3A_217 : memref<1x50xi32, #tpu.memory_space<vmem>> -> memref<50xi32, #tpu.memory_space<vmem>>
      %dma_start3A_219 = arith.constant 0 : i32
      %dma_start3A_220 = arith.constant 0 : i32
      %dma_start3A_221 = tpu.memref_slice %arg2[%dma_start3A_219, %dma_start3A_220] : memref<10000x16xf32, #tpu.memory_space<hbm>> -> memref<10000x16xf32, #tpu.memory_space<hbm>>
      tpu.enqueue_indirect_dma source(%dma_start3A_221 : memref<10000x16xf32, #tpu.memory_space<hbm>>) target(%arg12 : memref<50x16xf32, #tpu.memory_space<vmem>>) offsets(%dma_start3A_218 : memref<50xi32, #tpu.memory_space<vmem>>) semaphore(%arg24 : memref<!tpu.dma_semaphore, #tpu.memory_space<semaphore_mem>>)
      %gt3A_222 = arith.constant 0 : i32
      %gt3A_223 = arith.cmpi sgt, %scan3A_145, %gt3A_222 : i32
      %convert_element_type3A_224 = arith.extui %gt3A_223 : i1 to i32
      %cond3A_225 = arith.constant 0 : i32
      %cond3A_226 = arith.cmpi ne, %convert_element_type3A_224, %cond3A_225 : i32
      scf.if %cond3A_226 {
        %dma_wait3A_424 = arith.constant 0 : i32
        %dma_wait3A_425 = arith.constant 0 : i32
        %dma_wait3A_426 = tpu.memref_slice %arg6[%dma_wait3A_424, %dma_wait3A_425] : memref<200x50xi32, #tpu.memory_space<vmem>> -> memref<1x50xi32, #tpu.memory_space<vmem>>
        %dma_wait3A_427 = tpu.memref_squeeze %dma_wait3A_426 : memref<1x50xi32, #tpu.memory_space<vmem>> -> memref<50xi32, #tpu.memory_space<vmem>>
        %dma_wait3A_428 = arith.constant 0 : i32
        %dma_wait3A_429 = arith.constant 0 : i32
        %dma_wait3A_430 = tpu.memref_slice %arg17[%dma_wait3A_428, %dma_wait3A_429] : memref<10000x16xf32, #tpu.memory_space<vmem_shared>> -> memref<10000x16xf32, #tpu.memory_space<vmem_shared>>
        tpu.wait_indirect_dma semaphore(%arg35 : memref<!tpu.dma_semaphore, #tpu.memory_space<semaphore_mem>>) src(%arg13 : memref<50x16xf32, #tpu.memory_space<vmem>>) dst(%dma_wait3A_430 : memref<10000x16xf32, #tpu.memory_space<vmem_shared>>)
      } else {
      }
      %add3A_227 = arith.constant 6 : i32
      %add3A_228 = arith.addi %mul3A_147, %add3A_227 : i32
      %dma_start3A_229 = arith.constant 0 : i32
      %dma_start3A_230 = tpu.memref_slice %arg5[%add3A_228, %dma_start3A_229] : memref<200x50xi32, #tpu.memory_space<vmem>> -> memref<1x50xi32, #tpu.memory_space<vmem>>
      %dma_start3A_231 = tpu.memref_squeeze %dma_start3A_230 : memref<1x50xi32, #tpu.memory_space<vmem>> -> memref<50xi32, #tpu.memory_space<vmem>>
      %dma_start3A_232 = arith.constant 0 : i32
      %dma_start3A_233 = arith.constant 0 : i32
      %dma_start3A_234 = tpu.memref_slice %arg2[%dma_start3A_232, %dma_start3A_233] : memref<10000x16xf32, #tpu.memory_space<hbm>> -> memref<10000x16xf32, #tpu.memory_space<hbm>>
      tpu.enqueue_indirect_dma source(%dma_start3A_234 : memref<10000x16xf32, #tpu.memory_space<hbm>>) target(%arg13 : memref<50x16xf32, #tpu.memory_space<vmem>>) offsets(%dma_start3A_231 : memref<50xi32, #tpu.memory_space<vmem>>) semaphore(%arg25 : memref<!tpu.dma_semaphore, #tpu.memory_space<semaphore_mem>>)
      %gt3A_235 = arith.constant 0 : i32
      %gt3A_236 = arith.cmpi sgt, %scan3A_145, %gt3A_235 : i32
      %convert_element_type3A_237 = arith.extui %gt3A_236 : i1 to i32
      %cond3A_238 = arith.constant 0 : i32
      %cond3A_239 = arith.cmpi ne, %convert_element_type3A_237, %cond3A_238 : i32
      scf.if %cond3A_239 {
        %dma_wait3A_424 = arith.constant 0 : i32
        %dma_wait3A_425 = arith.constant 0 : i32
        %dma_wait3A_426 = tpu.memref_slice %arg6[%dma_wait3A_424, %dma_wait3A_425] : memref<200x50xi32, #tpu.memory_space<vmem>> -> memref<1x50xi32, #tpu.memory_space<vmem>>
        %dma_wait3A_427 = tpu.memref_squeeze %dma_wait3A_426 : memref<1x50xi32, #tpu.memory_space<vmem>> -> memref<50xi32, #tpu.memory_space<vmem>>
        %dma_wait3A_428 = arith.constant 0 : i32
        %dma_wait3A_429 = arith.constant 0 : i32
        %dma_wait3A_430 = tpu.memref_slice %arg17[%dma_wait3A_428, %dma_wait3A_429] : memref<10000x16xf32, #tpu.memory_space<vmem_shared>> -> memref<10000x16xf32, #tpu.memory_space<vmem_shared>>
        tpu.wait_indirect_dma semaphore(%arg36 : memref<!tpu.dma_semaphore, #tpu.memory_space<semaphore_mem>>) src(%arg14 : memref<50x16xf32, #tpu.memory_space<vmem>>) dst(%dma_wait3A_430 : memref<10000x16xf32, #tpu.memory_space<vmem_shared>>)
      } else {
      }
      %add3A_240 = arith.constant 7 : i32
      %add3A_241 = arith.addi %mul3A_147, %add3A_240 : i32
      %dma_start3A_242 = arith.constant 0 : i32
      %dma_start3A_243 = tpu.memref_slice %arg5[%add3A_241, %dma_start3A_242] : memref<200x50xi32, #tpu.memory_space<vmem>> -> memref<1x50xi32, #tpu.memory_space<vmem>>
      %dma_start3A_244 = tpu.memref_squeeze %dma_start3A_243 : memref<1x50xi32, #tpu.memory_space<vmem>> -> memref<50xi32, #tpu.memory_space<vmem>>
      %dma_start3A_245 = arith.constant 0 : i32
      %dma_start3A_246 = arith.constant 0 : i32
      %dma_start3A_247 = tpu.memref_slice %arg2[%dma_start3A_245, %dma_start3A_246] : memref<10000x16xf32, #tpu.memory_space<hbm>> -> memref<10000x16xf32, #tpu.memory_space<hbm>>
      tpu.enqueue_indirect_dma source(%dma_start3A_247 : memref<10000x16xf32, #tpu.memory_space<hbm>>) target(%arg14 : memref<50x16xf32, #tpu.memory_space<vmem>>) offsets(%dma_start3A_244 : memref<50xi32, #tpu.memory_space<vmem>>) semaphore(%arg26 : memref<!tpu.dma_semaphore, #tpu.memory_space<semaphore_mem>>)
      %gt3A_248 = arith.constant 0 : i32
      %gt3A_249 = arith.cmpi sgt, %scan3A_145, %gt3A_248 : i32
      %convert_element_type3A_250 = arith.extui %gt3A_249 : i1 to i32
      %cond3A_251 = arith.constant 0 : i32
      %cond3A_252 = arith.cmpi ne, %convert_element_type3A_250, %cond3A_251 : i32
      scf.if %cond3A_252 {
        %dma_wait3A_424 = arith.constant 0 : i32
        %dma_wait3A_425 = arith.constant 0 : i32
        %dma_wait3A_426 = tpu.memref_slice %arg6[%dma_wait3A_424, %dma_wait3A_425] : memref<200x50xi32, #tpu.memory_space<vmem>> -> memref<1x50xi32, #tpu.memory_space<vmem>>
        %dma_wait3A_427 = tpu.memref_squeeze %dma_wait3A_426 : memref<1x50xi32, #tpu.memory_space<vmem>> -> memref<50xi32, #tpu.memory_space<vmem>>
        %dma_wait3A_428 = arith.constant 0 : i32
        %dma_wait3A_429 = arith.constant 0 : i32
        %dma_wait3A_430 = tpu.memref_slice %arg17[%dma_wait3A_428, %dma_wait3A_429] : memref<10000x16xf32, #tpu.memory_space<vmem_shared>> -> memref<10000x16xf32, #tpu.memory_space<vmem_shared>>
        tpu.wait_indirect_dma semaphore(%arg37 : memref<!tpu.dma_semaphore, #tpu.memory_space<semaphore_mem>>) src(%arg15 : memref<50x16xf32, #tpu.memory_space<vmem>>) dst(%dma_wait3A_430 : memref<10000x16xf32, #tpu.memory_space<vmem_shared>>)
      } else {
      }
      %add3A_253 = arith.constant 8 : i32
      %add3A_254 = arith.addi %mul3A_147, %add3A_253 : i32
      %dma_start3A_255 = arith.constant 0 : i32
      %dma_start3A_256 = tpu.memref_slice %arg5[%add3A_254, %dma_start3A_255] : memref<200x50xi32, #tpu.memory_space<vmem>> -> memref<1x50xi32, #tpu.memory_space<vmem>>
      %dma_start3A_257 = tpu.memref_squeeze %dma_start3A_256 : memref<1x50xi32, #tpu.memory_space<vmem>> -> memref<50xi32, #tpu.memory_space<vmem>>
      %dma_start3A_258 = arith.constant 0 : i32
      %dma_start3A_259 = arith.constant 0 : i32
      %dma_start3A_260 = tpu.memref_slice %arg2[%dma_start3A_258, %dma_start3A_259] : memref<10000x16xf32, #tpu.memory_space<hbm>> -> memref<10000x16xf32, #tpu.memory_space<hbm>>
      tpu.enqueue_indirect_dma source(%dma_start3A_260 : memref<10000x16xf32, #tpu.memory_space<hbm>>) target(%arg15 : memref<50x16xf32, #tpu.memory_space<vmem>>) offsets(%dma_start3A_257 : memref<50xi32, #tpu.memory_space<vmem>>) semaphore(%arg27 : memref<!tpu.dma_semaphore, #tpu.memory_space<semaphore_mem>>)
      %gt3A_261 = arith.constant 0 : i32
      %gt3A_262 = arith.cmpi sgt, %scan3A_145, %gt3A_261 : i32
      %convert_element_type3A_263 = arith.extui %gt3A_262 : i1 to i32
      %cond3A_264 = arith.constant 0 : i32
      %cond3A_265 = arith.cmpi ne, %convert_element_type3A_263, %cond3A_264 : i32
      scf.if %cond3A_265 {
        %dma_wait3A_424 = arith.constant 0 : i32
        %dma_wait3A_425 = arith.constant 0 : i32
        %dma_wait3A_426 = tpu.memref_slice %arg6[%dma_wait3A_424, %dma_wait3A_425] : memref<200x50xi32, #tpu.memory_space<vmem>> -> memref<1x50xi32, #tpu.memory_space<vmem>>
        %dma_wait3A_427 = tpu.memref_squeeze %dma_wait3A_426 : memref<1x50xi32, #tpu.memory_space<vmem>> -> memref<50xi32, #tpu.memory_space<vmem>>
        %dma_wait3A_428 = arith.constant 0 : i32
        %dma_wait3A_429 = arith.constant 0 : i32
        %dma_wait3A_430 = tpu.memref_slice %arg17[%dma_wait3A_428, %dma_wait3A_429] : memref<10000x16xf32, #tpu.memory_space<vmem_shared>> -> memref<10000x16xf32, #tpu.memory_space<vmem_shared>>
        tpu.wait_indirect_dma semaphore(%arg38 : memref<!tpu.dma_semaphore, #tpu.memory_space<semaphore_mem>>) src(%arg16 : memref<50x16xf32, #tpu.memory_space<vmem>>) dst(%dma_wait3A_430 : memref<10000x16xf32, #tpu.memory_space<vmem_shared>>)
      } else {
      }
      %add3A_266 = arith.constant 9 : i32
      %add3A_267 = arith.addi %mul3A_147, %add3A_266 : i32
      %dma_start3A_268 = arith.constant 0 : i32
      %dma_start3A_269 = tpu.memref_slice %arg5[%add3A_267, %dma_start3A_268] : memref<200x50xi32, #tpu.memory_space<vmem>> -> memref<1x50xi32, #tpu.memory_space<vmem>>
      %dma_start3A_270 = tpu.memref_squeeze %dma_start3A_269 : memref<1x50xi32, #tpu.memory_space<vmem>> -> memref<50xi32, #tpu.memory_space<vmem>>
      %dma_start3A_271 = arith.constant 0 : i32
      %dma_start3A_272 = arith.constant 0 : i32
      %dma_start3A_273 = tpu.memref_slice %arg2[%dma_start3A_271, %dma_start3A_272] : memref<10000x16xf32, #tpu.memory_space<hbm>> -> memref<10000x16xf32, #tpu.memory_space<hbm>>
      tpu.enqueue_indirect_dma source(%dma_start3A_273 : memref<10000x16xf32, #tpu.memory_space<hbm>>) target(%arg16 : memref<50x16xf32, #tpu.memory_space<vmem>>) offsets(%dma_start3A_270 : memref<50xi32, #tpu.memory_space<vmem>>) semaphore(%arg28 : memref<!tpu.dma_semaphore, #tpu.memory_space<semaphore_mem>>)
      %dma_wait3A_274 = arith.constant 0 : i32
      %dma_wait3A_275 = arith.constant 0 : i32
      %dma_wait3A_276 = tpu.memref_slice %arg5[%dma_wait3A_274, %dma_wait3A_275] : memref<200x50xi32, #tpu.memory_space<vmem>> -> memref<1x50xi32, #tpu.memory_space<vmem>>
      %dma_wait3A_277 = tpu.memref_squeeze %dma_wait3A_276 : memref<1x50xi32, #tpu.memory_space<vmem>> -> memref<50xi32, #tpu.memory_space<vmem>>
      %dma_wait3A_278 = arith.constant 0 : i32
      %dma_wait3A_279 = arith.constant 0 : i32
      %dma_wait3A_280 = tpu.memref_slice %arg2[%dma_wait3A_278, %dma_wait3A_279] : memref<10000x16xf32, #tpu.memory_space<hbm>> -> memref<10000x16xf32, #tpu.memory_space<hbm>>
      tpu.wait_indirect_dma semaphore(%arg19 : memref<!tpu.dma_semaphore, #tpu.memory_space<semaphore_mem>>) src(%dma_wait3A_280 : memref<10000x16xf32, #tpu.memory_space<hbm>>) dst(%arg7 : memref<50x16xf32, #tpu.memory_space<vmem>>)
      %add3A_281 = arith.constant 0 : i32
      %add3A_282 = arith.addi %mul3A_147, %add3A_281 : i32
      %dma_start3A_283 = arith.constant 0 : i32
      %dma_start3A_284 = tpu.memref_slice %arg6[%add3A_282, %dma_start3A_283] : memref<200x50xi32, #tpu.memory_space<vmem>> -> memref<1x50xi32, #tpu.memory_space<vmem>>
      %dma_start3A_285 = tpu.memref_squeeze %dma_start3A_284 : memref<1x50xi32, #tpu.memory_space<vmem>> -> memref<50xi32, #tpu.memory_space<vmem>>
      %dma_start3A_286 = arith.constant 0 : i32
      %dma_start3A_287 = arith.constant 0 : i32
      %dma_start3A_288 = tpu.memref_slice %arg17[%dma_start3A_286, %dma_start3A_287] : memref<10000x16xf32, #tpu.memory_space<vmem_shared>> -> memref<10000x16xf32, #tpu.memory_space<vmem_shared>>
      tpu.enqueue_indirect_dma source(%arg7 : memref<50x16xf32, #tpu.memory_space<vmem>>) target(%dma_start3A_288 : memref<10000x16xf32, #tpu.memory_space<vmem_shared>>) offsets(%dma_start3A_285 : memref<50xi32, #tpu.memory_space<vmem>>) semaphore(%arg29 : memref<!tpu.dma_semaphore, #tpu.memory_space<semaphore_mem>>) {add = true}
      %dma_wait3A_289 = arith.constant 0 : i32
      %dma_wait3A_290 = arith.constant 0 : i32
      %dma_wait3A_291 = tpu.memref_slice %arg5[%dma_wait3A_289, %dma_wait3A_290] : memref<200x50xi32, #tpu.memory_space<vmem>> -> memref<1x50xi32, #tpu.memory_space<vmem>>
      %dma_wait3A_292 = tpu.memref_squeeze %dma_wait3A_291 : memref<1x50xi32, #tpu.memory_space<vmem>> -> memref<50xi32, #tpu.memory_space<vmem>>
      %dma_wait3A_293 = arith.constant 0 : i32
      %dma_wait3A_294 = arith.constant 0 : i32
      %dma_wait3A_295 = tpu.memref_slice %arg2[%dma_wait3A_293, %dma_wait3A_294] : memref<10000x16xf32, #tpu.memory_space<hbm>> -> memref<10000x16xf32, #tpu.memory_space<hbm>>
      tpu.wait_indirect_dma semaphore(%arg20 : memref<!tpu.dma_semaphore, #tpu.memory_space<semaphore_mem>>) src(%dma_wait3A_295 : memref<10000x16xf32, #tpu.memory_space<hbm>>) dst(%arg8 : memref<50x16xf32, #tpu.memory_space<vmem>>)
      %add3A_296 = arith.constant 1 : i32
      %add3A_297 = arith.addi %mul3A_147, %add3A_296 : i32
      %dma_start3A_298 = arith.constant 0 : i32
      %dma_start3A_299 = tpu.memref_slice %arg6[%add3A_297, %dma_start3A_298] : memref<200x50xi32, #tpu.memory_space<vmem>> -> memref<1x50xi32, #tpu.memory_space<vmem>>
      %dma_start3A_300 = tpu.memref_squeeze %dma_start3A_299 : memref<1x50xi32, #tpu.memory_space<vmem>> -> memref<50xi32, #tpu.memory_space<vmem>>
      %dma_start3A_301 = arith.constant 0 : i32
      %dma_start3A_302 = arith.constant 0 : i32
      %dma_start3A_303 = tpu.memref_slice %arg17[%dma_start3A_301, %dma_start3A_302] : memref<10000x16xf32, #tpu.memory_space<vmem_shared>> -> memref<10000x16xf32, #tpu.memory_space<vmem_shared>>
      tpu.enqueue_indirect_dma source(%arg8 : memref<50x16xf32, #tpu.memory_space<vmem>>) target(%dma_start3A_303 : memref<10000x16xf32, #tpu.memory_space<vmem_shared>>) offsets(%dma_start3A_300 : memref<50xi32, #tpu.memory_space<vmem>>) semaphore(%arg30 : memref<!tpu.dma_semaphore, #tpu.memory_space<semaphore_mem>>) {add = true}
      %dma_wait3A_304 = arith.constant 0 : i32
      %dma_wait3A_305 = arith.constant 0 : i32
      %dma_wait3A_306 = tpu.memref_slice %arg5[%dma_wait3A_304, %dma_wait3A_305] : memref<200x50xi32, #tpu.memory_space<vmem>> -> memref<1x50xi32, #tpu.memory_space<vmem>>
      %dma_wait3A_307 = tpu.memref_squeeze %dma_wait3A_306 : memref<1x50xi32, #tpu.memory_space<vmem>> -> memref<50xi32, #tpu.memory_space<vmem>>
      %dma_wait3A_308 = arith.constant 0 : i32
      %dma_wait3A_309 = arith.constant 0 : i32
      %dma_wait3A_310 = tpu.memref_slice %arg2[%dma_wait3A_308, %dma_wait3A_309] : memref<10000x16xf32, #tpu.memory_space<hbm>> -> memref<10000x16xf32, #tpu.memory_space<hbm>>
      tpu.wait_indirect_dma semaphore(%arg21 : memref<!tpu.dma_semaphore, #tpu.memory_space<semaphore_mem>>) src(%dma_wait3A_310 : memref<10000x16xf32, #tpu.memory_space<hbm>>) dst(%arg9 : memref<50x16xf32, #tpu.memory_space<vmem>>)
      %add3A_311 = arith.constant 2 : i32
      %add3A_312 = arith.addi %mul3A_147, %add3A_311 : i32
      %dma_start3A_313 = arith.constant 0 : i32
      %dma_start3A_314 = tpu.memref_slice %arg6[%add3A_312, %dma_start3A_313] : memref<200x50xi32, #tpu.memory_space<vmem>> -> memref<1x50xi32, #tpu.memory_space<vmem>>
      %dma_start3A_315 = tpu.memref_squeeze %dma_start3A_314 : memref<1x50xi32, #tpu.memory_space<vmem>> -> memref<50xi32, #tpu.memory_space<vmem>>
      %dma_start3A_316 = arith.constant 0 : i32
      %dma_start3A_317 = arith.constant 0 : i32
      %dma_start3A_318 = tpu.memref_slice %arg17[%dma_start3A_316, %dma_start3A_317] : memref<10000x16xf32, #tpu.memory_space<vmem_shared>> -> memref<10000x16xf32, #tpu.memory_space<vmem_shared>>
      tpu.enqueue_indirect_dma source(%arg9 : memref<50x16xf32, #tpu.memory_space<vmem>>) target(%dma_start3A_318 : memref<10000x16xf32, #tpu.memory_space<vmem_shared>>) offsets(%dma_start3A_315 : memref<50xi32, #tpu.memory_space<vmem>>) semaphore(%arg31 : memref<!tpu.dma_semaphore, #tpu.memory_space<semaphore_mem>>) {add = true}
      %dma_wait3A_319 = arith.constant 0 : i32
      %dma_wait3A_320 = arith.constant 0 : i32
      %dma_wait3A_321 = tpu.memref_slice %arg5[%dma_wait3A_319, %dma_wait3A_320] : memref<200x50xi32, #tpu.memory_space<vmem>> -> memref<1x50xi32, #tpu.memory_space<vmem>>
      %dma_wait3A_322 = tpu.memref_squeeze %dma_wait3A_321 : memref<1x50xi32, #tpu.memory_space<vmem>> -> memref<50xi32, #tpu.memory_space<vmem>>
      %dma_wait3A_323 = arith.constant 0 : i32
      %dma_wait3A_324 = arith.constant 0 : i32
      %dma_wait3A_325 = tpu.memref_slice %arg2[%dma_wait3A_323, %dma_wait3A_324] : memref<10000x16xf32, #tpu.memory_space<hbm>> -> memref<10000x16xf32, #tpu.memory_space<hbm>>
      tpu.wait_indirect_dma semaphore(%arg22 : memref<!tpu.dma_semaphore, #tpu.memory_space<semaphore_mem>>) src(%dma_wait3A_325 : memref<10000x16xf32, #tpu.memory_space<hbm>>) dst(%arg10 : memref<50x16xf32, #tpu.memory_space<vmem>>)
      %add3A_326 = arith.constant 3 : i32
      %add3A_327 = arith.addi %mul3A_147, %add3A_326 : i32
      %dma_start3A_328 = arith.constant 0 : i32
      %dma_start3A_329 = tpu.memref_slice %arg6[%add3A_327, %dma_start3A_328] : memref<200x50xi32, #tpu.memory_space<vmem>> -> memref<1x50xi32, #tpu.memory_space<vmem>>
      %dma_start3A_330 = tpu.memref_squeeze %dma_start3A_329 : memref<1x50xi32, #tpu.memory_space<vmem>> -> memref<50xi32, #tpu.memory_space<vmem>>
      %dma_start3A_331 = arith.constant 0 : i32
      %dma_start3A_332 = arith.constant 0 : i32
      %dma_start3A_333 = tpu.memref_slice %arg17[%dma_start3A_331, %dma_start3A_332] : memref<10000x16xf32, #tpu.memory_space<vmem_shared>> -> memref<10000x16xf32, #tpu.memory_space<vmem_shared>>
      tpu.enqueue_indirect_dma source(%arg10 : memref<50x16xf32, #tpu.memory_space<vmem>>) target(%dma_start3A_333 : memref<10000x16xf32, #tpu.memory_space<vmem_shared>>) offsets(%dma_start3A_330 : memref<50xi32, #tpu.memory_space<vmem>>) semaphore(%arg32 : memref<!tpu.dma_semaphore, #tpu.memory_space<semaphore_mem>>) {add = true}
      %dma_wait3A_334 = arith.constant 0 : i32
      %dma_wait3A_335 = arith.constant 0 : i32
      %dma_wait3A_336 = tpu.memref_slice %arg5[%dma_wait3A_334, %dma_wait3A_335] : memref<200x50xi32, #tpu.memory_space<vmem>> -> memref<1x50xi32, #tpu.memory_space<vmem>>
      %dma_wait3A_337 = tpu.memref_squeeze %dma_wait3A_336 : memref<1x50xi32, #tpu.memory_space<vmem>> -> memref<50xi32, #tpu.memory_space<vmem>>
      %dma_wait3A_338 = arith.constant 0 : i32
      %dma_wait3A_339 = arith.constant 0 : i32
      %dma_wait3A_340 = tpu.memref_slice %arg2[%dma_wait3A_338, %dma_wait3A_339] : memref<10000x16xf32, #tpu.memory_space<hbm>> -> memref<10000x16xf32, #tpu.memory_space<hbm>>
      tpu.wait_indirect_dma semaphore(%arg23 : memref<!tpu.dma_semaphore, #tpu.memory_space<semaphore_mem>>) src(%dma_wait3A_340 : memref<10000x16xf32, #tpu.memory_space<hbm>>) dst(%arg11 : memref<50x16xf32, #tpu.memory_space<vmem>>)
      %add3A_341 = arith.constant 4 : i32
      %add3A_342 = arith.addi %mul3A_147, %add3A_341 : i32
      %dma_start3A_343 = arith.constant 0 : i32
      %dma_start3A_344 = tpu.memref_slice %arg6[%add3A_342, %dma_start3A_343] : memref<200x50xi32, #tpu.memory_space<vmem>> -> memref<1x50xi32, #tpu.memory_space<vmem>>
      %dma_start3A_345 = tpu.memref_squeeze %dma_start3A_344 : memref<1x50xi32, #tpu.memory_space<vmem>> -> memref<50xi32, #tpu.memory_space<vmem>>
      %dma_start3A_346 = arith.constant 0 : i32
      %dma_start3A_347 = arith.constant 0 : i32
      %dma_start3A_348 = tpu.memref_slice %arg17[%dma_start3A_346, %dma_start3A_347] : memref<10000x16xf32, #tpu.memory_space<vmem_shared>> -> memref<10000x16xf32, #tpu.memory_space<vmem_shared>>
      tpu.enqueue_indirect_dma source(%arg11 : memref<50x16xf32, #tpu.memory_space<vmem>>) target(%dma_start3A_348 : memref<10000x16xf32, #tpu.memory_space<vmem_shared>>) offsets(%dma_start3A_345 : memref<50xi32, #tpu.memory_space<vmem>>) semaphore(%arg33 : memref<!tpu.dma_semaphore, #tpu.memory_space<semaphore_mem>>) {add = true}
      %dma_wait3A_349 = arith.constant 0 : i32
      %dma_wait3A_350 = arith.constant 0 : i32
      %dma_wait3A_351 = tpu.memref_slice %arg5[%dma_wait3A_349, %dma_wait3A_350] : memref<200x50xi32, #tpu.memory_space<vmem>> -> memref<1x50xi32, #tpu.memory_space<vmem>>
      %dma_wait3A_352 = tpu.memref_squeeze %dma_wait3A_351 : memref<1x50xi32, #tpu.memory_space<vmem>> -> memref<50xi32, #tpu.memory_space<vmem>>
      %dma_wait3A_353 = arith.constant 0 : i32
      %dma_wait3A_354 = arith.constant 0 : i32
      %dma_wait3A_355 = tpu.memref_slice %arg2[%dma_wait3A_353, %dma_wait3A_354] : memref<10000x16xf32, #tpu.memory_space<hbm>> -> memref<10000x16xf32, #tpu.memory_space<hbm>>
      tpu.wait_indirect_dma semaphore(%arg24 : memref<!tpu.dma_semaphore, #tpu.memory_space<semaphore_mem>>) src(%dma_wait3A_355 : memref<10000x16xf32, #tpu.memory_space<hbm>>) dst(%arg12 : memref<50x16xf32, #tpu.memory_space<vmem>>)
      %add3A_356 = arith.constant 5 : i32
      %add3A_357 = arith.addi %mul3A_147, %add3A_356 : i32
      %dma_start3A_358 = arith.constant 0 : i32
      %dma_start3A_359 = tpu.memref_slice %arg6[%add3A_357, %dma_start3A_358] : memref<200x50xi32, #tpu.memory_space<vmem>> -> memref<1x50xi32, #tpu.memory_space<vmem>>
      %dma_start3A_360 = tpu.memref_squeeze %dma_start3A_359 : memref<1x50xi32, #tpu.memory_space<vmem>> -> memref<50xi32, #tpu.memory_space<vmem>>
      %dma_start3A_361 = arith.constant 0 : i32
      %dma_start3A_362 = arith.constant 0 : i32
      %dma_start3A_363 = tpu.memref_slice %arg17[%dma_start3A_361, %dma_start3A_362] : memref<10000x16xf32, #tpu.memory_space<vmem_shared>> -> memref<10000x16xf32, #tpu.memory_space<vmem_shared>>
      tpu.enqueue_indirect_dma source(%arg12 : memref<50x16xf32, #tpu.memory_space<vmem>>) target(%dma_start3A_363 : memref<10000x16xf32, #tpu.memory_space<vmem_shared>>) offsets(%dma_start3A_360 : memref<50xi32, #tpu.memory_space<vmem>>) semaphore(%arg34 : memref<!tpu.dma_semaphore, #tpu.memory_space<semaphore_mem>>) {add = true}
      %dma_wait3A_364 = arith.constant 0 : i32
      %dma_wait3A_365 = arith.constant 0 : i32
      %dma_wait3A_366 = tpu.memref_slice %arg5[%dma_wait3A_364, %dma_wait3A_365] : memref<200x50xi32, #tpu.memory_space<vmem>> -> memref<1x50xi32, #tpu.memory_space<vmem>>
      %dma_wait3A_367 = tpu.memref_squeeze %dma_wait3A_366 : memref<1x50xi32, #tpu.memory_space<vmem>> -> memref<50xi32, #tpu.memory_space<vmem>>
      %dma_wait3A_368 = arith.constant 0 : i32
      %dma_wait3A_369 = arith.constant 0 : i32
      %dma_wait3A_370 = tpu.memref_slice %arg2[%dma_wait3A_368, %dma_wait3A_369] : memref<10000x16xf32, #tpu.memory_space<hbm>> -> memref<10000x16xf32, #tpu.memory_space<hbm>>
      tpu.wait_indirect_dma semaphore(%arg25 : memref<!tpu.dma_semaphore, #tpu.memory_space<semaphore_mem>>) src(%dma_wait3A_370 : memref<10000x16xf32, #tpu.memory_space<hbm>>) dst(%arg13 : memref<50x16xf32, #tpu.memory_space<vmem>>)
      %add3A_371 = arith.constant 6 : i32
      %add3A_372 = arith.addi %mul3A_147, %add3A_371 : i32
      %dma_start3A_373 = arith.constant 0 : i32
      %dma_start3A_374 = tpu.memref_slice %arg6[%add3A_372, %dma_start3A_373] : memref<200x50xi32, #tpu.memory_space<vmem>> -> memref<1x50xi32, #tpu.memory_space<vmem>>
      %dma_start3A_375 = tpu.memref_squeeze %dma_start3A_374 : memref<1x50xi32, #tpu.memory_space<vmem>> -> memref<50xi32, #tpu.memory_space<vmem>>
      %dma_start3A_376 = arith.constant 0 : i32
      %dma_start3A_377 = arith.constant 0 : i32
      %dma_start3A_378 = tpu.memref_slice %arg17[%dma_start3A_376, %dma_start3A_377] : memref<10000x16xf32, #tpu.memory_space<vmem_shared>> -> memref<10000x16xf32, #tpu.memory_space<vmem_shared>>
      tpu.enqueue_indirect_dma source(%arg13 : memref<50x16xf32, #tpu.memory_space<vmem>>) target(%dma_start3A_378 : memref<10000x16xf32, #tpu.memory_space<vmem_shared>>) offsets(%dma_start3A_375 : memref<50xi32, #tpu.memory_space<vmem>>) semaphore(%arg35 : memref<!tpu.dma_semaphore, #tpu.memory_space<semaphore_mem>>) {add = true}
      %dma_wait3A_379 = arith.constant 0 : i32
      %dma_wait3A_380 = arith.constant 0 : i32
      %dma_wait3A_381 = tpu.memref_slice %arg5[%dma_wait3A_379, %dma_wait3A_380] : memref<200x50xi32, #tpu.memory_space<vmem>> -> memref<1x50xi32, #tpu.memory_space<vmem>>
      %dma_wait3A_382 = tpu.memref_squeeze %dma_wait3A_381 : memref<1x50xi32, #tpu.memory_space<vmem>> -> memref<50xi32, #tpu.memory_space<vmem>>
      %dma_wait3A_383 = arith.constant 0 : i32
      %dma_wait3A_384 = arith.constant 0 : i32
      %dma_wait3A_385 = tpu.memref_slice %arg2[%dma_wait3A_383, %dma_wait3A_384] : memref<10000x16xf32, #tpu.memory_space<hbm>> -> memref<10000x16xf32, #tpu.memory_space<hbm>>
      tpu.wait_indirect_dma semaphore(%arg26 : memref<!tpu.dma_semaphore, #tpu.memory_space<semaphore_mem>>) src(%dma_wait3A_385 : memref<10000x16xf32, #tpu.memory_space<hbm>>) dst(%arg14 : memref<50x16xf32, #tpu.memory_space<vmem>>)
      %add3A_386 = arith.constant 7 : i32
      %add3A_387 = arith.addi %mul3A_147, %add3A_386 : i32
      %dma_start3A_388 = arith.constant 0 : i32
      %dma_start3A_389 = tpu.memref_slice %arg6[%add3A_387, %dma_start3A_388] : memref<200x50xi32, #tpu.memory_space<vmem>> -> memref<1x50xi32, #tpu.memory_space<vmem>>
      %dma_start3A_390 = tpu.memref_squeeze %dma_start3A_389 : memref<1x50xi32, #tpu.memory_space<vmem>> -> memref<50xi32, #tpu.memory_space<vmem>>
      %dma_start3A_391 = arith.constant 0 : i32
      %dma_start3A_392 = arith.constant 0 : i32
      %dma_start3A_393 = tpu.memref_slice %arg17[%dma_start3A_391, %dma_start3A_392] : memref<10000x16xf32, #tpu.memory_space<vmem_shared>> -> memref<10000x16xf32, #tpu.memory_space<vmem_shared>>
      tpu.enqueue_indirect_dma source(%arg14 : memref<50x16xf32, #tpu.memory_space<vmem>>) target(%dma_start3A_393 : memref<10000x16xf32, #tpu.memory_space<vmem_shared>>) offsets(%dma_start3A_390 : memref<50xi32, #tpu.memory_space<vmem>>) semaphore(%arg36 : memref<!tpu.dma_semaphore, #tpu.memory_space<semaphore_mem>>) {add = true}
      %dma_wait3A_394 = arith.constant 0 : i32
      %dma_wait3A_395 = arith.constant 0 : i32
      %dma_wait3A_396 = tpu.memref_slice %arg5[%dma_wait3A_394, %dma_wait3A_395] : memref<200x50xi32, #tpu.memory_space<vmem>> -> memref<1x50xi32, #tpu.memory_space<vmem>>
      %dma_wait3A_397 = tpu.memref_squeeze %dma_wait3A_396 : memref<1x50xi32, #tpu.memory_space<vmem>> -> memref<50xi32, #tpu.memory_space<vmem>>
      %dma_wait3A_398 = arith.constant 0 : i32
      %dma_wait3A_399 = arith.constant 0 : i32
      %dma_wait3A_400 = tpu.memref_slice %arg2[%dma_wait3A_398, %dma_wait3A_399] : memref<10000x16xf32, #tpu.memory_space<hbm>> -> memref<10000x16xf32, #tpu.memory_space<hbm>>
      tpu.wait_indirect_dma semaphore(%arg27 : memref<!tpu.dma_semaphore, #tpu.memory_space<semaphore_mem>>) src(%dma_wait3A_400 : memref<10000x16xf32, #tpu.memory_space<hbm>>) dst(%arg15 : memref<50x16xf32, #tpu.memory_space<vmem>>)
      %add3A_401 = arith.constant 8 : i32
      %add3A_402 = arith.addi %mul3A_147, %add3A_401 : i32
      %dma_start3A_403 = arith.constant 0 : i32
      %dma_start3A_404 = tpu.memref_slice %arg6[%add3A_402, %dma_start3A_403] : memref<200x50xi32, #tpu.memory_space<vmem>> -> memref<1x50xi32, #tpu.memory_space<vmem>>
      %dma_start3A_405 = tpu.memref_squeeze %dma_start3A_404 : memref<1x50xi32, #tpu.memory_space<vmem>> -> memref<50xi32, #tpu.memory_space<vmem>>
      %dma_start3A_406 = arith.constant 0 : i32
      %dma_start3A_407 = arith.constant 0 : i32
      %dma_start3A_408 = tpu.memref_slice %arg17[%dma_start3A_406, %dma_start3A_407] : memref<10000x16xf32, #tpu.memory_space<vmem_shared>> -> memref<10000x16xf32, #tpu.memory_space<vmem_shared>>
      tpu.enqueue_indirect_dma source(%arg15 : memref<50x16xf32, #tpu.memory_space<vmem>>) target(%dma_start3A_408 : memref<10000x16xf32, #tpu.memory_space<vmem_shared>>) offsets(%dma_start3A_405 : memref<50xi32, #tpu.memory_space<vmem>>) semaphore(%arg37 : memref<!tpu.dma_semaphore, #tpu.memory_space<semaphore_mem>>) {add = true}
      %dma_wait3A_409 = arith.constant 0 : i32
      %dma_wait3A_410 = arith.constant 0 : i32
      %dma_wait3A_411 = tpu.memref_slice %arg5[%dma_wait3A_409, %dma_wait3A_410] : memref<200x50xi32, #tpu.memory_space<vmem>> -> memref<1x50xi32, #tpu.memory_space<vmem>>
      %dma_wait3A_412 = tpu.memref_squeeze %dma_wait3A_411 : memref<1x50xi32, #tpu.memory_space<vmem>> -> memref<50xi32, #tpu.memory_space<vmem>>
      %dma_wait3A_413 = arith.constant 0 : i32
      %dma_wait3A_414 = arith.constant 0 : i32
      %dma_wait3A_415 = tpu.memref_slice %arg2[%dma_wait3A_413, %dma_wait3A_414] : memref<10000x16xf32, #tpu.memory_space<hbm>> -> memref<10000x16xf32, #tpu.memory_space<hbm>>
      tpu.wait_indirect_dma semaphore(%arg28 : memref<!tpu.dma_semaphore, #tpu.memory_space<semaphore_mem>>) src(%dma_wait3A_415 : memref<10000x16xf32, #tpu.memory_space<hbm>>) dst(%arg16 : memref<50x16xf32, #tpu.memory_space<vmem>>)
      %add3A_416 = arith.constant 9 : i32
      %add3A_417 = arith.addi %mul3A_147, %add3A_416 : i32
      %dma_start3A_418 = arith.constant 0 : i32
      %dma_start3A_419 = tpu.memref_slice %arg6[%add3A_417, %dma_start3A_418] : memref<200x50xi32, #tpu.memory_space<vmem>> -> memref<1x50xi32, #tpu.memory_space<vmem>>
      %dma_start3A_420 = tpu.memref_squeeze %dma_start3A_419 : memref<1x50xi32, #tpu.memory_space<vmem>> -> memref<50xi32, #tpu.memory_space<vmem>>
      %dma_start3A_421 = arith.constant 0 : i32
      %dma_start3A_422 = arith.constant 0 : i32
      %dma_start3A_423 = tpu.memref_slice %arg17[%dma_start3A_421, %dma_start3A_422] : memref<10000x16xf32, #tpu.memory_space<vmem_shared>> -> memref<10000x16xf32, #tpu.memory_space<vmem_shared>>
      tpu.enqueue_indirect_dma source(%arg16 : memref<50x16xf32, #tpu.memory_space<vmem>>) target(%dma_start3A_423 : memref<10000x16xf32, #tpu.memory_space<vmem_shared>>) offsets(%dma_start3A_420 : memref<50xi32, #tpu.memory_space<vmem>>) semaphore(%arg38 : memref<!tpu.dma_semaphore, #tpu.memory_space<semaphore_mem>>) {add = true}
    }
    %scan3A_74 = arith.constant 20 : i32
    %dma_wait3A = arith.constant 0 : i32
    %dma_wait3A_75 = arith.constant 0 : i32
    %dma_wait3A_76 = tpu.memref_slice %arg6[%dma_wait3A, %dma_wait3A_75] : memref<200x50xi32, #tpu.memory_space<vmem>> -> memref<1x50xi32, #tpu.memory_space<vmem>>
    %dma_wait3A_77 = tpu.memref_squeeze %dma_wait3A_76 : memref<1x50xi32, #tpu.memory_space<vmem>> -> memref<50xi32, #tpu.memory_space<vmem>>
    %dma_wait3A_78 = arith.constant 0 : i32
    %dma_wait3A_79 = arith.constant 0 : i32
    %dma_wait3A_80 = tpu.memref_slice %arg17[%dma_wait3A_78, %dma_wait3A_79] : memref<10000x16xf32, #tpu.memory_space<vmem_shared>> -> memref<10000x16xf32, #tpu.memory_space<vmem_shared>>
    tpu.wait_indirect_dma semaphore(%arg29 : memref<!tpu.dma_semaphore, #tpu.memory_space<semaphore_mem>>) src(%arg7 : memref<50x16xf32, #tpu.memory_space<vmem>>) dst(%dma_wait3A_80 : memref<10000x16xf32, #tpu.memory_space<vmem_shared>>)
    %dma_wait3A_81 = arith.constant 0 : i32
    %dma_wait3A_82 = arith.constant 0 : i32
    %dma_wait3A_83 = tpu.memref_slice %arg6[%dma_wait3A_81, %dma_wait3A_82] : memref<200x50xi32, #tpu.memory_space<vmem>> -> memref<1x50xi32, #tpu.memory_space<vmem>>
    %dma_wait3A_84 = tpu.memref_squeeze %dma_wait3A_83 : memref<1x50xi32, #tpu.memory_space<vmem>> -> memref<50xi32, #tpu.memory_space<vmem>>
    %dma_wait3A_85 = arith.constant 0 : i32
    %dma_wait3A_86 = arith.constant 0 : i32
    %dma_wait3A_87 = tpu.memref_slice %arg17[%dma_wait3A_85, %dma_wait3A_86] : memref<10000x16xf32, #tpu.memory_space<vmem_shared>> -> memref<10000x16xf32, #tpu.memory_space<vmem_shared>>
    tpu.wait_indirect_dma semaphore(%arg30 : memref<!tpu.dma_semaphore, #tpu.memory_space<semaphore_mem>>) src(%arg8 : memref<50x16xf32, #tpu.memory_space<vmem>>) dst(%dma_wait3A_87 : memref<10000x16xf32, #tpu.memory_space<vmem_shared>>)
    %dma_wait3A_88 = arith.constant 0 : i32
    %dma_wait3A_89 = arith.constant 0 : i32
    %dma_wait3A_90 = tpu.memref_slice %arg6[%dma_wait3A_88, %dma_wait3A_89] : memref<200x50xi32, #tpu.memory_space<vmem>> -> memref<1x50xi32, #tpu.memory_space<vmem>>
    %dma_wait3A_91 = tpu.memref_squeeze %dma_wait3A_90 : memref<1x50xi32, #tpu.memory_space<vmem>> -> memref<50xi32, #tpu.memory_space<vmem>>
    %dma_wait3A_92 = arith.constant 0 : i32
    %dma_wait3A_93 = arith.constant 0 : i32
    %dma_wait3A_94 = tpu.memref_slice %arg17[%dma_wait3A_92, %dma_wait3A_93] : memref<10000x16xf32, #tpu.memory_space<vmem_shared>> -> memref<10000x16xf32, #tpu.memory_space<vmem_shared>>
    tpu.wait_indirect_dma semaphore(%arg31 : memref<!tpu.dma_semaphore, #tpu.memory_space<semaphore_mem>>) src(%arg9 : memref<50x16xf32, #tpu.memory_space<vmem>>) dst(%dma_wait3A_94 : memref<10000x16xf32, #tpu.memory_space<vmem_shared>>)
    %dma_wait3A_95 = arith.constant 0 : i32
    %dma_wait3A_96 = arith.constant 0 : i32
    %dma_wait3A_97 = tpu.memref_slice %arg6[%dma_wait3A_95, %dma_wait3A_96] : memref<200x50xi32, #tpu.memory_space<vmem>> -> memref<1x50xi32, #tpu.memory_space<vmem>>
    %dma_wait3A_98 = tpu.memref_squeeze %dma_wait3A_97 : memref<1x50xi32, #tpu.memory_space<vmem>> -> memref<50xi32, #tpu.memory_space<vmem>>
    %dma_wait3A_99 = arith.constant 0 : i32
    %dma_wait3A_100 = arith.constant 0 : i32
    %dma_wait3A_101 = tpu.memref_slice %arg17[%dma_wait3A_99, %dma_wait3A_100] : memref<10000x16xf32, #tpu.memory_space<vmem_shared>> -> memref<10000x16xf32, #tpu.memory_space<vmem_shared>>
    tpu.wait_indirect_dma semaphore(%arg32 : memref<!tpu.dma_semaphore, #tpu.memory_space<semaphore_mem>>) src(%arg10 : memref<50x16xf32, #tpu.memory_space<vmem>>) dst(%dma_wait3A_101 : memref<10000x16xf32, #tpu.memory_space<vmem_shared>>)
    %dma_wait3A_102 = arith.constant 0 : i32
    %dma_wait3A_103 = arith.constant 0 : i32
    %dma_wait3A_104 = tpu.memref_slice %arg6[%dma_wait3A_102, %dma_wait3A_103] : memref<200x50xi32, #tpu.memory_space<vmem>> -> memref<1x50xi32, #tpu.memory_space<vmem>>
    %dma_wait3A_105 = tpu.memref_squeeze %dma_wait3A_104 : memref<1x50xi32, #tpu.memory_space<vmem>> -> memref<50xi32, #tpu.memory_space<vmem>>
    %dma_wait3A_106 = arith.constant 0 : i32
    %dma_wait3A_107 = arith.constant 0 : i32
    %dma_wait3A_108 = tpu.memref_slice %arg17[%dma_wait3A_106, %dma_wait3A_107] : memref<10000x16xf32, #tpu.memory_space<vmem_shared>> -> memref<10000x16xf32, #tpu.memory_space<vmem_shared>>
    tpu.wait_indirect_dma semaphore(%arg33 : memref<!tpu.dma_semaphore, #tpu.memory_space<semaphore_mem>>) src(%arg11 : memref<50x16xf32, #tpu.memory_space<vmem>>) dst(%dma_wait3A_108 : memref<10000x16xf32, #tpu.memory_space<vmem_shared>>)
    %dma_wait3A_109 = arith.constant 0 : i32
    %dma_wait3A_110 = arith.constant 0 : i32
    %dma_wait3A_111 = tpu.memref_slice %arg6[%dma_wait3A_109, %dma_wait3A_110] : memref<200x50xi32, #tpu.memory_space<vmem>> -> memref<1x50xi32, #tpu.memory_space<vmem>>
    %dma_wait3A_112 = tpu.memref_squeeze %dma_wait3A_111 : memref<1x50xi32, #tpu.memory_space<vmem>> -> memref<50xi32, #tpu.memory_space<vmem>>
    %dma_wait3A_113 = arith.constant 0 : i32
    %dma_wait3A_114 = arith.constant 0 : i32
    %dma_wait3A_115 = tpu.memref_slice %arg17[%dma_wait3A_113, %dma_wait3A_114] : memref<10000x16xf32, #tpu.memory_space<vmem_shared>> -> memref<10000x16xf32, #tpu.memory_space<vmem_shared>>
    tpu.wait_indirect_dma semaphore(%arg34 : memref<!tpu.dma_semaphore, #tpu.memory_space<semaphore_mem>>) src(%arg12 : memref<50x16xf32, #tpu.memory_space<vmem>>) dst(%dma_wait3A_115 : memref<10000x16xf32, #tpu.memory_space<vmem_shared>>)
    %dma_wait3A_116 = arith.constant 0 : i32
    %dma_wait3A_117 = arith.constant 0 : i32
    %dma_wait3A_118 = tpu.memref_slice %arg6[%dma_wait3A_116, %dma_wait3A_117] : memref<200x50xi32, #tpu.memory_space<vmem>> -> memref<1x50xi32, #tpu.memory_space<vmem>>
    %dma_wait3A_119 = tpu.memref_squeeze %dma_wait3A_118 : memref<1x50xi32, #tpu.memory_space<vmem>> -> memref<50xi32, #tpu.memory_space<vmem>>
    %dma_wait3A_120 = arith.constant 0 : i32
    %dma_wait3A_121 = arith.constant 0 : i32
    %dma_wait3A_122 = tpu.memref_slice %arg17[%dma_wait3A_120, %dma_wait3A_121] : memref<10000x16xf32, #tpu.memory_space<vmem_shared>> -> memref<10000x16xf32, #tpu.memory_space<vmem_shared>>
    tpu.wait_indirect_dma semaphore(%arg35 : memref<!tpu.dma_semaphore, #tpu.memory_space<semaphore_mem>>) src(%arg13 : memref<50x16xf32, #tpu.memory_space<vmem>>) dst(%dma_wait3A_122 : memref<10000x16xf32, #tpu.memory_space<vmem_shared>>)
    %dma_wait3A_123 = arith.constant 0 : i32
    %dma_wait3A_124 = arith.constant 0 : i32
    %dma_wait3A_125 = tpu.memref_slice %arg6[%dma_wait3A_123, %dma_wait3A_124] : memref<200x50xi32, #tpu.memory_space<vmem>> -> memref<1x50xi32, #tpu.memory_space<vmem>>
    %dma_wait3A_126 = tpu.memref_squeeze %dma_wait3A_125 : memref<1x50xi32, #tpu.memory_space<vmem>> -> memref<50xi32, #tpu.memory_space<vmem>>
    %dma_wait3A_127 = arith.constant 0 : i32
    %dma_wait3A_128 = arith.constant 0 : i32
    %dma_wait3A_129 = tpu.memref_slice %arg17[%dma_wait3A_127, %dma_wait3A_128] : memref<10000x16xf32, #tpu.memory_space<vmem_shared>> -> memref<10000x16xf32, #tpu.memory_space<vmem_shared>>
    tpu.wait_indirect_dma semaphore(%arg36 : memref<!tpu.dma_semaphore, #tpu.memory_space<semaphore_mem>>) src(%arg14 : memref<50x16xf32, #tpu.memory_space<vmem>>) dst(%dma_wait3A_129 : memref<10000x16xf32, #tpu.memory_space<vmem_shared>>)
    %dma_wait3A_130 = arith.constant 0 : i32
    %dma_wait3A_131 = arith.constant 0 : i32
    %dma_wait3A_132 = tpu.memref_slice %arg6[%dma_wait3A_130, %dma_wait3A_131] : memref<200x50xi32, #tpu.memory_space<vmem>> -> memref<1x50xi32, #tpu.memory_space<vmem>>
    %dma_wait3A_133 = tpu.memref_squeeze %dma_wait3A_132 : memref<1x50xi32, #tpu.memory_space<vmem>> -> memref<50xi32, #tpu.memory_space<vmem>>
    %dma_wait3A_134 = arith.constant 0 : i32
    %dma_wait3A_135 = arith.constant 0 : i32
    %dma_wait3A_136 = tpu.memref_slice %arg17[%dma_wait3A_134, %dma_wait3A_135] : memref<10000x16xf32, #tpu.memory_space<vmem_shared>> -> memref<10000x16xf32, #tpu.memory_space<vmem_shared>>
    tpu.wait_indirect_dma semaphore(%arg37 : memref<!tpu.dma_semaphore, #tpu.memory_space<semaphore_mem>>) src(%arg15 : memref<50x16xf32, #tpu.memory_space<vmem>>) dst(%dma_wait3A_136 : memref<10000x16xf32, #tpu.memory_space<vmem_shared>>)
    %dma_wait3A_137 = arith.constant 0 : i32
    %dma_wait3A_138 = arith.constant 0 : i32
    %dma_wait3A_139 = tpu.memref_slice %arg6[%dma_wait3A_137, %dma_wait3A_138] : memref<200x50xi32, #tpu.memory_space<vmem>> -> memref<1x50xi32, #tpu.memory_space<vmem>>
    %dma_wait3A_140 = tpu.memref_squeeze %dma_wait3A_139 : memref<1x50xi32, #tpu.memory_space<vmem>> -> memref<50xi32, #tpu.memory_space<vmem>>
    %dma_wait3A_141 = arith.constant 0 : i32
    %dma_wait3A_142 = arith.constant 0 : i32
    %dma_wait3A_143 = tpu.memref_slice %arg17[%dma_wait3A_141, %dma_wait3A_142] : memref<10000x16xf32, #tpu.memory_space<vmem_shared>> -> memref<10000x16xf32, #tpu.memory_space<vmem_shared>>
    tpu.wait_indirect_dma semaphore(%arg38 : memref<!tpu.dma_semaphore, #tpu.memory_space<semaphore_mem>>) src(%arg16 : memref<50x16xf32, #tpu.memory_space<vmem>>) dst(%dma_wait3A_143 : memref<10000x16xf32, #tpu.memory_space<vmem_shared>>)
    %barrier3A_144 = arith.constant 0 : index
    tpu.barrier barrier_id(%barrier3A_144)
    "tpu.region"() ({
      %run_scoped3A = tpu.sem_alloc : memref<!tpu.dma_semaphore, #tpu.memory_space<semaphore_mem>>
      %dma_start3A = arith.constant 0 : i32
      %dma_start3A_145 = arith.constant 0 : i32
      %dma_start3A_146 = tpu.memref_slice %arg4[%arg0, %dma_start3A, %dma_start3A_145] : memref<2x10000x16xf32, #tpu.memory_space<hbm>> -> memref<1x10000x16xf32, #tpu.memory_space<hbm>>
      %dma_start3A_147 = tpu.memref_squeeze %dma_start3A_146 : memref<1x10000x16xf32, #tpu.memory_space<hbm>> -> memref<10000x16xf32, #tpu.memory_space<hbm>>
      %dma_start3A_148 = arith.constant 0 : i32
      %dma_start3A_149 = tpu.memref_slice %dma_start3A_147[%mul3A_13, %dma_start3A_148] : memref<10000x16xf32, #tpu.memory_space<hbm>> -> memref<625x16xf32, #tpu.memory_space<hbm>>
      %dma_start3A_150 = arith.constant 0 : i32
      %dma_start3A_151 = tpu.memref_slice %arg17[%mul3A_13, %dma_start3A_150] : memref<10000x16xf32, #tpu.memory_space<vmem_shared>> -> memref<625x16xf32, #tpu.memory_space<vmem_shared>>
      tpu.enqueue_dma source(%dma_start3A_151 : memref<625x16xf32, #tpu.memory_space<vmem_shared>>) target(%dma_start3A_149 : memref<625x16xf32, #tpu.memory_space<hbm>>) target_semaphore(%run_scoped3A : memref<!tpu.dma_semaphore, #tpu.memory_space<semaphore_mem>>)
      %dma_wait3A_152 = arith.constant 0 : i32
      %dma_wait3A_153 = arith.constant 0 : i32
      %dma_wait3A_154 = tpu.memref_slice %arg4[%arg0, %dma_wait3A_152, %dma_wait3A_153] : memref<2x10000x16xf32, #tpu.memory_space<hbm>> -> memref<1x10000x16xf32, #tpu.memory_space<hbm>>
      %dma_wait3A_155 = tpu.memref_squeeze %dma_wait3A_154 : memref<1x10000x16xf32, #tpu.memory_space<hbm>> -> memref<10000x16xf32, #tpu.memory_space<hbm>>
      %dma_wait3A_156 = arith.constant 0 : i32
      %dma_wait3A_157 = tpu.memref_slice %dma_wait3A_155[%mul3A_13, %dma_wait3A_156] : memref<10000x16xf32, #tpu.memory_space<hbm>> -> memref<625x16xf32, #tpu.memory_space<hbm>>
      %dma_wait3A_158 = arith.constant 0 : i32
      %dma_wait3A_159 = tpu.memref_slice %arg17[%mul3A_13, %dma_wait3A_158] : memref<10000x16xf32, #tpu.memory_space<vmem_shared>> -> memref<625x16xf32, #tpu.memory_space<vmem_shared>>
      tpu.wait_dma2 semaphore(%run_scoped3A : memref<!tpu.dma_semaphore, #tpu.memory_space<semaphore_mem>>) src(%dma_wait3A_159 : memref<625x16xf32, #tpu.memory_space<vmem_shared>>) dst(%dma_wait3A_157 : memref<625x16xf32, #tpu.memory_space<hbm>>)
      tpu.yield
    }) : () -> ()
    return
  }
}

module attributes {stable_mosaic.version = 14 : i64} {
  func.func @_tc1_body(%arg0: i32, %arg1: memref<2000x64xf32, #tpu.memory_space<vmem>>, %arg2: memref<2000x128xf32, #tpu.memory_space<vmem>>, %arg3: memref<128x128xf32, #tpu.memory_space<vmem>>, %arg4: memref<128xf32, #tpu.memory_space<vmem>>, %arg5: memref<64x128xf32, #tpu.memory_space<vmem>>, %arg6: memref<128x128xf32, #tpu.memory_space<vmem>>, %arg7: memref<128xf32, #tpu.memory_space<vmem>>, %arg8: memref<2000x128xf32, #tpu.memory_space<vmem>>) attributes {dimension_semantics = [#tpu.dimension_semantics<arbitrary>], iteration_bounds = array<i64: 5>, scalar_prefetch = 0 : i64, scratch_operands = 0 : i64, tpu.core_type = #tpu.core_type<tc>, window_params = [{transform_indices = @transform_0, window_bounds = array<i64: 2000, 64>}, {transform_indices = @transform_1, window_bounds = array<i64: 2000, 128>}, {pipeline_mode = #tpu.pipeline_mode<synchronous>, transform_indices = @transform_2, window_bounds = array<i64: 128, 128>}, {pipeline_mode = #tpu.pipeline_mode<synchronous>, transform_indices = @transform_3, window_bounds = array<i64: 128>}, {pipeline_mode = #tpu.pipeline_mode<synchronous>, transform_indices = @transform_4, window_bounds = array<i64: 64, 128>}, {pipeline_mode = #tpu.pipeline_mode<synchronous>, transform_indices = @transform_5, window_bounds = array<i64: 128, 128>}, {pipeline_mode = #tpu.pipeline_mode<synchronous>, transform_indices = @transform_6, window_bounds = array<i64: 128>}, {transform_indices = @transform_7, window_bounds = array<i64: 2000, 128>}]} {
    %get3A = arith.constant 0 : index
    %get3A_0 = arith.constant 0 : index
    %get3A_1 = vector.load %arg2[%get3A, %get3A_0] : memref<2000x128xf32, #tpu.memory_space<vmem>>, vector<2000x128xf32>
    %get3A_2 = arith.constant 0 : index
    %get3A_3 = arith.constant 0 : index
    %get3A_4 = vector.load %arg3[%get3A_2, %get3A_3] : memref<128x128xf32, #tpu.memory_space<vmem>>, vector<128x128xf32>
    %dot_general3A = arith.constant dense<0.000000e+00> : vector<2000x128xf32>
    %dot_general3A_5 = tpu.matmul %get3A_1, %get3A_4, %dot_general3A {dimension_numbers = #tpu.dot_dimension_numbers<[1], [0], [0], [1], [0, 0, 1, 1], [], []>, transpose_lhs_hint = false} : vector<2000x128xf32>, vector<128x128xf32>, vector<2000x128xf32> -> vector<2000x128xf32>
    %get3A_6 = arith.constant 0 : index
    %get3A_7 = vector.load %arg4[%get3A_6] : memref<128xf32, #tpu.memory_space<vmem>>, vector<128xf32>
    %broadcast_in_dim3A = vector.shape_cast %get3A_7 : vector<128xf32> to vector<1x128xf32>
    %add3A = vector.broadcast %broadcast_in_dim3A : vector<1x128xf32> to vector<2000x128xf32>
    %add3A_8 = arith.addf %dot_general3A_5, %add3A : vector<2000x128xf32>
    %max3A = arith.constant 0.000000e+00 : f32
    %max3A_9 = vector.broadcast %max3A : f32 to vector<2000x128xf32>
    %max3A_10 = arith.maximumf %add3A_8, %max3A_9 : vector<2000x128xf32>
    %get3A_11 = arith.constant 0 : index
    %get3A_12 = arith.constant 0 : index
    %get3A_13 = vector.load %arg1[%get3A_11, %get3A_12] : memref<2000x64xf32, #tpu.memory_space<vmem>>, vector<2000x64xf32>
    %get3A_14 = arith.constant 0 : index
    %get3A_15 = arith.constant 0 : index
    %get3A_16 = vector.load %arg5[%get3A_14, %get3A_15] : memref<64x128xf32, #tpu.memory_space<vmem>>, vector<64x128xf32>
    %dot_general3A_17 = arith.constant dense<0.000000e+00> : vector<2000x128xf32>
    %dot_general3A_18 = tpu.matmul %get3A_13, %get3A_16, %dot_general3A_17 {dimension_numbers = #tpu.dot_dimension_numbers<[1], [0], [0], [1], [0, 0, 1, 1], [], []>, transpose_lhs_hint = false} : vector<2000x64xf32>, vector<64x128xf32>, vector<2000x128xf32> -> vector<2000x128xf32>
    %get3A_19 = arith.constant 0 : index
    %get3A_20 = arith.constant 0 : index
    %get3A_21 = vector.load %arg6[%get3A_19, %get3A_20] : memref<128x128xf32, #tpu.memory_space<vmem>>, vector<128x128xf32>
    %dot_general3A_22 = arith.constant dense<0.000000e+00> : vector<2000x128xf32>
    %dot_general3A_23 = tpu.matmul %max3A_10, %get3A_21, %dot_general3A_22 {dimension_numbers = #tpu.dot_dimension_numbers<[1], [0], [0], [1], [0, 0, 1, 1], [], []>, transpose_lhs_hint = false} : vector<2000x128xf32>, vector<128x128xf32>, vector<2000x128xf32> -> vector<2000x128xf32>
    %add3A_24 = arith.addf %dot_general3A_18, %dot_general3A_23 : vector<2000x128xf32>
    %get3A_25 = arith.constant 0 : index
    %get3A_26 = vector.load %arg7[%get3A_25] : memref<128xf32, #tpu.memory_space<vmem>>, vector<128xf32>
    %broadcast_in_dim3A_27 = vector.shape_cast %get3A_26 : vector<128xf32> to vector<1x128xf32>
    %add3A_28 = vector.broadcast %broadcast_in_dim3A_27 : vector<1x128xf32> to vector<2000x128xf32>
    %add3A_29 = arith.addf %add3A_24, %add3A_28 : vector<2000x128xf32>
    %max3A_30 = arith.constant 0.000000e+00 : f32
    %max3A_31 = vector.broadcast %max3A_30 : f32 to vector<2000x128xf32>
    %max3A_32 = arith.maximumf %add3A_29, %max3A_31 : vector<2000x128xf32>
    %swap3A = arith.constant 0 : index
    %swap3A_33 = arith.constant 0 : index
    %swap3A_34 = vector.load %arg8[%swap3A, %swap3A_33] : memref<2000x128xf32, #tpu.memory_space<vmem>>, vector<2000x128xf32>
    tpu.vector_store %arg8[%swap3A, %swap3A_33], %max3A_32 {strides = array<i32>} : memref<2000x128xf32, #tpu.memory_space<vmem>>, vector<2000x128xf32>,
    return
  }
  func.func @transform_0(%arg0: i32) -> (i32, i32) {
    %c0_i32 = arith.constant 0 : i32
    %c0_i32_0 = arith.constant 0 : i32
    return %arg0, %c0_i32 : i32, i32
  }
  func.func @transform_1(%arg0: i32) -> (i32, i32) {
    %c0_i32 = arith.constant 0 : i32
    %c0_i32_0 = arith.constant 0 : i32
    return %arg0, %c0_i32 : i32, i32
  }
  func.func @transform_2(%arg0: i32) -> (i32, i32) {
    %c0_i32 = arith.constant 0 : i32
    %c0_i32_0 = arith.constant 0 : i32
    %c0_i32_1 = arith.constant 0 : i32
    return %c0_i32, %c0_i32_0 : i32, i32
  }
  func.func @transform_3(%arg0: i32) -> i32 {
    %c0_i32 = arith.constant 0 : i32
    %c0_i32_0 = arith.constant 0 : i32
    return %c0_i32 : i32
  }
  func.func @transform_4(%arg0: i32) -> (i32, i32) {
    %c0_i32 = arith.constant 0 : i32
    %c0_i32_0 = arith.constant 0 : i32
    %c0_i32_1 = arith.constant 0 : i32
    return %c0_i32, %c0_i32_0 : i32, i32
  }
  func.func @transform_5(%arg0: i32) -> (i32, i32) {
    %c0_i32 = arith.constant 0 : i32
    %c0_i32_0 = arith.constant 0 : i32
    %c0_i32_1 = arith.constant 0 : i32
    return %c0_i32, %c0_i32_0 : i32, i32
  }
  func.func @transform_6(%arg0: i32) -> i32 {
    %c0_i32 = arith.constant 0 : i32
    %c0_i32_0 = arith.constant 0 : i32
    return %c0_i32 : i32
  }
  func.func @transform_7(%arg0: i32) -> (i32, i32) {
    %c0_i32 = arith.constant 0 : i32
    %c0_i32_0 = arith.constant 0 : i32
    return %arg0, %c0_i32 : i32, i32
  }
}

module attributes {stable_mosaic.version = 14 : i64} {
  func.func @_tc2_body(%arg0: i32, %arg1: memref<2x2000x128xf32, #tpu.memory_space<vmem>>, %arg2: memref<2x2000x16xf32, #tpu.memory_space<vmem>>, %arg3: memref<2000x128xf32, #tpu.memory_space<vmem>>, %arg4: memref<128x128xf32, #tpu.memory_space<vmem>>, %arg5: memref<128xf32, #tpu.memory_space<vmem>>, %arg6: memref<128x128xf32, #tpu.memory_space<vmem>>, %arg7: memref<128x4xf32, #tpu.memory_space<vmem>>, %arg8: memref<128x4xf32, #tpu.memory_space<vmem>>, %arg9: memref<4xf32, #tpu.memory_space<vmem>>, %arg10: memref<2000x16xf32, #tpu.memory_space<vmem>>, %arg11: memref<2000x16xf32, #tpu.memory_space<vmem>>) attributes {dimension_semantics = [#tpu.dimension_semantics<arbitrary>], iteration_bounds = array<i64: 5>, scalar_prefetch = 0 : i64, scratch_operands = 0 : i64, tpu.core_type = #tpu.core_type<tc>, window_params = [{transform_indices = @transform_0, window_bounds = array<i64: 2, 2000, 128>}, {transform_indices = @transform_1, window_bounds = array<i64: 2, 2000, 16>}, {transform_indices = @transform_2, window_bounds = array<i64: 2000, 128>}, {pipeline_mode = #tpu.pipeline_mode<synchronous>, transform_indices = @transform_3, window_bounds = array<i64: 128, 128>}, {pipeline_mode = #tpu.pipeline_mode<synchronous>, transform_indices = @transform_4, window_bounds = array<i64: 128>}, {pipeline_mode = #tpu.pipeline_mode<synchronous>, transform_indices = @transform_5, window_bounds = array<i64: 128, 128>}, {pipeline_mode = #tpu.pipeline_mode<synchronous>, transform_indices = @transform_6, window_bounds = array<i64: 128, 4>}, {pipeline_mode = #tpu.pipeline_mode<synchronous>, transform_indices = @transform_7, window_bounds = array<i64: 128, 4>}, {pipeline_mode = #tpu.pipeline_mode<synchronous>, transform_indices = @transform_8, window_bounds = array<i64: 4>}, {transform_indices = @transform_9, window_bounds = array<i64: 2000, 16>}, {transform_indices = @transform_10, window_bounds = array<i64: 2000, 16>}]} {
    %get3A = arith.constant 0 : index
    %get3A_0 = arith.constant 0 : index
    %get3A_1 = arith.constant 0 : index
    %get3A_2 = vector.load %arg1[%get3A, %get3A_0, %get3A_1] : memref<2x2000x128xf32, #tpu.memory_space<vmem>>, vector<1x2000x128xf32>
    %get3A_3 = vector.shape_cast %get3A_2 : vector<1x2000x128xf32> to vector<2000x128xf32>
    %get3A_4 = arith.constant 1 : index
    %get3A_5 = arith.constant 0 : index
    %get3A_6 = arith.constant 0 : index
    %get3A_7 = vector.load %arg1[%get3A_4, %get3A_5, %get3A_6] : memref<2x2000x128xf32, #tpu.memory_space<vmem>>, vector<1x2000x128xf32>
    %get3A_8 = vector.shape_cast %get3A_7 : vector<1x2000x128xf32> to vector<2000x128xf32>
    %add3A = arith.addf %get3A_3, %get3A_8 : vector<2000x128xf32>
    %get3A_9 = arith.constant 0 : index
    %get3A_10 = arith.constant 0 : index
    %get3A_11 = arith.constant 0 : index
    %get3A_12 = vector.load %arg2[%get3A_9, %get3A_10, %get3A_11] : memref<2x2000x16xf32, #tpu.memory_space<vmem>>, vector<1x2000x16xf32>
    %get3A_13 = vector.shape_cast %get3A_12 : vector<1x2000x16xf32> to vector<2000x16xf32>
    %slice3A = vector.extract_strided_slice %get3A_13 {offsets = [0, 0], sizes = [2000, 1], strides = [1, 1]} : vector<2000x16xf32> to vector<2000x1xf32>
    %get3A_14 = arith.constant 1 : index
    %get3A_15 = arith.constant 0 : index
    %get3A_16 = arith.constant 0 : index
    %get3A_17 = vector.load %arg2[%get3A_14, %get3A_15, %get3A_16] : memref<2x2000x16xf32, #tpu.memory_space<vmem>>, vector<1x2000x16xf32>
    %get3A_18 = vector.shape_cast %get3A_17 : vector<1x2000x16xf32> to vector<2000x16xf32>
    %slice3A_19 = vector.extract_strided_slice %get3A_18 {offsets = [0, 0], sizes = [2000, 1], strides = [1, 1]} : vector<2000x16xf32> to vector<2000x1xf32>
    %add3A_20 = arith.addf %slice3A, %slice3A_19 : vector<2000x1xf32>
    %max3A = arith.constant 1.000000e+00 : f32
    %max3A_21 = vector.broadcast %max3A : f32 to vector<2000x1xf32>
    %max3A_22 = arith.maximumf %add3A_20, %max3A_21 : vector<2000x1xf32>
    %div3A = arith.constant 1.000000e+00 : f32
    %div3A_23 = vector.broadcast %div3A : f32 to vector<2000x1xf32>
    %div3A_24 = arith.divf %div3A_23, %max3A_22 : vector<2000x1xf32>
    %mul3A = vector.broadcast %div3A_24 : vector<2000x1xf32> to vector<2000x128xf32>
    %mul3A_25 = arith.mulf %add3A, %mul3A : vector<2000x128xf32>
    %get3A_26 = arith.constant 0 : index
    %get3A_27 = arith.constant 0 : index
    %get3A_28 = vector.load %arg4[%get3A_26, %get3A_27] : memref<128x128xf32, #tpu.memory_space<vmem>>, vector<128x128xf32>
    %dot_general3A = arith.constant dense<0.000000e+00> : vector<2000x128xf32>
    %dot_general3A_29 = tpu.matmul %mul3A_25, %get3A_28, %dot_general3A {dimension_numbers = #tpu.dot_dimension_numbers<[1], [0], [0], [1], [0, 0, 1, 1], [], []>, transpose_lhs_hint = false} : vector<2000x128xf32>, vector<128x128xf32>, vector<2000x128xf32> -> vector<2000x128xf32>
    %get3A_30 = arith.constant 0 : index
    %get3A_31 = arith.constant 0 : index
    %get3A_32 = vector.load %arg3[%get3A_30, %get3A_31] : memref<2000x128xf32, #tpu.memory_space<vmem>>, vector<2000x128xf32>
    %get3A_33 = arith.constant 0 : index
    %get3A_34 = arith.constant 0 : index
    %get3A_35 = vector.load %arg6[%get3A_33, %get3A_34] : memref<128x128xf32, #tpu.memory_space<vmem>>, vector<128x128xf32>
    %dot_general3A_36 = arith.constant dense<0.000000e+00> : vector<2000x128xf32>
    %dot_general3A_37 = tpu.matmul %get3A_32, %get3A_35, %dot_general3A_36 {dimension_numbers = #tpu.dot_dimension_numbers<[1], [0], [0], [1], [0, 0, 1, 1], [], []>, transpose_lhs_hint = false} : vector<2000x128xf32>, vector<128x128xf32>, vector<2000x128xf32> -> vector<2000x128xf32>
    %add3A_38 = arith.addf %dot_general3A_29, %dot_general3A_37 : vector<2000x128xf32>
    %get3A_39 = arith.constant 0 : index
    %get3A_40 = vector.load %arg5[%get3A_39] : memref<128xf32, #tpu.memory_space<vmem>>, vector<128xf32>
    %broadcast_in_dim3A = vector.shape_cast %get3A_40 : vector<128xf32> to vector<1x128xf32>
    %add3A_41 = vector.broadcast %broadcast_in_dim3A : vector<1x128xf32> to vector<2000x128xf32>
    %add3A_42 = arith.addf %add3A_38, %add3A_41 : vector<2000x128xf32>
    %max3A_43 = arith.constant 0.000000e+00 : f32
    %max3A_44 = vector.broadcast %max3A_43 : f32 to vector<2000x128xf32>
    %max3A_45 = arith.maximumf %add3A_42, %max3A_44 : vector<2000x128xf32>
    %get3A_46 = arith.constant 0 : index
    %get3A_47 = arith.constant 0 : index
    %get3A_48 = vector.load %arg7[%get3A_46, %get3A_47] : memref<128x4xf32, #tpu.memory_space<vmem>>, vector<128x4xf32>
    %dot_general3A_49 = arith.constant dense<0.000000e+00> : vector<2000x4xf32>
    %dot_general3A_50 = tpu.matmul %max3A_45, %get3A_48, %dot_general3A_49 {dimension_numbers = #tpu.dot_dimension_numbers<[1], [0], [0], [1], [0, 0, 1, 1], [], []>, transpose_lhs_hint = false} : vector<2000x128xf32>, vector<128x4xf32>, vector<2000x4xf32> -> vector<2000x4xf32>
    %swap3A = arith.constant 0 : index
    %swap3A_51 = arith.constant 0 : index
    %swap3A_52 = vector.load %arg10[%swap3A, %swap3A_51] : memref<2000x16xf32, #tpu.memory_space<vmem>>, vector<2000x4xf32>
    tpu.vector_store %arg10[%swap3A, %swap3A_51], %dot_general3A_50 {strides = array<i32>} : memref<2000x16xf32, #tpu.memory_space<vmem>>, vector<2000x4xf32>,
    %broadcast_in_dim3A_53 = arith.constant 0.000000e+00 : f32
    %broadcast_in_dim3A_54 = vector.broadcast %broadcast_in_dim3A_53 : f32 to vector<2000x12xf32>
    %swap3A_55 = arith.constant 0 : index
    %swap3A_56 = arith.constant 4 : index
    %swap3A_57 = vector.load %arg10[%swap3A_55, %swap3A_56] : memref<2000x16xf32, #tpu.memory_space<vmem>>, vector<2000x12xf32>
    tpu.vector_store %arg10[%swap3A_55, %swap3A_56], %broadcast_in_dim3A_54 {strides = array<i32>} : memref<2000x16xf32, #tpu.memory_space<vmem>>, vector<2000x12xf32>,
    %get3A_58 = arith.constant 0 : index
    %get3A_59 = arith.constant 0 : index
    %get3A_60 = vector.load %arg8[%get3A_58, %get3A_59] : memref<128x4xf32, #tpu.memory_space<vmem>>, vector<128x4xf32>
    %dot_general3A_61 = arith.constant dense<0.000000e+00> : vector<2000x4xf32>
    %dot_general3A_62 = tpu.matmul %max3A_45, %get3A_60, %dot_general3A_61 {dimension_numbers = #tpu.dot_dimension_numbers<[1], [0], [0], [1], [0, 0, 1, 1], [], []>, transpose_lhs_hint = false} : vector<2000x128xf32>, vector<128x4xf32>, vector<2000x4xf32> -> vector<2000x4xf32>
    %get3A_63 = arith.constant 0 : index
    %get3A_64 = vector.load %arg9[%get3A_63] : memref<4xf32, #tpu.memory_space<vmem>>, vector<4xf32>
    %broadcast_in_dim3A_65 = vector.shape_cast %get3A_64 : vector<4xf32> to vector<1x4xf32>
    %add3A_66 = vector.broadcast %broadcast_in_dim3A_65 : vector<1x4xf32> to vector<2000x4xf32>
    %add3A_67 = arith.addf %dot_general3A_62, %add3A_66 : vector<2000x4xf32>
    %broadcast_in_dim3A_68 = arith.constant 0.000000e+00 : f32
    %broadcast_in_dim3A_69 = vector.broadcast %broadcast_in_dim3A_68 : f32 to vector<2000x11xf32>
    %concatenate3A = tpu.concatenate %add3A_67, %div3A_24, %broadcast_in_dim3A_69 in 1 : vector<2000x4xf32>, vector<2000x1xf32>, vector<2000x11xf32> -> vector<2000x16xf32>
    %swap3A_70 = arith.constant 0 : index
    %swap3A_71 = arith.constant 0 : index
    %swap3A_72 = vector.load %arg11[%swap3A_70, %swap3A_71] : memref<2000x16xf32, #tpu.memory_space<vmem>>, vector<2000x16xf32>
    tpu.vector_store %arg11[%swap3A_70, %swap3A_71], %concatenate3A {strides = array<i32>} : memref<2000x16xf32, #tpu.memory_space<vmem>>, vector<2000x16xf32>,
    return
  }
  func.func @transform_0(%arg0: i32) -> (i32, i32, i32) {
    %c0_i32 = arith.constant 0 : i32
    %c0_i32_0 = arith.constant 0 : i32
    %c0_i32_1 = arith.constant 0 : i32
    return %c0_i32, %arg0, %c0_i32_0 : i32, i32, i32
  }
  func.func @transform_1(%arg0: i32) -> (i32, i32, i32) {
    %c0_i32 = arith.constant 0 : i32
    %c0_i32_0 = arith.constant 0 : i32
    %c0_i32_1 = arith.constant 0 : i32
    return %c0_i32, %arg0, %c0_i32_0 : i32, i32, i32
  }
  func.func @transform_2(%arg0: i32) -> (i32, i32) {
    %c0_i32 = arith.constant 0 : i32
    %c0_i32_0 = arith.constant 0 : i32
    return %arg0, %c0_i32 : i32, i32
  }
  func.func @transform_3(%arg0: i32) -> (i32, i32) {
    %c0_i32 = arith.constant 0 : i32
    %c0_i32_0 = arith.constant 0 : i32
    %c0_i32_1 = arith.constant 0 : i32
    return %c0_i32, %c0_i32_0 : i32, i32
  }
  func.func @transform_4(%arg0: i32) -> i32 {
    %c0_i32 = arith.constant 0 : i32
    %c0_i32_0 = arith.constant 0 : i32
    return %c0_i32 : i32
  }
  func.func @transform_5(%arg0: i32) -> (i32, i32) {
    %c0_i32 = arith.constant 0 : i32
    %c0_i32_0 = arith.constant 0 : i32
    %c0_i32_1 = arith.constant 0 : i32
    return %c0_i32, %c0_i32_0 : i32, i32
  }
  func.func @transform_6(%arg0: i32) -> (i32, i32) {
    %c0_i32 = arith.constant 0 : i32
    %c0_i32_0 = arith.constant 0 : i32
    %c0_i32_1 = arith.constant 0 : i32
    return %c0_i32, %c0_i32_0 : i32, i32
  }
  func.func @transform_7(%arg0: i32) -> (i32, i32) {
    %c0_i32 = arith.constant 0 : i32
    %c0_i32_0 = arith.constant 0 : i32
    %c0_i32_1 = arith.constant 0 : i32
    return %c0_i32, %c0_i32_0 : i32, i32
  }
  func.func @transform_8(%arg0: i32) -> i32 {
    %c0_i32 = arith.constant 0 : i32
    %c0_i32_0 = arith.constant 0 : i32
    return %c0_i32 : i32
  }
  func.func @transform_9(%arg0: i32) -> (i32, i32) {
    %c0_i32 = arith.constant 0 : i32
    %c0_i32_0 = arith.constant 0 : i32
    return %arg0, %c0_i32 : i32, i32
  }
  func.func @transform_10(%arg0: i32) -> (i32, i32) {
    %c0_i32 = arith.constant 0 : i32
    %c0_i32_0 = arith.constant 0 : i32
    return %arg0, %c0_i32 : i32, i32
  }
}

module attributes {stable_mosaic.version = 14 : i64} {
  func.func @_tc3_body(%arg0: i32, %arg1: memref<2x10000x16xf32, #tpu.memory_space<vmem>>, %arg2: memref<10000x16xf32, #tpu.memory_space<vmem>>, %arg3: memref<10000x4xf32, #tpu.memory_space<vmem>>) attributes {dimension_semantics = [#tpu.dimension_semantics<arbitrary>], iteration_bounds = array<i64: 1>, scalar_prefetch = 0 : i64, scratch_operands = 0 : i64, tpu.core_type = #tpu.core_type<tc>, window_params = [{pipeline_mode = #tpu.pipeline_mode<synchronous>, transform_indices = @transform_0, window_bounds = array<i64: 2, 10000, 16>}, {pipeline_mode = #tpu.pipeline_mode<synchronous>, transform_indices = @transform_1, window_bounds = array<i64: 10000, 16>}, {pipeline_mode = #tpu.pipeline_mode<synchronous>, transform_indices = @transform_2, window_bounds = array<i64: 10000, 4>}]} {
    %get3A = arith.constant 0 : index
    %get3A_0 = arith.constant 0 : index
    %get3A_1 = arith.constant 0 : index
    %get3A_2 = vector.load %arg1[%get3A, %get3A_0, %get3A_1] : memref<2x10000x16xf32, #tpu.memory_space<vmem>>, vector<1x10000x16xf32>
    %get3A_3 = vector.shape_cast %get3A_2 : vector<1x10000x16xf32> to vector<10000x16xf32>
    %get3A_4 = arith.constant 1 : index
    %get3A_5 = arith.constant 0 : index
    %get3A_6 = arith.constant 0 : index
    %get3A_7 = vector.load %arg1[%get3A_4, %get3A_5, %get3A_6] : memref<2x10000x16xf32, #tpu.memory_space<vmem>>, vector<1x10000x16xf32>
    %get3A_8 = vector.shape_cast %get3A_7 : vector<1x10000x16xf32> to vector<10000x16xf32>
    %add3A = arith.addf %get3A_3, %get3A_8 : vector<10000x16xf32>
    %slice3A = vector.extract_strided_slice %add3A {offsets = [0, 0], sizes = [10000, 4], strides = [1, 1]} : vector<10000x16xf32> to vector<10000x4xf32>
    %get3A_9 = arith.constant 0 : index
    %get3A_10 = arith.constant 4 : index
    %get3A_11 = vector.load %arg2[%get3A_9, %get3A_10] : memref<10000x16xf32, #tpu.memory_space<vmem>>, vector<10000x1xf32>
    %mul3A = vector.broadcast %get3A_11 : vector<10000x1xf32> to vector<10000x4xf32>
    %mul3A_12 = arith.mulf %slice3A, %mul3A : vector<10000x4xf32>
    %get3A_13 = arith.constant 0 : index
    %get3A_14 = arith.constant 0 : index
    %get3A_15 = vector.load %arg2[%get3A_13, %get3A_14] : memref<10000x16xf32, #tpu.memory_space<vmem>>, vector<10000x4xf32>
    %add3A_16 = arith.addf %mul3A_12, %get3A_15 : vector<10000x4xf32>
    %swap3A = arith.constant 0 : index
    %swap3A_17 = arith.constant 0 : index
    %swap3A_18 = vector.load %arg3[%swap3A, %swap3A_17] : memref<10000x4xf32, #tpu.memory_space<vmem>>, vector<10000x4xf32>
    tpu.vector_store %arg3[%swap3A, %swap3A_17], %add3A_16 {strides = array<i32>} : memref<10000x4xf32, #tpu.memory_space<vmem>>, vector<10000x4xf32>,
    return
  }
  func.func @transform_0(%arg0: i32) -> (i32, i32, i32) {
    %c0_i32 = arith.constant 0 : i32
    %c0_i32_0 = arith.constant 0 : i32
    %c0_i32_1 = arith.constant 0 : i32
    %c0_i32_2 = arith.constant 0 : i32
    return %c0_i32, %c0_i32_0, %c0_i32_1 : i32, i32, i32
  }
  func.func @transform_1(%arg0: i32) -> (i32, i32) {
    %c0_i32 = arith.constant 0 : i32
    %c0_i32_0 = arith.constant 0 : i32
    %c0_i32_1 = arith.constant 0 : i32
    return %c0_i32, %c0_i32_0 : i32, i32
  }
  func.func @transform_2(%arg0: i32) -> (i32, i32) {
    %c0_i32 = arith.constant 0 : i32
    %c0_i32_0 = arith.constant 0 : i32
    %c0_i32_1 = arith.constant 0 : i32
    return %c0_i32, %c0_i32_0 : i32, i32
  }
}

</mosaic_0001>

<sc_bundles>
// kernel: sc_agg_l1.3.cloned.1.call-start
scs
__scs_entry_jumppad:
0x0: {  	(pc) =	sbr.rel $0x88, $3  }
0x1: {  	(tag) =	ssettag $0x0;
	lr =	simm.s32 $0x1  }
0x2: {  	[smem:$0x3F94] =	sst lr;
	_ =	strace $0xD0000000  }
0x3: {  	_ = 	snop  }
0x4: {  	_ = 	snop  }
0x5: {  	_ = 	snop  }
0x6: {  	_ = 	snop  }
0x7: {  	_ = 	snop  }
__scs_overlays_trampoline_lowered:
0x8: {  	[smem:$0x3FA3] =	sst s0  }
0x9: {  	[smem:$0x3FA4] =	sst s1  }
0xa: {  	[smem:$0x3FA5] =	sst s2  }
0xb: {  	[smem:$0x3FA6] =	sst s3  }
0xc: {  	[smem:$0x3FA7] =	sst s4  }
0xd: {  	[smem:$0x3FA8] =	sst s5  }
0xe: {  	[smem:$0x3FA9] =	sst s6  }
0xf: {  	[smem:$0x3FAA] =	sst s7  }
0x10: {  	[smem:$0x3FAB] =	sst s8  }
0x11: {  	[smem:$0x3FAC] =	sst s9;
	s0 =	simm.s32 @!p0 $0x0  }
0x12: {  	s1 =	sld [smem:$0x3F92];
	s0 =	simm.s32 @p0 $0x1  }
0x13: {  	[smem:$0x3FAD] =	sst s0;
	s0 =	simm.s32 @!p1 $0x0  }
0x14: {  	s2 =	sld [smem:$0x3F91];
	s0 =	simm.s32 @p1 $0x1  }
0x15: {  	[smem:$0x3FAE] =	sst s0;
	s0 =	simm.s32 @!p2 $0x0  }
0x16: {  	s3 =	sld [smem:$0x3FDB];
	s0 =	simm.s32 @p2 $0x1  }
0x17: {  	s4 =	simm.s32 $0x1BF5;
	[smem:$0x3FB0] =	sst s0  }
0x18: {  	s0 =	sld [smem:$0x3F93];
	_ =	swait.ge [sflag:s4], $0x0  }
0x19: {  	s7 =	sld [smem:$0x3F94]  }
0x1a: {  	s8 =	sadd.s32 $0xFFFFE003, lr  }
0x1b: {  	s9 =	sadd.s32 $0xFFFFFEF7, lr;
	s5 =	simm.s32 $0xFFFFFFFF;
	p2 =	slt.u32 s8, $0xFFFFF086  }
0x1c: {  	p1 =	slt.u32 s9, $0xF7A;
	s5 =	simm.s32 @!p2 $0x0  }
0x1d: {  	s5 =	simm.s32 @p1 $0x1;
	p0 =	seq.s32 s7, s2  }
0x1e: {  	s7 =	smul.u32 @!p0 $0xF7A, s2;
	p2 =	seq.s32 @!p0 s5, $0x0  }
0x1f: {  	s9 =	smul.u32 $0xF7A, s1;
	s8 =	simm.s32 @!p0 $0x1BF5;
	p2 =	por !p2, p0  }
0x20: {  	[sflag:s8] =	ssyncset.s32 @!p0 $0xFFFFF086;
	s6 =	sadd.s32 @!p0 s3, s7;
	s7 =	simm.s32 @!p0 $0x108  }
0x21: {  	s3 =	sadd.s32 s3, s9;
	s6 =	sadd.s32 @!p0 $0x88, s6;
	s7 =	simm.s32 @p2 $0x1082  }
0x22: {  	[simem:s7], [sflag:s8] =	dma.local @!p0 [hbm:s6], $0xF7A  }
0x23: {  	s9 =	sor.u32 $0xD0000000, s2;
	s6 =	simm.s32 $0x108;
	_ =	swait.ge @!p0 [sflag:s8], $0x0  }
0x24: {  	s3 =	sadd.s32 $0x88, s3;
	s6 =	simm.s32 @!p1 $0x1082;
	[sflag:s4] =	ssyncset.s32 $0xFFFFF086  }
0x25: {  	[simem:s6], [sflag:s4] =	dma.local [hbm:s3], $0xF7A  }
0x26: {  	[smem:$0x3F94] =	sst s1;
	(tag) =	ssettag s2;
	_ =	strace s9  }
0x27: {  	s1 =	sld [smem:$0x3FA4]  }
0x28: {  	s2 =	sld [smem:$0x3FA5]  }
0x29: {  	s4 =	sld [smem:$0x3FA7]  }
0x2a: {  	p0 =	seq.s32 s5, $0x0;
	s5 =	sld [smem:$0x3FA8]  }
0x2b: {  	s6 =	sld [smem:$0x3FA9]  }
0x2c: {  	s7 =	sld [smem:$0x3FAA]  }
0x2d: {  	s3 =	simm.s32 $0x108;
	s8 =	sld [smem:$0x3FAB]  }
0x2e: {  	s3 =	simm.s32 @!p0 $0x1082;
	s9 =	sld [smem:$0x3FAC]  }
0x2f: {  	lr =	sadd.s32 s0, s3;
	s0 =	sld [smem:$0x3FA3]  }
0x30: {  	s3 =	sld [smem:$0x3FA6]  }
0x31: {  	[smem:$0x3FAF] =	sst s10  }
0x32: {  	s10 =	sld [smem:$0x3FAD];
	_ =	sdelay $0x3  }
0x33: {  	p0 =	seq.s32 s10, $0x1;
	s10 =	sld [smem:$0x3FAF];
	_ =	sdelay $0x3  }
0x34: {  	[smem:$0x3FAF] =	sst s10  }
0x35: {  	s10 =	sld [smem:$0x3FAE];
	_ =	sdelay $0x3  }
0x36: {  	p1 =	seq.s32 s10, $0x1;
	s10 =	sld [smem:$0x3FAF];
	_ =	sdelay $0x3  }
0x37: {  	[smem:$0x3FAF] =	sst s10  }
0x38: {  	s10 =	sld [smem:$0x3FB0]  }
0x39: {  	_ = 	snop;
	(pc) =	sbr.ind lr, $3  }
0x3a: {  	_ = 	snop  }
0x3b: {  	_ = 	snop  }
0x3c: {  	p2 =	seq.s32 s10, $0x1;
	s10 =	sld [smem:$0x3FAF]  }
0x3d: {  	_ =	shalt  }
0x3e: {  	_ =	shalt  }
0x3f: {  	_ =	shalt  }
0x40: {  	_ =	shalt  }
0x41: {  	_ =	shalt  }
0x42: {  	_ =	shalt  }
0x43: {  	_ =	shalt  }
0x44: {  	_ =	shalt  }
0x45: {  	_ =	shalt  }
0x46: {  	_ =	shalt  }
0x47: {  	_ =	shalt  }
0x48: {  	_ =	shalt  }
0x49: {  	_ =	shalt  }
0x4a: {  	_ =	shalt  }
0x4b: {  	_ =	shalt  }
0x4c: {  	_ =	shalt  }
0x4d: {  	_ =	shalt  }
0x4e: {  	_ =	shalt  }
0x4f: {  	_ =	shalt  }
0x50: {  	_ =	shalt  }
0x51: {  	_ =	shalt  }
0x52: {  	_ =	shalt  }
0x53: {  	_ =	shalt  }
0x54: {  	_ =	shalt  }
0x55: {  	_ =	shalt  }
0x56: {  	_ =	shalt  }
0x57: {  	_ =	shalt  }
0x58: {  	_ =	shalt  }
0x59: {  	_ =	shalt  }
0x5a: {  	_ =	shalt  }
0x5b: {  	_ =	shalt  }
0x5c: {  	_ =	shalt  }
0x5d: {  	_ =	shalt  }
0x5e: {  	_ =	shalt  }
0x5f: {  	_ =	shalt  }
0x60: {  	_ =	shalt  }
0x61: {  	_ =	shalt  }
0x62: {  	_ =	shalt  }
0x63: {  	_ =	shalt  }
0x64: {  	_ =	shalt  }
0x65: {  	_ =	shalt  }
0x66: {  	_ =	shalt  }
0x67: {  	_ =	shalt  }
0x68: {  	_ =	shalt  }
0x69: {  	_ =	shalt  }
0x6a: {  	_ =	shalt  }
0x6b: {  	_ =	shalt  }
0x6c: {  	_ =	shalt  }
0x6d: {  	_ =	shalt  }
0x6e: {  	_ =	shalt  }
0x6f: {  	_ =	shalt  }
0x70: {  	_ =	shalt  }
0x71: {  	_ =	shalt  }
0x72: {  	_ =	shalt  }
0x73: {  	_ =	shalt  }
0x74: {  	_ =	shalt  }
0x75: {  	_ =	shalt  }
0x76: {  	_ =	shalt  }
0x77: {  	_ =	shalt  }
0x78: {  	_ =	shalt  }
0x79: {  	_ =	shalt  }
0x7a: {  	_ =	shalt  }
0x7b: {  	_ =	shalt  }
0x7c: {  	_ =	shalt  }
0x7d: {  	_ =	shalt  }
0x7e: {  	_ =	shalt  }
0x7f: {  	_ =	shalt  }
0x80: {  	_ =	shalt  }
0x81: {  	_ =	shalt  }
0x82: {  	_ =	shalt  }
0x83: {  	_ =	shalt  }
0x84: {  	_ =	shalt  }
0x85: {  	_ =	shalt  }
0x86: {  	_ =	shalt  }
0x87: {  	_ =	shalt  }
.Lfunc_end0:
.L_simem_size_0:
called_computation_lowered:
.L_overlay_start_0:
0x88: {  	s2 =	sld [smem:$0x3FD9]  }
0x89: {  	s3 =	sld [smem:$0x3FFE];
	_ =	sdelay $0x1  }
0x8a: {  	s1 =	srdreg.scid  }
0x8b: {  	s0 =	sand.u32 $0x1, s1  }
0x8c: {  	s16 =	sshll.u32 s0, $0xA;
	s2 =	sadd.s32 s3, s2  }
0x8d: {  	s2 =	sadd.s32 s2, s16  }
0x8e: {  	[smem:$0x3FBB] =	sst s2  }
0x8f: {  	_ = 	snop  }
0x90: {  	(tm) =	ssettm $0x1  }
0x91: {  	s17 =	sld [smem:$0x3FFB];
	_ =	sdelay $0x3  }
0x92: {  	_ =	strace s17  }
0x93: {  	s2 =	sld [smem:$0x3FFC];
	_ =	sdelay $0x3  }
0x94: {  	_ =	strace s2  }
0x95: {  	s2 =	sld [smem:$0x3FFD];
	_ =	sdelay $0x3  }
0x96: {  	_ =	strace s2  }
0x97: {  	_ =	strace $0x8FFFFFFF  }
0x98: {  	s18 =	sld [smem:$0x3FDB];
	_ =	sdelay $0x1  }
0x99: {  	s19 =	simm.s32 $_scs_section_size  }
0x9a: {  	s4 =	simm.s32 $_size__tile_overlayer_lowered;
	s5 =	simm.s32 $_tile_overlayer_lowered  }
0x9b: {  	s22 =	simm.s32 $0x1BFF;
	s21 =	sshll.u32 s5, $0x1;
	s2 =	sadd.s32 s19, s18  }
0x9c: {  	s6 =	simm.s32 $0x0;
	s20 =	sshll.u32 s4, $0x1;
	s4 =	sadd.s32 s21, s2  }
0x9d: {  	[timem:s6], [sflag:s22] =	dma.local [hbm:s4], s20  }
0x9e: {  	_ =	swait.ge [sflag:s22], s20  }
0x9f: {  	s3 =	ssub.s32 $0x0, s20;
	[sflag:s22] =	ssyncset.done $0x0  }
0xa0: {  	[sflag:s22] =	ssyncadd.s32 s3;
	_ =	sdelay $0x1  }
0xa1: {  	s23 =	simm.s32 $0x1B8B  }
0xa2: {  	_ =	swait.ge [sflag:s23], $0x1  }
0xa3: {  	[sflag:s23] =	ssyncset.done $0x0  }
0xa4: {  	s25 =	simm.s32 $0x1B8E;
	s24 =	sld [smem:$0x3FFE];
	[sflag:s23] =	ssyncadd.s32 $0xFFFFFFFF  }
0xa5: {  	s26 =	simm.s32 $execute0_lowered;
	[smem:$0x3FD2] =	sst s25  }
0xa6: {  	s4 =	sshll.u32 s26, $0x1;
	_ =	strace $0x80000046;
	[dreg:$0x1] =	wrdreg $0xFFFFFFFF  }
0xa7: {  	s28 =	simm.s32 $_size_execute0_lowered;
	s2 =	sadd.s32 s2, s4;
	[dreg:$0x0] =	wrdreg $0x0  }
0xa8: {  	s4 =	sshll.u32 s28, $0x1;
	[dreg:$0x2] =	wrdreg s2  }
0xa9: {  	[dreg:$0x3] =	wrdreg s4  }
0xaa: {  	[dreg:$0x4] =	wrdreg $0xC0  }
0xab: {  	_ =	task [dreg:s6], $0x5FFFF  }
0xac: {  	[dreg:$0x1] =	wrdreg $0xFFFFFFFF  }
0xad: {  	[dreg:$0x0] =	wrdreg $0x60  }
0xae: {  	[dreg:$0x2] =	wrdreg s24  }
0xaf: {  	[dreg:$0x3] =	wrdreg $0x81600  }
0xb0: {  	[dreg:$0x4] =	wrdreg $0x1B9E00  }
0xb1: {  	[dreg:$0x5] =	wrdreg $0x9  }
0xb2: {  	_ =	task.clear_ibuf [dreg:s6], $0x6FFFF;
	_ =	strace $0x90000046  }
0xb3: {  	s29 =	simm.s32 $0x9;
	_ =	strace $0x80000048  }
0xb4: {  	_ =	swait.ge [sflag:s29], $0x1  }
0xb5: {  	[sflag:s29] =	ssyncadd.s32 $0xFFFFFFFF  }
0xb6: {  	_ =	strace $0x90000048  }
0xb7: {  	_ =	sfence  }
0xb8: {  	s30 =	sld [smem:$0x0];
	_ =	sdelay $0x2  }
0xb9: {  	s31 =	sshll.u32 s1, $0xD;
	s1 =	sshrl.u32 s1, $0x2  }
0xba: {  	s3 =	sand.u32 $0x4000, s31;
	s1 =	sadd.s32 s1, s30  }
0xbb: {  	s0 =	sor.u32 s3, s0;
	s1 =	sshll.u32 s1, $0x11  }
0xbc: {  	s0 =	sor.u32 s1, s0  }
0xbd: {  	s0 =	sadd.s32 $0x8F2B, s0  }
0xbe: {  	[sflag:s0] =	ssyncadd.remote.s32 $0x1  }
0xbf: {  	_ =	sfence.sel $0xFFFF  }
0xc0: {  	[dreg:$0x0] =	wrdreg $0xFFFFFFFF;
	(pc) =	sbr.abs _section_cstart, $3  }
0xc1: {  	[dreg:$0x1] =	wrdreg $0xFFFFFFFF  }
0xc2: {  	_ =	task.clear_ibuf [dreg:s6], $0x2FFFF;
	_ =	strace $0x9FFFFFFF  }
0xc3: {  	(tm) =	ssettm $0x7FFFFFFF  }
tec
execute0_lowered:
.L_overlay_start_1:
0x0: {  	(tag) =	ssettag $0x1  }
0x1: {  	s15 =	stileid.u32  }
0x2: {  	s1 =	srdreg.scid;
	s13 =	smul.u32 $0x5780, s15  }
0x3: {  	s1 =	sand.u32 $0x1, s1;
	s24 =	smul.u32 $0xAF0, s15  }
0x4: {  	s0 =	rddreg [dreg:$0x0];
	s5 =	smul.u32 $0x27100, s1  }
0x5: {  	s2 =	rddreg [dreg:$0x1];
	s10 =	smul.u32 $0x4E20, s1  }
0x6: {  	s3 =	rddreg [dreg:$0x2];
	s4 =	sshll.u32 s15, $0x1;
	s14 =	smul.u32 $0x2BC0, s1  }
0x7: {  	s6 =	sor.u32 s1, s4;
	s7 =	ssub.s32 $0x2, s1;
	s1 =	smul.u32 $0x578, s1  }
0x8: {  	s8 =	sadd.s32 $0x2E00, s0;
	s4 =	simm.s32 $0x0;
	s6 =	smul.u32 $0x2BC0, s6  }
0x9: {  	s19 =	sshrl.u32 s7, $0x1;
	[smem:$0x7FF] =	sst s4;
	s9 =	sadd.s32 s5, s0  }
0xa: {  	s5 =	ssub.s32 s7, s19;
	s7 =	sadd.s32 s14, s13;
	s20 =	sshrl.u32 s6, $0x3  }
0xb: {  	s11 =	sadd.s32 $0x57838, s6;
	s12 =	sadd.s32 $0xA8, s6;
	s6 =	sadd.s32 $0x578A8, s6  }
0xc: {  	s25 =	sadd.s32 $0x57B10, s7;
	s13 =	sadd.s32 $0x57AD8, s7;
	s14 =	sadd.s32 $0x57AA0, s7  }
0xd: {  	s16 =	sadd.s32 $0x57A68, s7;
	s19 =	sadd.s32 $0x57A30, s7;
	s9 =	sadd.s32 $0x49C00, s9  }
0xe: {  	s5 =	smax.u32 s5, $0x1;
	s11 =	sshrl.u32 s11, $0x3;
	s12 =	sshrl.u32 s12, $0x3  }
0xf: {  	s22 =	sadd.s32 s8, s20;
	s6 =	sshrl.u32 s6, $0x3;
	s26 =	sshrl.u32 s25, $0x3  }
0x10: {  	s20 =	sadd.s32 $0x579F8, s7;
	s25 =	sadd.s32 $0x57988, s7;
	s21 =	sadd.s32 s8, s11  }
0x11: {  	s23 =	sadd.s32 s8, s12;
	s6 =	sadd.s32 s8, s6;
	[dreg:$0x5] =	wrdreg s21  }
0x12: {  	s11 =	sadd.s32 s24, s8;
	s12 =	smul.u32 $0x13880, s15;
	[dreg:$0x6] =	wrdreg s23  }
0x13: {  	[dreg:$0x7] =	wrdreg s6;
	s6 =	sadd.s32 s26, s8;
	s1 =	sadd.s32 s1, s11  }
0x14: {  	s11 =	sshrl.u32 s16, $0x3;
	s21 =	sadd.s32 $0x579C0, s7;
	[dreg:$0x8] =	wrdreg s6  }
0x15: {  	s26 =	sadd.s32 $0x57950, s7;
	s7 =	sadd.s32 $0x57918, s7;
	[dreg:$0x9] =	wrdreg s1  }
0x16: {  	s1 =	sshrl.u32 s13, $0x3;
	s6 =	sshrl.u32 s14, $0x3;
	s18 =	sadd.s32 s11, s8  }
0x17: {  	s11 =	sshrl.u32 s21, $0x3;
	s1 =	sadd.s32 s1, s8;
	[dreg:$0xc] =	wrdreg s18  }
0x18: {  	s7 =	sshrl.u32 s7, $0x3;
	s17 =	sadd.s32 s6, s8;
	[dreg:$0xa] =	wrdreg s1  }
0x19: {  	s6 =	sshrl.u32 s20, $0x3;
	s24 =	sadd.s32 s11, s8;
	[dreg:$0xb] =	wrdreg s17  }
0x1a: {  	s1 =	sshrl.u32 s19, $0x3;
	s23 =	sadd.s32 s6, s8;
	[dreg:$0xf] =	wrdreg s24  }
0x1b: {  	s6 =	sshrl.u32 s26, $0x3;
	s1 =	sadd.s32 s1, s8;
	[dreg:$0xe] =	wrdreg s23  }
0x1c: {  	s11 =	sshrl.u32 s12, $0x3;
	s6 =	sadd.s32 s6, s8;
	[dreg:$0xd] =	wrdreg s1  }
0x1d: {  	s1 =	sshrl.u32 s25, $0x3;
	[dreg:$0x11] =	wrdreg s6;
	s6 =	sadd.s32 s11, s9  }
0x1e: {  	s13 =	sadd.s32 s10, s0;
	s1 =	sadd.s32 s1, s8;
	[dreg:$0x13] =	wrdreg s6  }
0x1f: {  	s8 =	sadd.s32 s7, s8;
	s7 =	smul.u32 $0x271, s15;
	[dreg:$0x10] =	wrdreg s1  }
0x20: {  	s23 =	sadd.s32 $0x18C00, s0;
	s6 =	sadd.s32 $0x3FE00, s13;
	[dreg:$0x12] =	wrdreg s8  }
0x21: {  	s1 =	smul.u32 $0x2710, s15;
	s15 =	sadd.s32 s12, s2;
	s0 =	sadd.s32 $0x32, s7  }
0x22: {  	s10 =	sadd.s32 $0x96, s7;
	s9 =	sadd.s32 $0xFA, s7;
	s13 =	sadd.s32 $0x12C, s7  }
0x23: {  	s12 =	sadd.s32 $0x190, s7;
	s14 =	sshrl.u32 s1, $0x3;
	s16 =	sshll.u32 s0, $0x7  }
0x24: {  	s19 =	sshll.u32 s10, $0x7;
	s21 =	sshll.u32 s9, $0x7;
	s6 =	sadd.s32 s14, s6  }
0x25: {  	s25 =	sshll.u32 s13, $0x7;
	s4 =	sshll.u32 s12, $0x7;
	[dreg:$0x14] =	wrdreg s6  }
0x26: {  	s8 =	sadd.s32 s16, s2;
	_ =	strace $0x80000047;
	[dreg:$0x15] =	wrdreg s15  }
0x27: {  	s9 =	sshll.u32 s9, $0x4;
	s24 =	sadd.s32 s21, s2;
	[dreg:$0x16] =	wrdreg s8  }
0x28: {  	s0 =	sshll.u32 s0, $0x4;
	s28 =	sadd.s32 s9, s3;
	[dreg:$0x1a] =	wrdreg s24  }
0x29: {  	s9 =	sadd.s32 $0xE, s22;
	s6 =	sadd.s32 $0x64, s7;
	[smem:$0x7DE] =	sst s5  }
0x2a: {  	s16 =	sadd.s32 $0x1C2, s7;
	s17 =	sshll.u32 s6, $0x7;
	[smem:$0x7E1] =	sst s9  }
0x2b: {  	s8 =	sadd.s32 s19, s2;
	s19 =	sadd.s32 $0x1F4, s7;
	[dreg:$0x4] =	wrdreg s22  }
0x2c: {  	s18 =	sadd.s32 s17, s2;
	[dreg:$0x18] =	wrdreg s8;
	s8 =	sadd.s32 $0xC8, s7  }
0x2d: {  	s17 =	sadd.s32 s4, s2;
	s4 =	sshll.u32 s6, $0x4;
	s6 =	sshll.u32 s10, $0x4  }
0x2e: {  	s10 =	sshll.u32 s13, $0x4;
	[dreg:$0x17] =	wrdreg s18;
	s20 =	sshll.u32 s8, $0x7  }
0x2f: {  	[dreg:$0x1d] =	wrdreg s17;
	s24 =	sadd.s32 s4, s3;
	s4 =	sadd.s32 $0xAF00, s22  }
0x30: {  	s29 =	sadd.s32 s10, s3;
	s10 =	sadd.s32 $0xAF0E, s22;
	[smem:$0x7DF] =	sst s4  }
0x31: {  	s17 =	sshll.u32 s19, $0x7;
	s11 =	sadd.s32 s20, s2;
	[smem:$0x7E2] =	sst s10  }
0x32: {  	s15 =	sadd.s32 $0x226, s7;
	s17 =	sadd.s32 s17, s2;
	[dreg:$0x19] =	wrdreg s11  }
0x33: {  	s18 =	sshll.u32 s16, $0x7;
	s11 =	sadd.s32 s25, s2;
	[dreg:$0x1f] =	wrdreg s17  }
0x34: {  	s8 =	sshll.u32 s8, $0x4;
	[dreg:$0x1b] =	wrdreg s11;
	s11 =	sadd.s32 $0x15E, s7  }
0x35: {  	s26 =	sshll.u32 s11, $0x7;
	s13 =	sshll.u32 s11, $0x4;
	s11 =	sadd.s32 $0x1C, s22  }
0x36: {  	s7 =	sadd.s32 $0x258, s7;
	s14 =	sadd.s32 s26, s2;
	[smem:$0x7E3] =	sst s11  }
0x37: {  	s26 =	sshll.u32 s7, $0x7;
	[dreg:$0x1c] =	wrdreg s14;
	s14 =	sadd.s32 s18, s2  }
0x38: {  	s7 =	sshll.u32 s7, $0x4;
	s17 =	sadd.s32 s26, s2;
	[dreg:$0x1e] =	wrdreg s14  }
0x39: {  	s26 =	sadd.s32 s8, s3;
	s8 =	sadd.s32 $0x7, s22;
	[smem:$0x7DD] =	sst s17  }
0x3a: {  	s18 =	sshll.u32 s15, $0x7;
	s7 =	sadd.s32 s7, s3;
	[smem:$0x7E0] =	sst s8  }
0x3b: {  	s21 =	sadd.s32 s0, s3;
	s25 =	sadd.s32 s18, s2;
	[smem:$0x7FC] =	sst s7  }
0x3c: {  	s17 =	sshll.u32 s12, $0x4;
	s12 =	sadd.s32 $0xAF1C, s22;
	[smem:$0x7DC] =	sst s25  }
0x3d: {  	s30 =	sadd.s32 s13, s3;
	s13 =	sadd.s32 $0x10, s7;
	[smem:$0x7E4] =	sst s12  }
0x3e: {  	s19 =	sshll.u32 s19, $0x4;
	s14 =	sadd.s32 $0x20, s7;
	[smem:$0x7E5] =	sst s13  }
0x3f: {  	s2 =	sshll.u32 s15, $0x4;
	s15 =	sadd.s32 $0x30, s7;
	[smem:$0x7E6] =	sst s14  }
0x40: {  	s18 =	sshll.u32 s16, $0x4;
	s16 =	sadd.s32 $0x40, s7;
	[smem:$0x7E7] =	sst s15  }
0x41: {  	s0 =	sadd.s32 s19, s3;
	s19 =	sadd.s32 $0x70, s7;
	[smem:$0x7E8] =	sst s16  }
0x42: {  	s22 =	sadd.s32 $0x80, s7;
	[smem:$0x7EB] =	sst s19  }
0x43: {  	s4 =	sadd.s32 $0xB0, s7;
	[smem:$0x7EC] =	sst s22  }
0x44: {  	s8 =	sadd.s32 $0xC0, s7;
	[smem:$0x7EF] =	sst s4  }
0x45: {  	s9 =	sadd.s32 $0xD0, s7;
	[smem:$0x7F0] =	sst s8  }
0x46: {  	s20 =	sadd.s32 s1, s3;
	s10 =	sadd.s32 $0xE0, s7;
	[smem:$0x7F1] =	sst s9  }
0x47: {  	s11 =	sadd.s32 $0xF0, s7;
	s25 =	sadd.s32 s6, s3;
	[smem:$0x7F2] =	sst s10  }
0x48: {  	s31 =	sadd.s32 s17, s3;
	s17 =	sadd.s32 $0x50, s7;
	[smem:$0x7F3] =	sst s11  }
0x49: {  	s1 =	sadd.s32 s18, s3;
	s18 =	sadd.s32 $0x60, s7;
	[smem:$0x7E9] =	sst s17  }
0x4a: {  	s6 =	sadd.s32 s2, s3;
	s2 =	sadd.s32 $0x90, s7;
	[smem:$0x7EA] =	sst s18  }
0x4b: {  	s3 =	sadd.s32 $0xA0, s7;
	[smem:$0x7ED] =	sst s2  }
0x4c: {  	s12 =	sadd.s32 $0x100, s7;
	[smem:$0x7EE] =	sst s3  }
0x4d: {  	s13 =	sadd.s32 $0x110, s7;
	[smem:$0x7F4] =	sst s12  }
0x4e: {  	s14 =	sadd.s32 $0x120, s7;
	[smem:$0x7F5] =	sst s13  }
0x4f: {  	s15 =	sadd.s32 $0x130, s7;
	[smem:$0x7F6] =	sst s14  }
0x50: {  	s16 =	sadd.s32 $0x140, s7;
	[smem:$0x7F7] =	sst s15  }
0x51: {  	s19 =	sadd.s32 $0x170, s7;
	[smem:$0x7F8] =	sst s16  }
.Ltmp0:
0x52: {  	s22 =	sadd.s32 $0x180, s7;
	[smem:$0x7FB] =	sst s19;
	(pc) =	sbr.rel .LBB2_1-.Ltmp0, $4  }
0x53: {  	s17 =	sadd.s32 $0x150, s7;
	s18 =	sadd.s32 $0x160, s7;
	[smem:$0x7FD] =	sst s22  }
0x54: {  	s3 =	simm.s32 $0xC;
	s13 =	simm.s32 $0x1D60;
	s14 =	simm.s32 $0x1  }
0x55: {  	s15 =	simm.s32 $0x32;
	s2 =	simm.s32 $0x0;
	[smem:$0x7F9] =	sst s17  }
0x56: {  	v0 =	vimm.f32 $0.0e+00;
	v1 =	vimm.f32 $1.000000000e+00;
	s22 =	simm.s32 $0x1E0F0;
	s19 =	simm.s32 $0x3;
	[smem:$0x7FA] =	sst s18  }
.LBB2_32:
0x57: {  	s2 =	simm.s32 $0x7  }
0x58: {  	_ =	swait.ge [sflag:s2], $0x1900  }
0x59: {  	[sflag:s2] =	ssyncset.done $0x0  }
0x5a: {  	[sflag:s2] =	ssyncadd.s32 $0xFFFFE700  }
0x5b: {  	_ =	swait.ge [sflag:s2], $0x320  }
0x5c: {  	[sflag:s2] =	ssyncset.done $0x0  }
0x5d: {  	s8 =	simm.s32 $0x8;
	[sflag:s2] =	ssyncadd.s32 $0xFFFFFCE0  }
0x5e: {  	_ =	swait.ge [sflag:s8], $0x1900  }
0x5f: {  	[sflag:s8] =	ssyncset.done $0x0  }
0x60: {  	[sflag:s8] =	ssyncadd.s32 $0xFFFFE700  }
0x61: {  	_ =	swait.ge [sflag:s8], $0x320  }
0x62: {  	[sflag:s8] =	ssyncset.done $0x0  }
0x63: {  	s9 =	simm.s32 $0x9;
	[sflag:s8] =	ssyncadd.s32 $0xFFFFFCE0  }
0x64: {  	_ =	swait.ge [sflag:s9], $0x1900  }
0x65: {  	[sflag:s9] =	ssyncset.done $0x0  }
0x66: {  	[sflag:s9] =	ssyncadd.s32 $0xFFFFE700  }
0x67: {  	_ =	swait.ge [sflag:s9], $0x320  }
0x68: {  	[sflag:s9] =	ssyncset.done $0x0  }
0x69: {  	s10 =	simm.s32 $0xA;
	[sflag:s9] =	ssyncadd.s32 $0xFFFFFCE0  }
0x6a: {  	_ =	swait.ge [sflag:s10], $0x1900  }
0x6b: {  	[sflag:s10] =	ssyncset.done $0x0  }
0x6c: {  	[sflag:s10] =	ssyncadd.s32 $0xFFFFE700  }
0x6d: {  	_ =	swait.ge [sflag:s10], $0x320  }
0x6e: {  	[sflag:s10] =	ssyncset.done $0x0  }
0x6f: {  	s11 =	simm.s32 $0xB;
	[sflag:s10] =	ssyncadd.s32 $0xFFFFFCE0  }
0x70: {  	_ =	swait.ge [sflag:s11], $0x1900  }
0x71: {  	[sflag:s11] =	ssyncset.done $0x0  }
0x72: {  	[sflag:s11] =	ssyncadd.s32 $0xFFFFE700  }
0x73: {  	_ =	swait.ge [sflag:s11], $0x320  }
0x74: {  	[sflag:s11] =	ssyncset.done $0x0  }
0x75: {  	[sflag:s11] =	ssyncadd.s32 $0xFFFFFCE0  }
0x76: {  	s5 =	stileid.u32;
	[bflag:$0x0] =	sbarrier.arrive $0xFFFF  }
0x77: {  	s3 =	simm.s32 $0xC;
	s5 =	sshll.u32 s5, $0x6;
	s11 =	rddreg [dreg:$0x15]  }
0x78: {  	s5 =	sor.u32 $0x1C0C, s5;
	s12 =	rddreg [dreg:$0x13];
	s11 =	sshrl.u32 s11, $0x3  }
0x79: {  	[hbm:s12], [sflag:s5] =	dma.local [spmem:s11], $0x2710  }
0x7a: {  	_ =	swait.ge [sflag:s3], $0x2710  }
0x7b: {  	[sflag:s3] =	ssyncset.done $0x0  }
0x7c: {  	s12 =	sshrl.u32 s20, $0x3;
	s16 =	rddreg [dreg:$0x14];
	[sflag:s3] =	ssyncadd.s32 $0xFFFFD8F0  }
0x7d: {  	[hbm:s16], [sflag:s5] =	dma.local [spmem:s12], $0x4E2  }
0x7e: {  	_ =	swait.ge [sflag:s3], $0x4E2  }
0x7f: {  	s17 =	sld [smem:$0x7DB]  }
0x80: {  	s18 =	sld [smem:$0x7DE];
	_ =	sdelay $0x1  }
0x81: {  	s2 =	sadd.s32 $0x1, s17  }
0x82: {  	p0 =	sne.s32 s2, s18  }
.Ltmp1:
0x83: {  	_ = 	snop;
	(pc) =	sbr.rel @!p0 .LBB2_33-.Ltmp1, $3  }
0x84: {  	_ =	sdelay $0x1  }
0x85: {  	[sflag:s3] =	ssyncset.done $0x0  }
0x86: {  	[sflag:s3] =	ssyncadd.s32 $0xFFFFFB1E  }
.LBB2_1:
0x87: {  	[smem:$0x7DB] =	sst s2  }
0x88: {  	s5 =	rddreg [dreg:$0x4]  }
0x89: {  	s2 =	simm.s32 $0x0;
	s11 =	sld [smem:$0x7DF]  }
0x8a: {  	[tilespmem:s2], [sflag:$0x1] =	stream.linear.gather [hbm4b:s5+s2], $0x38, $0x38;
	[tilespmem:$0x1E410] =	vst v63  }
0x8b: {  	s4 =	simm.s32 $0x230;
	s12 =	sld [smem:$0x7E0]  }
0x8c: {  	[tilespmem:s4], [sflag:$0x1] =	stream.linear.gather [hbm4b:s11+s2], $0x38, $0x38;
	[tilespmem:$0x1E410] =	vst v63  }
0x8d: {  	s16 =	rddreg [dreg:$0x5];
	s11 =	simm.s32 $0x38  }
0x8e: {  	[tilespmem:s11], [sflag:$0x1] =	stream.linear.gather [hbm4b:s12+s2], $0x38, $0x38;
	[tilespmem:$0x1E410] =	vst v63  }
0x8f: {  	s17 =	simm.s32 $0x268;
	s18 =	sld [smem:$0x7E1]  }
0x90: {  	[tilespmem:s17], [sflag:$0x1] =	stream.linear.gather [hbm4b:s16+s2], $0x38, $0x38;
	[tilespmem:$0x1E410] =	vst v63  }
0x91: {  	s7 =	simm.s32 $0x70;
	s4 =	sld [smem:$0x7E2]  }
0x92: {  	[tilespmem:s7], [sflag:$0x1] =	stream.linear.gather [hbm4b:s18+s2], $0x38, $0x38;
	[tilespmem:$0x1E410] =	vst v63  }
0x93: {  	s8 =	rddreg [dreg:$0x6];
	s7 =	simm.s32 $0x2A0  }
0x94: {  	[tilespmem:s7], [sflag:$0x1] =	stream.linear.gather [hbm4b:s4+s2], $0x38, $0x38;
	[tilespmem:$0x1E410] =	vst v63  }
0x95: {  	s9 =	simm.s32 $0xA8;
	s10 =	rddreg [dreg:$0x7]  }
0x96: {  	[tilespmem:s9], [sflag:$0x1] =	stream.linear.gather [hbm4b:s8+s2], $0x38, $0x38;
	[tilespmem:$0x1E410] =	vst v63  }
0x97: {  	s11 =	simm.s32 $0x2D8;
	s12 =	sld [smem:$0x7E3]  }
0x98: {  	[tilespmem:s11], [sflag:$0x1] =	stream.linear.gather [hbm4b:s10+s2], $0x38, $0x38;
	[tilespmem:$0x1E410] =	vst v63  }
0x99: {  	s16 =	simm.s32 $0xE0;
	s17 =	sld [smem:$0x7E4]  }
0x9a: {  	[tilespmem:s16], [sflag:$0x1] =	stream.linear.gather [hbm4b:s12+s2], $0x38, $0x38;
	[tilespmem:$0x1E410] =	vst v63  }
0x9b: {  	s18 =	simm.s32 $0x310;
	s11 =	simm.s32 $0x70;
	s16 =	simm.s32 $0x3C0  }
0x9c: {  	[tilespmem:s18], [sflag:$0x1] =	stream.linear.gather [hbm4b:s17+s2], $0x38, $0x38;
	[tilespmem:$0x1E410] =	vst v63  }
.LBB2_2:
0x9d: {  	p0 =	sne.s32 s16, $0x63C0;
	[tilespmem:s11+$0x460] =	vst v0  }
0x9e: {  	[tilespmem:s11+$0x3F0] =	vst v0  }
0x9f: {  	[tilespmem:s11+$0x400] =	vst v0  }
.Ltmp2:
0xa0: {  	[tilespmem:s11+$0x410] =	vst v0;
	(pc) =	sbr.rel @p0 .LBB2_2-.Ltmp2, $4  }
0xa1: {  	[tilespmem:s11+$0x420] =	vst v0  }
0xa2: {  	[tilespmem:s11+$0x430] =	vst v0  }
0xa3: {  	[tilespmem:s11+$0x440] =	vst v0  }
0xa4: {  	[tilespmem:s11+$0x450] =	vst v0;
	s11 =	sshra.s32 s16, $0x2;
	s16 =	sadd.s32 $0x200, s16  }
0xa5: {  	[tilespmem:s11+$0x460] =	vst v0  }
0xa6: {  	[tilespmem:s11+$0x3F0] =	vst v0  }
0xa7: {  	[tilespmem:s11+$0x400] =	vst v0  }
0xa8: {  	[tilespmem:s11+$0x410] =	vst v0  }
0xa9: {  	[tilespmem:s11+$0x420] =	vst v0  }
0xaa: {  	[tilespmem:s11+$0x430] =	vst v0  }
0xab: {  	[tilespmem:s11+$0x440] =	vst v0  }
0xac: {  	[tilespmem:s11+$0x450] =	vst v0;
	s5 =	rddreg [dreg:$0x15];
	s7 =	simm.s32 $0x460  }
0xad: {  	[spmem:s5] =	stream.linear.scatter [tilespmem:s7], [sflag:$0xC], $0x1900, $0x38;
	[tilespmem:$0x1E410] =	vst v63  }
0xae: {  	_ =	swait.ge [sflag:s3], $0x1900  }
0xaf: {  	[sflag:s3] =	ssyncset.done $0x0  }
0xb0: {  	s16 =	rddreg [dreg:$0x16];
	[sflag:s3] =	ssyncadd.s32 $0xFFFFE700  }
0xb1: {  	[spmem:s16] =	stream.linear.scatter [tilespmem:s7], [sflag:$0xC], $0x1900, $0x38;
	[tilespmem:$0x1E410] =	vst v63  }
0xb2: {  	_ =	swait.ge [sflag:s3], $0x1900  }
0xb3: {  	[sflag:s3] =	ssyncset.done $0x0  }
0xb4: {  	s17 =	rddreg [dreg:$0x17];
	[sflag:s3] =	ssyncadd.s32 $0xFFFFE700  }
0xb5: {  	[spmem:s17] =	stream.linear.scatter [tilespmem:s7], [sflag:$0xC], $0x1900, $0x38;
	[tilespmem:$0x1E410] =	vst v63  }
0xb6: {  	_ =	swait.ge [sflag:s3], $0x1900  }
0xb7: {  	[sflag:s3] =	ssyncset.done $0x0  }
0xb8: {  	s18 =	rddreg [dreg:$0x18];
	[sflag:s3] =	ssyncadd.s32 $0xFFFFE700  }
0xb9: {  	[spmem:s18] =	stream.linear.scatter [tilespmem:s7], [sflag:$0xC], $0x1900, $0x38;
	[tilespmem:$0x1E410] =	vst v63  }
0xba: {  	_ =	swait.ge [sflag:s3], $0x1900  }
0xbb: {  	[sflag:s3] =	ssyncset.done $0x0  }
0xbc: {  	s2 =	rddreg [dreg:$0x19];
	[sflag:s3] =	ssyncadd.s32 $0xFFFFE700  }
0xbd: {  	[spmem:s2] =	stream.linear.scatter [tilespmem:s7], [sflag:$0xC], $0x1900, $0x38;
	[tilespmem:$0x1E410] =	vst v63  }
0xbe: {  	_ =	swait.ge [sflag:s3], $0x1900  }
0xbf: {  	[sflag:s3] =	ssyncset.done $0x0  }
0xc0: {  	s4 =	rddreg [dreg:$0x1a];
	[sflag:s3] =	ssyncadd.s32 $0xFFFFE700  }
0xc1: {  	[spmem:s4] =	stream.linear.scatter [tilespmem:s7], [sflag:$0xC], $0x1900, $0x38;
	[tilespmem:$0x1E410] =	vst v63  }
0xc2: {  	_ =	swait.ge [sflag:s3], $0x1900  }
0xc3: {  	[sflag:s3] =	ssyncset.done $0x0  }
0xc4: {  	s8 =	rddreg [dreg:$0x1b];
	[sflag:s3] =	ssyncadd.s32 $0xFFFFE700  }
0xc5: {  	[spmem:s8] =	stream.linear.scatter [tilespmem:s7], [sflag:$0xC], $0x1900, $0x38;
	[tilespmem:$0x1E410] =	vst v63  }
0xc6: {  	_ =	swait.ge [sflag:s3], $0x1900  }
0xc7: {  	[sflag:s3] =	ssyncset.done $0x0  }
0xc8: {  	s9 =	rddreg [dreg:$0x1c];
	[sflag:s3] =	ssyncadd.s32 $0xFFFFE700  }
0xc9: {  	[spmem:s9] =	stream.linear.scatter [tilespmem:s7], [sflag:$0xC], $0x1900, $0x38;
	[tilespmem:$0x1E410] =	vst v63  }
0xca: {  	_ =	swait.ge [sflag:s3], $0x1900  }
0xcb: {  	[sflag:s3] =	ssyncset.done $0x0  }
0xcc: {  	s10 =	rddreg [dreg:$0x1d];
	[sflag:s3] =	ssyncadd.s32 $0xFFFFE700  }
0xcd: {  	[spmem:s10] =	stream.linear.scatter [tilespmem:s7], [sflag:$0xC], $0x1900, $0x38;
	[tilespmem:$0x1E410] =	vst v63  }
0xce: {  	_ =	swait.ge [sflag:s3], $0x1900  }
0xcf: {  	[sflag:s3] =	ssyncset.done $0x0  }
0xd0: {  	s11 =	rddreg [dreg:$0x1e];
	[sflag:s3] =	ssyncadd.s32 $0xFFFFE700  }
0xd1: {  	[spmem:s11] =	stream.linear.scatter [tilespmem:s7], [sflag:$0xC], $0x1900, $0x38;
	[tilespmem:$0x1E410] =	vst v63  }
0xd2: {  	_ =	swait.ge [sflag:s3], $0x1900  }
0xd3: {  	[sflag:s3] =	ssyncset.done $0x0  }
0xd4: {  	s12 =	rddreg [dreg:$0x1f];
	[sflag:s3] =	ssyncadd.s32 $0xFFFFE700  }
0xd5: {  	[spmem:s12] =	stream.linear.scatter [tilespmem:s7], [sflag:$0xC], $0x1900, $0x38;
	[tilespmem:$0x1E410] =	vst v63  }
0xd6: {  	_ =	swait.ge [sflag:s3], $0x1900  }
0xd7: {  	s16 =	sld [smem:$0x7DC]  }
0xd8: {  	[sflag:s3] =	ssyncset.done $0x0  }
0xd9: {  	[sflag:s3] =	ssyncadd.s32 $0xFFFFE700  }
0xda: {  	[spmem:s16] =	stream.linear.scatter [tilespmem:s7], [sflag:$0xC], $0x1900, $0x38;
	[tilespmem:$0x1E410] =	vst v63  }
0xdb: {  	_ =	swait.ge [sflag:s3], $0x1900  }
0xdc: {  	s17 =	sld [smem:$0x7DD]  }
0xdd: {  	[sflag:s3] =	ssyncset.done $0x0  }
0xde: {  	[sflag:s3] =	ssyncadd.s32 $0xFFFFE700  }
0xdf: {  	[spmem:s17] =	stream.linear.scatter [tilespmem:s7], [sflag:$0xC], $0xC80, $0x38;
	[tilespmem:$0x1E410] =	vst v63  }
0xe0: {  	_ =	swait.ge [sflag:s3], $0xC80  }
0xe1: {  	[sflag:s3] =	ssyncset.done $0x0  }
0xe2: {  	s18 =	simm.s32 $0x0;
	[sflag:s3] =	ssyncadd.s32 $0xFFFFF380  }
0xe3: {  	s11 =	simm.s32 $0x1D60;
	[tilespmem:s18+$0x1E0F0] =	vst v1  }
0xe4: {  	s5 =	simm.s32 $0x1D60;
	s16 =	simm.s32 $0x40;
	[tilespmem:s11+$0x0] =	vst v0  }
.LBB2_4:
0xe5: {  	p0 =	sne.s32 s16, $0xC40  }
.Ltmp3:
0xe6: {  	_ = 	snop;
	(pc) =	sbr.rel @p0 .LBB2_4-.Ltmp3, $4  }
0xe7: {  	_ = 	snop  }
0xe8: {  	s17 =	sshra.s32 s16, $0x2  }
0xe9: {  	s16 =	sadd.s32 $0x40, s16;
	s5 =	sadd.s32 $0x80, s5;
	[tilespmem:s17+$0x1E0F0] =	vst v1  }
0xea: {  	[tilespmem:s5+$0x0] =	vst v0  }
0xeb: {  	s5 =	sadd.s32 $0x0, s20  }
0xec: {  	[spmem:s5] =	stream.linear.scatter [tilespmem:s11], [sflag:$0xC], $0x10, $0x38;
	[tilespmem:$0x1E410] =	vst v63  }
0xed: {  	s5 =	simm.s32 $0x40  }
.LBB2_6:
0xee: {  	p0 =	sne.s32 s5, $0xC40  }
.Ltmp4:
0xef: {  	_ = 	snop;
	(pc) =	sbr.rel @p0 .LBB2_6-.Ltmp4, $4  }
0xf0: {  	_ = 	snop  }
0xf1: {  	s16 =	sshra.s32 s5, $0x2;
	s5 =	sadd.s32 $0x40, s5  }
0xf2: {  	s11 =	sadd.s32 $0x80, s11;
	s16 =	sadd.s32 s16, s20  }
0xf3: {  	[spmem:s16] =	stream.linear.scatter [tilespmem:s11], [sflag:$0xC], $0x10, $0x38;
	[tilespmem:$0x1E410] =	vst v63  }
0xf4: {  	_ =	swait.ge [sflag:s3], $0x320  }
0xf5: {  	[sflag:s3] =	ssyncset.done $0x0  }
0xf6: {  	s11 =	simm.s32 $0x1D60;
	s5 =	sadd.s32 $0x0, s21;
	[sflag:s3] =	ssyncadd.s32 $0xFFFFFCE0  }
0xf7: {  	[spmem:s5] =	stream.linear.scatter [tilespmem:s11], [sflag:$0xC], $0x10, $0x38;
	[tilespmem:$0x1E410] =	vst v63  }
0xf8: {  	s5 =	simm.s32 $0x40  }
.LBB2_8:
0xf9: {  	p0 =	sne.s32 s5, $0xC40  }
.Ltmp5:
0xfa: {  	_ = 	snop;
	(pc) =	sbr.rel @p0 .LBB2_8-.Ltmp5, $4  }
0xfb: {  	_ = 	snop  }
0xfc: {  	s16 =	sshra.s32 s5, $0x2;
	s5 =	sadd.s32 $0x40, s5  }
0xfd: {  	s11 =	sadd.s32 $0x80, s11;
	s16 =	sadd.s32 s16, s21  }
0xfe: {  	[spmem:s16] =	stream.linear.scatter [tilespmem:s11], [sflag:$0xC], $0x10, $0x38;
	[tilespmem:$0x1E410] =	vst v63  }
0xff: {  	_ =	swait.ge [sflag:s3], $0x320  }
0x100: {  	[sflag:s3] =	ssyncset.done $0x0  }
0x101: {  	s11 =	simm.s32 $0x1D60;
	s5 =	sadd.s32 $0x0, s24;
	[sflag:s3] =	ssyncadd.s32 $0xFFFFFCE0  }
0x102: {  	[spmem:s5] =	stream.linear.scatter [tilespmem:s11], [sflag:$0xC], $0x10, $0x38;
	[tilespmem:$0x1E410] =	vst v63  }
0x103: {  	s5 =	simm.s32 $0x40  }
.LBB2_10:
0x104: {  	p0 =	sne.s32 s5, $0xC40  }
.Ltmp6:
0x105: {  	_ = 	snop;
	(pc) =	sbr.rel @p0 .LBB2_10-.Ltmp6, $4  }
0x106: {  	_ = 	snop  }
0x107: {  	s16 =	sshra.s32 s5, $0x2;
	s5 =	sadd.s32 $0x40, s5  }
0x108: {  	s11 =	sadd.s32 $0x80, s11;
	s16 =	sadd.s32 s16, s24  }
0x109: {  	[spmem:s16] =	stream.linear.scatter [tilespmem:s11], [sflag:$0xC], $0x10, $0x38;
	[tilespmem:$0x1E410] =	vst v63  }
0x10a: {  	_ =	swait.ge [sflag:s3], $0x320  }
0x10b: {  	[sflag:s3] =	ssyncset.done $0x0  }
0x10c: {  	s11 =	simm.s32 $0x1D60;
	s5 =	sadd.s32 $0x0, s25;
	[sflag:s3] =	ssyncadd.s32 $0xFFFFFCE0  }
0x10d: {  	[spmem:s5] =	stream.linear.scatter [tilespmem:s11], [sflag:$0xC], $0x10, $0x38;
	[tilespmem:$0x1E410] =	vst v63  }
0x10e: {  	s5 =	simm.s32 $0x40  }
.LBB2_12:
0x10f: {  	p0 =	sne.s32 s5, $0xC40  }
.Ltmp7:
0x110: {  	_ = 	snop;
	(pc) =	sbr.rel @p0 .LBB2_12-.Ltmp7, $4  }
0x111: {  	_ = 	snop  }
0x112: {  	s16 =	sshra.s32 s5, $0x2;
	s5 =	sadd.s32 $0x40, s5  }
0x113: {  	s11 =	sadd.s32 $0x80, s11;
	s16 =	sadd.s32 s16, s25  }
0x114: {  	[spmem:s16] =	stream.linear.scatter [tilespmem:s11], [sflag:$0xC], $0x10, $0x38;
	[tilespmem:$0x1E410] =	vst v63  }
0x115: {  	_ =	swait.ge [sflag:s3], $0x320  }
0x116: {  	[sflag:s3] =	ssyncset.done $0x0  }
0x117: {  	s11 =	simm.s32 $0x1D60;
	s5 =	sadd.s32 $0x0, s26;
	[sflag:s3] =	ssyncadd.s32 $0xFFFFFCE0  }
0x118: {  	[spmem:s5] =	stream.linear.scatter [tilespmem:s11], [sflag:$0xC], $0x10, $0x38;
	[tilespmem:$0x1E410] =	vst v63  }
0x119: {  	s5 =	simm.s32 $0x40  }
.LBB2_14:
0x11a: {  	p0 =	sne.s32 s5, $0xC40  }
.Ltmp8:
0x11b: {  	_ = 	snop;
	(pc) =	sbr.rel @p0 .LBB2_14-.Ltmp8, $4  }
0x11c: {  	_ = 	snop  }
0x11d: {  	s16 =	sshra.s32 s5, $0x2;
	s5 =	sadd.s32 $0x40, s5  }
0x11e: {  	s11 =	sadd.s32 $0x80, s11;
	s16 =	sadd.s32 s16, s26  }
0x11f: {  	[spmem:s16] =	stream.linear.scatter [tilespmem:s11], [sflag:$0xC], $0x10, $0x38;
	[tilespmem:$0x1E410] =	vst v63  }
0x120: {  	_ =	swait.ge [sflag:s3], $0x320  }
0x121: {  	[sflag:s3] =	ssyncset.done $0x0  }
0x122: {  	s11 =	simm.s32 $0x1D60;
	s5 =	sadd.s32 $0x0, s28;
	[sflag:s3] =	ssyncadd.s32 $0xFFFFFCE0  }
0x123: {  	[spmem:s5] =	stream.linear.scatter [tilespmem:s11], [sflag:$0xC], $0x10, $0x38;
	[tilespmem:$0x1E410] =	vst v63  }
0x124: {  	s5 =	simm.s32 $0x40  }
.LBB2_16:
0x125: {  	p0 =	sne.s32 s5, $0xC40  }
.Ltmp9:
0x126: {  	_ = 	snop;
	(pc) =	sbr.rel @p0 .LBB2_16-.Ltmp9, $4  }
0x127: {  	_ = 	snop  }
0x128: {  	s16 =	sshra.s32 s5, $0x2;
	s5 =	sadd.s32 $0x40, s5  }
0x129: {  	s11 =	sadd.s32 $0x80, s11;
	s16 =	sadd.s32 s16, s28  }
0x12a: {  	[spmem:s16] =	stream.linear.scatter [tilespmem:s11], [sflag:$0xC], $0x10, $0x38;
	[tilespmem:$0x1E410] =	vst v63  }
0x12b: {  	_ =	swait.ge [sflag:s3], $0x320  }
0x12c: {  	[sflag:s3] =	ssyncset.done $0x0  }
0x12d: {  	s11 =	simm.s32 $0x1D60;
	s5 =	sadd.s32 $0x0, s29;
	[sflag:s3] =	ssyncadd.s32 $0xFFFFFCE0  }
0x12e: {  	[spmem:s5] =	stream.linear.scatter [tilespmem:s11], [sflag:$0xC], $0x10, $0x38;
	[tilespmem:$0x1E410] =	vst v63  }
0x12f: {  	s5 =	simm.s32 $0x40  }
.LBB2_18:
0x130: {  	p0 =	sne.s32 s5, $0xC40  }
.Ltmp10:
0x131: {  	_ = 	snop;
	(pc) =	sbr.rel @p0 .LBB2_18-.Ltmp10, $4  }
0x132: {  	_ = 	snop  }
0x133: {  	s16 =	sshra.s32 s5, $0x2;
	s5 =	sadd.s32 $0x40, s5  }
0x134: {  	s11 =	sadd.s32 $0x80, s11;
	s16 =	sadd.s32 s16, s29  }
0x135: {  	[spmem:s16] =	stream.linear.scatter [tilespmem:s11], [sflag:$0xC], $0x10, $0x38;
	[tilespmem:$0x1E410] =	vst v63  }
0x136: {  	_ =	swait.ge [sflag:s3], $0x320  }
0x137: {  	[sflag:s3] =	ssyncset.done $0x0  }
0x138: {  	s11 =	simm.s32 $0x1D60;
	s5 =	sadd.s32 $0x0, s30;
	[sflag:s3] =	ssyncadd.s32 $0xFFFFFCE0  }
0x139: {  	[spmem:s5] =	stream.linear.scatter [tilespmem:s11], [sflag:$0xC], $0x10, $0x38;
	[tilespmem:$0x1E410] =	vst v63  }
0x13a: {  	s5 =	simm.s32 $0x40  }
.LBB2_20:
0x13b: {  	p0 =	sne.s32 s5, $0xC40  }
.Ltmp11:
0x13c: {  	_ = 	snop;
	(pc) =	sbr.rel @p0 .LBB2_20-.Ltmp11, $4  }
0x13d: {  	_ = 	snop  }
0x13e: {  	s16 =	sshra.s32 s5, $0x2;
	s5 =	sadd.s32 $0x40, s5  }
0x13f: {  	s11 =	sadd.s32 $0x80, s11;
	s16 =	sadd.s32 s16, s30  }
0x140: {  	[spmem:s16] =	stream.linear.scatter [tilespmem:s11], [sflag:$0xC], $0x10, $0x38;
	[tilespmem:$0x1E410] =	vst v63  }
0x141: {  	_ =	swait.ge [sflag:s3], $0x320  }
0x142: {  	[sflag:s3] =	ssyncset.done $0x0  }
0x143: {  	s11 =	simm.s32 $0x1D60;
	s5 =	sadd.s32 $0x0, s31;
	[sflag:s3] =	ssyncadd.s32 $0xFFFFFCE0  }
0x144: {  	[spmem:s5] =	stream.linear.scatter [tilespmem:s11], [sflag:$0xC], $0x10, $0x38;
	[tilespmem:$0x1E410] =	vst v63  }
0x145: {  	s5 =	simm.s32 $0x40  }
.LBB2_22:
0x146: {  	p0 =	sne.s32 s5, $0xC40  }
.Ltmp12:
0x147: {  	_ = 	snop;
	(pc) =	sbr.rel @p0 .LBB2_22-.Ltmp12, $4  }
0x148: {  	_ = 	snop  }
0x149: {  	s16 =	sshra.s32 s5, $0x2;
	s5 =	sadd.s32 $0x40, s5  }
0x14a: {  	s11 =	sadd.s32 $0x80, s11;
	s16 =	sadd.s32 s16, s31  }
0x14b: {  	[spmem:s16] =	stream.linear.scatter [tilespmem:s11], [sflag:$0xC], $0x10, $0x38;
	[tilespmem:$0x1E410] =	vst v63  }
0x14c: {  	_ =	swait.ge [sflag:s3], $0x320  }
0x14d: {  	[sflag:s3] =	ssyncset.done $0x0  }
0x14e: {  	s11 =	simm.s32 $0x1D60;
	s5 =	sadd.s32 $0x0, s1;
	[sflag:s3] =	ssyncadd.s32 $0xFFFFFCE0  }
0x14f: {  	[spmem:s5] =	stream.linear.scatter [tilespmem:s11], [sflag:$0xC], $0x10, $0x38;
	[tilespmem:$0x1E410] =	vst v63  }
0x150: {  	s5 =	simm.s32 $0x40  }
.LBB2_24:
0x151: {  	p0 =	sne.s32 s5, $0xC40  }
.Ltmp13:
0x152: {  	_ = 	snop;
	(pc) =	sbr.rel @p0 .LBB2_24-.Ltmp13, $4  }
0x153: {  	_ = 	snop  }
0x154: {  	s16 =	sshra.s32 s5, $0x2;
	s5 =	sadd.s32 $0x40, s5  }
0x155: {  	s11 =	sadd.s32 $0x80, s11;
	s16 =	sadd.s32 s16, s1  }
0x156: {  	[spmem:s16] =	stream.linear.scatter [tilespmem:s11], [sflag:$0xC], $0x10, $0x38;
	[tilespmem:$0x1E410] =	vst v63  }
0x157: {  	_ =	swait.ge [sflag:s3], $0x320  }
0x158: {  	[sflag:s3] =	ssyncset.done $0x0  }
0x159: {  	s11 =	simm.s32 $0x1D60;
	s5 =	sadd.s32 $0x0, s0;
	[sflag:s3] =	ssyncadd.s32 $0xFFFFFCE0  }
0x15a: {  	[spmem:s5] =	stream.linear.scatter [tilespmem:s11], [sflag:$0xC], $0x10, $0x38;
	[tilespmem:$0x1E410] =	vst v63  }
0x15b: {  	s5 =	simm.s32 $0x40  }
.LBB2_26:
0x15c: {  	p0 =	sne.s32 s5, $0xC40  }
.Ltmp14:
0x15d: {  	_ = 	snop;
	(pc) =	sbr.rel @p0 .LBB2_26-.Ltmp14, $4  }
0x15e: {  	_ = 	snop  }
0x15f: {  	s16 =	sshra.s32 s5, $0x2;
	s5 =	sadd.s32 $0x40, s5  }
0x160: {  	s11 =	sadd.s32 $0x80, s11;
	s16 =	sadd.s32 s16, s0  }
0x161: {  	[spmem:s16] =	stream.linear.scatter [tilespmem:s11], [sflag:$0xC], $0x10, $0x38;
	[tilespmem:$0x1E410] =	vst v63  }
0x162: {  	_ =	swait.ge [sflag:s3], $0x320  }
0x163: {  	[sflag:s3] =	ssyncset.done $0x0  }
0x164: {  	s11 =	simm.s32 $0x1D60;
	s5 =	sadd.s32 $0x0, s6;
	[sflag:s3] =	ssyncadd.s32 $0xFFFFFCE0  }
0x165: {  	[spmem:s5] =	stream.linear.scatter [tilespmem:s11], [sflag:$0xC], $0x10, $0x38;
	[tilespmem:$0x1E410] =	vst v63  }
0x166: {  	s5 =	simm.s32 $0x40  }
.LBB2_28:
0x167: {  	p0 =	sne.s32 s5, $0xC40  }
.Ltmp15:
0x168: {  	_ = 	snop;
	(pc) =	sbr.rel @p0 .LBB2_28-.Ltmp15, $4  }
0x169: {  	_ = 	snop  }
0x16a: {  	s16 =	sshra.s32 s5, $0x2;
	s5 =	sadd.s32 $0x40, s5  }
0x16b: {  	s11 =	sadd.s32 $0x80, s11;
	s16 =	sadd.s32 s16, s6  }
0x16c: {  	[spmem:s16] =	stream.linear.scatter [tilespmem:s11], [sflag:$0xC], $0x10, $0x38;
	[tilespmem:$0x1E410] =	vst v63  }
0x16d: {  	_ =	swait.ge [sflag:s3], $0x320  }
0x16e: {  	s5 =	sld [smem:$0x7FC]  }
0x16f: {  	[sflag:s3] =	ssyncset.done $0x0  }
0x170: {  	s4 =	sld [smem:$0x7E5];
	[sflag:s3] =	ssyncadd.s32 $0xFFFFFCE0  }
0x171: {  	[spmem:s5] =	stream.linear.scatter [tilespmem:s13], [sflag:$0xC], $0x10, $0x38;
	[tilespmem:$0x1E410] =	vst v63  }
0x172: {  	s2 =	simm.s32 $0x1DE0;
	s7 =	sld [smem:$0x7E6]  }
0x173: {  	[spmem:s4] =	stream.linear.scatter [tilespmem:s2], [sflag:$0xC], $0x10, $0x38;
	[tilespmem:$0x1E410] =	vst v63  }
0x174: {  	s8 =	simm.s32 $0x1E60;
	s9 =	sld [smem:$0x7E7]  }
0x175: {  	[spmem:s7] =	stream.linear.scatter [tilespmem:s8], [sflag:$0xC], $0x10, $0x38;
	[tilespmem:$0x1E410] =	vst v63  }
0x176: {  	s10 =	simm.s32 $0x1EE0;
	s11 =	sld [smem:$0x7E8]  }
0x177: {  	[spmem:s9] =	stream.linear.scatter [tilespmem:s10], [sflag:$0xC], $0x10, $0x38;
	[tilespmem:$0x1E410] =	vst v63  }
0x178: {  	s12 =	simm.s32 $0x1F60;
	s13 =	sld [smem:$0x7E9]  }
0x179: {  	[spmem:s11] =	stream.linear.scatter [tilespmem:s12], [sflag:$0xC], $0x10, $0x38;
	[tilespmem:$0x1E410] =	vst v63  }
0x17a: {  	s16 =	simm.s32 $0x1FE0;
	s17 =	sld [smem:$0x7EA]  }
0x17b: {  	[spmem:s13] =	stream.linear.scatter [tilespmem:s16], [sflag:$0xC], $0x10, $0x38;
	[tilespmem:$0x1E410] =	vst v63  }
0x17c: {  	s18 =	simm.s32 $0x2060;
	s2 =	sld [smem:$0x7EB]  }
0x17d: {  	[spmem:s17] =	stream.linear.scatter [tilespmem:s18], [sflag:$0xC], $0x10, $0x38;
	[tilespmem:$0x1E410] =	vst v63  }
0x17e: {  	s4 =	simm.s32 $0x20E0;
	s7 =	sld [smem:$0x7EC]  }
0x17f: {  	[spmem:s2] =	stream.linear.scatter [tilespmem:s4], [sflag:$0xC], $0x10, $0x38;
	[tilespmem:$0x1E410] =	vst v63  }
0x180: {  	s8 =	simm.s32 $0x2160;
	s9 =	sld [smem:$0x7ED]  }
0x181: {  	[spmem:s7] =	stream.linear.scatter [tilespmem:s8], [sflag:$0xC], $0x10, $0x38;
	[tilespmem:$0x1E410] =	vst v63  }
0x182: {  	s10 =	simm.s32 $0x21E0;
	s11 =	sld [smem:$0x7EE]  }
0x183: {  	[spmem:s9] =	stream.linear.scatter [tilespmem:s10], [sflag:$0xC], $0x10, $0x38;
	[tilespmem:$0x1E410] =	vst v63  }
0x184: {  	s12 =	simm.s32 $0x2260;
	s13 =	sld [smem:$0x7EF]  }
0x185: {  	[spmem:s11] =	stream.linear.scatter [tilespmem:s12], [sflag:$0xC], $0x10, $0x38;
	[tilespmem:$0x1E410] =	vst v63  }
0x186: {  	s16 =	simm.s32 $0x22E0;
	s17 =	sld [smem:$0x7F0]  }
0x187: {  	[spmem:s13] =	stream.linear.scatter [tilespmem:s16], [sflag:$0xC], $0x10, $0x38;
	[tilespmem:$0x1E410] =	vst v63  }
0x188: {  	s18 =	simm.s32 $0x2360;
	s2 =	sld [smem:$0x7F1]  }
0x189: {  	[spmem:s17] =	stream.linear.scatter [tilespmem:s18], [sflag:$0xC], $0x10, $0x38;
	[tilespmem:$0x1E410] =	vst v63  }
0x18a: {  	s4 =	simm.s32 $0x23E0;
	s7 =	sld [smem:$0x7F2]  }
0x18b: {  	[spmem:s2] =	stream.linear.scatter [tilespmem:s4], [sflag:$0xC], $0x10, $0x38;
	[tilespmem:$0x1E410] =	vst v63  }
0x18c: {  	s8 =	simm.s32 $0x2460;
	s9 =	sld [smem:$0x7F3]  }
0x18d: {  	[spmem:s7] =	stream.linear.scatter [tilespmem:s8], [sflag:$0xC], $0x10, $0x38;
	[tilespmem:$0x1E410] =	vst v63  }
0x18e: {  	s10 =	simm.s32 $0x24E0;
	s11 =	sld [smem:$0x7F4]  }
0x18f: {  	[spmem:s9] =	stream.linear.scatter [tilespmem:s10], [sflag:$0xC], $0x10, $0x38;
	[tilespmem:$0x1E410] =	vst v63  }
0x190: {  	s12 =	simm.s32 $0x2560;
	s13 =	sld [smem:$0x7F5]  }
0x191: {  	[spmem:s11] =	stream.linear.scatter [tilespmem:s12], [sflag:$0xC], $0x10, $0x38;
	[tilespmem:$0x1E410] =	vst v63  }
0x192: {  	s16 =	simm.s32 $0x25E0;
	s17 =	sld [smem:$0x7F6]  }
0x193: {  	[spmem:s13] =	stream.linear.scatter [tilespmem:s16], [sflag:$0xC], $0x10, $0x38;
	[tilespmem:$0x1E410] =	vst v63  }
0x194: {  	s18 =	simm.s32 $0x2660;
	s2 =	sld [smem:$0x7F7]  }
0x195: {  	[spmem:s17] =	stream.linear.scatter [tilespmem:s18], [sflag:$0xC], $0x10, $0x38;
	[tilespmem:$0x1E410] =	vst v63  }
0x196: {  	s4 =	simm.s32 $0x26E0;
	s7 =	sld [smem:$0x7F8]  }
0x197: {  	[spmem:s2] =	stream.linear.scatter [tilespmem:s4], [sflag:$0xC], $0x10, $0x38;
	[tilespmem:$0x1E410] =	vst v63  }
0x198: {  	s8 =	simm.s32 $0x2760;
	s9 =	sld [smem:$0x7F9]  }
0x199: {  	[spmem:s7] =	stream.linear.scatter [tilespmem:s8], [sflag:$0xC], $0x10, $0x38;
	[tilespmem:$0x1E410] =	vst v63  }
0x19a: {  	s10 =	simm.s32 $0x27E0;
	s11 =	sld [smem:$0x7FA]  }
0x19b: {  	[spmem:s9] =	stream.linear.scatter [tilespmem:s10], [sflag:$0xC], $0x10, $0x38;
	[tilespmem:$0x1E410] =	vst v63  }
0x19c: {  	s12 =	simm.s32 $0x2860;
	s13 =	sld [smem:$0x7FB]  }
0x19d: {  	[spmem:s11] =	stream.linear.scatter [tilespmem:s12], [sflag:$0xC], $0x10, $0x38;
	[tilespmem:$0x1E410] =	vst v63  }
0x19e: {  	s16 =	simm.s32 $0x28E0;
	s17 =	sld [smem:$0x7FD]  }
0x19f: {  	[spmem:s13] =	stream.linear.scatter [tilespmem:s16], [sflag:$0xC], $0x10, $0x38;
	[tilespmem:$0x1E410] =	vst v63  }
0x1a0: {  	s18 =	simm.s32 $0x2960  }
0x1a1: {  	[spmem:s17] =	stream.linear.scatter [tilespmem:s18], [sflag:$0xC], $0x10, $0x38;
	[tilespmem:$0x1E410] =	vst v63  }
0x1a2: {  	_ =	swait.ge [sflag:s3], $0x190  }
0x1a3: {  	[sflag:s3] =	ssyncset.done $0x0  }
0x1a4: {  	[sflag:s3] =	ssyncadd.s32 $0xFFFFFE70  }
0x1a5: {  	_ =	swait.ge [sflag:s14], $0x38  }
0x1a6: {  	[sflag:s14] =	ssyncset.done $0x0  }
0x1a7: {  	[sflag:s14] =	ssyncadd.s32 $0xFFFFFFC8  }
0x1a8: {  	_ =	swait.ge [sflag:s14], $0x38  }
0x1a9: {  	[sflag:s14] =	ssyncset.done $0x0  }
0x1aa: {  	[sflag:s14] =	ssyncadd.s32 $0xFFFFFFC8  }
0x1ab: {  	_ =	swait.ge [sflag:s14], $0x38  }
0x1ac: {  	[sflag:s14] =	ssyncset.done $0x0  }
0x1ad: {  	[sflag:s14] =	ssyncadd.s32 $0xFFFFFFC8  }
0x1ae: {  	_ =	swait.ge [sflag:s14], $0x38  }
0x1af: {  	[sflag:s14] =	ssyncset.done $0x0  }
0x1b0: {  	[sflag:s14] =	ssyncadd.s32 $0xFFFFFFC8  }
0x1b1: {  	_ =	swait.ge [sflag:s14], $0x38  }
0x1b2: {  	[sflag:s14] =	ssyncset.done $0x0  }
0x1b3: {  	[sflag:s14] =	ssyncadd.s32 $0xFFFFFFC8  }
0x1b4: {  	_ =	swait.ge [sflag:s14], $0x38  }
0x1b5: {  	[sflag:s14] =	ssyncset.done $0x0  }
0x1b6: {  	[sflag:s14] =	ssyncadd.s32 $0xFFFFFFC8  }
0x1b7: {  	_ =	swait.ge [sflag:s14], $0x38  }
0x1b8: {  	[sflag:s14] =	ssyncset.done $0x0  }
0x1b9: {  	[sflag:s14] =	ssyncadd.s32 $0xFFFFFFC8  }
0x1ba: {  	_ =	swait.ge [sflag:s14], $0x38  }
0x1bb: {  	[sflag:s14] =	ssyncset.done $0x0  }
0x1bc: {  	[sflag:s14] =	ssyncadd.s32 $0xFFFFFFC8  }
0x1bd: {  	_ =	swait.ge [sflag:s14], $0x38  }
0x1be: {  	[sflag:s14] =	ssyncset.done $0x0  }
0x1bf: {  	[sflag:s14] =	ssyncadd.s32 $0xFFFFFFC8  }
0x1c0: {  	_ =	swait.ge [sflag:s14], $0x38  }
0x1c1: {  	[sflag:s14] =	ssyncset.done $0x0  }
0x1c2: {  	[sflag:s14] =	ssyncadd.s32 $0xFFFFFFC8  }
0x1c3: {  	s11 =	simm.s32 $0x0;
	[bflag:$0x0] =	sbarrier.arrive $0xFFFF  }
.LBB2_30:
0x1c4: {  	p0 =	sne.s32 s11, $0x0  }
0x1c5: {  	s5 =	simm.s32 @p0 $0x7  }
0x1c6: {  	_ =	swait.ge @p0 [sflag:s5], $0x1900  }
0x1c7: {  	[sflag:s5] =	ssyncset.done @p0 $0x0  }
0x1c8: {  	[sflag:s5] =	ssyncadd.s32 @p0 $0xFFFFE700  }
0x1c9: {  	_ =	swait.ge @p0 [sflag:s5], $0x320  }
0x1ca: {  	s16 =	simm.s32 @p0 $0x0;
	[sflag:s5] =	ssyncset.done @p0 $0x0  }
0x1cb: {  	s17 =	simm.s32 @p0 $0x460;
	[sflag:s5] =	ssyncadd.s32 @p0 $0xFFFFFCE0;
	s5 =	simm.s32 @p0 $0x32  }
0x1cc: {  	[tilespmem:s17], [sflag:$0x2] =	stream.indirect.gather @p0 [hbm4b:s23+s5], $0x80, s16, s5, $0xb8;
	[tilespmem:$0x1E410] =	vst v63  }
0x1cd: {  	s16 =	simm.s32 @p0 $0x8  }
0x1ce: {  	_ =	swait.ge @p0 [sflag:s16], $0x1900  }
0x1cf: {  	[sflag:s16] =	ssyncset.done @p0 $0x0  }
0x1d0: {  	[sflag:s16] =	ssyncadd.s32 @p0 $0xFFFFE700  }
0x1d1: {  	_ =	swait.ge @p0 [sflag:s16], $0x320  }
0x1d2: {  	[sflag:s16] =	ssyncset.done @p0 $0x0  }
0x1d3: {  	s17 =	simm.s32 @p0 $0x1D60;
	[sflag:s16] =	ssyncadd.s32 @p0 $0xFFFFFCE0;
	s16 =	simm.s32 @p0 $0x38  }
0x1d4: {  	[tilespmem:s17], [sflag:$0x3] =	stream.indirect.gather @p0 [hbm4b:s23+s5], $0x80, s16, s5, $0xb8;
	[tilespmem:$0x1E410] =	vst v63  }
0x1d5: {  	s16 =	simm.s32 @p0 $0x9  }
0x1d6: {  	_ =	swait.ge @p0 [sflag:s16], $0x1900  }
0x1d7: {  	[sflag:s16] =	ssyncset.done @p0 $0x0  }
0x1d8: {  	[sflag:s16] =	ssyncadd.s32 @p0 $0xFFFFE700  }
0x1d9: {  	_ =	swait.ge @p0 [sflag:s16], $0x320  }
0x1da: {  	[sflag:s16] =	ssyncset.done @p0 $0x0  }
0x1db: {  	s17 =	simm.s32 @p0 $0x3660;
	[sflag:s16] =	ssyncadd.s32 @p0 $0xFFFFFCE0;
	s16 =	simm.s32 @p0 $0x70  }
0x1dc: {  	[tilespmem:s17], [sflag:$0x4] =	stream.indirect.gather @p0 [hbm4b:s23+s5], $0x80, s16, s5, $0xb8;
	[tilespmem:$0x1E410] =	vst v63  }
0x1dd: {  	s16 =	simm.s32 @p0 $0xA  }
0x1de: {  	_ =	swait.ge @p0 [sflag:s16], $0x1900  }
0x1df: {  	[sflag:s16] =	ssyncset.done @p0 $0x0  }
0x1e0: {  	[sflag:s16] =	ssyncadd.s32 @p0 $0xFFFFE700  }
0x1e1: {  	_ =	swait.ge @p0 [sflag:s16], $0x320  }
0x1e2: {  	[sflag:s16] =	ssyncset.done @p0 $0x0  }
0x1e3: {  	s17 =	simm.s32 @p0 $0x4F60;
	[sflag:s16] =	ssyncadd.s32 @p0 $0xFFFFFCE0;
	s16 =	simm.s32 @p0 $0xA8  }
0x1e4: {  	[tilespmem:s17], [sflag:$0x5] =	stream.indirect.gather @p0 [hbm4b:s23+s5], $0x80, s16, s5, $0xb8;
	[tilespmem:$0x1E410] =	vst v63  }
0x1e5: {  	s5 =	simm.s32 @p0 $0xB  }
0x1e6: {  	_ =	swait.ge @p0 [sflag:s5], $0x1900  }
0x1e7: {  	[sflag:s5] =	ssyncset.done @p0 $0x0  }
0x1e8: {  	[sflag:s5] =	ssyncadd.s32 @p0 $0xFFFFE700  }
0x1e9: {  	_ =	swait.ge @p0 [sflag:s5], $0x320  }
0x1ea: {  	s16 =	simm.s32 @!p0 $0x0;
	[sflag:s5] =	ssyncset.done @p0 $0x0  }
0x1eb: {  	s17 =	simm.s32 @!p0 $0x460;
	[sflag:s5] =	ssyncadd.s32 @p0 $0xFFFFFCE0;
	s5 =	simm.s32 @!p0 $0x32  }
0x1ec: {  	[tilespmem:s17], [sflag:$0x2] =	stream.indirect.gather @!p0 [hbm4b:s23+s5], $0x80, s16, s5, $0xb8;
	[tilespmem:$0x1E410] =	vst v63  }
0x1ed: {  	s16 =	simm.s32 @!p0 $0x38;
	s17 =	simm.s32 @!p0 $0x1D60  }
0x1ee: {  	[tilespmem:s17], [sflag:$0x3] =	stream.indirect.gather @!p0 [hbm4b:s23+s5], $0x80, s16, s5, $0xb8;
	[tilespmem:$0x1E410] =	vst v63  }
0x1ef: {  	s18 =	simm.s32 $0xE0;
	s16 =	simm.s32 @!p0 $0x70;
	s17 =	simm.s32 @!p0 $0x3660  }
0x1f0: {  	[tilespmem:s17], [sflag:$0x4] =	stream.indirect.gather @!p0 [hbm4b:s23+s5], $0x80, s16, s5, $0xb8;
	[tilespmem:$0x1E410] =	vst v63  }
0x1f1: {  	s12 =	rddreg [dreg:$0x9];
	s16 =	simm.s32 @!p0 $0xA8;
	s17 =	simm.s32 @!p0 $0x4F60  }
0x1f2: {  	[tilespmem:s17], [sflag:$0x5] =	stream.indirect.gather @!p0 [hbm4b:s23+s5], $0x80, s16, s5, $0xb8;
	[tilespmem:$0x1E410] =	vst v63  }
0x1f3: {  	s2 =	simm.s32 $0x6860;
	s4 =	rddreg [dreg:$0x12];
	s5 =	sadd.s32 s11, s12  }
0x1f4: {  	[tilespmem:s2], [sflag:$0x6] =	stream.indirect.gather [hbm4b:s23+s15], $0x80, s18, s15, $0xb8;
	[tilespmem:$0x1E410] =	vst v63  }
0x1f5: {  	s17 =	simm.s32 $0x118;
	s3 =	sadd.s32 $0x23, s5;
	s2 =	simm.s32 $0x0  }
0x1f6: {  	[tilespmem:s17], [sflag:$0x1] =	stream.linear.gather [hbm4b:s3+s2], $0x38, $0x38;
	[tilespmem:$0x1E410] =	vst v63  }
0x1f7: {  	s16 =	sadd.s32 s11, s4;
	s3 =	simm.s32 $0x348  }
0x1f8: {  	[tilespmem:s3], [sflag:$0x1] =	stream.linear.gather [hbm4b:s16+s2], $0x38, $0x38;
	[tilespmem:$0x1E410] =	vst v63  }
0x1f9: {  	s8 =	rddreg [dreg:$0x11];
	s7 =	sadd.s32 $0x2A, s5;
	s18 =	simm.s32 $0x150  }
0x1fa: {  	[tilespmem:s18], [sflag:$0x1] =	stream.linear.gather [hbm4b:s7+s2], $0x38, $0x38;
	[tilespmem:$0x1E410] =	vst v63  }
0x1fb: {  	s9 =	simm.s32 $0x380;
	s16 =	sadd.s32 s11, s8  }
0x1fc: {  	[tilespmem:s9], [sflag:$0x1] =	stream.linear.gather [hbm4b:s16+s2], $0x38, $0x38;
	[tilespmem:$0x1E410] =	vst v63  }
0x1fd: {  	s13 =	simm.s32 $0x188;
	s4 =	rddreg [dreg:$0x10];
	s10 =	sadd.s32 $0x31, s5  }
0x1fe: {  	[tilespmem:s13], [sflag:$0x1] =	stream.linear.gather [hbm4b:s10+s2], $0x38, $0x38;
	[tilespmem:$0x1E410] =	vst v63  }
0x1ff: {  	s7 =	simm.s32 $0x3B8;
	s16 =	sadd.s32 s11, s4  }
0x200: {  	[tilespmem:s7], [sflag:$0x1] =	stream.linear.gather [hbm4b:s16+s2], $0x38, $0x38;
	[tilespmem:$0x1E410] =	vst v63  }
0x201: {  	s8 =	sadd.s32 $0x38, s5;
	s9 =	simm.s32 $0x1C0;
	s10 =	rddreg [dreg:$0xf]  }
0x202: {  	[tilespmem:s9], [sflag:$0x1] =	stream.linear.gather [hbm4b:s8+s2], $0x38, $0x38;
	[tilespmem:$0x1E410] =	vst v63  }
0x203: {  	s13 =	simm.s32 $0x3F0;
	s16 =	sadd.s32 s11, s10  }
0x204: {  	[tilespmem:s13], [sflag:$0x1] =	stream.linear.gather [hbm4b:s16+s2], $0x38, $0x38;
	[tilespmem:$0x1E410] =	vst v63  }
0x205: {  	s5 =	sadd.s32 $0x3F, s5;
	s3 =	rddreg [dreg:$0xe];
	s16 =	simm.s32 $0x1F8  }
0x206: {  	[tilespmem:s16], [sflag:$0x1] =	stream.linear.gather [hbm4b:s5+s2], $0x38, $0x38;
	[tilespmem:$0x1E410] =	vst v63  }
0x207: {  	s4 =	simm.s32 $0x428;
	s5 =	sadd.s32 s11, s3  }
0x208: {  	[tilespmem:s4], [sflag:$0x1] =	stream.linear.gather [hbm4b:s5+s2], $0x38, $0x38;
	[tilespmem:$0x1E410] =	vst v63  }
0x209: {  	s2 =	simm.s32 $0x2  }
0x20a: {  	_ =	swait.ge [sflag:s2], $0x1900  }
0x20b: {  	[sflag:s2] =	ssyncset.done $0x0  }
0x20c: {  	[sflag:s2] =	ssyncadd.s32 $0xFFFFE700  }
0x20d: {  	s7 =	simm.s32 $0x230;
	s13 =	simm.s32 $0x460;
	s3 =	rddreg [dreg:$0x1]  }
0x20e: {  	[spmem:s3] =	stream.indirect.scatter.add.f32 [tilespmem:s13], [sflag:$0x7], $0x80, s7, s15, $0xb8;
	[tilespmem:$0x1E410] =	vst v63  }
0x20f: {  	s4 =	rddreg [dreg:$0x2]  }
0x210: {  	[spmem:s4] =	stream.indirect.scatter.add.f32 [tilespmem:s22], [sflag:$0x7], $0x10, s7, s15, $0xb8;
	[tilespmem:$0x1E410] =	vst v63  }
0x211: {  	_ =	swait.ge [sflag:s19], $0x1900  }
0x212: {  	[sflag:s19] =	ssyncset.done $0x0  }
0x213: {  	s8 =	simm.s32 $0x268;
	s7 =	simm.s32 $0x1D60;
	[sflag:s19] =	ssyncadd.s32 $0xFFFFE700  }
0x214: {  	[spmem:s3] =	stream.indirect.scatter.add.f32 [tilespmem:s7], [sflag:$0x8], $0x80, s8, s15, $0xb8;
	[tilespmem:$0x1E410] =	vst v63  }
0x215: {  	s7 =	simm.s32 $0x4  }
0x216: {  	[spmem:s4] =	stream.indirect.scatter.add.f32 [tilespmem:s22], [sflag:$0x8], $0x10, s8, s15, $0xb8;
	[tilespmem:$0x1E410] =	vst v63  }
0x217: {  	_ =	swait.ge [sflag:s7], $0x1900  }
0x218: {  	[sflag:s7] =	ssyncset.done $0x0  }
0x219: {  	s9 =	simm.s32 $0x2A0;
	s8 =	simm.s32 $0x3660;
	[sflag:s7] =	ssyncadd.s32 $0xFFFFE700  }
0x21a: {  	[spmem:s3] =	stream.indirect.scatter.add.f32 [tilespmem:s8], [sflag:$0x9], $0x80, s9, s15, $0xb8;
	[tilespmem:$0x1E410] =	vst v63  }
0x21b: {  	s8 =	simm.s32 $0x5  }
0x21c: {  	[spmem:s4] =	stream.indirect.scatter.add.f32 [tilespmem:s22], [sflag:$0x9], $0x10, s9, s15, $0xb8;
	[tilespmem:$0x1E410] =	vst v63  }
0x21d: {  	_ =	swait.ge [sflag:s8], $0x1900  }
0x21e: {  	[sflag:s8] =	ssyncset.done $0x0  }
0x21f: {  	s10 =	simm.s32 $0x2D8;
	s9 =	simm.s32 $0x4F60;
	[sflag:s8] =	ssyncadd.s32 $0xFFFFE700  }
0x220: {  	[spmem:s3] =	stream.indirect.scatter.add.f32 [tilespmem:s9], [sflag:$0xA], $0x80, s10, s15, $0xb8;
	[tilespmem:$0x1E410] =	vst v63  }
0x221: {  	s9 =	simm.s32 $0x6  }
0x222: {  	[spmem:s4] =	stream.indirect.scatter.add.f32 [tilespmem:s22], [sflag:$0xA], $0x10, s10, s15, $0xb8;
	[tilespmem:$0x1E410] =	vst v63  }
0x223: {  	_ =	swait.ge [sflag:s9], $0x1900  }
0x224: {  	[sflag:s9] =	ssyncset.done $0x0  }
0x225: {  	s5 =	simm.s32 $0x310;
	s10 =	simm.s32 $0x6860;
	[sflag:s9] =	ssyncadd.s32 $0xFFFFE700  }
0x226: {  	[spmem:s3] =	stream.indirect.scatter.add.f32 [tilespmem:s10], [sflag:$0xB], $0x80, s5, s15, $0xb8;
	[tilespmem:$0x1E410] =	vst v63  }
0x227: {  	_ = 	snop  }
0x228: {  	[spmem:s4] =	stream.indirect.scatter.add.f32 [tilespmem:s22], [sflag:$0xB], $0x10, s5, s15, $0xb8;
	[tilespmem:$0x1E410] =	vst v63  }
0x229: {  	_ =	swait.ge [sflag:s14], $0x38  }
0x22a: {  	[sflag:s14] =	ssyncset.done $0x0  }
0x22b: {  	[sflag:s14] =	ssyncadd.s32 $0xFFFFFFC8  }
0x22c: {  	_ =	swait.ge [sflag:s14], $0x38  }
0x22d: {  	[sflag:s14] =	ssyncset.done $0x0  }
0x22e: {  	[sflag:s14] =	ssyncadd.s32 $0xFFFFFFC8  }
0x22f: {  	_ =	swait.ge [sflag:s14], $0x38  }
0x230: {  	[sflag:s14] =	ssyncset.done $0x0  }
0x231: {  	[sflag:s14] =	ssyncadd.s32 $0xFFFFFFC8  }
0x232: {  	_ =	swait.ge [sflag:s14], $0x38  }
0x233: {  	[sflag:s14] =	ssyncset.done $0x0  }
0x234: {  	[sflag:s14] =	ssyncadd.s32 $0xFFFFFFC8  }
0x235: {  	_ =	swait.ge [sflag:s14], $0x38  }
0x236: {  	[sflag:s14] =	ssyncset.done $0x0  }
0x237: {  	[sflag:s14] =	ssyncadd.s32 $0xFFFFFFC8  }
0x238: {  	_ =	swait.ge [sflag:s14], $0x38  }
0x239: {  	[sflag:s14] =	ssyncset.done $0x0  }
0x23a: {  	[sflag:s14] =	ssyncadd.s32 $0xFFFFFFC8  }
0x23b: {  	_ =	swait.ge [sflag:s14], $0x38  }
0x23c: {  	[sflag:s14] =	ssyncset.done $0x0  }
0x23d: {  	[sflag:s14] =	ssyncadd.s32 $0xFFFFFFC8  }
0x23e: {  	_ =	swait.ge [sflag:s14], $0x38  }
0x23f: {  	[sflag:s14] =	ssyncset.done $0x0  }
0x240: {  	[sflag:s14] =	ssyncadd.s32 $0xFFFFFFC8  }
0x241: {  	_ =	swait.ge [sflag:s14], $0x38  }
0x242: {  	[sflag:s14] =	ssyncset.done $0x0  }
0x243: {  	[sflag:s14] =	ssyncadd.s32 $0xFFFFFFC8  }
0x244: {  	_ =	swait.ge [sflag:s14], $0x38  }
0x245: {  	[sflag:s14] =	ssyncset.done $0x0  }
0x246: {  	s5 =	simm.s32 $0x7;
	[sflag:s14] =	ssyncadd.s32 $0xFFFFFFC8  }
0x247: {  	_ =	swait.ge [sflag:s5], $0x1900  }
0x248: {  	[sflag:s5] =	ssyncset.done $0x0  }
0x249: {  	[sflag:s5] =	ssyncadd.s32 $0xFFFFE700  }
0x24a: {  	_ =	swait.ge [sflag:s5], $0x320  }
0x24b: {  	[sflag:s5] =	ssyncset.done $0x0  }
0x24c: {  	[sflag:s5] =	ssyncadd.s32 $0xFFFFFCE0  }
0x24d: {  	[tilespmem:s13], [sflag:$0x2] =	stream.indirect.gather [hbm4b:s23+s15], $0x80, s17, s15, $0xb8;
	[tilespmem:$0x1E410] =	vst v63  }
0x24e: {  	s17 =	simm.s32 $0x8  }
0x24f: {  	_ =	swait.ge [sflag:s17], $0x1900  }
0x250: {  	[sflag:s17] =	ssyncset.done $0x0  }
0x251: {  	[sflag:s17] =	ssyncadd.s32 $0xFFFFE700  }
0x252: {  	_ =	swait.ge [sflag:s17], $0x320  }
0x253: {  	[sflag:s17] =	ssyncset.done $0x0  }
0x254: {  	[sflag:s17] =	ssyncadd.s32 $0xFFFFFCE0;
	s17 =	simm.s32 $0x1D60  }
0x255: {  	[tilespmem:s17], [sflag:$0x3] =	stream.indirect.gather [hbm4b:s23+s15], $0x80, s18, s15, $0xb8;
	[tilespmem:$0x1E410] =	vst v63  }
0x256: {  	s18 =	simm.s32 $0x9  }
0x257: {  	_ =	swait.ge [sflag:s18], $0x1900  }
0x258: {  	[sflag:s18] =	ssyncset.done $0x0  }
0x259: {  	[sflag:s18] =	ssyncadd.s32 $0xFFFFE700  }
0x25a: {  	_ =	swait.ge [sflag:s18], $0x320  }
0x25b: {  	[sflag:s18] =	ssyncset.done $0x0  }
0x25c: {  	s17 =	simm.s32 $0x3660;
	[sflag:s18] =	ssyncadd.s32 $0xFFFFFCE0;
	s18 =	simm.s32 $0x188  }
0x25d: {  	[tilespmem:s17], [sflag:$0x4] =	stream.indirect.gather [hbm4b:s23+s15], $0x80, s18, s15, $0xb8;
	[tilespmem:$0x1E410] =	vst v63  }
0x25e: {  	s18 =	simm.s32 $0xA  }
0x25f: {  	_ =	swait.ge [sflag:s18], $0x1900  }
0x260: {  	[sflag:s18] =	ssyncset.done $0x0  }
0x261: {  	[sflag:s18] =	ssyncadd.s32 $0xFFFFE700  }
0x262: {  	_ =	swait.ge [sflag:s18], $0x320  }
0x263: {  	[sflag:s18] =	ssyncset.done $0x0  }
0x264: {  	s17 =	simm.s32 $0x4F60;
	[sflag:s18] =	ssyncadd.s32 $0xFFFFFCE0;
	s18 =	simm.s32 $0x1C0  }
0x265: {  	[tilespmem:s17], [sflag:$0x5] =	stream.indirect.gather [hbm4b:s23+s15], $0x80, s18, s15, $0xb8;
	[tilespmem:$0x1E410] =	vst v63  }
0x266: {  	s17 =	simm.s32 $0xB  }
0x267: {  	_ =	swait.ge [sflag:s17], $0x1900  }
0x268: {  	[sflag:s17] =	ssyncset.done $0x0  }
0x269: {  	[sflag:s17] =	ssyncadd.s32 $0xFFFFE700  }
0x26a: {  	_ =	swait.ge [sflag:s17], $0x320  }
0x26b: {  	p0 =	seq.s32 s11, $0x532;
	[sflag:s17] =	ssyncset.done $0x0  }
0x26c: {  	s5 =	sadd.s32 @!p0 s11, s12;
	[sflag:s17] =	ssyncadd.s32 $0xFFFFFCE0  }
0x26d: {  	[tilespmem:s10], [sflag:$0x6] =	stream.indirect.gather [hbm4b:s23+s15], $0x80, s16, s15, $0xb8;
	[tilespmem:$0x1E410] =	vst v63  }
0x26e: {  	s12 =	rddreg [dreg:$0xd];
	s17 =	simm.s32 @!p0 $0x0;
	s16 =	sadd.s32 @!p0 $0x46, s5  }
0x26f: {  	[tilespmem:s17], [sflag:$0x1] =	stream.linear.gather @!p0 [hbm4b:s16+s17], $0x38, $0x38;
	[tilespmem:$0x1E410] =	vst v63  }
0x270: {  	s16 =	sadd.s32 @!p0 s11, s12;
	s12 =	simm.s32 @!p0 $0x230  }
0x271: {  	[tilespmem:s12], [sflag:$0x1] =	stream.linear.gather @!p0 [hbm4b:s16+s17], $0x38, $0x38;
	[tilespmem:$0x1E410] =	vst v63  }
0x272: {  	s12 =	sadd.s32 @!p0 $0x4D, s5;
	s16 =	simm.s32 @!p0 $0x38  }
0x273: {  	[tilespmem:s16], [sflag:$0x1] =	stream.linear.gather @!p0 [hbm4b:s12+s17], $0x38, $0x38;
	[tilespmem:$0x1E410] =	vst v63  }
0x274: {  	s12 =	rddreg [dreg:$0xc]  }
0x275: {  	s16 =	simm.s32 @!p0 $0x268;
	s12 =	sadd.s32 @!p0 s11, s12  }
0x276: {  	[tilespmem:s16], [sflag:$0x1] =	stream.linear.gather @!p0 [hbm4b:s12+s17], $0x38, $0x38;
	[tilespmem:$0x1E410] =	vst v63  }
0x277: {  	s12 =	sadd.s32 @!p0 $0x54, s5;
	s16 =	simm.s32 @!p0 $0x70  }
0x278: {  	[tilespmem:s16], [sflag:$0x1] =	stream.linear.gather @!p0 [hbm4b:s12+s17], $0x38, $0x38;
	[tilespmem:$0x1E410] =	vst v63  }
0x279: {  	s12 =	rddreg [dreg:$0xb]  }
0x27a: {  	s16 =	simm.s32 @!p0 $0x2A0;
	s12 =	sadd.s32 @!p0 s11, s12  }
0x27b: {  	[tilespmem:s16], [sflag:$0x1] =	stream.linear.gather @!p0 [hbm4b:s12+s17], $0x38, $0x38;
	[tilespmem:$0x1E410] =	vst v63  }
0x27c: {  	s12 =	sadd.s32 @!p0 $0x5B, s5;
	s16 =	simm.s32 @!p0 $0xA8  }
0x27d: {  	[tilespmem:s16], [sflag:$0x1] =	stream.linear.gather @!p0 [hbm4b:s12+s17], $0x38, $0x38;
	[tilespmem:$0x1E410] =	vst v63  }
0x27e: {  	s12 =	rddreg [dreg:$0xa]  }
0x27f: {  	s16 =	simm.s32 @!p0 $0x2D8;
	s12 =	sadd.s32 @!p0 s11, s12  }
0x280: {  	[tilespmem:s16], [sflag:$0x1] =	stream.linear.gather @!p0 [hbm4b:s12+s17], $0x38, $0x38;
	[tilespmem:$0x1E410] =	vst v63  }
0x281: {  	s5 =	sadd.s32 @!p0 $0x62, s5;
	s12 =	simm.s32 @!p0 $0xE0  }
0x282: {  	[tilespmem:s12], [sflag:$0x1] =	stream.linear.gather @!p0 [hbm4b:s5+s17], $0x38, $0x38;
	[tilespmem:$0x1E410] =	vst v63  }
0x283: {  	s5 =	rddreg [dreg:$0x8]  }
0x284: {  	s12 =	simm.s32 @!p0 $0x310;
	s5 =	sadd.s32 @!p0 s11, s5  }
0x285: {  	[tilespmem:s12], [sflag:$0x1] =	stream.linear.gather @!p0 [hbm4b:s5+s17], $0x38, $0x38;
	[tilespmem:$0x1E410] =	vst v63  }
0x286: {  	_ =	swait.ge [sflag:s2], $0x1900  }
0x287: {  	[sflag:s2] =	ssyncset.done $0x0  }
0x288: {  	s12 =	simm.s32 $0x348;
	[sflag:s2] =	ssyncadd.s32 $0xFFFFE700  }
0x289: {  	[spmem:s3] =	stream.indirect.scatter.add.f32 [tilespmem:s13], [sflag:$0x7], $0x80, s12, s15, $0xb8;
	[tilespmem:$0x1E410] =	vst v63  }
0x28a: {  	_ = 	snop  }
0x28b: {  	[spmem:s4] =	stream.indirect.scatter.add.f32 [tilespmem:s22], [sflag:$0x7], $0x10, s12, s15, $0xb8;
	[tilespmem:$0x1E410] =	vst v63  }
0x28c: {  	_ =	swait.ge [sflag:s19], $0x1900  }
0x28d: {  	[sflag:s19] =	ssyncset.done $0x0  }
0x28e: {  	s16 =	simm.s32 $0x380;
	s17 =	simm.s32 $0x1D60;
	[sflag:s19] =	ssyncadd.s32 $0xFFFFE700  }
0x28f: {  	[spmem:s3] =	stream.indirect.scatter.add.f32 [tilespmem:s17], [sflag:$0x8], $0x80, s16, s15, $0xb8;
	[tilespmem:$0x1E410] =	vst v63  }
0x290: {  	_ = 	snop  }
0x291: {  	[spmem:s4] =	stream.indirect.scatter.add.f32 [tilespmem:s22], [sflag:$0x8], $0x10, s16, s15, $0xb8;
	[tilespmem:$0x1E410] =	vst v63  }
0x292: {  	_ =	swait.ge [sflag:s7], $0x1900  }
0x293: {  	[sflag:s7] =	ssyncset.done $0x0  }
0x294: {  	s12 =	simm.s32 $0x3B8;
	s16 =	simm.s32 $0x3660;
	[sflag:s7] =	ssyncadd.s32 $0xFFFFE700  }
0x295: {  	[spmem:s3] =	stream.indirect.scatter.add.f32 [tilespmem:s16], [sflag:$0x9], $0x80, s12, s15, $0xb8;
	[tilespmem:$0x1E410] =	vst v63  }
0x296: {  	_ = 	snop  }
0x297: {  	[spmem:s4] =	stream.indirect.scatter.add.f32 [tilespmem:s22], [sflag:$0x9], $0x10, s12, s15, $0xb8;
	[tilespmem:$0x1E410] =	vst v63  }
0x298: {  	_ =	swait.ge [sflag:s8], $0x1900  }
0x299: {  	[sflag:s8] =	ssyncset.done $0x0  }
0x29a: {  	s18 =	simm.s32 $0x4F60;
	s17 =	simm.s32 $0x3F0;
	[sflag:s8] =	ssyncadd.s32 $0xFFFFE700  }
0x29b: {  	[spmem:s3] =	stream.indirect.scatter.add.f32 [tilespmem:s18], [sflag:$0xA], $0x80, s17, s15, $0xb8;
	[tilespmem:$0x1E410] =	vst v63  }
0x29c: {  	_ = 	snop  }
0x29d: {  	[spmem:s4] =	stream.indirect.scatter.add.f32 [tilespmem:s22], [sflag:$0xA], $0x10, s17, s15, $0xb8;
	[tilespmem:$0x1E410] =	vst v63  }
0x29e: {  	_ =	swait.ge [sflag:s9], $0x1900  }
.Ltmp16:
0x29f: {  	[sflag:s9] =	ssyncset.done $0x0;
	(pc) =	sbr.rel @p0 .LBB2_32-.Ltmp16, $4  }
0x2a0: {  	s10 =	simm.s32 $0x6860;
	s18 =	simm.s32 $0x428;
	[sflag:s9] =	ssyncadd.s32 $0xFFFFE700  }
0x2a1: {  	[spmem:s3] =	stream.indirect.scatter.add.f32 [tilespmem:s10], [sflag:$0xB], $0x80, s18, s15, $0xb8;
	[tilespmem:$0x1E410] =	vst v63  }
0x2a2: {  	s13 =	simm.s32 $0x1D60  }
0x2a3: {  	[spmem:s4] =	stream.indirect.scatter.add.f32 [tilespmem:s22], [sflag:$0xB], $0x10, s18, s15, $0xb8;
	[tilespmem:$0x1E410] =	vst v63  }
0x2a4: {  	_ =	swait.ge [sflag:s14], $0x38  }
0x2a5: {  	[sflag:s14] =	ssyncset.done $0x0  }
0x2a6: {  	[sflag:s14] =	ssyncadd.s32 $0xFFFFFFC8  }
0x2a7: {  	_ =	swait.ge [sflag:s14], $0x38  }
0x2a8: {  	[sflag:s14] =	ssyncset.done $0x0  }
0x2a9: {  	[sflag:s14] =	ssyncadd.s32 $0xFFFFFFC8  }
0x2aa: {  	_ =	swait.ge [sflag:s14], $0x38  }
0x2ab: {  	[sflag:s14] =	ssyncset.done $0x0  }
0x2ac: {  	[sflag:s14] =	ssyncadd.s32 $0xFFFFFFC8  }
0x2ad: {  	_ =	swait.ge [sflag:s14], $0x38  }
0x2ae: {  	[sflag:s14] =	ssyncset.done $0x0  }
0x2af: {  	[sflag:s14] =	ssyncadd.s32 $0xFFFFFFC8  }
0x2b0: {  	_ =	swait.ge [sflag:s14], $0x38  }
0x2b1: {  	[sflag:s14] =	ssyncset.done $0x0  }
0x2b2: {  	[sflag:s14] =	ssyncadd.s32 $0xFFFFFFC8  }
0x2b3: {  	_ =	swait.ge [sflag:s14], $0x38  }
0x2b4: {  	[sflag:s14] =	ssyncset.done $0x0  }
0x2b5: {  	[sflag:s14] =	ssyncadd.s32 $0xFFFFFFC8  }
0x2b6: {  	_ =	swait.ge [sflag:s14], $0x38  }
0x2b7: {  	[sflag:s14] =	ssyncset.done $0x0  }
0x2b8: {  	[sflag:s14] =	ssyncadd.s32 $0xFFFFFFC8  }
0x2b9: {  	_ =	swait.ge [sflag:s14], $0x38  }
0x2ba: {  	[sflag:s14] =	ssyncset.done $0x0  }
0x2bb: {  	[sflag:s14] =	ssyncadd.s32 $0xFFFFFFC8  }
0x2bc: {  	_ =	swait.ge [sflag:s14], $0x38  }
.Ltmp17:
0x2bd: {  	[sflag:s14] =	ssyncset.done $0x0;
	(pc) =	sbr.rel .LBB2_30-.Ltmp17, $4  }
0x2be: {  	[sflag:s14] =	ssyncadd.s32 $0xFFFFFFC8  }
0x2bf: {  	_ =	swait.ge [sflag:s14], $0x38  }
0x2c0: {  	[sflag:s14] =	ssyncset.done $0x0  }
0x2c1: {  	s11 =	sadd.s32 $0x46, s11;
	[sflag:s14] =	ssyncadd.s32 $0xFFFFFFC8  }
.LBB2_33:
0x2c2: {  	_ =	sfence.sel $0x180000  }
0x2c3: {  	[bflag:$0x0] =	sbarrier.arrive $0xFFFF  }
0x2c4: {  	_ =	strace $0x90000047  }
0x2c5: {  	s0 =	stileid.u32;
	[bflag:$0x2] =	sbarrier.arrive $0xFFFF  }
0x2c6: {  	p0 =	sne.s32 s0, $0x0;
	s0 =	rddreg [dreg:$0x3]  }
0x2c7: {  	s0 =	sadd.s32 @!p0 $0x100000, s0  }
0x2c8: {  	[sflag:s0] =	ssyncadd.tile.s32 @!p0 $0x1;
	_ =	shalt  }
.Lfunc_end2:
_tile_overlayer_lowered:
.L_overlay_start_2:
0x2c9: {  	(tag) =	ssettag $0x2  }
0x2ca: {  	s0 =	rddreg [dreg:$0x0];
	s2 =	stileid.u32  }
0x2cb: {  	s1 =	rddreg [dreg:$0x1];
	p0 =	sne.s32 s2, $0x0  }
0x2cc: {  	s3 =	rddreg [dreg:$0x2];
	[bflag:$0x3] =	sbarrier.arrive $0xFFFF;
	s2 =	simm.s32 @!p0 $0x1C0C  }
0x2cd: {  	[timem:s3], [sflag:s2] =	dma.local @!p0 [hbm:s0], s1  }
0x2ce: {  	s0 =	simm.s32 @!p0 $0xC  }
0x2cf: {  	_ =	swait.ge @!p0 [sflag:s0], s1  }
0x2d0: {  	s1 =	ssub.s32 @!p0 $0x0, s1;
	[sflag:s0] =	ssyncset.done @!p0 $0x0  }
0x2d1: {  	[sflag:s0] =	ssyncadd.s32 @!p0 s1  }
0x2d2: {  	[bflag:$0x3] =	sbarrier.arrive $0xFFFF  }
0x2d3: {  	_ =	shalt  }

// kernel: sc_agg_l2.3.cloned.1.call-start
scs
__scs_entry_jumppad:
0x0: {  	(pc) =	sbr.rel $0x88, $3  }
0x1: {  	(tag) =	ssettag $0x0;
	lr =	simm.s32 $0x1  }
0x2: {  	[smem:$0x3F94] =	sst lr;
	_ =	strace $0xD0000000  }
0x3: {  	_ = 	snop  }
0x4: {  	_ = 	snop  }
0x5: {  	_ = 	snop  }
0x6: {  	_ = 	snop  }
0x7: {  	_ = 	snop  }
__scs_overlays_trampoline_lowered:
0x8: {  	[smem:$0x3FA3] =	sst s0  }
0x9: {  	[smem:$0x3FA4] =	sst s1  }
0xa: {  	[smem:$0x3FA5] =	sst s2  }
0xb: {  	[smem:$0x3FA6] =	sst s3  }
0xc: {  	[smem:$0x3FA7] =	sst s4  }
0xd: {  	[smem:$0x3FA8] =	sst s5  }
0xe: {  	[smem:$0x3FA9] =	sst s6  }
0xf: {  	[smem:$0x3FAA] =	sst s7  }
0x10: {  	[smem:$0x3FAB] =	sst s8  }
0x11: {  	[smem:$0x3FAC] =	sst s9;
	s0 =	simm.s32 @!p0 $0x0  }
0x12: {  	s1 =	sld [smem:$0x3F92];
	s0 =	simm.s32 @p0 $0x1  }
0x13: {  	[smem:$0x3FAD] =	sst s0;
	s0 =	simm.s32 @!p1 $0x0  }
0x14: {  	s2 =	sld [smem:$0x3F91];
	s0 =	simm.s32 @p1 $0x1  }
0x15: {  	[smem:$0x3FAE] =	sst s0;
	s0 =	simm.s32 @!p2 $0x0  }
0x16: {  	s3 =	sld [smem:$0x3FDB];
	s0 =	simm.s32 @p2 $0x1  }
0x17: {  	s4 =	simm.s32 $0x1BF5;
	[smem:$0x3FB0] =	sst s0  }
0x18: {  	s0 =	sld [smem:$0x3F93];
	_ =	swait.ge [sflag:s4], $0x0  }
0x19: {  	s7 =	sld [smem:$0x3F94]  }
0x1a: {  	s8 =	sadd.s32 $0xFFFFE003, lr  }
0x1b: {  	s9 =	sadd.s32 $0xFFFFFEF7, lr;
	s5 =	simm.s32 $0xFFFFFFFF;
	p2 =	slt.u32 s8, $0xFFFFF086  }
0x1c: {  	p1 =	slt.u32 s9, $0xF7A;
	s5 =	simm.s32 @!p2 $0x0  }
0x1d: {  	s5 =	simm.s32 @p1 $0x1;
	p0 =	seq.s32 s7, s2  }
0x1e: {  	s7 =	smul.u32 @!p0 $0xF7A, s2;
	p2 =	seq.s32 @!p0 s5, $0x0  }
0x1f: {  	s9 =	smul.u32 $0xF7A, s1;
	s8 =	simm.s32 @!p0 $0x1BF5;
	p2 =	por !p2, p0  }
0x20: {  	[sflag:s8] =	ssyncset.s32 @!p0 $0xFFFFF086;
	s6 =	sadd.s32 @!p0 s3, s7;
	s7 =	simm.s32 @!p0 $0x108  }
0x21: {  	s3 =	sadd.s32 s3, s9;
	s6 =	sadd.s32 @!p0 $0x88, s6;
	s7 =	simm.s32 @p2 $0x1082  }
0x22: {  	[simem:s7], [sflag:s8] =	dma.local @!p0 [hbm:s6], $0xF7A  }
0x23: {  	s9 =	sor.u32 $0xD0000000, s2;
	s6 =	simm.s32 $0x108;
	_ =	swait.ge @!p0 [sflag:s8], $0x0  }
0x24: {  	s3 =	sadd.s32 $0x88, s3;
	s6 =	simm.s32 @!p1 $0x1082;
	[sflag:s4] =	ssyncset.s32 $0xFFFFF086  }
0x25: {  	[simem:s6], [sflag:s4] =	dma.local [hbm:s3], $0xF7A  }
0x26: {  	[smem:$0x3F94] =	sst s1;
	(tag) =	ssettag s2;
	_ =	strace s9  }
0x27: {  	s1 =	sld [smem:$0x3FA4]  }
0x28: {  	s2 =	sld [smem:$0x3FA5]  }
0x29: {  	s4 =	sld [smem:$0x3FA7]  }
0x2a: {  	p0 =	seq.s32 s5, $0x0;
	s5 =	sld [smem:$0x3FA8]  }
0x2b: {  	s6 =	sld [smem:$0x3FA9]  }
0x2c: {  	s7 =	sld [smem:$0x3FAA]  }
0x2d: {  	s3 =	simm.s32 $0x108;
	s8 =	sld [smem:$0x3FAB]  }
0x2e: {  	s3 =	simm.s32 @!p0 $0x1082;
	s9 =	sld [smem:$0x3FAC]  }
0x2f: {  	lr =	sadd.s32 s0, s3;
	s0 =	sld [smem:$0x3FA3]  }
0x30: {  	s3 =	sld [smem:$0x3FA6]  }
0x31: {  	[smem:$0x3FAF] =	sst s10  }
0x32: {  	s10 =	sld [smem:$0x3FAD];
	_ =	sdelay $0x3  }
0x33: {  	p0 =	seq.s32 s10, $0x1;
	s10 =	sld [smem:$0x3FAF];
	_ =	sdelay $0x3  }
0x34: {  	[smem:$0x3FAF] =	sst s10  }
0x35: {  	s10 =	sld [smem:$0x3FAE];
	_ =	sdelay $0x3  }
0x36: {  	p1 =	seq.s32 s10, $0x1;
	s10 =	sld [smem:$0x3FAF];
	_ =	sdelay $0x3  }
0x37: {  	[smem:$0x3FAF] =	sst s10  }
0x38: {  	s10 =	sld [smem:$0x3FB0]  }
0x39: {  	_ = 	snop;
	(pc) =	sbr.ind lr, $3  }
0x3a: {  	_ = 	snop  }
0x3b: {  	_ = 	snop  }
0x3c: {  	p2 =	seq.s32 s10, $0x1;
	s10 =	sld [smem:$0x3FAF]  }
0x3d: {  	_ =	shalt  }
0x3e: {  	_ =	shalt  }
0x3f: {  	_ =	shalt  }
0x40: {  	_ =	shalt  }
0x41: {  	_ =	shalt  }
0x42: {  	_ =	shalt  }
0x43: {  	_ =	shalt  }
0x44: {  	_ =	shalt  }
0x45: {  	_ =	shalt  }
0x46: {  	_ =	shalt  }
0x47: {  	_ =	shalt  }
0x48: {  	_ =	shalt  }
0x49: {  	_ =	shalt  }
0x4a: {  	_ =	shalt  }
0x4b: {  	_ =	shalt  }
0x4c: {  	_ =	shalt  }
0x4d: {  	_ =	shalt  }
0x4e: {  	_ =	shalt  }
0x4f: {  	_ =	shalt  }
0x50: {  	_ =	shalt  }
0x51: {  	_ =	shalt  }
0x52: {  	_ =	shalt  }
0x53: {  	_ =	shalt  }
0x54: {  	_ =	shalt  }
0x55: {  	_ =	shalt  }
0x56: {  	_ =	shalt  }
0x57: {  	_ =	shalt  }
0x58: {  	_ =	shalt  }
0x59: {  	_ =	shalt  }
0x5a: {  	_ =	shalt  }
0x5b: {  	_ =	shalt  }
0x5c: {  	_ =	shalt  }
0x5d: {  	_ =	shalt  }
0x5e: {  	_ =	shalt  }
0x5f: {  	_ =	shalt  }
0x60: {  	_ =	shalt  }
0x61: {  	_ =	shalt  }
0x62: {  	_ =	shalt  }
0x63: {  	_ =	shalt  }
0x64: {  	_ =	shalt  }
0x65: {  	_ =	shalt  }
0x66: {  	_ =	shalt  }
0x67: {  	_ =	shalt  }
0x68: {  	_ =	shalt  }
0x69: {  	_ =	shalt  }
0x6a: {  	_ =	shalt  }
0x6b: {  	_ =	shalt  }
0x6c: {  	_ =	shalt  }
0x6d: {  	_ =	shalt  }
0x6e: {  	_ =	shalt  }
0x6f: {  	_ =	shalt  }
0x70: {  	_ =	shalt  }
0x71: {  	_ =	shalt  }
0x72: {  	_ =	shalt  }
0x73: {  	_ =	shalt  }
0x74: {  	_ =	shalt  }
0x75: {  	_ =	shalt  }
0x76: {  	_ =	shalt  }
0x77: {  	_ =	shalt  }
0x78: {  	_ =	shalt  }
0x79: {  	_ =	shalt  }
0x7a: {  	_ =	shalt  }
0x7b: {  	_ =	shalt  }
0x7c: {  	_ =	shalt  }
0x7d: {  	_ =	shalt  }
0x7e: {  	_ =	shalt  }
0x7f: {  	_ =	shalt  }
0x80: {  	_ =	shalt  }
0x81: {  	_ =	shalt  }
0x82: {  	_ =	shalt  }
0x83: {  	_ =	shalt  }
0x84: {  	_ =	shalt  }
0x85: {  	_ =	shalt  }
0x86: {  	_ =	shalt  }
0x87: {  	_ =	shalt  }
.Lfunc_end0:
.L_simem_size_0:
called_computation.1_lowered:
.L_overlay_start_0:
0x88: {  	s2 =	sld [smem:$0x3FD9]  }
0x89: {  	s3 =	sld [smem:$0x3FFE];
	_ =	sdelay $0x1  }
0x8a: {  	s1 =	srdreg.scid  }
0x8b: {  	s0 =	sand.u32 $0x1, s1  }
0x8c: {  	s16 =	sshll.u32 s0, $0xA;
	s2 =	sadd.s32 s3, s2  }
0x8d: {  	s2 =	sadd.s32 s2, s16  }
0x8e: {  	[smem:$0x3FBB] =	sst s2  }
0x8f: {  	_ = 	snop  }
0x90: {  	(tm) =	ssettm $0x1  }
0x91: {  	s17 =	sld [smem:$0x3FFB];
	_ =	sdelay $0x3  }
0x92: {  	_ =	strace s17  }
0x93: {  	s2 =	sld [smem:$0x3FFC];
	_ =	sdelay $0x3  }
0x94: {  	_ =	strace s2  }
0x95: {  	s2 =	sld [smem:$0x3FFD];
	_ =	sdelay $0x3  }
0x96: {  	_ =	strace s2  }
0x97: {  	_ =	strace $0x8FFFFFFF  }
0x98: {  	s18 =	sld [smem:$0x3FDB];
	_ =	sdelay $0x1  }
0x99: {  	s19 =	simm.s32 $_scs_section_size  }
0x9a: {  	s4 =	simm.s32 $_size__tile_overlayer_lowered;
	s5 =	simm.s32 $_tile_overlayer_lowered  }
0x9b: {  	s22 =	simm.s32 $0x1BFF;
	s21 =	sshll.u32 s5, $0x1;
	s2 =	sadd.s32 s19, s18  }
0x9c: {  	s6 =	simm.s32 $0x0;
	s20 =	sshll.u32 s4, $0x1;
	s4 =	sadd.s32 s21, s2  }
0x9d: {  	[timem:s6], [sflag:s22] =	dma.local [hbm:s4], s20  }
0x9e: {  	_ =	swait.ge [sflag:s22], s20  }
0x9f: {  	s3 =	ssub.s32 $0x0, s20;
	[sflag:s22] =	ssyncset.done $0x0  }
0xa0: {  	[sflag:s22] =	ssyncadd.s32 s3;
	_ =	sdelay $0x1  }
0xa1: {  	s23 =	simm.s32 $0x1B8B  }
0xa2: {  	_ =	swait.ge [sflag:s23], $0x1  }
0xa3: {  	[sflag:s23] =	ssyncset.done $0x0  }
0xa4: {  	s25 =	simm.s32 $0x1B8E;
	s24 =	sld [smem:$0x3FFE];
	[sflag:s23] =	ssyncadd.s32 $0xFFFFFFFF  }
0xa5: {  	s26 =	simm.s32 $execute0_lowered;
	[smem:$0x3FD2] =	sst s25  }
0xa6: {  	s4 =	sshll.u32 s26, $0x1;
	_ =	strace $0x80000049;
	[dreg:$0x1] =	wrdreg $0xFFFFFFFF  }
0xa7: {  	s28 =	simm.s32 $_size_execute0_lowered;
	s2 =	sadd.s32 s2, s4;
	[dreg:$0x0] =	wrdreg $0x0  }
0xa8: {  	s4 =	sshll.u32 s28, $0x1;
	[dreg:$0x2] =	wrdreg s2  }
0xa9: {  	[dreg:$0x3] =	wrdreg s4  }
0xaa: {  	[dreg:$0x4] =	wrdreg $0xC0  }
0xab: {  	_ =	task [dreg:s6], $0x5FFFF  }
0xac: {  	[dreg:$0x1] =	wrdreg $0xFFFFFFFF  }
0xad: {  	[dreg:$0x0] =	wrdreg $0x60  }
0xae: {  	[dreg:$0x2] =	wrdreg s24  }
0xaf: {  	[dreg:$0x3] =	wrdreg $0x76C00  }
0xb0: {  	[dreg:$0x4] =	wrdreg $0x9  }
0xb1: {  	_ =	task.clear_ibuf [dreg:s6], $0x5FFFF;
	_ =	strace $0x90000049  }
0xb2: {  	s29 =	simm.s32 $0x9;
	_ =	strace $0x8000004B  }
0xb3: {  	_ =	swait.ge [sflag:s29], $0x1  }
0xb4: {  	[sflag:s29] =	ssyncadd.s32 $0xFFFFFFFF  }
0xb5: {  	_ =	strace $0x9000004B  }
0xb6: {  	_ =	sfence  }
0xb7: {  	s30 =	sld [smem:$0x0];
	_ =	sdelay $0x2  }
0xb8: {  	s31 =	sshll.u32 s1, $0xD;
	s1 =	sshrl.u32 s1, $0x2  }
0xb9: {  	s3 =	sand.u32 $0x4000, s31;
	s1 =	sadd.s32 s1, s30  }
0xba: {  	s0 =	sor.u32 s3, s0;
	s1 =	sshll.u32 s1, $0x11  }
0xbb: {  	s0 =	sor.u32 s1, s0  }
0xbc: {  	s0 =	sadd.s32 $0x8F2B, s0  }
0xbd: {  	[sflag:s0] =	ssyncadd.remote.s32 $0x1  }
0xbe: {  	_ =	sfence.sel $0xFFFF  }
0xbf: {  	[dreg:$0x0] =	wrdreg $0xFFFFFFFF;
	(pc) =	sbr.abs _section_cstart, $3  }
0xc0: {  	[dreg:$0x1] =	wrdreg $0xFFFFFFFF  }
0xc1: {  	_ =	task.clear_ibuf [dreg:s6], $0x2FFFF;
	_ =	strace $0x9FFFFFFF  }
0xc2: {  	(tm) =	ssettm $0x7FFFFFFF  }
0xc3: {  	_ =	shalt  }
tec
execute0_lowered:
.L_overlay_start_1:
0x0: {  	(tag) =	ssettag $0x1  }
0x1: {  	s0 =	rddreg [dreg:$0x0]  }
0x2: {  	s1 =	rddreg [dreg:$0x1];
	s2 =	simm.s32 $0x0;
	s13 =	srdreg.scid  }
0x3: {  	s9 =	stileid.u32;
	s28 =	simm.s32 $0x16;
	s10 =	simm.s32 $0x6D60  }
0x4: {  	s11 =	simm.s32 $0x7080;
	[smem:$0x7FF] =	sst s2;
	s3 =	smul.u32 $0x9C40, s9  }
0x5: {  	s2 =	sand.u32 $0x1, s13;
	s4 =	sadd.s32 $0x18C00, s0;
	s8 =	smul.u32 $0x2710, s9  }
0x6: {  	s5 =	sadd.s32 $0x2E00, s0;
	s18 =	smul.u32 $0x5780, s9;
	s9 =	simm.s32 $0x6A40  }
0x7: {  	s13 =	simm.s32 $0x73A0;
	_ =	strace $0x8000004A;
	s3 =	sshrl.u32 s3, $0x2  }
0x8: {  	s6 =	smul.u32 $0x4E20, s2;
	s26 =	sadd.s32 s8, s1;
	s3 =	sadd.s32 s3, s1  }
0x9: {  	s7 =	ssub.s32 $0x2, s2;
	[dreg:$0x3] =	wrdreg s26;
	s15 =	sadd.s32 $0x320, s3  }
0xa: {  	s2 =	smul.u32 $0x2BC0, s2;
	s16 =	sadd.s32 $0x640, s3;
	[dreg:$0x4] =	wrdreg s15  }
0xb: {  	s14 =	sshrl.u32 s7, $0x1;
	s17 =	sadd.s32 $0x960, s3;
	[dreg:$0x5] =	wrdreg s16  }
0xc: {  	s31 =	sshrl.u32 s8, $0x3;
	s19 =	sadd.s32 $0xC80, s3;
	[dreg:$0x6] =	wrdreg s17  }
0xd: {  	s8 =	simm.s32 $0x6720;
	s20 =	sadd.s32 $0xFA0, s3;
	[dreg:$0x7] =	wrdreg s19  }
0xe: {  	s0 =	sadd.s32 s6, s0;
	s21 =	sadd.s32 $0x12C0, s3;
	[dreg:$0x8] =	wrdreg s20  }
0xf: {  	s6 =	ssub.s32 s7, s14;
	s22 =	sadd.s32 $0x15E0, s3;
	[dreg:$0x9] =	wrdreg s21  }
0x10: {  	s2 =	sadd.s32 s2, s18;
	s23 =	sadd.s32 $0x1900, s3;
	[dreg:$0xa] =	wrdreg s22  }
0x11: {  	s7 =	simm.s32 $0x6400;
	s24 =	sadd.s32 $0x1C20, s3;
	[dreg:$0xb] =	wrdreg s23  }
0x12: {  	s14 =	simm.s32 $0x9;
	s25 =	sadd.s32 $0x1F40, s3;
	[dreg:$0xc] =	wrdreg s24  }
0x13: {  	s29 =	sadd.s32 $0x2260, s3;
	s3 =	sadd.s32 $0x2580, s3;
	[dreg:$0xd] =	wrdreg s25  }
0x14: {  	s30 =	sadd.s32 $0x57800, s2;
	s0 =	sadd.s32 $0x1DC00, s0;
	[dreg:$0xe] =	wrdreg s29  }
0x15: {  	s6 =	smax.u32 s6, $0x1;
	s2 =	sshrl.u32 s2, $0x3;
	[dreg:$0xf] =	wrdreg s3  }
.Ltmp0:
0x16: {  	s3 =	sshrl.u32 s30, $0x3;
	[dreg:$0x10] =	wrdreg s6;
	(pc) =	sbr.rel .LBB2_1-.Ltmp0, $4  }
0x17: {  	s20 =	sadd.s32 s2, s5;
	s21 =	simm.s32 $0x5780;
	s23 =	simm.s32 $0x1  }
0x18: {  	s0 =	sadd.s32 s31, s0;
	s25 =	simm.s32 $0x32;
	s6 =	simm.s32 $0x60E0  }
0x19: {  	s15 =	simm.s32 $0xA;
	s16 =	simm.s32 $0xB;
	s2 =	simm.s32 $0x0  }
0x1a: {  	v0 =	vimm.f32 $0.0e+00;
	s19 =	sadd.s32 s3, s5;
	[dreg:$0x11] =	wrdreg s0;
	s3 =	simm.s32 $0x5DC0  }
.LBB2_12:
0x1b: {  	s0 =	simm.s32 $0xC  }
0x1c: {  	_ =	swait.ge [sflag:s0], $0x320  }
0x1d: {  	[sflag:s0] =	ssyncset.done $0x0  }
0x1e: {  	s31 =	simm.s32 $0xD;
	[sflag:s0] =	ssyncadd.s32 $0xFFFFFCE0  }
0x1f: {  	_ =	swait.ge [sflag:s31], $0x320  }
0x20: {  	[sflag:s31] =	ssyncset.done $0x0  }
0x21: {  	s2 =	simm.s32 $0xE;
	[sflag:s31] =	ssyncadd.s32 $0xFFFFFCE0  }
0x22: {  	_ =	swait.ge [sflag:s2], $0x320  }
0x23: {  	[sflag:s2] =	ssyncset.done $0x0  }
0x24: {  	s5 =	simm.s32 $0xF;
	[sflag:s2] =	ssyncadd.s32 $0xFFFFFCE0  }
0x25: {  	_ =	swait.ge [sflag:s5], $0x320  }
0x26: {  	[sflag:s5] =	ssyncset.done $0x0  }
0x27: {  	s12 =	simm.s32 $0x10;
	[sflag:s5] =	ssyncadd.s32 $0xFFFFFCE0  }
0x28: {  	_ =	swait.ge [sflag:s12], $0x320  }
0x29: {  	[sflag:s12] =	ssyncset.done $0x0  }
0x2a: {  	s17 =	simm.s32 $0x11;
	[sflag:s12] =	ssyncadd.s32 $0xFFFFFCE0  }
0x2b: {  	_ =	swait.ge [sflag:s17], $0x320  }
0x2c: {  	[sflag:s17] =	ssyncset.done $0x0  }
0x2d: {  	s18 =	simm.s32 $0x12;
	[sflag:s17] =	ssyncadd.s32 $0xFFFFFCE0  }
0x2e: {  	_ =	swait.ge [sflag:s18], $0x320  }
0x2f: {  	[sflag:s18] =	ssyncset.done $0x0  }
0x30: {  	s22 =	simm.s32 $0x13;
	[sflag:s18] =	ssyncadd.s32 $0xFFFFFCE0  }
0x31: {  	_ =	swait.ge [sflag:s22], $0x320  }
0x32: {  	[sflag:s22] =	ssyncset.done $0x0  }
0x33: {  	s24 =	simm.s32 $0x14;
	[sflag:s22] =	ssyncadd.s32 $0xFFFFFCE0  }
0x34: {  	_ =	swait.ge [sflag:s24], $0x320  }
0x35: {  	[sflag:s24] =	ssyncset.done $0x0  }
0x36: {  	s26 =	simm.s32 $0x15;
	[sflag:s24] =	ssyncadd.s32 $0xFFFFFCE0  }
0x37: {  	_ =	swait.ge [sflag:s26], $0x320  }
0x38: {  	[sflag:s26] =	ssyncset.done $0x0  }
0x39: {  	[sflag:s26] =	ssyncadd.s32 $0xFFFFFCE0  }
0x3a: {  	s29 =	stileid.u32;
	[bflag:$0x0] =	sbarrier.arrive $0xFFFF  }
0x3b: {  	s28 =	simm.s32 $0x16;
	s0 =	sshll.u32 s29, $0x6;
	s26 =	rddreg [dreg:$0x3]  }
0x3c: {  	s0 =	sor.u32 $0x1C16, s0;
	s5 =	rddreg [dreg:$0x11];
	s2 =	sshrl.u32 s26, $0x3  }
0x3d: {  	[hbm:s5], [sflag:s0] =	dma.local [spmem:s2], $0x4E2  }
0x3e: {  	_ =	swait.ge [sflag:s28], $0x4E2  }
0x3f: {  	s30 =	rddreg [dreg:$0x12]  }
0x40: {  	s31 =	rddreg [dreg:$0x10];
	s2 =	sadd.s32 $0x1, s30  }
0x41: {  	p0 =	sne.s32 s2, s31  }
.Ltmp1:
0x42: {  	_ = 	snop;
	(pc) =	sbr.rel @!p0 .LBB2_13-.Ltmp1, $3  }
0x43: {  	_ =	sdelay $0x1  }
0x44: {  	[sflag:s28] =	ssyncset.done $0x0  }
0x45: {  	[sflag:s28] =	ssyncadd.s32 $0xFFFFFB1E  }
.LBB2_1:
0x46: {  	s0 =	sadd.s32 $0x0, s20;
	s31 =	simm.s32 $0x0  }
0x47: {  	[tilespmem:s31], [sflag:$0x1] =	stream.linear.gather [hbm4b:s0+s31], $0x38, $0x38;
	[tilespmem:$0x9DD0] =	vst v63  }
0x48: {  	s5 =	sadd.s32 $0x0, s19;
	s0 =	simm.s32 $0x2BC0  }
0x49: {  	[tilespmem:s0], [sflag:$0x1] =	stream.linear.gather [hbm4b:s5+s31], $0x38, $0x38;
	[tilespmem:$0x9DD0] =	vst v63  }
0x4a: {  	[dreg:$0x12] =	wrdreg s2;
	s17 =	simm.s32 $0x0;
	s5 =	simm.s32 $0x7  }
.LBB2_2:
0x4b: {  	s18 =	sadd.s32 s5, s20;
	p0 =	sne.s32 s5, $0x571  }
.Ltmp2:
0x4c: {  	s17 =	sadd.s32 $0x38, s17;
	s22 =	smov.u32 s5;
	(pc) =	sbr.rel @p0 .LBB2_2-.Ltmp2, $4  }
0x4d: {  	s24 =	simm.s32 $0x0;
	s5 =	sadd.s32 $0x7, s5  }
0x4e: {  	[tilespmem:s17], [sflag:$0x1] =	stream.linear.gather [hbm4b:s18+s24], $0x38, $0x38;
	[tilespmem:$0x9DD0] =	vst v63  }
0x4f: {  	s0 =	sadd.s32 $0x38, s0;
	s18 =	sadd.s32 s22, s19  }
0x50: {  	[tilespmem:s0], [sflag:$0x1] =	stream.linear.gather [hbm4b:s18+s24], $0x38, $0x38;
	[tilespmem:$0x9DD0] =	vst v63  }
0x51: {  	s0 =	simm.s32 $0x40;
	s5 =	simm.s32 $0x0  }
.LBB2_4:
0x52: {  	p0 =	sne.s32 s0, $0xC40;
	[tilespmem:s5+$0x5780] =	vst v0;
	s5 =	smov.u32 s0;
	s0 =	sadd.s32 $0x40, s0  }
.Ltmp3:
0x53: {  	(pc) =	sbr.rel @p0 .LBB2_4-.Ltmp3, $2  }
0x54: {  	_ =	sdelay $0x2  }
0x55: {  	s5 =	sshra.s32 s5, $0x2  }
0x56: {  	[tilespmem:s5+$0x5780] =	vst v0  }
0x57: {  	[spmem:s26] =	stream.linear.scatter [tilespmem:s21], [sflag:$0x16], $0x320, $0x38;
	[tilespmem:$0x9DD0] =	vst v63  }
0x58: {  	_ =	swait.ge [sflag:s28], $0x320  }
0x59: {  	[sflag:s28] =	ssyncset.done $0x0  }
0x5a: {  	s0 =	rddreg [dreg:$0x4];
	[sflag:s28] =	ssyncadd.s32 $0xFFFFFCE0  }
0x5b: {  	[spmem:s0] =	stream.linear.scatter [tilespmem:s21], [sflag:$0x16], $0x320, $0x38;
	[tilespmem:$0x9DD0] =	vst v63  }
0x5c: {  	_ =	swait.ge [sflag:s28], $0x320  }
0x5d: {  	[sflag:s28] =	ssyncset.done $0x0  }
0x5e: {  	s2 =	rddreg [dreg:$0x5];
	[sflag:s28] =	ssyncadd.s32 $0xFFFFFCE0  }
0x5f: {  	[spmem:s2] =	stream.linear.scatter [tilespmem:s21], [sflag:$0x16], $0x320, $0x38;
	[tilespmem:$0x9DD0] =	vst v63  }
0x60: {  	_ =	swait.ge [sflag:s28], $0x320  }
0x61: {  	[sflag:s28] =	ssyncset.done $0x0  }
0x62: {  	s5 =	rddreg [dreg:$0x6];
	[sflag:s28] =	ssyncadd.s32 $0xFFFFFCE0  }
0x63: {  	[spmem:s5] =	stream.linear.scatter [tilespmem:s21], [sflag:$0x16], $0x320, $0x38;
	[tilespmem:$0x9DD0] =	vst v63  }
0x64: {  	_ =	swait.ge [sflag:s28], $0x320  }
0x65: {  	[sflag:s28] =	ssyncset.done $0x0  }
0x66: {  	s12 =	rddreg [dreg:$0x7];
	[sflag:s28] =	ssyncadd.s32 $0xFFFFFCE0  }
0x67: {  	[spmem:s12] =	stream.linear.scatter [tilespmem:s21], [sflag:$0x16], $0x320, $0x38;
	[tilespmem:$0x9DD0] =	vst v63  }
0x68: {  	_ =	swait.ge [sflag:s28], $0x320  }
0x69: {  	[sflag:s28] =	ssyncset.done $0x0  }
0x6a: {  	s17 =	rddreg [dreg:$0x8];
	[sflag:s28] =	ssyncadd.s32 $0xFFFFFCE0  }
0x6b: {  	[spmem:s17] =	stream.linear.scatter [tilespmem:s21], [sflag:$0x16], $0x320, $0x38;
	[tilespmem:$0x9DD0] =	vst v63  }
0x6c: {  	_ =	swait.ge [sflag:s28], $0x320  }
0x6d: {  	[sflag:s28] =	ssyncset.done $0x0  }
0x6e: {  	s18 =	rddreg [dreg:$0x9];
	[sflag:s28] =	ssyncadd.s32 $0xFFFFFCE0  }
0x6f: {  	[spmem:s18] =	stream.linear.scatter [tilespmem:s21], [sflag:$0x16], $0x320, $0x38;
	[tilespmem:$0x9DD0] =	vst v63  }
0x70: {  	_ =	swait.ge [sflag:s28], $0x320  }
0x71: {  	[sflag:s28] =	ssyncset.done $0x0  }
0x72: {  	s22 =	rddreg [dreg:$0xa];
	[sflag:s28] =	ssyncadd.s32 $0xFFFFFCE0  }
0x73: {  	[spmem:s22] =	stream.linear.scatter [tilespmem:s21], [sflag:$0x16], $0x320, $0x38;
	[tilespmem:$0x9DD0] =	vst v63  }
0x74: {  	_ =	swait.ge [sflag:s28], $0x320  }
0x75: {  	[sflag:s28] =	ssyncset.done $0x0  }
0x76: {  	s24 =	rddreg [dreg:$0xb];
	[sflag:s28] =	ssyncadd.s32 $0xFFFFFCE0  }
0x77: {  	[spmem:s24] =	stream.linear.scatter [tilespmem:s21], [sflag:$0x16], $0x320, $0x38;
	[tilespmem:$0x9DD0] =	vst v63  }
0x78: {  	_ =	swait.ge [sflag:s28], $0x320  }
0x79: {  	[sflag:s28] =	ssyncset.done $0x0  }
0x7a: {  	s26 =	rddreg [dreg:$0xc];
	[sflag:s28] =	ssyncadd.s32 $0xFFFFFCE0  }
0x7b: {  	[spmem:s26] =	stream.linear.scatter [tilespmem:s21], [sflag:$0x16], $0x320, $0x38;
	[tilespmem:$0x9DD0] =	vst v63  }
0x7c: {  	_ =	swait.ge [sflag:s28], $0x320  }
0x7d: {  	[sflag:s28] =	ssyncset.done $0x0  }
0x7e: {  	s29 =	rddreg [dreg:$0xd];
	[sflag:s28] =	ssyncadd.s32 $0xFFFFFCE0  }
0x7f: {  	[spmem:s29] =	stream.linear.scatter [tilespmem:s21], [sflag:$0x16], $0x320, $0x38;
	[tilespmem:$0x9DD0] =	vst v63  }
0x80: {  	_ =	swait.ge [sflag:s28], $0x320  }
0x81: {  	[sflag:s28] =	ssyncset.done $0x0  }
0x82: {  	s30 =	rddreg [dreg:$0xe];
	[sflag:s28] =	ssyncadd.s32 $0xFFFFFCE0  }
0x83: {  	[spmem:s30] =	stream.linear.scatter [tilespmem:s21], [sflag:$0x16], $0x320, $0x38;
	[tilespmem:$0x9DD0] =	vst v63  }
0x84: {  	_ =	swait.ge [sflag:s28], $0x320  }
0x85: {  	[sflag:s28] =	ssyncset.done $0x0  }
0x86: {  	s31 =	rddreg [dreg:$0xf];
	[sflag:s28] =	ssyncadd.s32 $0xFFFFFCE0  }
0x87: {  	[spmem:s31] =	stream.linear.scatter [tilespmem:s21], [sflag:$0x16], $0x190, $0x38;
	[tilespmem:$0x9DD0] =	vst v63  }
0x88: {  	_ =	swait.ge [sflag:s28], $0x190  }
0x89: {  	[sflag:s28] =	ssyncset.done $0x0  }
0x8a: {  	[sflag:s28] =	ssyncadd.s32 $0xFFFFFE70  }
0x8b: {  	_ =	swait.ge [sflag:s23], $0x38  }
0x8c: {  	[sflag:s23] =	ssyncset.done $0x0  }
0x8d: {  	[sflag:s23] =	ssyncadd.s32 $0xFFFFFFC8  }
0x8e: {  	_ =	swait.ge [sflag:s23], $0x38  }
0x8f: {  	s0 =	simm.s32 $0xC7;
	s2 =	simm.s32 $0x5AA0;
	[sflag:s23] =	ssyncset.done $0x0  }
.LBB2_6:
0x90: {  	p0 =	sne.s32 s0, $0x1;
	s0 =	sadd.s32 $0xFFFFFFFF, s0;
	[sflag:s23] =	ssyncadd.s32 $0xFFFFFFC8  }
.Ltmp4:
0x91: {  	_ =	swait.ge [sflag:s23], $0x38;
	(pc) =	sbr.rel @p0 .LBB2_6-.Ltmp4, $4  }
0x92: {  	[sflag:s23] =	ssyncset.done $0x0  }
0x93: {  	[sflag:s23] =	ssyncadd.s32 $0xFFFFFFC8  }
0x94: {  	_ =	swait.ge [sflag:s23], $0x38  }
0x95: {  	[sflag:s23] =	ssyncset.done $0x0  }
.Ltmp5:
0x96: {  	(pc) =	sbr.rel .LBB2_8-.Ltmp5, $4  }
0x97: {  	_ = 	snop  }
0x98: {  	[sflag:s23] =	ssyncadd.s32 $0xFFFFFFC8  }
0x99: {  	[bflag:$0x0] =	sbarrier.arrive $0xFFFF  }
0x9a: {  	s17 =	simm.s32 $0x1C0;
	s18 =	simm.s32 $0x1C0  }
.LBB2_10:
0x9b: {  	s0 =	simm.s32 $0xC  }
0x9c: {  	_ =	swait.ge [sflag:s0], $0x320  }
0x9d: {  	[sflag:s0] =	ssyncset.done $0x0  }
0x9e: {  	s24 =	sadd.s32 $0xFFFFFE40, s18;
	s26 =	simm.s32 $0xD;
	[sflag:s0] =	ssyncadd.s32 $0xFFFFFCE0  }
0x9f: {  	[tilespmem:s21], [sflag:$0x2] =	stream.indirect.gather [hbm4b:s4+s25], $0x10, s24, s25, $0xb8;
	[tilespmem:$0x9DD0] =	vst v63  }
0xa0: {  	_ =	swait.ge [sflag:s26], $0x320  }
0xa1: {  	[sflag:s26] =	ssyncset.done $0x0  }
0xa2: {  	s5 =	sadd.s32 $0xFFFFFE78, s18;
	s12 =	simm.s32 $0xE;
	[sflag:s26] =	ssyncadd.s32 $0xFFFFFCE0  }
0xa3: {  	[tilespmem:s2], [sflag:$0x3] =	stream.indirect.gather [hbm4b:s4+s25], $0x10, s5, s25, $0xb8;
	[tilespmem:$0x9DD0] =	vst v63  }
0xa4: {  	_ =	swait.ge [sflag:s12], $0x320  }
0xa5: {  	[sflag:s12] =	ssyncset.done $0x0  }
0xa6: {  	s22 =	simm.s32 $0xF;
	s21 =	sadd.s32 $0xFFFFFEB0, s18;
	[sflag:s12] =	ssyncadd.s32 $0xFFFFFCE0  }
0xa7: {  	[tilespmem:s3], [sflag:$0x4] =	stream.indirect.gather [hbm4b:s4+s25], $0x10, s21, s25, $0xb8;
	[tilespmem:$0x9DD0] =	vst v63  }
0xa8: {  	_ =	swait.ge [sflag:s22], $0x320  }
0xa9: {  	[sflag:s22] =	ssyncset.done $0x0  }
0xaa: {  	s24 =	sadd.s32 $0xFFFFFEE8, s18;
	s26 =	simm.s32 $0x10;
	[sflag:s22] =	ssyncadd.s32 $0xFFFFFCE0  }
0xab: {  	[tilespmem:s6], [sflag:$0x5] =	stream.indirect.gather [hbm4b:s4+s25], $0x10, s24, s25, $0xb8;
	[tilespmem:$0x9DD0] =	vst v63  }
0xac: {  	_ =	swait.ge [sflag:s26], $0x320  }
0xad: {  	[sflag:s26] =	ssyncset.done $0x0  }
0xae: {  	s2 =	sadd.s32 $0xFFFFFF20, s18;
	s3 =	simm.s32 $0x11;
	[sflag:s26] =	ssyncadd.s32 $0xFFFFFCE0  }
0xaf: {  	[tilespmem:s7], [sflag:$0x6] =	stream.indirect.gather [hbm4b:s4+s25], $0x10, s2, s25, $0xb8;
	[tilespmem:$0x9DD0] =	vst v63  }
0xb0: {  	_ =	swait.ge [sflag:s3], $0x320  }
0xb1: {  	[sflag:s3] =	ssyncset.done $0x0  }
0xb2: {  	s5 =	sadd.s32 $0xFFFFFF58, s18;
	s6 =	simm.s32 $0x12;
	[sflag:s3] =	ssyncadd.s32 $0xFFFFFCE0  }
0xb3: {  	[tilespmem:s8], [sflag:$0x7] =	stream.indirect.gather [hbm4b:s4+s25], $0x10, s5, s25, $0xb8;
	[tilespmem:$0x9DD0] =	vst v63  }
0xb4: {  	s31 =	sadd.s32 $0xFFFFFEB0, s17;
	_ =	swait.ge [sflag:s6], $0x320  }
0xb5: {  	s30 =	sadd.s32 $0xFFFFFEE8, s17;
	s29 =	sadd.s32 $0xFFFFFF20, s17;
	[sflag:s6] =	ssyncset.done $0x0  }
0xb6: {  	s7 =	sadd.s32 $0xFFFFFF90, s18;
	s8 =	simm.s32 $0x13;
	[sflag:s6] =	ssyncadd.s32 $0xFFFFFCE0  }
0xb7: {  	[tilespmem:s9], [sflag:$0x8] =	stream.indirect.gather [hbm4b:s4+s25], $0x10, s7, s25, $0xb8;
	[tilespmem:$0x9DD0] =	vst v63  }
0xb8: {  	s28 =	sadd.s32 $0xFFFFFF58, s17;
	s0 =	sadd.s32 $0xFFFFFE78, s17;
	_ =	swait.ge [sflag:s8], $0x320  }
0xb9: {  	s12 =	simm.s32 $0x14;
	s21 =	simm.s32 $0x15;
	[sflag:s8] =	ssyncset.done $0x0  }
0xba: {  	s22 =	sadd.s32 $0xFFFFFFC8, s17;
	s9 =	sadd.s32 $0xFFFFFFC8, s18;
	[sflag:s8] =	ssyncadd.s32 $0xFFFFFCE0  }
0xbb: {  	[tilespmem:s10], [sflag:$0x9] =	stream.indirect.gather [hbm4b:s4+s25], $0x10, s9, s25, $0xb8;
	[tilespmem:$0x9DD0] =	vst v63  }
0xbc: {  	s24 =	sadd.s32 $0xFFFFFE40, s17;
	s26 =	sadd.s32 $0xFFFFFF90, s17;
	_ =	swait.ge [sflag:s12], $0x320  }
0xbd: {  	s3 =	simm.s32 $0x5AA0;
	s5 =	smov.u32 s17;
	[sflag:s12] =	ssyncset.done $0x0  }
0xbe: {  	s6 =	simm.s32 $0x5DC0;
	s7 =	simm.s32 $0x5780;
	[sflag:s12] =	ssyncadd.s32 $0xFFFFFCE0  }
0xbf: {  	[tilespmem:s11], [sflag:$0xA] =	stream.indirect.gather [hbm4b:s4+s25], $0x10, s18, s25, $0xb8;
	[tilespmem:$0x9DD0] =	vst v63  }
0xc0: {  	s8 =	simm.s32 $0x6400;
	s10 =	simm.s32 $0x6A40;
	_ =	swait.ge [sflag:s21], $0x320  }
0xc1: {  	s9 =	simm.s32 $0x6720;
	s12 =	simm.s32 $0x7080;
	[sflag:s21] =	ssyncset.done $0x0  }
0xc2: {  	s11 =	simm.s32 $0x6D60;
	[sflag:s21] =	ssyncadd.s32 $0xFFFFFCE0;
	s21 =	simm.s32 $0x60E0  }
.LBB2_11:
0xc3: {  	s2 =	sadd.s32 $0x1F8, s24  }
0xc4: {  	[tilespmem:s13], [sflag:$0xB] =	stream.indirect.gather [hbm4b:s4+s25], $0x10, s2, s25, $0xb8;
	[tilespmem:$0x9DD0] =	vst v63  }
0xc5: {  	s2 =	simm.s32 $0x2  }
0xc6: {  	_ =	swait.ge [sflag:s2], $0x320  }
0xc7: {  	[sflag:s2] =	ssyncset.done $0x0  }
0xc8: {  	[sflag:s2] =	ssyncadd.s32 $0xFFFFFCE0;
	s2 =	sadd.s32 $0x2BC0, s24  }
0xc9: {  	[spmem:s1] =	stream.indirect.scatter.add.f32 [tilespmem:s7], [sflag:$0xC], $0x10, s2, s25, $0xb8;
	[tilespmem:$0x9DD0] =	vst v63  }
0xca: {  	s7 =	simm.s32 $0x3  }
0xcb: {  	_ =	swait.ge [sflag:s7], $0x320  }
0xcc: {  	[sflag:s7] =	ssyncset.done $0x0  }
0xcd: {  	s0 =	sadd.s32 $0x2BC0, s0;
	[sflag:s7] =	ssyncadd.s32 $0xFFFFFCE0  }
0xce: {  	[spmem:s1] =	stream.indirect.scatter.add.f32 [tilespmem:s3], [sflag:$0xD], $0x10, s0, s25, $0xb8;
	[tilespmem:$0x9DD0] =	vst v63  }
0xcf: {  	s3 =	simm.s32 $0x4  }
0xd0: {  	_ =	swait.ge [sflag:s3], $0x320  }
0xd1: {  	[sflag:s3] =	ssyncset.done $0x0  }
0xd2: {  	s7 =	sadd.s32 $0x2BC0, s31;
	s31 =	simm.s32 $0x5;
	[sflag:s3] =	ssyncadd.s32 $0xFFFFFCE0  }
0xd3: {  	[spmem:s1] =	stream.indirect.scatter.add.f32 [tilespmem:s6], [sflag:$0xE], $0x10, s7, s25, $0xb8;
	[tilespmem:$0x9DD0] =	vst v63  }
0xd4: {  	_ =	swait.ge [sflag:s31], $0x320  }
0xd5: {  	[sflag:s31] =	ssyncset.done $0x0  }
0xd6: {  	s2 =	sadd.s32 $0x2BC0, s30;
	s3 =	simm.s32 $0x6;
	[sflag:s31] =	ssyncadd.s32 $0xFFFFFCE0  }
0xd7: {  	[spmem:s1] =	stream.indirect.scatter.add.f32 [tilespmem:s21], [sflag:$0xF], $0x10, s2, s25, $0xb8;
	[tilespmem:$0x9DD0] =	vst v63  }
0xd8: {  	_ =	swait.ge [sflag:s3], $0x320  }
0xd9: {  	[sflag:s3] =	ssyncset.done $0x0  }
0xda: {  	s6 =	sadd.s32 $0x2BC0, s29;
	s7 =	simm.s32 $0x7;
	[sflag:s3] =	ssyncadd.s32 $0xFFFFFCE0  }
0xdb: {  	[spmem:s1] =	stream.indirect.scatter.add.f32 [tilespmem:s8], [sflag:$0x10], $0x10, s6, s25, $0xb8;
	[tilespmem:$0x9DD0] =	vst v63  }
0xdc: {  	_ =	swait.ge [sflag:s7], $0x320  }
0xdd: {  	[sflag:s7] =	ssyncset.done $0x0  }
0xde: {  	s21 =	simm.s32 $0x8;
	s8 =	sadd.s32 $0x2BC0, s28;
	[sflag:s7] =	ssyncadd.s32 $0xFFFFFCE0  }
0xdf: {  	[spmem:s1] =	stream.indirect.scatter.add.f32 [tilespmem:s9], [sflag:$0x11], $0x10, s8, s25, $0xb8;
	[tilespmem:$0x9DD0] =	vst v63  }
0xe0: {  	_ =	swait.ge [sflag:s21], $0x320  }
0xe1: {  	[sflag:s21] =	ssyncset.done $0x0  }
0xe2: {  	s28 =	sadd.s32 $0x2BC0, s26;
	[sflag:s21] =	ssyncadd.s32 $0xFFFFFCE0  }
0xe3: {  	[spmem:s1] =	stream.indirect.scatter.add.f32 [tilespmem:s10], [sflag:$0x12], $0x10, s28, s25, $0xb8;
	[tilespmem:$0x9DD0] =	vst v63  }
0xe4: {  	_ =	swait.ge [sflag:s14], $0x320  }
0xe5: {  	[sflag:s14] =	ssyncset.done $0x0  }
0xe6: {  	s29 =	sadd.s32 $0x2BC0, s22;
	[sflag:s14] =	ssyncadd.s32 $0xFFFFFCE0  }
0xe7: {  	[spmem:s1] =	stream.indirect.scatter.add.f32 [tilespmem:s11], [sflag:$0x13], $0x10, s29, s25, $0xb8;
	[tilespmem:$0x9DD0] =	vst v63  }
0xe8: {  	s17 =	sadd.s32 $0x230, s17;
	s18 =	sadd.s32 $0x230, s18;
	_ =	swait.ge [sflag:s15], $0x320  }
0xe9: {  	p0 =	sne.s32 s17, $0x2D80;
	s30 =	sadd.s32 $0x2BC0, s5;
	[sflag:s15] =	ssyncset.done $0x0  }
0xea: {  	s31 =	sadd.s32 $0x2DB8, s24;
	s2 =	simm.s32 $0x5AA0;
	[sflag:s15] =	ssyncadd.s32 $0xFFFFFCE0  }
0xeb: {  	[spmem:s1] =	stream.indirect.scatter.add.f32 [tilespmem:s12], [sflag:$0x14], $0x10, s30, s25, $0xb8;
	[tilespmem:$0x9DD0] =	vst v63  }
.Ltmp6:
0xec: {  	s3 =	simm.s32 $0x5DC0;
	s6 =	simm.s32 $0x60E0;
	(pc) =	sbr.rel @!p0 .LBB2_12-.Ltmp6, $4  }
0xed: {  	s7 =	simm.s32 $0x6400;
	s8 =	simm.s32 $0x6720;
	_ =	swait.ge [sflag:s16], $0x320  }
0xee: {  	s9 =	simm.s32 $0x6A40;
	s21 =	simm.s32 $0x5780;
	[sflag:s16] =	ssyncset.done $0x0  }
0xef: {  	s10 =	simm.s32 $0x6D60;
	s11 =	simm.s32 $0x7080;
	[sflag:s16] =	ssyncadd.s32 $0xFFFFFCE0  }
0xf0: {  	[spmem:s1] =	stream.indirect.scatter.add.f32 [tilespmem:s13], [sflag:$0x15], $0x10, s31, s25, $0xb8;
	[tilespmem:$0x9DD0] =	vst v63  }
.LBB2_8:
0xf1: {  	p0 =	sne.s32 s17, $0x1C0  }
.Ltmp7:
0xf2: {  	_ = 	snop;
	(pc) =	sbr.rel @p0 .LBB2_10-.Ltmp7, $1  }
0xf3: {  	_ =	sdelay $0x3  }
0xf4: {  	s24 =	simm.s32 $0x0  }
0xf5: {  	[tilespmem:s21], [sflag:$0x2] =	stream.indirect.gather [hbm4b:s4+s25], $0x10, s24, s25, $0xb8;
	[tilespmem:$0x9DD0] =	vst v63  }
0xf6: {  	s0 =	simm.s32 $0x38  }
0xf7: {  	[tilespmem:s2], [sflag:$0x3] =	stream.indirect.gather [hbm4b:s4+s25], $0x10, s0, s25, $0xb8;
	[tilespmem:$0x9DD0] =	vst v63  }
0xf8: {  	s31 =	simm.s32 $0x70  }
0xf9: {  	[tilespmem:s3], [sflag:$0x4] =	stream.indirect.gather [hbm4b:s4+s25], $0x10, s31, s25, $0xb8;
	[tilespmem:$0x9DD0] =	vst v63  }
0xfa: {  	s30 =	simm.s32 $0xA8  }
0xfb: {  	[tilespmem:s6], [sflag:$0x5] =	stream.indirect.gather [hbm4b:s4+s25], $0x10, s30, s25, $0xb8;
	[tilespmem:$0x9DD0] =	vst v63  }
0xfc: {  	s29 =	simm.s32 $0xE0  }
0xfd: {  	[tilespmem:s7], [sflag:$0x6] =	stream.indirect.gather [hbm4b:s4+s25], $0x10, s29, s25, $0xb8;
	[tilespmem:$0x9DD0] =	vst v63  }
0xfe: {  	s28 =	simm.s32 $0x118;
	s26 =	simm.s32 $0x150  }
0xff: {  	[tilespmem:s8], [sflag:$0x7] =	stream.indirect.gather [hbm4b:s4+s25], $0x10, s28, s25, $0xb8;
	[tilespmem:$0x9DD0] =	vst v63  }
0x100: {  	s22 =	simm.s32 $0x188;
	s5 =	simm.s32 $0x1C0;
	s12 =	simm.s32 $0x7080  }
0x101: {  	[tilespmem:s9], [sflag:$0x8] =	stream.indirect.gather [hbm4b:s4+s25], $0x10, s26, s25, $0xb8;
	[tilespmem:$0x9DD0] =	vst v63  }
.Ltmp8:
0x102: {  	s21 =	simm.s32 $0x60E0;
	s3 =	simm.s32 $0x5AA0;
	(pc) =	sbr.rel .LBB2_11-.Ltmp8, $4  }
0x103: {  	[tilespmem:s10], [sflag:$0x9] =	stream.indirect.gather [hbm4b:s4+s25], $0x10, s22, s25, $0xb8;
	[tilespmem:$0x9DD0] =	vst v63  }
0x104: {  	s6 =	simm.s32 $0x5DC0;
	s7 =	simm.s32 $0x5780;
	s8 =	simm.s32 $0x6400  }
0x105: {  	[tilespmem:s11], [sflag:$0xA] =	stream.indirect.gather [hbm4b:s4+s25], $0x10, s5, s25, $0xb8;
	[tilespmem:$0x9DD0] =	vst v63  }
0x106: {  	s9 =	simm.s32 $0x6720;
	s10 =	simm.s32 $0x6A40;
	s11 =	simm.s32 $0x6D60  }
.LBB2_13:
0x107: {  	_ =	sfence.sel $0x180000  }
0x108: {  	[bflag:$0x0] =	sbarrier.arrive $0xFFFF  }
0x109: {  	_ =	strace $0x9000004A  }
0x10a: {  	s0 =	stileid.u32;
	[bflag:$0x2] =	sbarrier.arrive $0xFFFF  }
0x10b: {  	p0 =	sne.s32 s0, $0x0;
	s0 =	rddreg [dreg:$0x2]  }
0x10c: {  	s0 =	sadd.s32 @!p0 $0x100000, s0  }
0x10d: {  	[sflag:s0] =	ssyncadd.tile.s32 @!p0 $0x1;
	_ =	shalt  }
.Lfunc_end2:
_tile_overlayer_lowered:
.L_overlay_start_2:
0x10e: {  	(tag) =	ssettag $0x2  }
0x10f: {  	s0 =	rddreg [dreg:$0x0];
	s2 =	stileid.u32  }
0x110: {  	s1 =	rddreg [dreg:$0x1];
	p0 =	sne.s32 s2, $0x0  }
0x111: {  	s3 =	rddreg [dreg:$0x2];
	[bflag:$0x3] =	sbarrier.arrive $0xFFFF;
	s2 =	simm.s32 @!p0 $0x1C16  }
0x112: {  	[timem:s3], [sflag:s2] =	dma.local @!p0 [hbm:s0], s1  }
0x113: {  	s0 =	simm.s32 @!p0 $0x16  }
0x114: {  	_ =	swait.ge @!p0 [sflag:s0], s1  }
0x115: {  	s1 =	ssub.s32 @!p0 $0x0, s1;
	[sflag:s0] =	ssyncset.done @!p0 $0x0  }
0x116: {  	[sflag:s0] =	ssyncadd.s32 @!p0 s1  }
0x117: {  	[bflag:$0x3] =	sbarrier.arrive $0xFFFF  }
0x118: {  	_ =	shalt  }

</sc_bundles>
